<compile_context>
chip_gen: v7x
topology: tpu7x:2x2x1
jax: 0.10.2.dev20260603
libtpu: 0.0.44.dev20260713+nightly
codegen_flags: <defaults>
</compile_context>

<pallas_src>
import functools

import jax
import jax.numpy as jnp
from jax import lax
from jax.experimental import pallas as pl
from jax.experimental.pallas import tpu as pltpu
from jax.experimental.pallas import tpu_sc as plsc

NUM_CORES = 2
NUM_WORKERS = 32

T_DIM = 200
S_DIM = 4096
S_BLK = 128
C_DIM = S_DIM // S_BLK
D = 64
UNITS = T_DIM * C_DIM
U_PER_W = UNITS // NUM_WORKERS

V = 1000000
VBLK_FULL = V // S_BLK
V_TAIL = V - VBLK_FULL * S_BLK
A_ITERS = VBLK_FULL // (2 * NUM_WORKERS)


def _mesh():
    return plsc.VectorSubcoreMesh(core_axis_name="c", subcore_axis_name="s")


@jax.jit
def _prep(table_t, tail_t):

    @functools.partial(
        pl.kernel,
        mesh=_mesh(),
        out_type=jax.ShapeDtypeStruct((V // 2, 2 * D), jnp.float32),
        compiler_params=pltpu.CompilerParams(needs_layout_passes=False),
        scratch_types=[
            *[pltpu.VMEM((D, S_BLK), jnp.float32) for _ in range(2)],
            *[pltpu.VMEM((S_BLK // 2, 2 * D), jnp.float32) for _ in range(2)],
            *[pltpu.SemaphoreType.DMA for _ in range(4)],
        ],
    )
    def ka(tt_hbm, tail_hbm, tp_hbm, ch0, ch1, tb0, tb1, g0, g1, s0, s1):
        chs, tbs = (ch0, ch1), (tb0, tb1)
        gsem, ssem = (g0, g1), (s0, s1)
        wid = lax.axis_index("s") * NUM_CORES + lax.axis_index("c")
        iota = lax.iota(jnp.int32, 16)
        ridxs = [iota + sl0 * 16 for sl0 in range(S_BLK // 16)]
        def diag_ref(k):
            return (iota + k) & 15

        pair_rows = [r >> 1 for r in ridxs]
        cbase = [(r & 1) * D for r in ridxs]

        def blk_of(i, b):
            return (2 * i + b) * NUM_WORKERS + wid

        def load_chunk(blk, b):
            off = pl.multiple_of(blk * S_BLK, S_BLK)
            pltpu.async_copy(
                tt_hbm.at[:, pl.ds(off, S_BLK)], chs[b], gsem[b]
            )

        def wait_chunk(b):
            pltpu.make_async_copy(
                tt_hbm.at[:, pl.ds(0, S_BLK)], chs[b], gsem[b]
            ).wait()

        def fire_store(blk, b):
            off = pl.multiple_of(blk * (S_BLK // 2), S_BLK // 2)
            pltpu.async_copy(
                tbs[b], tp_hbm.at[pl.ds(off, S_BLK // 2), :], ssem[b]
            )

        def wait_store(b):
            pltpu.make_async_copy(
                tbs[b], tp_hbm.at[pl.ds(0, S_BLK // 2), :], ssem[b]
            ).wait()

        def transpose(b):
            @plsc.parallel_loop(0, 16, unroll=4)
            def _tr(k):
                dg = diag_ref(k)
                for d0 in range(0, D, 16):
                    rowv = dg + d0
                    for sl0 in range(S_BLK // 16):
                        v = plsc.load_gather(chs[b], [rowv, ridxs[sl0]])
                        plsc.store_scatter(
                            tbs[b], [pair_rows[sl0], cbase[sl0] + rowv], v
                        )

        for b in range(2):
            load_chunk(blk_of(0, b), b)

        def body(i, carry):
            for b in range(2):
                wait_chunk(b)

                @pl.when(i > 0)
                def _():
                    wait_store(b)

                transpose(b)
                fire_store(blk_of(i, b), b)

                @pl.when(2 * i + b + 2 < 2 * A_ITERS)
                def _():
                    load_chunk(blk_of(i + 1, b), b)

            return carry

        lax.fori_loop(0, A_ITERS, body, 0)
        for b in range(2):
            wait_store(b)

        left0 = 2 * A_ITERS * NUM_WORKERS

        @pl.when(wid < VBLK_FULL - left0)
        def _():
            blk = left0 + wid
            load_chunk(blk, 0)
            wait_chunk(0)
            transpose(0)
            fire_store(blk, 0)
            wait_store(0)

        @pl.when(wid == 8)
        def _():
            pltpu.async_copy(tail_hbm, chs[1], gsem[1])
            pltpu.make_async_copy(tail_hbm, chs[1], gsem[1]).wait()

            transpose(1)

            pltpu.async_copy(
                tbs[1],
                tp_hbm.at[pl.ds((V - S_BLK) // 2, S_BLK // 2), :],
                ssem[1],
            )
            pltpu.make_async_copy(
                tbs[1], tp_hbm.at[pl.ds(0, S_BLK // 2), :], ssem[1]
            ).wait()

    return ka(table_t, tail_t)


@jax.jit
def _embed(x_t_flat, tp):
    @functools.partial(
        pl.kernel,
        mesh=_mesh(),
        out_type=jax.ShapeDtypeStruct((T_DIM, 8, C_DIM, 8, S_BLK), jnp.float32),
        compiler_params=pltpu.CompilerParams(
            use_tc_tiling_on_sc=False, needs_layout_passes=False
        ),
        scratch_types=[
            *[pltpu.VMEM((S_BLK,), jnp.int32) for _ in range(2)],
            *[pltpu.VMEM((S_BLK, D), jnp.float32) for _ in range(2)],
            *[pltpu.VMEM((8, 8, S_BLK + 1), jnp.float32) for _ in range(2)],
            *[pltpu.SemaphoreType.DMA for _ in range(4)],
        ],
    )
    def kb(x_hbm, tp_hbm, out_hbm, idx0, idx1, rows0, rows1, ob0, ob1,
           g0, g1, s0, s1):
        idxs, rows, obs = (idx0, idx1), (rows0, rows1), (ob0, ob1)
        gsem, ssem = (g0, g1), (s0, s1)
        wid = lax.axis_index("s") * NUM_CORES + lax.axis_index("c")
        u_base = wid * U_PER_W
        iota = lax.iota(jnp.int32, 16)
        gconst = [(iota + d0) >> 3 for d0 in range(0, D, 16)]
        dsconst = [(iota + d0) & 7 for d0 in range(0, D, 16)]

        def load_idx(u, b):
            pltpu.sync_copy(x_hbm.at[pl.ds(u * S_BLK, S_BLK)], idxs[b])

        def fire_gather(b):
            pltpu.async_copy(tp_hbm.at[idxs[b]], rows[b], gsem[b])

        def wait_gather(b):
            pltpu.make_async_copy(tp_hbm.at[idxs[b]], rows[b], gsem[b]).wait()

        def fire_store(u, b):
            t = u // C_DIM
            c = lax.rem(u, C_DIM)
            pltpu.async_copy(
                obs[b].at[:, :, pl.ds(0, S_BLK)], out_hbm.at[t, :, c], ssem[b]
            )

        def wait_store(b):
            pltpu.make_async_copy(
                obs[b].at[:, :, pl.ds(0, S_BLK)], out_hbm.at[0, :, 0], ssem[b]
            ).wait()

        def transpose(b):
            @plsc.parallel_loop(0, S_BLK, unroll=4)
            def _tr(sl):
                slv = jnp.full((16,), sl, jnp.int32)
                for q in range(D // 16):
                    v = rows[b][sl, pl.ds(q * 16, 16)]
                    plsc.store_scatter(obs[b], [gconst[q], dsconst[q], slv], v)

        for b in range(2):
            load_idx(u_base + b, b)
            fire_gather(b)

        def body(i, carry):
            for b in range(2):
                j = 2 * i + b
                u = u_base + j
                wait_gather(b)

                @pl.when(i > 0)
                def _():
                    wait_store(b)

                transpose(b)
                fire_store(u, b)

                @pl.when(j + 2 < U_PER_W)
                def _():
                    load_idx(u + 2, b)
                    fire_gather(b)

            return carry

        lax.fori_loop(0, U_PER_W // 2, body, 0)
        for b in range(2):
            wait_store(b)

    return kb(x_t_flat, tp)


def kernel(x, table):
    xf = x.T.reshape(-1)
    tp = _prep(table.T, table[V - S_BLK :, :].T)
    out5 = _embed(xf, tp.reshape(V, D))
    return out5.transpose(2, 4, 0, 1, 3).reshape(S_DIM, T_DIM, D)

# --- scband reference (transcript-rebuilt; emitter-appended) ---
"""Pipeline reference for scband-token-embedding-15994458210648 (READ-ONLY COPY).

The authoritative reference and input builder live on the scoring server;
editing this copy changes nothing except your own understanding.
"""

import jax, jax.numpy as jnp
import numpy as np

PAD_IDX = 0
VOCAB = 1000000
D_MODEL = 64

def setup_inputs(seed: int = 0) -> dict:
    key = jax.random.key(seed)
    k1, k2 = jax.random.split(key)
    x = jax.random.randint(k1, (4096, 200), 0, VOCAB)
    table = jax.random.normal(k2, (VOCAB, D_MODEL), dtype=jnp.float32)
    # nn.Embedding with padding_idx initializes that row to zeros
    table = table.at[PAD_IDX].set(0.0)
    return {"x": x, "table": table}

def reference(x, table):
    # nn.Embedding forward: pure row gather
    return jnp.take(table, x, axis=0)

if __name__ == "__main__":
    import jax
    _d = setup_inputs()
    print(jax.jit(kernel)(*tuple(_d.values())))

</pallas_src>

<mosaic_0001>
#map = affine_map<(d0, d1) -> (0, 0)>
module attributes {stable_mosaic.version = 14 : i64} {
  func.func @ka(%arg0: i32, %arg1: i32, %arg2: memref<64x1000000xf32, #tpu.memory_space<hbm>>, %arg3: memref<64x128xf32, #tpu.memory_space<hbm>>, %arg4: memref<500000x128xf32, #tpu.memory_space<hbm>>, %arg5: memref<64x128xf32, #tpu.memory_space<vmem>>, %arg6: memref<64x128xf32, #tpu.memory_space<vmem>>, %arg7: memref<64x128xf32, #tpu.memory_space<vmem>>, %arg8: memref<64x128xf32, #tpu.memory_space<vmem>>, %arg9: memref<!tpu.dma_semaphore, #tpu.memory_space<semaphore_mem>>, %arg10: memref<!tpu.dma_semaphore, #tpu.memory_space<semaphore_mem>>, %arg11: memref<!tpu.dma_semaphore, #tpu.memory_space<semaphore_mem>>, %arg12: memref<!tpu.dma_semaphore, #tpu.memory_space<semaphore_mem>>) attributes {dimension_semantics = [#tpu.dimension_semantics<core_parallel>, #tpu.dimension_semantics<subcore_parallel>], iteration_bounds = array<i64: 2, 16>, scalar_prefetch = 0 : i64, scratch_operands = 8 : i64, tpu.core_type = #tpu.core_type<sc_vector_subcore>, window_params = [{transform_indices = #map}, {transform_indices = #map}, {transform_indices = #map}]} {
    %mul3A = arith.constant 2 : i32
    %mul3A_0 = arith.muli %arg1, %mul3A : i32
    %add3A = arith.addi %mul3A_0, %arg0 : i32
    %iota3A = tpu.iota {dimensions = array<i32: 0>} : vector<16xi32>
    %add3A_1 = arith.constant 0 : i32
    %add3A_2 = vector.broadcast %add3A_1 : i32 to vector<16xi32>
    %add3A_3 = arith.addi %iota3A, %add3A_2 : vector<16xi32>
    %add3A_4 = arith.constant 16 : i32
    %add3A_5 = vector.broadcast %add3A_4 : i32 to vector<16xi32>
    %add3A_6 = arith.addi %iota3A, %add3A_5 : vector<16xi32>
    %add3A_7 = arith.constant 32 : i32
    %add3A_8 = vector.broadcast %add3A_7 : i32 to vector<16xi32>
    %add3A_9 = arith.addi %iota3A, %add3A_8 : vector<16xi32>
    %add3A_10 = arith.constant 48 : i32
    %add3A_11 = vector.broadcast %add3A_10 : i32 to vector<16xi32>
    %add3A_12 = arith.addi %iota3A, %add3A_11 : vector<16xi32>
    %add3A_13 = arith.constant 64 : i32
    %add3A_14 = vector.broadcast %add3A_13 : i32 to vector<16xi32>
    %add3A_15 = arith.addi %iota3A, %add3A_14 : vector<16xi32>
    %add3A_16 = arith.constant 80 : i32
    %add3A_17 = vector.broadcast %add3A_16 : i32 to vector<16xi32>
    %add3A_18 = arith.addi %iota3A, %add3A_17 : vector<16xi32>
    %add3A_19 = arith.constant 96 : i32
    %add3A_20 = vector.broadcast %add3A_19 : i32 to vector<16xi32>
    %add3A_21 = arith.addi %iota3A, %add3A_20 : vector<16xi32>
    %add3A_22 = arith.constant 112 : i32
    %add3A_23 = vector.broadcast %add3A_22 : i32 to vector<16xi32>
    %add3A_24 = arith.addi %iota3A, %add3A_23 : vector<16xi32>
    %shift_right_arithmetic3A = arith.constant 1 : i32
    %shift_right_arithmetic3A_25 = vector.broadcast %shift_right_arithmetic3A : i32 to vector<16xi32>
    %shift_right_arithmetic3A_26 = arith.shrsi %add3A_3, %shift_right_arithmetic3A_25 : vector<16xi32>
    %shift_right_arithmetic3A_27 = arith.constant 1 : i32
    %shift_right_arithmetic3A_28 = vector.broadcast %shift_right_arithmetic3A_27 : i32 to vector<16xi32>
    %shift_right_arithmetic3A_29 = arith.shrsi %add3A_6, %shift_right_arithmetic3A_28 : vector<16xi32>
    %shift_right_arithmetic3A_30 = arith.constant 1 : i32
    %shift_right_arithmetic3A_31 = vector.broadcast %shift_right_arithmetic3A_30 : i32 to vector<16xi32>
    %shift_right_arithmetic3A_32 = arith.shrsi %add3A_9, %shift_right_arithmetic3A_31 : vector<16xi32>
    %shift_right_arithmetic3A_33 = arith.constant 1 : i32
    %shift_right_arithmetic3A_34 = vector.broadcast %shift_right_arithmetic3A_33 : i32 to vector<16xi32>
    %shift_right_arithmetic3A_35 = arith.shrsi %add3A_12, %shift_right_arithmetic3A_34 : vector<16xi32>
    %shift_right_arithmetic3A_36 = arith.constant 1 : i32
    %shift_right_arithmetic3A_37 = vector.broadcast %shift_right_arithmetic3A_36 : i32 to vector<16xi32>
    %shift_right_arithmetic3A_38 = arith.shrsi %add3A_15, %shift_right_arithmetic3A_37 : vector<16xi32>
    %shift_right_arithmetic3A_39 = arith.constant 1 : i32
    %shift_right_arithmetic3A_40 = vector.broadcast %shift_right_arithmetic3A_39 : i32 to vector<16xi32>
    %shift_right_arithmetic3A_41 = arith.shrsi %add3A_18, %shift_right_arithmetic3A_40 : vector<16xi32>
    %shift_right_arithmetic3A_42 = arith.constant 1 : i32
    %shift_right_arithmetic3A_43 = vector.broadcast %shift_right_arithmetic3A_42 : i32 to vector<16xi32>
    %shift_right_arithmetic3A_44 = arith.shrsi %add3A_21, %shift_right_arithmetic3A_43 : vector<16xi32>
    %shift_right_arithmetic3A_45 = arith.constant 1 : i32
    %shift_right_arithmetic3A_46 = vector.broadcast %shift_right_arithmetic3A_45 : i32 to vector<16xi32>
    %shift_right_arithmetic3A_47 = arith.shrsi %add3A_24, %shift_right_arithmetic3A_46 : vector<16xi32>
    %and3A = arith.constant 1 : i32
    %and3A_48 = vector.broadcast %and3A : i32 to vector<16xi32>
    %and3A_49 = arith.andi %add3A_3, %and3A_48 : vector<16xi32>
    %mul3A_50 = arith.constant 64 : i32
    %mul3A_51 = vector.broadcast %mul3A_50 : i32 to vector<16xi32>
    %mul3A_52 = arith.muli %and3A_49, %mul3A_51 : vector<16xi32>
    %and3A_53 = arith.constant 1 : i32
    %and3A_54 = vector.broadcast %and3A_53 : i32 to vector<16xi32>
    %and3A_55 = arith.andi %add3A_6, %and3A_54 : vector<16xi32>
    %mul3A_56 = arith.constant 64 : i32
    %mul3A_57 = vector.broadcast %mul3A_56 : i32 to vector<16xi32>
    %mul3A_58 = arith.muli %and3A_55, %mul3A_57 : vector<16xi32>
    %and3A_59 = arith.constant 1 : i32
    %and3A_60 = vector.broadcast %and3A_59 : i32 to vector<16xi32>
    %and3A_61 = arith.andi %add3A_9, %and3A_60 : vector<16xi32>
    %mul3A_62 = arith.constant 64 : i32
    %mul3A_63 = vector.broadcast %mul3A_62 : i32 to vector<16xi32>
    %mul3A_64 = arith.muli %and3A_61, %mul3A_63 : vector<16xi32>
    %and3A_65 = arith.constant 1 : i32
    %and3A_66 = vector.broadcast %and3A_65 : i32 to vector<16xi32>
    %and3A_67 = arith.andi %add3A_12, %and3A_66 : vector<16xi32>
    %mul3A_68 = arith.constant 64 : i32
    %mul3A_69 = vector.broadcast %mul3A_68 : i32 to vector<16xi32>
    %mul3A_70 = arith.muli %and3A_67, %mul3A_69 : vector<16xi32>
    %and3A_71 = arith.constant 1 : i32
    %and3A_72 = vector.broadcast %and3A_71 : i32 to vector<16xi32>
    %and3A_73 = arith.andi %add3A_15, %and3A_72 : vector<16xi32>
    %mul3A_74 = arith.constant 64 : i32
    %mul3A_75 = vector.broadcast %mul3A_74 : i32 to vector<16xi32>
    %mul3A_76 = arith.muli %and3A_73, %mul3A_75 : vector<16xi32>
    %and3A_77 = arith.constant 1 : i32
    %and3A_78 = vector.broadcast %and3A_77 : i32 to vector<16xi32>
    %and3A_79 = arith.andi %add3A_18, %and3A_78 : vector<16xi32>
    %mul3A_80 = arith.constant 64 : i32
    %mul3A_81 = vector.broadcast %mul3A_80 : i32 to vector<16xi32>
    %mul3A_82 = arith.muli %and3A_79, %mul3A_81 : vector<16xi32>
    %and3A_83 = arith.constant 1 : i32
    %and3A_84 = vector.broadcast %and3A_83 : i32 to vector<16xi32>
    %and3A_85 = arith.andi %add3A_21, %and3A_84 : vector<16xi32>
    %mul3A_86 = arith.constant 64 : i32
    %mul3A_87 = vector.broadcast %mul3A_86 : i32 to vector<16xi32>
    %mul3A_88 = arith.muli %and3A_85, %mul3A_87 : vector<16xi32>
    %and3A_89 = arith.constant 1 : i32
    %and3A_90 = vector.broadcast %and3A_89 : i32 to vector<16xi32>
    %and3A_91 = arith.andi %add3A_24, %and3A_90 : vector<16xi32>
    %mul3A_92 = arith.constant 64 : i32
    %mul3A_93 = vector.broadcast %mul3A_92 : i32 to vector<16xi32>
    %mul3A_94 = arith.muli %and3A_91, %mul3A_93 : vector<16xi32>
    %add3A_95 = arith.constant 0 : i32
    %add3A_96 = arith.addi %add3A_95, %add3A : i32
    %mul3A_97 = arith.constant 128 : i32
    %mul3A_98 = arith.muli %add3A_96, %mul3A_97 : i32
    %multiple_of3A = tpu.assume_multiple %mul3A_98, 128 : i32
    %dma_start3A = arith.constant 0 : i32
    %dma_start3A_99 = tpu.memref_slice %arg2[%dma_start3A, %multiple_of3A] : memref<64x1000000xf32, #tpu.memory_space<hbm>> -> memref<64x128xf32, #tpu.memory_space<hbm>>
    %dma_start3A_100 = arith.constant 0 : i32
    %dma_start3A_101 = tpu.memref_slice %arg2[%dma_start3A_100, %multiple_of3A] : memref<64x1000000xf32, #tpu.memory_space<hbm>> -> memref<64x128xf32, #tpu.memory_space<hbm>>
    tpu.enqueue_dma source(%dma_start3A_101 : memref<64x128xf32, #tpu.memory_space<hbm>>) target(%arg5 : memref<64x128xf32, #tpu.memory_space<vmem>>) target_semaphore(%arg9 : memref<!tpu.dma_semaphore, #tpu.memory_space<semaphore_mem>>)
    %add3A_102 = arith.constant 32 : i32
    %add3A_103 = arith.addi %add3A_102, %add3A : i32
    %mul3A_104 = arith.constant 128 : i32
    %mul3A_105 = arith.muli %add3A_103, %mul3A_104 : i32
    %multiple_of3A_106 = tpu.assume_multiple %mul3A_105, 128 : i32
    %dma_start3A_107 = arith.constant 0 : i32
    %dma_start3A_108 = tpu.memref_slice %arg2[%dma_start3A_107, %multiple_of3A_106] : memref<64x1000000xf32, #tpu.memory_space<hbm>> -> memref<64x128xf32, #tpu.memory_space<hbm>>
    %dma_start3A_109 = arith.constant 0 : i32
    %dma_start3A_110 = tpu.memref_slice %arg2[%dma_start3A_109, %multiple_of3A_106] : memref<64x1000000xf32, #tpu.memory_space<hbm>> -> memref<64x128xf32, #tpu.memory_space<hbm>>
    tpu.enqueue_dma source(%dma_start3A_110 : memref<64x128xf32, #tpu.memory_space<hbm>>) target(%arg6 : memref<64x128xf32, #tpu.memory_space<vmem>>) target_semaphore(%arg10 : memref<!tpu.dma_semaphore, #tpu.memory_space<semaphore_mem>>)
    %scan3A = arith.constant 0 : i32
    %scan3A_111 = arith.constant 0 : i32
    %scan3A_112 = arith.constant 122 : i32
    %scan3A_113 = arith.addi %scan3A_111, %scan3A_112 : i32
    %scan3A_114 = arith.constant 1 : i32
    scf.for %scan3A_133 = %scan3A_111 to %scan3A_113 step %scan3A_114  : i32 {
      %dma_wait3A_134 = arith.constant 0 : i32
      %dma_wait3A_135 = arith.constant 0 : i32
      %dma_wait3A_136 = tpu.memref_slice %arg2[%dma_wait3A_134, %dma_wait3A_135] : memref<64x1000000xf32, #tpu.memory_space<hbm>> -> memref<64x128xf32, #tpu.memory_space<hbm>>
      %dma_wait3A_137 = arith.constant 0 : i32
      %dma_wait3A_138 = arith.constant 0 : i32
      %dma_wait3A_139 = tpu.memref_slice %arg2[%dma_wait3A_137, %dma_wait3A_138] : memref<64x1000000xf32, #tpu.memory_space<hbm>> -> memref<64x128xf32, #tpu.memory_space<hbm>>
      tpu.wait_dma2 semaphore(%arg9 : memref<!tpu.dma_semaphore, #tpu.memory_space<semaphore_mem>>) src(%dma_wait3A_139 : memref<64x128xf32, #tpu.memory_space<hbm>>) dst(%arg5 : memref<64x128xf32, #tpu.memory_space<vmem>>)
      %gt3A = arith.constant 0 : i32
      %gt3A_140 = arith.cmpi sgt, %scan3A_133, %gt3A : i32
      %convert_element_type3A_141 = arith.extui %gt3A_140 : i1 to i32
      %cond3A_142 = arith.constant 0 : i32
      %cond3A_143 = arith.cmpi ne, %convert_element_type3A_141, %cond3A_142 : i32
      scf.if %cond3A_143 {
        %dma_wait3A_210 = arith.constant 0 : i32
        %dma_wait3A_211 = arith.constant 0 : i32
        %dma_wait3A_212 = tpu.memref_slice %arg4[%dma_wait3A_210, %dma_wait3A_211] : memref<500000x128xf32, #tpu.memory_space<hbm>> -> memref<64x128xf32, #tpu.memory_space<hbm>>
        %dma_wait3A_213 = arith.constant 0 : i32
        %dma_wait3A_214 = arith.constant 0 : i32
        %dma_wait3A_215 = tpu.memref_slice %arg4[%dma_wait3A_213, %dma_wait3A_214] : memref<500000x128xf32, #tpu.memory_space<hbm>> -> memref<64x128xf32, #tpu.memory_space<hbm>>
        tpu.wait_dma2 semaphore(%arg11 : memref<!tpu.dma_semaphore, #tpu.memory_space<semaphore_mem>>) src(%arg7 : memref<64x128xf32, #tpu.memory_space<vmem>>) dst(%dma_wait3A_215 : memref<64x128xf32, #tpu.memory_space<hbm>>)
      } else {
      }
      %parallel_loop3A = arith.constant 0 : i32
      %parallel_loop3A_144 = arith.constant 16 : i32
      %parallel_loop3A_145 = arith.constant 1 : i32
      scf.for %parallel_loop3A_210 = %parallel_loop3A to %parallel_loop3A_144 step %parallel_loop3A_145  : i32 {
        %parallel_loop3A_211 = vector.broadcast %parallel_loop3A_210 : i32 to vector<16xi32>
        %parallel_loop3A_212 = arith.addi %iota3A, %parallel_loop3A_211 : vector<16xi32>
        %parallel_loop3A_213 = arith.constant 15 : i32
        %parallel_loop3A_214 = vector.broadcast %parallel_loop3A_213 : i32 to vector<16xi32>
        %parallel_loop3A_215 = arith.andi %parallel_loop3A_212, %parallel_loop3A_214 : vector<16xi32>
        %parallel_loop3A_216 = arith.constant 0 : i32
        %parallel_loop3A_217 = vector.broadcast %parallel_loop3A_216 : i32 to vector<16xi32>
        %parallel_loop3A_218 = arith.addi %parallel_loop3A_215, %parallel_loop3A_217 : vector<16xi32>
        %parallel_loop3A_219 = tpu.vector_load_idx %arg5[%parallel_loop3A_218, %add3A_3] : memref<64x128xf32, #tpu.memory_space<vmem>>[vector<16xi32>, vector<16xi32>], vector<16xf32>,
        %parallel_loop3A_220 = arith.addi %mul3A_52, %parallel_loop3A_218 : vector<16xi32>
        tpu.vector_store_idx %arg7[%shift_right_arithmetic3A_26, %parallel_loop3A_220], %parallel_loop3A_219 : memref<64x128xf32, #tpu.memory_space<vmem>>[vector<16xi32>, vector<16xi32>], vector<16xf32>,
        %parallel_loop3A_221 = tpu.vector_load_idx %arg5[%parallel_loop3A_218, %add3A_6] : memref<64x128xf32, #tpu.memory_space<vmem>>[vector<16xi32>, vector<16xi32>], vector<16xf32>,
        %parallel_loop3A_222 = arith.addi %mul3A_58, %parallel_loop3A_218 : vector<16xi32>
        tpu.vector_store_idx %arg7[%shift_right_arithmetic3A_29, %parallel_loop3A_222], %parallel_loop3A_221 : memref<64x128xf32, #tpu.memory_space<vmem>>[vector<16xi32>, vector<16xi32>], vector<16xf32>,
        %parallel_loop3A_223 = tpu.vector_load_idx %arg5[%parallel_loop3A_218, %add3A_9] : memref<64x128xf32, #tpu.memory_space<vmem>>[vector<16xi32>, vector<16xi32>], vector<16xf32>,
        %parallel_loop3A_224 = arith.addi %mul3A_64, %parallel_loop3A_218 : vector<16xi32>
        tpu.vector_store_idx %arg7[%shift_right_arithmetic3A_32, %parallel_loop3A_224], %parallel_loop3A_223 : memref<64x128xf32, #tpu.memory_space<vmem>>[vector<16xi32>, vector<16xi32>], vector<16xf32>,
        %parallel_loop3A_225 = tpu.vector_load_idx %arg5[%parallel_loop3A_218, %add3A_12] : memref<64x128xf32, #tpu.memory_space<vmem>>[vector<16xi32>, vector<16xi32>], vector<16xf32>,
        %parallel_loop3A_226 = arith.addi %mul3A_70, %parallel_loop3A_218 : vector<16xi32>
        tpu.vector_store_idx %arg7[%shift_right_arithmetic3A_35, %parallel_loop3A_226], %parallel_loop3A_225 : memref<64x128xf32, #tpu.memory_space<vmem>>[vector<16xi32>, vector<16xi32>], vector<16xf32>,
        %parallel_loop3A_227 = tpu.vector_load_idx %arg5[%parallel_loop3A_218, %add3A_15] : memref<64x128xf32, #tpu.memory_space<vmem>>[vector<16xi32>, vector<16xi32>], vector<16xf32>,
        %parallel_loop3A_228 = arith.addi %mul3A_76, %parallel_loop3A_218 : vector<16xi32>
        tpu.vector_store_idx %arg7[%shift_right_arithmetic3A_38, %parallel_loop3A_228], %parallel_loop3A_227 : memref<64x128xf32, #tpu.memory_space<vmem>>[vector<16xi32>, vector<16xi32>], vector<16xf32>,
        %parallel_loop3A_229 = tpu.vector_load_idx %arg5[%parallel_loop3A_218, %add3A_18] : memref<64x128xf32, #tpu.memory_space<vmem>>[vector<16xi32>, vector<16xi32>], vector<16xf32>,
        %parallel_loop3A_230 = arith.addi %mul3A_82, %parallel_loop3A_218 : vector<16xi32>
        tpu.vector_store_idx %arg7[%shift_right_arithmetic3A_41, %parallel_loop3A_230], %parallel_loop3A_229 : memref<64x128xf32, #tpu.memory_space<vmem>>[vector<16xi32>, vector<16xi32>], vector<16xf32>,
        %parallel_loop3A_231 = tpu.vector_load_idx %arg5[%parallel_loop3A_218, %add3A_21] : memref<64x128xf32, #tpu.memory_space<vmem>>[vector<16xi32>, vector<16xi32>], vector<16xf32>,
        %parallel_loop3A_232 = arith.addi %mul3A_88, %parallel_loop3A_218 : vector<16xi32>
        tpu.vector_store_idx %arg7[%shift_right_arithmetic3A_44, %parallel_loop3A_232], %parallel_loop3A_231 : memref<64x128xf32, #tpu.memory_space<vmem>>[vector<16xi32>, vector<16xi32>], vector<16xf32>,
        %parallel_loop3A_233 = tpu.vector_load_idx %arg5[%parallel_loop3A_218, %add3A_24] : memref<64x128xf32, #tpu.memory_space<vmem>>[vector<16xi32>, vector<16xi32>], vector<16xf32>,
        %parallel_loop3A_234 = arith.addi %mul3A_94, %parallel_loop3A_218 : vector<16xi32>
        tpu.vector_store_idx %arg7[%shift_right_arithmetic3A_47, %parallel_loop3A_234], %parallel_loop3A_233 : memref<64x128xf32, #tpu.memory_space<vmem>>[vector<16xi32>, vector<16xi32>], vector<16xf32>,
        %parallel_loop3A_235 = arith.constant 16 : i32
        %parallel_loop3A_236 = vector.broadcast %parallel_loop3A_235 : i32 to vector<16xi32>
        %parallel_loop3A_237 = arith.addi %parallel_loop3A_215, %parallel_loop3A_236 : vector<16xi32>
        %parallel_loop3A_238 = tpu.vector_load_idx %arg5[%parallel_loop3A_237, %add3A_3] : memref<64x128xf32, #tpu.memory_space<vmem>>[vector<16xi32>, vector<16xi32>], vector<16xf32>,
        %parallel_loop3A_239 = arith.addi %mul3A_52, %parallel_loop3A_237 : vector<16xi32>
        tpu.vector_store_idx %arg7[%shift_right_arithmetic3A_26, %parallel_loop3A_239], %parallel_loop3A_238 : memref<64x128xf32, #tpu.memory_space<vmem>>[vector<16xi32>, vector<16xi32>], vector<16xf32>,
        %parallel_loop3A_240 = tpu.vector_load_idx %arg5[%parallel_loop3A_237, %add3A_6] : memref<64x128xf32, #tpu.memory_space<vmem>>[vector<16xi32>, vector<16xi32>], vector<16xf32>,
        %parallel_loop3A_241 = arith.addi %mul3A_58, %parallel_loop3A_237 : vector<16xi32>
        tpu.vector_store_idx %arg7[%shift_right_arithmetic3A_29, %parallel_loop3A_241], %parallel_loop3A_240 : memref<64x128xf32, #tpu.memory_space<vmem>>[vector<16xi32>, vector<16xi32>], vector<16xf32>,
        %parallel_loop3A_242 = tpu.vector_load_idx %arg5[%parallel_loop3A_237, %add3A_9] : memref<64x128xf32, #tpu.memory_space<vmem>>[vector<16xi32>, vector<16xi32>], vector<16xf32>,
        %parallel_loop3A_243 = arith.addi %mul3A_64, %parallel_loop3A_237 : vector<16xi32>
        tpu.vector_store_idx %arg7[%shift_right_arithmetic3A_32, %parallel_loop3A_243], %parallel_loop3A_242 : memref<64x128xf32, #tpu.memory_space<vmem>>[vector<16xi32>, vector<16xi32>], vector<16xf32>,
        %parallel_loop3A_244 = tpu.vector_load_idx %arg5[%parallel_loop3A_237, %add3A_12] : memref<64x128xf32, #tpu.memory_space<vmem>>[vector<16xi32>, vector<16xi32>], vector<16xf32>,
        %parallel_loop3A_245 = arith.addi %mul3A_70, %parallel_loop3A_237 : vector<16xi32>
        tpu.vector_store_idx %arg7[%shift_right_arithmetic3A_35, %parallel_loop3A_245], %parallel_loop3A_244 : memref<64x128xf32, #tpu.memory_space<vmem>>[vector<16xi32>, vector<16xi32>], vector<16xf32>,
        %parallel_loop3A_246 = tpu.vector_load_idx %arg5[%parallel_loop3A_237, %add3A_15] : memref<64x128xf32, #tpu.memory_space<vmem>>[vector<16xi32>, vector<16xi32>], vector<16xf32>,
        %parallel_loop3A_247 = arith.addi %mul3A_76, %parallel_loop3A_237 : vector<16xi32>
        tpu.vector_store_idx %arg7[%shift_right_arithmetic3A_38, %parallel_loop3A_247], %parallel_loop3A_246 : memref<64x128xf32, #tpu.memory_space<vmem>>[vector<16xi32>, vector<16xi32>], vector<16xf32>,
        %parallel_loop3A_248 = tpu.vector_load_idx %arg5[%parallel_loop3A_237, %add3A_18] : memref<64x128xf32, #tpu.memory_space<vmem>>[vector<16xi32>, vector<16xi32>], vector<16xf32>,
        %parallel_loop3A_249 = arith.addi %mul3A_82, %parallel_loop3A_237 : vector<16xi32>
        tpu.vector_store_idx %arg7[%shift_right_arithmetic3A_41, %parallel_loop3A_249], %parallel_loop3A_248 : memref<64x128xf32, #tpu.memory_space<vmem>>[vector<16xi32>, vector<16xi32>], vector<16xf32>,
        %parallel_loop3A_250 = tpu.vector_load_idx %arg5[%parallel_loop3A_237, %add3A_21] : memref<64x128xf32, #tpu.memory_space<vmem>>[vector<16xi32>, vector<16xi32>], vector<16xf32>,
        %parallel_loop3A_251 = arith.addi %mul3A_88, %parallel_loop3A_237 : vector<16xi32>
        tpu.vector_store_idx %arg7[%shift_right_arithmetic3A_44, %parallel_loop3A_251], %parallel_loop3A_250 : memref<64x128xf32, #tpu.memory_space<vmem>>[vector<16xi32>, vector<16xi32>], vector<16xf32>,
        %parallel_loop3A_252 = tpu.vector_load_idx %arg5[%parallel_loop3A_237, %add3A_24] : memref<64x128xf32, #tpu.memory_space<vmem>>[vector<16xi32>, vector<16xi32>], vector<16xf32>,
        %parallel_loop3A_253 = arith.addi %mul3A_94, %parallel_loop3A_237 : vector<16xi32>
        tpu.vector_store_idx %arg7[%shift_right_arithmetic3A_47, %parallel_loop3A_253], %parallel_loop3A_252 : memref<64x128xf32, #tpu.memory_space<vmem>>[vector<16xi32>, vector<16xi32>], vector<16xf32>,
        %parallel_loop3A_254 = arith.constant 32 : i32
        %parallel_loop3A_255 = vector.broadcast %parallel_loop3A_254 : i32 to vector<16xi32>
        %parallel_loop3A_256 = arith.addi %parallel_loop3A_215, %parallel_loop3A_255 : vector<16xi32>
        %parallel_loop3A_257 = tpu.vector_load_idx %arg5[%parallel_loop3A_256, %add3A_3] : memref<64x128xf32, #tpu.memory_space<vmem>>[vector<16xi32>, vector<16xi32>], vector<16xf32>,
        %parallel_loop3A_258 = arith.addi %mul3A_52, %parallel_loop3A_256 : vector<16xi32>
        tpu.vector_store_idx %arg7[%shift_right_arithmetic3A_26, %parallel_loop3A_258], %parallel_loop3A_257 : memref<64x128xf32, #tpu.memory_space<vmem>>[vector<16xi32>, vector<16xi32>], vector<16xf32>,
        %parallel_loop3A_259 = tpu.vector_load_idx %arg5[%parallel_loop3A_256, %add3A_6] : memref<64x128xf32, #tpu.memory_space<vmem>>[vector<16xi32>, vector<16xi32>], vector<16xf32>,
        %parallel_loop3A_260 = arith.addi %mul3A_58, %parallel_loop3A_256 : vector<16xi32>
        tpu.vector_store_idx %arg7[%shift_right_arithmetic3A_29, %parallel_loop3A_260], %parallel_loop3A_259 : memref<64x128xf32, #tpu.memory_space<vmem>>[vector<16xi32>, vector<16xi32>], vector<16xf32>,
        %parallel_loop3A_261 = tpu.vector_load_idx %arg5[%parallel_loop3A_256, %add3A_9] : memref<64x128xf32, #tpu.memory_space<vmem>>[vector<16xi32>, vector<16xi32>], vector<16xf32>,
        %parallel_loop3A_262 = arith.addi %mul3A_64, %parallel_loop3A_256 : vector<16xi32>
        tpu.vector_store_idx %arg7[%shift_right_arithmetic3A_32, %parallel_loop3A_262], %parallel_loop3A_261 : memref<64x128xf32, #tpu.memory_space<vmem>>[vector<16xi32>, vector<16xi32>], vector<16xf32>,
        %parallel_loop3A_263 = tpu.vector_load_idx %arg5[%parallel_loop3A_256, %add3A_12] : memref<64x128xf32, #tpu.memory_space<vmem>>[vector<16xi32>, vector<16xi32>], vector<16xf32>,
        %parallel_loop3A_264 = arith.addi %mul3A_70, %parallel_loop3A_256 : vector<16xi32>
        tpu.vector_store_idx %arg7[%shift_right_arithmetic3A_35, %parallel_loop3A_264], %parallel_loop3A_263 : memref<64x128xf32, #tpu.memory_space<vmem>>[vector<16xi32>, vector<16xi32>], vector<16xf32>,
        %parallel_loop3A_265 = tpu.vector_load_idx %arg5[%parallel_loop3A_256, %add3A_15] : memref<64x128xf32, #tpu.memory_space<vmem>>[vector<16xi32>, vector<16xi32>], vector<16xf32>,
        %parallel_loop3A_266 = arith.addi %mul3A_76, %parallel_loop3A_256 : vector<16xi32>
        tpu.vector_store_idx %arg7[%shift_right_arithmetic3A_38, %parallel_loop3A_266], %parallel_loop3A_265 : memref<64x128xf32, #tpu.memory_space<vmem>>[vector<16xi32>, vector<16xi32>], vector<16xf32>,
        %parallel_loop3A_267 = tpu.vector_load_idx %arg5[%parallel_loop3A_256, %add3A_18] : memref<64x128xf32, #tpu.memory_space<vmem>>[vector<16xi32>, vector<16xi32>], vector<16xf32>,
        %parallel_loop3A_268 = arith.addi %mul3A_82, %parallel_loop3A_256 : vector<16xi32>
        tpu.vector_store_idx %arg7[%shift_right_arithmetic3A_41, %parallel_loop3A_268], %parallel_loop3A_267 : memref<64x128xf32, #tpu.memory_space<vmem>>[vector<16xi32>, vector<16xi32>], vector<16xf32>,
        %parallel_loop3A_269 = tpu.vector_load_idx %arg5[%parallel_loop3A_256, %add3A_21] : memref<64x128xf32, #tpu.memory_space<vmem>>[vector<16xi32>, vector<16xi32>], vector<16xf32>,
        %parallel_loop3A_270 = arith.addi %mul3A_88, %parallel_loop3A_256 : vector<16xi32>
        tpu.vector_store_idx %arg7[%shift_right_arithmetic3A_44, %parallel_loop3A_270], %parallel_loop3A_269 : memref<64x128xf32, #tpu.memory_space<vmem>>[vector<16xi32>, vector<16xi32>], vector<16xf32>,
        %parallel_loop3A_271 = tpu.vector_load_idx %arg5[%parallel_loop3A_256, %add3A_24] : memref<64x128xf32, #tpu.memory_space<vmem>>[vector<16xi32>, vector<16xi32>], vector<16xf32>,
        %parallel_loop3A_272 = arith.addi %mul3A_94, %parallel_loop3A_256 : vector<16xi32>
        tpu.vector_store_idx %arg7[%shift_right_arithmetic3A_47, %parallel_loop3A_272], %parallel_loop3A_271 : memref<64x128xf32, #tpu.memory_space<vmem>>[vector<16xi32>, vector<16xi32>], vector<16xf32>,
        %parallel_loop3A_273 = arith.constant 48 : i32
        %parallel_loop3A_274 = vector.broadcast %parallel_loop3A_273 : i32 to vector<16xi32>
        %parallel_loop3A_275 = arith.addi %parallel_loop3A_215, %parallel_loop3A_274 : vector<16xi32>
        %parallel_loop3A_276 = tpu.vector_load_idx %arg5[%parallel_loop3A_275, %add3A_3] : memref<64x128xf32, #tpu.memory_space<vmem>>[vector<16xi32>, vector<16xi32>], vector<16xf32>,
        %parallel_loop3A_277 = arith.addi %mul3A_52, %parallel_loop3A_275 : vector<16xi32>
        tpu.vector_store_idx %arg7[%shift_right_arithmetic3A_26, %parallel_loop3A_277], %parallel_loop3A_276 : memref<64x128xf32, #tpu.memory_space<vmem>>[vector<16xi32>, vector<16xi32>], vector<16xf32>,
        %parallel_loop3A_278 = tpu.vector_load_idx %arg5[%parallel_loop3A_275, %add3A_6] : memref<64x128xf32, #tpu.memory_space<vmem>>[vector<16xi32>, vector<16xi32>], vector<16xf32>,
        %parallel_loop3A_279 = arith.addi %mul3A_58, %parallel_loop3A_275 : vector<16xi32>
        tpu.vector_store_idx %arg7[%shift_right_arithmetic3A_29, %parallel_loop3A_279], %parallel_loop3A_278 : memref<64x128xf32, #tpu.memory_space<vmem>>[vector<16xi32>, vector<16xi32>], vector<16xf32>,
        %parallel_loop3A_280 = tpu.vector_load_idx %arg5[%parallel_loop3A_275, %add3A_9] : memref<64x128xf32, #tpu.memory_space<vmem>>[vector<16xi32>, vector<16xi32>], vector<16xf32>,
        %parallel_loop3A_281 = arith.addi %mul3A_64, %parallel_loop3A_275 : vector<16xi32>
        tpu.vector_store_idx %arg7[%shift_right_arithmetic3A_32, %parallel_loop3A_281], %parallel_loop3A_280 : memref<64x128xf32, #tpu.memory_space<vmem>>[vector<16xi32>, vector<16xi32>], vector<16xf32>,
        %parallel_loop3A_282 = tpu.vector_load_idx %arg5[%parallel_loop3A_275, %add3A_12] : memref<64x128xf32, #tpu.memory_space<vmem>>[vector<16xi32>, vector<16xi32>], vector<16xf32>,
        %parallel_loop3A_283 = arith.addi %mul3A_70, %parallel_loop3A_275 : vector<16xi32>
        tpu.vector_store_idx %arg7[%shift_right_arithmetic3A_35, %parallel_loop3A_283], %parallel_loop3A_282 : memref<64x128xf32, #tpu.memory_space<vmem>>[vector<16xi32>, vector<16xi32>], vector<16xf32>,
        %parallel_loop3A_284 = tpu.vector_load_idx %arg5[%parallel_loop3A_275, %add3A_15] : memref<64x128xf32, #tpu.memory_space<vmem>>[vector<16xi32>, vector<16xi32>], vector<16xf32>,
        %parallel_loop3A_285 = arith.addi %mul3A_76, %parallel_loop3A_275 : vector<16xi32>
        tpu.vector_store_idx %arg7[%shift_right_arithmetic3A_38, %parallel_loop3A_285], %parallel_loop3A_284 : memref<64x128xf32, #tpu.memory_space<vmem>>[vector<16xi32>, vector<16xi32>], vector<16xf32>,
        %parallel_loop3A_286 = tpu.vector_load_idx %arg5[%parallel_loop3A_275, %add3A_18] : memref<64x128xf32, #tpu.memory_space<vmem>>[vector<16xi32>, vector<16xi32>], vector<16xf32>,
        %parallel_loop3A_287 = arith.addi %mul3A_82, %parallel_loop3A_275 : vector<16xi32>
        tpu.vector_store_idx %arg7[%shift_right_arithmetic3A_41, %parallel_loop3A_287], %parallel_loop3A_286 : memref<64x128xf32, #tpu.memory_space<vmem>>[vector<16xi32>, vector<16xi32>], vector<16xf32>,
        %parallel_loop3A_288 = tpu.vector_load_idx %arg5[%parallel_loop3A_275, %add3A_21] : memref<64x128xf32, #tpu.memory_space<vmem>>[vector<16xi32>, vector<16xi32>], vector<16xf32>,
        %parallel_loop3A_289 = arith.addi %mul3A_88, %parallel_loop3A_275 : vector<16xi32>
        tpu.vector_store_idx %arg7[%shift_right_arithmetic3A_44, %parallel_loop3A_289], %parallel_loop3A_288 : memref<64x128xf32, #tpu.memory_space<vmem>>[vector<16xi32>, vector<16xi32>], vector<16xf32>,
        %parallel_loop3A_290 = tpu.vector_load_idx %arg5[%parallel_loop3A_275, %add3A_24] : memref<64x128xf32, #tpu.memory_space<vmem>>[vector<16xi32>, vector<16xi32>], vector<16xf32>,
        %parallel_loop3A_291 = arith.addi %mul3A_94, %parallel_loop3A_275 : vector<16xi32>
        tpu.vector_store_idx %arg7[%shift_right_arithmetic3A_47, %parallel_loop3A_291], %parallel_loop3A_290 : memref<64x128xf32, #tpu.memory_space<vmem>>[vector<16xi32>, vector<16xi32>], vector<16xf32>,
      } {sc.loop_unroll_factor = 4 : i64, sc.parallel_access}
      %mul3A_146 = arith.constant 2 : i32
      %mul3A_147 = arith.muli %mul3A_146, %scan3A_133 : i32
      %add3A_148 = arith.constant 0 : i32
      %add3A_149 = arith.addi %mul3A_147, %add3A_148 : i32
      %mul3A_150 = arith.constant 32 : i32
      %mul3A_151 = arith.muli %add3A_149, %mul3A_150 : i32
      %add3A_152 = arith.addi %mul3A_151, %add3A : i32
      %mul3A_153 = arith.constant 64 : i32
      %mul3A_154 = arith.muli %add3A_152, %mul3A_153 : i32
      %multiple_of3A_155 = tpu.assume_multiple %mul3A_154, 64 : i32
      %dma_start3A_156 = arith.constant 0 : i32
      %dma_start3A_157 = tpu.memref_slice %arg4[%multiple_of3A_155, %dma_start3A_156] : memref<500000x128xf32, #tpu.memory_space<hbm>> -> memref<64x128xf32, #tpu.memory_space<hbm>>
      %dma_start3A_158 = arith.constant 0 : i32
      %dma_start3A_159 = tpu.memref_slice %arg4[%multiple_of3A_155, %dma_start3A_158] : memref<500000x128xf32, #tpu.memory_space<hbm>> -> memref<64x128xf32, #tpu.memory_space<hbm>>
      tpu.enqueue_dma source(%arg7 : memref<64x128xf32, #tpu.memory_space<vmem>>) target(%dma_start3A_159 : memref<64x128xf32, #tpu.memory_space<hbm>>) target_semaphore(%arg11 : memref<!tpu.dma_semaphore, #tpu.memory_space<semaphore_mem>>)
      %mul3A_160 = arith.constant 2 : i32
      %mul3A_161 = arith.muli %mul3A_160, %scan3A_133 : i32
      %add3A_162 = arith.constant 0 : i32
      %add3A_163 = arith.addi %mul3A_161, %add3A_162 : i32
      %add3A_164 = arith.constant 2 : i32
      %add3A_165 = arith.addi %add3A_163, %add3A_164 : i32
      %lt3A_166 = arith.constant 244 : i32
      %lt3A_167 = arith.cmpi slt, %add3A_165, %lt3A_166 : i32
      %convert_element_type3A_168 = arith.extui %lt3A_167 : i1 to i32
      %cond3A_169 = arith.constant 0 : i32
      %cond3A_170 = arith.cmpi ne, %convert_element_type3A_168, %cond3A_169 : i32
      scf.if %cond3A_170 {
        %add3A_210 = arith.constant 1 : i32
        %add3A_211 = arith.addi %scan3A_133, %add3A_210 : i32
        %mul3A_212 = arith.constant 2 : i32
        %mul3A_213 = arith.muli %mul3A_212, %add3A_211 : i32
        %add3A_214 = arith.constant 0 : i32
        %add3A_215 = arith.addi %mul3A_213, %add3A_214 : i32
        %mul3A_216 = arith.constant 32 : i32
        %mul3A_217 = arith.muli %add3A_215, %mul3A_216 : i32
        %add3A_218 = arith.addi %mul3A_217, %add3A : i32
        %mul3A_219 = arith.constant 128 : i32
        %mul3A_220 = arith.muli %add3A_218, %mul3A_219 : i32
        %multiple_of3A_221 = tpu.assume_multiple %mul3A_220, 128 : i32
        %dma_start3A_222 = arith.constant 0 : i32
        %dma_start3A_223 = tpu.memref_slice %arg2[%dma_start3A_222, %multiple_of3A_221] : memref<64x1000000xf32, #tpu.memory_space<hbm>> -> memref<64x128xf32, #tpu.memory_space<hbm>>
        %dma_start3A_224 = arith.constant 0 : i32
        %dma_start3A_225 = tpu.memref_slice %arg2[%dma_start3A_224, %multiple_of3A_221] : memref<64x1000000xf32, #tpu.memory_space<hbm>> -> memref<64x128xf32, #tpu.memory_space<hbm>>
        tpu.enqueue_dma source(%dma_start3A_225 : memref<64x128xf32, #tpu.memory_space<hbm>>) target(%arg5 : memref<64x128xf32, #tpu.memory_space<vmem>>) target_semaphore(%arg9 : memref<!tpu.dma_semaphore, #tpu.memory_space<semaphore_mem>>)
      } else {
      }
      %dma_wait3A_171 = arith.constant 0 : i32
      %dma_wait3A_172 = arith.constant 0 : i32
      %dma_wait3A_173 = tpu.memref_slice %arg2[%dma_wait3A_171, %dma_wait3A_172] : memref<64x1000000xf32, #tpu.memory_space<hbm>> -> memref<64x128xf32, #tpu.memory_space<hbm>>
      %dma_wait3A_174 = arith.constant 0 : i32
      %dma_wait3A_175 = arith.constant 0 : i32
      %dma_wait3A_176 = tpu.memref_slice %arg2[%dma_wait3A_174, %dma_wait3A_175] : memref<64x1000000xf32, #tpu.memory_space<hbm>> -> memref<64x128xf32, #tpu.memory_space<hbm>>
      tpu.wait_dma2 semaphore(%arg10 : memref<!tpu.dma_semaphore, #tpu.memory_space<semaphore_mem>>) src(%dma_wait3A_176 : memref<64x128xf32, #tpu.memory_space<hbm>>) dst(%arg6 : memref<64x128xf32, #tpu.memory_space<vmem>>)
      %gt3A_177 = arith.constant 0 : i32
      %gt3A_178 = arith.cmpi sgt, %scan3A_133, %gt3A_177 : i32
      %convert_element_type3A_179 = arith.extui %gt3A_178 : i1 to i32
      %cond3A_180 = arith.constant 0 : i32
      %cond3A_181 = arith.cmpi ne, %convert_element_type3A_179, %cond3A_180 : i32
      scf.if %cond3A_181 {
        %dma_wait3A_210 = arith.constant 0 : i32
        %dma_wait3A_211 = arith.constant 0 : i32
        %dma_wait3A_212 = tpu.memref_slice %arg4[%dma_wait3A_210, %dma_wait3A_211] : memref<500000x128xf32, #tpu.memory_space<hbm>> -> memref<64x128xf32, #tpu.memory_space<hbm>>
        %dma_wait3A_213 = arith.constant 0 : i32
        %dma_wait3A_214 = arith.constant 0 : i32
        %dma_wait3A_215 = tpu.memref_slice %arg4[%dma_wait3A_213, %dma_wait3A_214] : memref<500000x128xf32, #tpu.memory_space<hbm>> -> memref<64x128xf32, #tpu.memory_space<hbm>>
        tpu.wait_dma2 semaphore(%arg12 : memref<!tpu.dma_semaphore, #tpu.memory_space<semaphore_mem>>) src(%arg8 : memref<64x128xf32, #tpu.memory_space<vmem>>) dst(%dma_wait3A_215 : memref<64x128xf32, #tpu.memory_space<hbm>>)
      } else {
      }
      %parallel_loop3A_182 = arith.constant 0 : i32
      %parallel_loop3A_183 = arith.constant 16 : i32
      %parallel_loop3A_184 = arith.constant 1 : i32
      scf.for %parallel_loop3A_210 = %parallel_loop3A_182 to %parallel_loop3A_183 step %parallel_loop3A_184  : i32 {
        %parallel_loop3A_211 = vector.broadcast %parallel_loop3A_210 : i32 to vector<16xi32>
        %parallel_loop3A_212 = arith.addi %iota3A, %parallel_loop3A_211 : vector<16xi32>
        %parallel_loop3A_213 = arith.constant 15 : i32
        %parallel_loop3A_214 = vector.broadcast %parallel_loop3A_213 : i32 to vector<16xi32>
        %parallel_loop3A_215 = arith.andi %parallel_loop3A_212, %parallel_loop3A_214 : vector<16xi32>
        %parallel_loop3A_216 = arith.constant 0 : i32
        %parallel_loop3A_217 = vector.broadcast %parallel_loop3A_216 : i32 to vector<16xi32>
        %parallel_loop3A_218 = arith.addi %parallel_loop3A_215, %parallel_loop3A_217 : vector<16xi32>
        %parallel_loop3A_219 = tpu.vector_load_idx %arg6[%parallel_loop3A_218, %add3A_3] : memref<64x128xf32, #tpu.memory_space<vmem>>[vector<16xi32>, vector<16xi32>], vector<16xf32>,
        %parallel_loop3A_220 = arith.addi %mul3A_52, %parallel_loop3A_218 : vector<16xi32>
        tpu.vector_store_idx %arg8[%shift_right_arithmetic3A_26, %parallel_loop3A_220], %parallel_loop3A_219 : memref<64x128xf32, #tpu.memory_space<vmem>>[vector<16xi32>, vector<16xi32>], vector<16xf32>,
        %parallel_loop3A_221 = tpu.vector_load_idx %arg6[%parallel_loop3A_218, %add3A_6] : memref<64x128xf32, #tpu.memory_space<vmem>>[vector<16xi32>, vector<16xi32>], vector<16xf32>,
        %parallel_loop3A_222 = arith.addi %mul3A_58, %parallel_loop3A_218 : vector<16xi32>
        tpu.vector_store_idx %arg8[%shift_right_arithmetic3A_29, %parallel_loop3A_222], %parallel_loop3A_221 : memref<64x128xf32, #tpu.memory_space<vmem>>[vector<16xi32>, vector<16xi32>], vector<16xf32>,
        %parallel_loop3A_223 = tpu.vector_load_idx %arg6[%parallel_loop3A_218, %add3A_9] : memref<64x128xf32, #tpu.memory_space<vmem>>[vector<16xi32>, vector<16xi32>], vector<16xf32>,
        %parallel_loop3A_224 = arith.addi %mul3A_64, %parallel_loop3A_218 : vector<16xi32>
        tpu.vector_store_idx %arg8[%shift_right_arithmetic3A_32, %parallel_loop3A_224], %parallel_loop3A_223 : memref<64x128xf32, #tpu.memory_space<vmem>>[vector<16xi32>, vector<16xi32>], vector<16xf32>,
        %parallel_loop3A_225 = tpu.vector_load_idx %arg6[%parallel_loop3A_218, %add3A_12] : memref<64x128xf32, #tpu.memory_space<vmem>>[vector<16xi32>, vector<16xi32>], vector<16xf32>,
        %parallel_loop3A_226 = arith.addi %mul3A_70, %parallel_loop3A_218 : vector<16xi32>
        tpu.vector_store_idx %arg8[%shift_right_arithmetic3A_35, %parallel_loop3A_226], %parallel_loop3A_225 : memref<64x128xf32, #tpu.memory_space<vmem>>[vector<16xi32>, vector<16xi32>], vector<16xf32>,
        %parallel_loop3A_227 = tpu.vector_load_idx %arg6[%parallel_loop3A_218, %add3A_15] : memref<64x128xf32, #tpu.memory_space<vmem>>[vector<16xi32>, vector<16xi32>], vector<16xf32>,
        %parallel_loop3A_228 = arith.addi %mul3A_76, %parallel_loop3A_218 : vector<16xi32>
        tpu.vector_store_idx %arg8[%shift_right_arithmetic3A_38, %parallel_loop3A_228], %parallel_loop3A_227 : memref<64x128xf32, #tpu.memory_space<vmem>>[vector<16xi32>, vector<16xi32>], vector<16xf32>,
        %parallel_loop3A_229 = tpu.vector_load_idx %arg6[%parallel_loop3A_218, %add3A_18] : memref<64x128xf32, #tpu.memory_space<vmem>>[vector<16xi32>, vector<16xi32>], vector<16xf32>,
        %parallel_loop3A_230 = arith.addi %mul3A_82, %parallel_loop3A_218 : vector<16xi32>
        tpu.vector_store_idx %arg8[%shift_right_arithmetic3A_41, %parallel_loop3A_230], %parallel_loop3A_229 : memref<64x128xf32, #tpu.memory_space<vmem>>[vector<16xi32>, vector<16xi32>], vector<16xf32>,
        %parallel_loop3A_231 = tpu.vector_load_idx %arg6[%parallel_loop3A_218, %add3A_21] : memref<64x128xf32, #tpu.memory_space<vmem>>[vector<16xi32>, vector<16xi32>], vector<16xf32>,
        %parallel_loop3A_232 = arith.addi %mul3A_88, %parallel_loop3A_218 : vector<16xi32>
        tpu.vector_store_idx %arg8[%shift_right_arithmetic3A_44, %parallel_loop3A_232], %parallel_loop3A_231 : memref<64x128xf32, #tpu.memory_space<vmem>>[vector<16xi32>, vector<16xi32>], vector<16xf32>,
        %parallel_loop3A_233 = tpu.vector_load_idx %arg6[%parallel_loop3A_218, %add3A_24] : memref<64x128xf32, #tpu.memory_space<vmem>>[vector<16xi32>, vector<16xi32>], vector<16xf32>,
        %parallel_loop3A_234 = arith.addi %mul3A_94, %parallel_loop3A_218 : vector<16xi32>
        tpu.vector_store_idx %arg8[%shift_right_arithmetic3A_47, %parallel_loop3A_234], %parallel_loop3A_233 : memref<64x128xf32, #tpu.memory_space<vmem>>[vector<16xi32>, vector<16xi32>], vector<16xf32>,
        %parallel_loop3A_235 = arith.constant 16 : i32
        %parallel_loop3A_236 = vector.broadcast %parallel_loop3A_235 : i32 to vector<16xi32>
        %parallel_loop3A_237 = arith.addi %parallel_loop3A_215, %parallel_loop3A_236 : vector<16xi32>
        %parallel_loop3A_238 = tpu.vector_load_idx %arg6[%parallel_loop3A_237, %add3A_3] : memref<64x128xf32, #tpu.memory_space<vmem>>[vector<16xi32>, vector<16xi32>], vector<16xf32>,
        %parallel_loop3A_239 = arith.addi %mul3A_52, %parallel_loop3A_237 : vector<16xi32>
        tpu.vector_store_idx %arg8[%shift_right_arithmetic3A_26, %parallel_loop3A_239], %parallel_loop3A_238 : memref<64x128xf32, #tpu.memory_space<vmem>>[vector<16xi32>, vector<16xi32>], vector<16xf32>,
        %parallel_loop3A_240 = tpu.vector_load_idx %arg6[%parallel_loop3A_237, %add3A_6] : memref<64x128xf32, #tpu.memory_space<vmem>>[vector<16xi32>, vector<16xi32>], vector<16xf32>,
        %parallel_loop3A_241 = arith.addi %mul3A_58, %parallel_loop3A_237 : vector<16xi32>
        tpu.vector_store_idx %arg8[%shift_right_arithmetic3A_29, %parallel_loop3A_241], %parallel_loop3A_240 : memref<64x128xf32, #tpu.memory_space<vmem>>[vector<16xi32>, vector<16xi32>], vector<16xf32>,
        %parallel_loop3A_242 = tpu.vector_load_idx %arg6[%parallel_loop3A_237, %add3A_9] : memref<64x128xf32, #tpu.memory_space<vmem>>[vector<16xi32>, vector<16xi32>], vector<16xf32>,
        %parallel_loop3A_243 = arith.addi %mul3A_64, %parallel_loop3A_237 : vector<16xi32>
        tpu.vector_store_idx %arg8[%shift_right_arithmetic3A_32, %parallel_loop3A_243], %parallel_loop3A_242 : memref<64x128xf32, #tpu.memory_space<vmem>>[vector<16xi32>, vector<16xi32>], vector<16xf32>,
        %parallel_loop3A_244 = tpu.vector_load_idx %arg6[%parallel_loop3A_237, %add3A_12] : memref<64x128xf32, #tpu.memory_space<vmem>>[vector<16xi32>, vector<16xi32>], vector<16xf32>,
        %parallel_loop3A_245 = arith.addi %mul3A_70, %parallel_loop3A_237 : vector<16xi32>
        tpu.vector_store_idx %arg8[%shift_right_arithmetic3A_35, %parallel_loop3A_245], %parallel_loop3A_244 : memref<64x128xf32, #tpu.memory_space<vmem>>[vector<16xi32>, vector<16xi32>], vector<16xf32>,
        %parallel_loop3A_246 = tpu.vector_load_idx %arg6[%parallel_loop3A_237, %add3A_15] : memref<64x128xf32, #tpu.memory_space<vmem>>[vector<16xi32>, vector<16xi32>], vector<16xf32>,
        %parallel_loop3A_247 = arith.addi %mul3A_76, %parallel_loop3A_237 : vector<16xi32>
        tpu.vector_store_idx %arg8[%shift_right_arithmetic3A_38, %parallel_loop3A_247], %parallel_loop3A_246 : memref<64x128xf32, #tpu.memory_space<vmem>>[vector<16xi32>, vector<16xi32>], vector<16xf32>,
        %parallel_loop3A_248 = tpu.vector_load_idx %arg6[%parallel_loop3A_237, %add3A_18] : memref<64x128xf32, #tpu.memory_space<vmem>>[vector<16xi32>, vector<16xi32>], vector<16xf32>,
        %parallel_loop3A_249 = arith.addi %mul3A_82, %parallel_loop3A_237 : vector<16xi32>
        tpu.vector_store_idx %arg8[%shift_right_arithmetic3A_41, %parallel_loop3A_249], %parallel_loop3A_248 : memref<64x128xf32, #tpu.memory_space<vmem>>[vector<16xi32>, vector<16xi32>], vector<16xf32>,
        %parallel_loop3A_250 = tpu.vector_load_idx %arg6[%parallel_loop3A_237, %add3A_21] : memref<64x128xf32, #tpu.memory_space<vmem>>[vector<16xi32>, vector<16xi32>], vector<16xf32>,
        %parallel_loop3A_251 = arith.addi %mul3A_88, %parallel_loop3A_237 : vector<16xi32>
        tpu.vector_store_idx %arg8[%shift_right_arithmetic3A_44, %parallel_loop3A_251], %parallel_loop3A_250 : memref<64x128xf32, #tpu.memory_space<vmem>>[vector<16xi32>, vector<16xi32>], vector<16xf32>,
        %parallel_loop3A_252 = tpu.vector_load_idx %arg6[%parallel_loop3A_237, %add3A_24] : memref<64x128xf32, #tpu.memory_space<vmem>>[vector<16xi32>, vector<16xi32>], vector<16xf32>,
        %parallel_loop3A_253 = arith.addi %mul3A_94, %parallel_loop3A_237 : vector<16xi32>
        tpu.vector_store_idx %arg8[%shift_right_arithmetic3A_47, %parallel_loop3A_253], %parallel_loop3A_252 : memref<64x128xf32, #tpu.memory_space<vmem>>[vector<16xi32>, vector<16xi32>], vector<16xf32>,
        %parallel_loop3A_254 = arith.constant 32 : i32
        %parallel_loop3A_255 = vector.broadcast %parallel_loop3A_254 : i32 to vector<16xi32>
        %parallel_loop3A_256 = arith.addi %parallel_loop3A_215, %parallel_loop3A_255 : vector<16xi32>
        %parallel_loop3A_257 = tpu.vector_load_idx %arg6[%parallel_loop3A_256, %add3A_3] : memref<64x128xf32, #tpu.memory_space<vmem>>[vector<16xi32>, vector<16xi32>], vector<16xf32>,
        %parallel_loop3A_258 = arith.addi %mul3A_52, %parallel_loop3A_256 : vector<16xi32>
        tpu.vector_store_idx %arg8[%shift_right_arithmetic3A_26, %parallel_loop3A_258], %parallel_loop3A_257 : memref<64x128xf32, #tpu.memory_space<vmem>>[vector<16xi32>, vector<16xi32>], vector<16xf32>,
        %parallel_loop3A_259 = tpu.vector_load_idx %arg6[%parallel_loop3A_256, %add3A_6] : memref<64x128xf32, #tpu.memory_space<vmem>>[vector<16xi32>, vector<16xi32>], vector<16xf32>,
        %parallel_loop3A_260 = arith.addi %mul3A_58, %parallel_loop3A_256 : vector<16xi32>
        tpu.vector_store_idx %arg8[%shift_right_arithmetic3A_29, %parallel_loop3A_260], %parallel_loop3A_259 : memref<64x128xf32, #tpu.memory_space<vmem>>[vector<16xi32>, vector<16xi32>], vector<16xf32>,
        %parallel_loop3A_261 = tpu.vector_load_idx %arg6[%parallel_loop3A_256, %add3A_9] : memref<64x128xf32, #tpu.memory_space<vmem>>[vector<16xi32>, vector<16xi32>], vector<16xf32>,
        %parallel_loop3A_262 = arith.addi %mul3A_64, %parallel_loop3A_256 : vector<16xi32>
        tpu.vector_store_idx %arg8[%shift_right_arithmetic3A_32, %parallel_loop3A_262], %parallel_loop3A_261 : memref<64x128xf32, #tpu.memory_space<vmem>>[vector<16xi32>, vector<16xi32>], vector<16xf32>,
        %parallel_loop3A_263 = tpu.vector_load_idx %arg6[%parallel_loop3A_256, %add3A_12] : memref<64x128xf32, #tpu.memory_space<vmem>>[vector<16xi32>, vector<16xi32>], vector<16xf32>,
        %parallel_loop3A_264 = arith.addi %mul3A_70, %parallel_loop3A_256 : vector<16xi32>
        tpu.vector_store_idx %arg8[%shift_right_arithmetic3A_35, %parallel_loop3A_264], %parallel_loop3A_263 : memref<64x128xf32, #tpu.memory_space<vmem>>[vector<16xi32>, vector<16xi32>], vector<16xf32>,
        %parallel_loop3A_265 = tpu.vector_load_idx %arg6[%parallel_loop3A_256, %add3A_15] : memref<64x128xf32, #tpu.memory_space<vmem>>[vector<16xi32>, vector<16xi32>], vector<16xf32>,
        %parallel_loop3A_266 = arith.addi %mul3A_76, %parallel_loop3A_256 : vector<16xi32>
        tpu.vector_store_idx %arg8[%shift_right_arithmetic3A_38, %parallel_loop3A_266], %parallel_loop3A_265 : memref<64x128xf32, #tpu.memory_space<vmem>>[vector<16xi32>, vector<16xi32>], vector<16xf32>,
        %parallel_loop3A_267 = tpu.vector_load_idx %arg6[%parallel_loop3A_256, %add3A_18] : memref<64x128xf32, #tpu.memory_space<vmem>>[vector<16xi32>, vector<16xi32>], vector<16xf32>,
        %parallel_loop3A_268 = arith.addi %mul3A_82, %parallel_loop3A_256 : vector<16xi32>
        tpu.vector_store_idx %arg8[%shift_right_arithmetic3A_41, %parallel_loop3A_268], %parallel_loop3A_267 : memref<64x128xf32, #tpu.memory_space<vmem>>[vector<16xi32>, vector<16xi32>], vector<16xf32>,
        %parallel_loop3A_269 = tpu.vector_load_idx %arg6[%parallel_loop3A_256, %add3A_21] : memref<64x128xf32, #tpu.memory_space<vmem>>[vector<16xi32>, vector<16xi32>], vector<16xf32>,
        %parallel_loop3A_270 = arith.addi %mul3A_88, %parallel_loop3A_256 : vector<16xi32>
        tpu.vector_store_idx %arg8[%shift_right_arithmetic3A_44, %parallel_loop3A_270], %parallel_loop3A_269 : memref<64x128xf32, #tpu.memory_space<vmem>>[vector<16xi32>, vector<16xi32>], vector<16xf32>,
        %parallel_loop3A_271 = tpu.vector_load_idx %arg6[%parallel_loop3A_256, %add3A_24] : memref<64x128xf32, #tpu.memory_space<vmem>>[vector<16xi32>, vector<16xi32>], vector<16xf32>,
        %parallel_loop3A_272 = arith.addi %mul3A_94, %parallel_loop3A_256 : vector<16xi32>
        tpu.vector_store_idx %arg8[%shift_right_arithmetic3A_47, %parallel_loop3A_272], %parallel_loop3A_271 : memref<64x128xf32, #tpu.memory_space<vmem>>[vector<16xi32>, vector<16xi32>], vector<16xf32>,
        %parallel_loop3A_273 = arith.constant 48 : i32
        %parallel_loop3A_274 = vector.broadcast %parallel_loop3A_273 : i32 to vector<16xi32>
        %parallel_loop3A_275 = arith.addi %parallel_loop3A_215, %parallel_loop3A_274 : vector<16xi32>
        %parallel_loop3A_276 = tpu.vector_load_idx %arg6[%parallel_loop3A_275, %add3A_3] : memref<64x128xf32, #tpu.memory_space<vmem>>[vector<16xi32>, vector<16xi32>], vector<16xf32>,
        %parallel_loop3A_277 = arith.addi %mul3A_52, %parallel_loop3A_275 : vector<16xi32>
        tpu.vector_store_idx %arg8[%shift_right_arithmetic3A_26, %parallel_loop3A_277], %parallel_loop3A_276 : memref<64x128xf32, #tpu.memory_space<vmem>>[vector<16xi32>, vector<16xi32>], vector<16xf32>,
        %parallel_loop3A_278 = tpu.vector_load_idx %arg6[%parallel_loop3A_275, %add3A_6] : memref<64x128xf32, #tpu.memory_space<vmem>>[vector<16xi32>, vector<16xi32>], vector<16xf32>,
        %parallel_loop3A_279 = arith.addi %mul3A_58, %parallel_loop3A_275 : vector<16xi32>
        tpu.vector_store_idx %arg8[%shift_right_arithmetic3A_29, %parallel_loop3A_279], %parallel_loop3A_278 : memref<64x128xf32, #tpu.memory_space<vmem>>[vector<16xi32>, vector<16xi32>], vector<16xf32>,
        %parallel_loop3A_280 = tpu.vector_load_idx %arg6[%parallel_loop3A_275, %add3A_9] : memref<64x128xf32, #tpu.memory_space<vmem>>[vector<16xi32>, vector<16xi32>], vector<16xf32>,
        %parallel_loop3A_281 = arith.addi %mul3A_64, %parallel_loop3A_275 : vector<16xi32>
        tpu.vector_store_idx %arg8[%shift_right_arithmetic3A_32, %parallel_loop3A_281], %parallel_loop3A_280 : memref<64x128xf32, #tpu.memory_space<vmem>>[vector<16xi32>, vector<16xi32>], vector<16xf32>,
        %parallel_loop3A_282 = tpu.vector_load_idx %arg6[%parallel_loop3A_275, %add3A_12] : memref<64x128xf32, #tpu.memory_space<vmem>>[vector<16xi32>, vector<16xi32>], vector<16xf32>,
        %parallel_loop3A_283 = arith.addi %mul3A_70, %parallel_loop3A_275 : vector<16xi32>
        tpu.vector_store_idx %arg8[%shift_right_arithmetic3A_35, %parallel_loop3A_283], %parallel_loop3A_282 : memref<64x128xf32, #tpu.memory_space<vmem>>[vector<16xi32>, vector<16xi32>], vector<16xf32>,
        %parallel_loop3A_284 = tpu.vector_load_idx %arg6[%parallel_loop3A_275, %add3A_15] : memref<64x128xf32, #tpu.memory_space<vmem>>[vector<16xi32>, vector<16xi32>], vector<16xf32>,
        %parallel_loop3A_285 = arith.addi %mul3A_76, %parallel_loop3A_275 : vector<16xi32>
        tpu.vector_store_idx %arg8[%shift_right_arithmetic3A_38, %parallel_loop3A_285], %parallel_loop3A_284 : memref<64x128xf32, #tpu.memory_space<vmem>>[vector<16xi32>, vector<16xi32>], vector<16xf32>,
        %parallel_loop3A_286 = tpu.vector_load_idx %arg6[%parallel_loop3A_275, %add3A_18] : memref<64x128xf32, #tpu.memory_space<vmem>>[vector<16xi32>, vector<16xi32>], vector<16xf32>,
        %parallel_loop3A_287 = arith.addi %mul3A_82, %parallel_loop3A_275 : vector<16xi32>
        tpu.vector_store_idx %arg8[%shift_right_arithmetic3A_41, %parallel_loop3A_287], %parallel_loop3A_286 : memref<64x128xf32, #tpu.memory_space<vmem>>[vector<16xi32>, vector<16xi32>], vector<16xf32>,
        %parallel_loop3A_288 = tpu.vector_load_idx %arg6[%parallel_loop3A_275, %add3A_21] : memref<64x128xf32, #tpu.memory_space<vmem>>[vector<16xi32>, vector<16xi32>], vector<16xf32>,
        %parallel_loop3A_289 = arith.addi %mul3A_88, %parallel_loop3A_275 : vector<16xi32>
        tpu.vector_store_idx %arg8[%shift_right_arithmetic3A_44, %parallel_loop3A_289], %parallel_loop3A_288 : memref<64x128xf32, #tpu.memory_space<vmem>>[vector<16xi32>, vector<16xi32>], vector<16xf32>,
        %parallel_loop3A_290 = tpu.vector_load_idx %arg6[%parallel_loop3A_275, %add3A_24] : memref<64x128xf32, #tpu.memory_space<vmem>>[vector<16xi32>, vector<16xi32>], vector<16xf32>,
        %parallel_loop3A_291 = arith.addi %mul3A_94, %parallel_loop3A_275 : vector<16xi32>
        tpu.vector_store_idx %arg8[%shift_right_arithmetic3A_47, %parallel_loop3A_291], %parallel_loop3A_290 : memref<64x128xf32, #tpu.memory_space<vmem>>[vector<16xi32>, vector<16xi32>], vector<16xf32>,
      } {sc.loop_unroll_factor = 4 : i64, sc.parallel_access}
      %mul3A_185 = arith.constant 2 : i32
      %mul3A_186 = arith.muli %mul3A_185, %scan3A_133 : i32
      %add3A_187 = arith.constant 1 : i32
      %add3A_188 = arith.addi %mul3A_186, %add3A_187 : i32
      %mul3A_189 = arith.constant 32 : i32
      %mul3A_190 = arith.muli %add3A_188, %mul3A_189 : i32
      %add3A_191 = arith.addi %mul3A_190, %add3A : i32
      %mul3A_192 = arith.constant 64 : i32
      %mul3A_193 = arith.muli %add3A_191, %mul3A_192 : i32
      %multiple_of3A_194 = tpu.assume_multiple %mul3A_193, 64 : i32
      %dma_start3A_195 = arith.constant 0 : i32
      %dma_start3A_196 = tpu.memref_slice %arg4[%multiple_of3A_194, %dma_start3A_195] : memref<500000x128xf32, #tpu.memory_space<hbm>> -> memref<64x128xf32, #tpu.memory_space<hbm>>
      %dma_start3A_197 = arith.constant 0 : i32
      %dma_start3A_198 = tpu.memref_slice %arg4[%multiple_of3A_194, %dma_start3A_197] : memref<500000x128xf32, #tpu.memory_space<hbm>> -> memref<64x128xf32, #tpu.memory_space<hbm>>
      tpu.enqueue_dma source(%arg8 : memref<64x128xf32, #tpu.memory_space<vmem>>) target(%dma_start3A_198 : memref<64x128xf32, #tpu.memory_space<hbm>>) target_semaphore(%arg12 : memref<!tpu.dma_semaphore, #tpu.memory_space<semaphore_mem>>)
      %mul3A_199 = arith.constant 2 : i32
      %mul3A_200 = arith.muli %mul3A_199, %scan3A_133 : i32
      %add3A_201 = arith.constant 1 : i32
      %add3A_202 = arith.addi %mul3A_200, %add3A_201 : i32
      %add3A_203 = arith.constant 2 : i32
      %add3A_204 = arith.addi %add3A_202, %add3A_203 : i32
      %lt3A_205 = arith.constant 244 : i32
      %lt3A_206 = arith.cmpi slt, %add3A_204, %lt3A_205 : i32
      %convert_element_type3A_207 = arith.extui %lt3A_206 : i1 to i32
      %cond3A_208 = arith.constant 0 : i32
      %cond3A_209 = arith.cmpi ne, %convert_element_type3A_207, %cond3A_208 : i32
      scf.if %cond3A_209 {
        %add3A_210 = arith.constant 1 : i32
        %add3A_211 = arith.addi %scan3A_133, %add3A_210 : i32
        %mul3A_212 = arith.constant 2 : i32
        %mul3A_213 = arith.muli %mul3A_212, %add3A_211 : i32
        %add3A_214 = arith.constant 1 : i32
        %add3A_215 = arith.addi %mul3A_213, %add3A_214 : i32
        %mul3A_216 = arith.constant 32 : i32
        %mul3A_217 = arith.muli %add3A_215, %mul3A_216 : i32
        %add3A_218 = arith.addi %mul3A_217, %add3A : i32
        %mul3A_219 = arith.constant 128 : i32
        %mul3A_220 = arith.muli %add3A_218, %mul3A_219 : i32
        %multiple_of3A_221 = tpu.assume_multiple %mul3A_220, 128 : i32
        %dma_start3A_222 = arith.constant 0 : i32
        %dma_start3A_223 = tpu.memref_slice %arg2[%dma_start3A_222, %multiple_of3A_221] : memref<64x1000000xf32, #tpu.memory_space<hbm>> -> memref<64x128xf32, #tpu.memory_space<hbm>>
        %dma_start3A_224 = arith.constant 0 : i32
        %dma_start3A_225 = tpu.memref_slice %arg2[%dma_start3A_224, %multiple_of3A_221] : memref<64x1000000xf32, #tpu.memory_space<hbm>> -> memref<64x128xf32, #tpu.memory_space<hbm>>
        tpu.enqueue_dma source(%dma_start3A_225 : memref<64x128xf32, #tpu.memory_space<hbm>>) target(%arg6 : memref<64x128xf32, #tpu.memory_space<vmem>>) target_semaphore(%arg10 : memref<!tpu.dma_semaphore, #tpu.memory_space<semaphore_mem>>)
      } else {
      }
    }
    %scan3A_115 = arith.constant 122 : i32
    %dma_wait3A = arith.constant 0 : i32
    %dma_wait3A_116 = arith.constant 0 : i32
    %dma_wait3A_117 = tpu.memref_slice %arg4[%dma_wait3A, %dma_wait3A_116] : memref<500000x128xf32, #tpu.memory_space<hbm>> -> memref<64x128xf32, #tpu.memory_space<hbm>>
    %dma_wait3A_118 = arith.constant 0 : i32
    %dma_wait3A_119 = arith.constant 0 : i32
    %dma_wait3A_120 = tpu.memref_slice %arg4[%dma_wait3A_118, %dma_wait3A_119] : memref<500000x128xf32, #tpu.memory_space<hbm>> -> memref<64x128xf32, #tpu.memory_space<hbm>>
    tpu.wait_dma2 semaphore(%arg11 : memref<!tpu.dma_semaphore, #tpu.memory_space<semaphore_mem>>) src(%arg7 : memref<64x128xf32, #tpu.memory_space<vmem>>) dst(%dma_wait3A_120 : memref<64x128xf32, #tpu.memory_space<hbm>>)
    %dma_wait3A_121 = arith.constant 0 : i32
    %dma_wait3A_122 = arith.constant 0 : i32
    %dma_wait3A_123 = tpu.memref_slice %arg4[%dma_wait3A_121, %dma_wait3A_122] : memref<500000x128xf32, #tpu.memory_space<hbm>> -> memref<64x128xf32, #tpu.memory_space<hbm>>
    %dma_wait3A_124 = arith.constant 0 : i32
    %dma_wait3A_125 = arith.constant 0 : i32
    %dma_wait3A_126 = tpu.memref_slice %arg4[%dma_wait3A_124, %dma_wait3A_125] : memref<500000x128xf32, #tpu.memory_space<hbm>> -> memref<64x128xf32, #tpu.memory_space<hbm>>
    tpu.wait_dma2 semaphore(%arg12 : memref<!tpu.dma_semaphore, #tpu.memory_space<semaphore_mem>>) src(%arg8 : memref<64x128xf32, #tpu.memory_space<vmem>>) dst(%dma_wait3A_126 : memref<64x128xf32, #tpu.memory_space<hbm>>)
    %lt3A = arith.constant 4 : i32
    %lt3A_127 = arith.cmpi slt, %add3A, %lt3A : i32
    %convert_element_type3A = arith.extui %lt3A_127 : i1 to i32
    %cond3A = arith.constant 0 : i32
    %cond3A_128 = arith.cmpi ne, %convert_element_type3A, %cond3A : i32
    scf.if %cond3A_128 {
      %add3A_133 = arith.constant 7808 : i32
      %add3A_134 = arith.addi %add3A_133, %add3A : i32
      %mul3A_135 = arith.constant 128 : i32
      %mul3A_136 = arith.muli %add3A_134, %mul3A_135 : i32
      %multiple_of3A_137 = tpu.assume_multiple %mul3A_136, 128 : i32
      %dma_start3A_138 = arith.constant 0 : i32
      %dma_start3A_139 = tpu.memref_slice %arg2[%dma_start3A_138, %multiple_of3A_137] : memref<64x1000000xf32, #tpu.memory_space<hbm>> -> memref<64x128xf32, #tpu.memory_space<hbm>>
      %dma_start3A_140 = arith.constant 0 : i32
      %dma_start3A_141 = tpu.memref_slice %arg2[%dma_start3A_140, %multiple_of3A_137] : memref<64x1000000xf32, #tpu.memory_space<hbm>> -> memref<64x128xf32, #tpu.memory_space<hbm>>
      tpu.enqueue_dma source(%dma_start3A_141 : memref<64x128xf32, #tpu.memory_space<hbm>>) target(%arg5 : memref<64x128xf32, #tpu.memory_space<vmem>>) target_semaphore(%arg9 : memref<!tpu.dma_semaphore, #tpu.memory_space<semaphore_mem>>)
      %dma_wait3A_142 = arith.constant 0 : i32
      %dma_wait3A_143 = arith.constant 0 : i32
      %dma_wait3A_144 = tpu.memref_slice %arg2[%dma_wait3A_142, %dma_wait3A_143] : memref<64x1000000xf32, #tpu.memory_space<hbm>> -> memref<64x128xf32, #tpu.memory_space<hbm>>
      %dma_wait3A_145 = arith.constant 0 : i32
      %dma_wait3A_146 = arith.constant 0 : i32
      %dma_wait3A_147 = tpu.memref_slice %arg2[%dma_wait3A_145, %dma_wait3A_146] : memref<64x1000000xf32, #tpu.memory_space<hbm>> -> memref<64x128xf32, #tpu.memory_space<hbm>>
      tpu.wait_dma2 semaphore(%arg9 : memref<!tpu.dma_semaphore, #tpu.memory_space<semaphore_mem>>) src(%dma_wait3A_147 : memref<64x128xf32, #tpu.memory_space<hbm>>) dst(%arg5 : memref<64x128xf32, #tpu.memory_space<vmem>>)
      %parallel_loop3A = arith.constant 0 : i32
      %parallel_loop3A_148 = arith.constant 16 : i32
      %parallel_loop3A_149 = arith.constant 1 : i32
      scf.for %parallel_loop3A_163 = %parallel_loop3A to %parallel_loop3A_148 step %parallel_loop3A_149  : i32 {
        %parallel_loop3A_164 = vector.broadcast %parallel_loop3A_163 : i32 to vector<16xi32>
        %parallel_loop3A_165 = arith.addi %iota3A, %parallel_loop3A_164 : vector<16xi32>
        %parallel_loop3A_166 = arith.constant 15 : i32
        %parallel_loop3A_167 = vector.broadcast %parallel_loop3A_166 : i32 to vector<16xi32>
        %parallel_loop3A_168 = arith.andi %parallel_loop3A_165, %parallel_loop3A_167 : vector<16xi32>
        %parallel_loop3A_169 = arith.constant 0 : i32
        %parallel_loop3A_170 = vector.broadcast %parallel_loop3A_169 : i32 to vector<16xi32>
        %parallel_loop3A_171 = arith.addi %parallel_loop3A_168, %parallel_loop3A_170 : vector<16xi32>
        %parallel_loop3A_172 = tpu.vector_load_idx %arg5[%parallel_loop3A_171, %add3A_3] : memref<64x128xf32, #tpu.memory_space<vmem>>[vector<16xi32>, vector<16xi32>], vector<16xf32>,
        %parallel_loop3A_173 = arith.addi %mul3A_52, %parallel_loop3A_171 : vector<16xi32>
        tpu.vector_store_idx %arg7[%shift_right_arithmetic3A_26, %parallel_loop3A_173], %parallel_loop3A_172 : memref<64x128xf32, #tpu.memory_space<vmem>>[vector<16xi32>, vector<16xi32>], vector<16xf32>,
        %parallel_loop3A_174 = tpu.vector_load_idx %arg5[%parallel_loop3A_171, %add3A_6] : memref<64x128xf32, #tpu.memory_space<vmem>>[vector<16xi32>, vector<16xi32>], vector<16xf32>,
        %parallel_loop3A_175 = arith.addi %mul3A_58, %parallel_loop3A_171 : vector<16xi32>
        tpu.vector_store_idx %arg7[%shift_right_arithmetic3A_29, %parallel_loop3A_175], %parallel_loop3A_174 : memref<64x128xf32, #tpu.memory_space<vmem>>[vector<16xi32>, vector<16xi32>], vector<16xf32>,
        %parallel_loop3A_176 = tpu.vector_load_idx %arg5[%parallel_loop3A_171, %add3A_9] : memref<64x128xf32, #tpu.memory_space<vmem>>[vector<16xi32>, vector<16xi32>], vector<16xf32>,
        %parallel_loop3A_177 = arith.addi %mul3A_64, %parallel_loop3A_171 : vector<16xi32>
        tpu.vector_store_idx %arg7[%shift_right_arithmetic3A_32, %parallel_loop3A_177], %parallel_loop3A_176 : memref<64x128xf32, #tpu.memory_space<vmem>>[vector<16xi32>, vector<16xi32>], vector<16xf32>,
        %parallel_loop3A_178 = tpu.vector_load_idx %arg5[%parallel_loop3A_171, %add3A_12] : memref<64x128xf32, #tpu.memory_space<vmem>>[vector<16xi32>, vector<16xi32>], vector<16xf32>,
        %parallel_loop3A_179 = arith.addi %mul3A_70, %parallel_loop3A_171 : vector<16xi32>
        tpu.vector_store_idx %arg7[%shift_right_arithmetic3A_35, %parallel_loop3A_179], %parallel_loop3A_178 : memref<64x128xf32, #tpu.memory_space<vmem>>[vector<16xi32>, vector<16xi32>], vector<16xf32>,
        %parallel_loop3A_180 = tpu.vector_load_idx %arg5[%parallel_loop3A_171, %add3A_15] : memref<64x128xf32, #tpu.memory_space<vmem>>[vector<16xi32>, vector<16xi32>], vector<16xf32>,
        %parallel_loop3A_181 = arith.addi %mul3A_76, %parallel_loop3A_171 : vector<16xi32>
        tpu.vector_store_idx %arg7[%shift_right_arithmetic3A_38, %parallel_loop3A_181], %parallel_loop3A_180 : memref<64x128xf32, #tpu.memory_space<vmem>>[vector<16xi32>, vector<16xi32>], vector<16xf32>,
        %parallel_loop3A_182 = tpu.vector_load_idx %arg5[%parallel_loop3A_171, %add3A_18] : memref<64x128xf32, #tpu.memory_space<vmem>>[vector<16xi32>, vector<16xi32>], vector<16xf32>,
        %parallel_loop3A_183 = arith.addi %mul3A_82, %parallel_loop3A_171 : vector<16xi32>
        tpu.vector_store_idx %arg7[%shift_right_arithmetic3A_41, %parallel_loop3A_183], %parallel_loop3A_182 : memref<64x128xf32, #tpu.memory_space<vmem>>[vector<16xi32>, vector<16xi32>], vector<16xf32>,
        %parallel_loop3A_184 = tpu.vector_load_idx %arg5[%parallel_loop3A_171, %add3A_21] : memref<64x128xf32, #tpu.memory_space<vmem>>[vector<16xi32>, vector<16xi32>], vector<16xf32>,
        %parallel_loop3A_185 = arith.addi %mul3A_88, %parallel_loop3A_171 : vector<16xi32>
        tpu.vector_store_idx %arg7[%shift_right_arithmetic3A_44, %parallel_loop3A_185], %parallel_loop3A_184 : memref<64x128xf32, #tpu.memory_space<vmem>>[vector<16xi32>, vector<16xi32>], vector<16xf32>,
        %parallel_loop3A_186 = tpu.vector_load_idx %arg5[%parallel_loop3A_171, %add3A_24] : memref<64x128xf32, #tpu.memory_space<vmem>>[vector<16xi32>, vector<16xi32>], vector<16xf32>,
        %parallel_loop3A_187 = arith.addi %mul3A_94, %parallel_loop3A_171 : vector<16xi32>
        tpu.vector_store_idx %arg7[%shift_right_arithmetic3A_47, %parallel_loop3A_187], %parallel_loop3A_186 : memref<64x128xf32, #tpu.memory_space<vmem>>[vector<16xi32>, vector<16xi32>], vector<16xf32>,
        %parallel_loop3A_188 = arith.constant 16 : i32
        %parallel_loop3A_189 = vector.broadcast %parallel_loop3A_188 : i32 to vector<16xi32>
        %parallel_loop3A_190 = arith.addi %parallel_loop3A_168, %parallel_loop3A_189 : vector<16xi32>
        %parallel_loop3A_191 = tpu.vector_load_idx %arg5[%parallel_loop3A_190, %add3A_3] : memref<64x128xf32, #tpu.memory_space<vmem>>[vector<16xi32>, vector<16xi32>], vector<16xf32>,
        %parallel_loop3A_192 = arith.addi %mul3A_52, %parallel_loop3A_190 : vector<16xi32>
        tpu.vector_store_idx %arg7[%shift_right_arithmetic3A_26, %parallel_loop3A_192], %parallel_loop3A_191 : memref<64x128xf32, #tpu.memory_space<vmem>>[vector<16xi32>, vector<16xi32>], vector<16xf32>,
        %parallel_loop3A_193 = tpu.vector_load_idx %arg5[%parallel_loop3A_190, %add3A_6] : memref<64x128xf32, #tpu.memory_space<vmem>>[vector<16xi32>, vector<16xi32>], vector<16xf32>,
        %parallel_loop3A_194 = arith.addi %mul3A_58, %parallel_loop3A_190 : vector<16xi32>
        tpu.vector_store_idx %arg7[%shift_right_arithmetic3A_29, %parallel_loop3A_194], %parallel_loop3A_193 : memref<64x128xf32, #tpu.memory_space<vmem>>[vector<16xi32>, vector<16xi32>], vector<16xf32>,
        %parallel_loop3A_195 = tpu.vector_load_idx %arg5[%parallel_loop3A_190, %add3A_9] : memref<64x128xf32, #tpu.memory_space<vmem>>[vector<16xi32>, vector<16xi32>], vector<16xf32>,
        %parallel_loop3A_196 = arith.addi %mul3A_64, %parallel_loop3A_190 : vector<16xi32>
        tpu.vector_store_idx %arg7[%shift_right_arithmetic3A_32, %parallel_loop3A_196], %parallel_loop3A_195 : memref<64x128xf32, #tpu.memory_space<vmem>>[vector<16xi32>, vector<16xi32>], vector<16xf32>,
        %parallel_loop3A_197 = tpu.vector_load_idx %arg5[%parallel_loop3A_190, %add3A_12] : memref<64x128xf32, #tpu.memory_space<vmem>>[vector<16xi32>, vector<16xi32>], vector<16xf32>,
        %parallel_loop3A_198 = arith.addi %mul3A_70, %parallel_loop3A_190 : vector<16xi32>
        tpu.vector_store_idx %arg7[%shift_right_arithmetic3A_35, %parallel_loop3A_198], %parallel_loop3A_197 : memref<64x128xf32, #tpu.memory_space<vmem>>[vector<16xi32>, vector<16xi32>], vector<16xf32>,
        %parallel_loop3A_199 = tpu.vector_load_idx %arg5[%parallel_loop3A_190, %add3A_15] : memref<64x128xf32, #tpu.memory_space<vmem>>[vector<16xi32>, vector<16xi32>], vector<16xf32>,
        %parallel_loop3A_200 = arith.addi %mul3A_76, %parallel_loop3A_190 : vector<16xi32>
        tpu.vector_store_idx %arg7[%shift_right_arithmetic3A_38, %parallel_loop3A_200], %parallel_loop3A_199 : memref<64x128xf32, #tpu.memory_space<vmem>>[vector<16xi32>, vector<16xi32>], vector<16xf32>,
        %parallel_loop3A_201 = tpu.vector_load_idx %arg5[%parallel_loop3A_190, %add3A_18] : memref<64x128xf32, #tpu.memory_space<vmem>>[vector<16xi32>, vector<16xi32>], vector<16xf32>,
        %parallel_loop3A_202 = arith.addi %mul3A_82, %parallel_loop3A_190 : vector<16xi32>
        tpu.vector_store_idx %arg7[%shift_right_arithmetic3A_41, %parallel_loop3A_202], %parallel_loop3A_201 : memref<64x128xf32, #tpu.memory_space<vmem>>[vector<16xi32>, vector<16xi32>], vector<16xf32>,
        %parallel_loop3A_203 = tpu.vector_load_idx %arg5[%parallel_loop3A_190, %add3A_21] : memref<64x128xf32, #tpu.memory_space<vmem>>[vector<16xi32>, vector<16xi32>], vector<16xf32>,
        %parallel_loop3A_204 = arith.addi %mul3A_88, %parallel_loop3A_190 : vector<16xi32>
        tpu.vector_store_idx %arg7[%shift_right_arithmetic3A_44, %parallel_loop3A_204], %parallel_loop3A_203 : memref<64x128xf32, #tpu.memory_space<vmem>>[vector<16xi32>, vector<16xi32>], vector<16xf32>,
        %parallel_loop3A_205 = tpu.vector_load_idx %arg5[%parallel_loop3A_190, %add3A_24] : memref<64x128xf32, #tpu.memory_space<vmem>>[vector<16xi32>, vector<16xi32>], vector<16xf32>,
        %parallel_loop3A_206 = arith.addi %mul3A_94, %parallel_loop3A_190 : vector<16xi32>
        tpu.vector_store_idx %arg7[%shift_right_arithmetic3A_47, %parallel_loop3A_206], %parallel_loop3A_205 : memref<64x128xf32, #tpu.memory_space<vmem>>[vector<16xi32>, vector<16xi32>], vector<16xf32>,
        %parallel_loop3A_207 = arith.constant 32 : i32
        %parallel_loop3A_208 = vector.broadcast %parallel_loop3A_207 : i32 to vector<16xi32>
        %parallel_loop3A_209 = arith.addi %parallel_loop3A_168, %parallel_loop3A_208 : vector<16xi32>
        %parallel_loop3A_210 = tpu.vector_load_idx %arg5[%parallel_loop3A_209, %add3A_3] : memref<64x128xf32, #tpu.memory_space<vmem>>[vector<16xi32>, vector<16xi32>], vector<16xf32>,
        %parallel_loop3A_211 = arith.addi %mul3A_52, %parallel_loop3A_209 : vector<16xi32>
        tpu.vector_store_idx %arg7[%shift_right_arithmetic3A_26, %parallel_loop3A_211], %parallel_loop3A_210 : memref<64x128xf32, #tpu.memory_space<vmem>>[vector<16xi32>, vector<16xi32>], vector<16xf32>,
        %parallel_loop3A_212 = tpu.vector_load_idx %arg5[%parallel_loop3A_209, %add3A_6] : memref<64x128xf32, #tpu.memory_space<vmem>>[vector<16xi32>, vector<16xi32>], vector<16xf32>,
        %parallel_loop3A_213 = arith.addi %mul3A_58, %parallel_loop3A_209 : vector<16xi32>
        tpu.vector_store_idx %arg7[%shift_right_arithmetic3A_29, %parallel_loop3A_213], %parallel_loop3A_212 : memref<64x128xf32, #tpu.memory_space<vmem>>[vector<16xi32>, vector<16xi32>], vector<16xf32>,
        %parallel_loop3A_214 = tpu.vector_load_idx %arg5[%parallel_loop3A_209, %add3A_9] : memref<64x128xf32, #tpu.memory_space<vmem>>[vector<16xi32>, vector<16xi32>], vector<16xf32>,
        %parallel_loop3A_215 = arith.addi %mul3A_64, %parallel_loop3A_209 : vector<16xi32>
        tpu.vector_store_idx %arg7[%shift_right_arithmetic3A_32, %parallel_loop3A_215], %parallel_loop3A_214 : memref<64x128xf32, #tpu.memory_space<vmem>>[vector<16xi32>, vector<16xi32>], vector<16xf32>,
        %parallel_loop3A_216 = tpu.vector_load_idx %arg5[%parallel_loop3A_209, %add3A_12] : memref<64x128xf32, #tpu.memory_space<vmem>>[vector<16xi32>, vector<16xi32>], vector<16xf32>,
        %parallel_loop3A_217 = arith.addi %mul3A_70, %parallel_loop3A_209 : vector<16xi32>
        tpu.vector_store_idx %arg7[%shift_right_arithmetic3A_35, %parallel_loop3A_217], %parallel_loop3A_216 : memref<64x128xf32, #tpu.memory_space<vmem>>[vector<16xi32>, vector<16xi32>], vector<16xf32>,
        %parallel_loop3A_218 = tpu.vector_load_idx %arg5[%parallel_loop3A_209, %add3A_15] : memref<64x128xf32, #tpu.memory_space<vmem>>[vector<16xi32>, vector<16xi32>], vector<16xf32>,
        %parallel_loop3A_219 = arith.addi %mul3A_76, %parallel_loop3A_209 : vector<16xi32>
        tpu.vector_store_idx %arg7[%shift_right_arithmetic3A_38, %parallel_loop3A_219], %parallel_loop3A_218 : memref<64x128xf32, #tpu.memory_space<vmem>>[vector<16xi32>, vector<16xi32>], vector<16xf32>,
        %parallel_loop3A_220 = tpu.vector_load_idx %arg5[%parallel_loop3A_209, %add3A_18] : memref<64x128xf32, #tpu.memory_space<vmem>>[vector<16xi32>, vector<16xi32>], vector<16xf32>,
        %parallel_loop3A_221 = arith.addi %mul3A_82, %parallel_loop3A_209 : vector<16xi32>
        tpu.vector_store_idx %arg7[%shift_right_arithmetic3A_41, %parallel_loop3A_221], %parallel_loop3A_220 : memref<64x128xf32, #tpu.memory_space<vmem>>[vector<16xi32>, vector<16xi32>], vector<16xf32>,
        %parallel_loop3A_222 = tpu.vector_load_idx %arg5[%parallel_loop3A_209, %add3A_21] : memref<64x128xf32, #tpu.memory_space<vmem>>[vector<16xi32>, vector<16xi32>], vector<16xf32>,
        %parallel_loop3A_223 = arith.addi %mul3A_88, %parallel_loop3A_209 : vector<16xi32>
        tpu.vector_store_idx %arg7[%shift_right_arithmetic3A_44, %parallel_loop3A_223], %parallel_loop3A_222 : memref<64x128xf32, #tpu.memory_space<vmem>>[vector<16xi32>, vector<16xi32>], vector<16xf32>,
        %parallel_loop3A_224 = tpu.vector_load_idx %arg5[%parallel_loop3A_209, %add3A_24] : memref<64x128xf32, #tpu.memory_space<vmem>>[vector<16xi32>, vector<16xi32>], vector<16xf32>,
        %parallel_loop3A_225 = arith.addi %mul3A_94, %parallel_loop3A_209 : vector<16xi32>
        tpu.vector_store_idx %arg7[%shift_right_arithmetic3A_47, %parallel_loop3A_225], %parallel_loop3A_224 : memref<64x128xf32, #tpu.memory_space<vmem>>[vector<16xi32>, vector<16xi32>], vector<16xf32>,
        %parallel_loop3A_226 = arith.constant 48 : i32
        %parallel_loop3A_227 = vector.broadcast %parallel_loop3A_226 : i32 to vector<16xi32>
        %parallel_loop3A_228 = arith.addi %parallel_loop3A_168, %parallel_loop3A_227 : vector<16xi32>
        %parallel_loop3A_229 = tpu.vector_load_idx %arg5[%parallel_loop3A_228, %add3A_3] : memref<64x128xf32, #tpu.memory_space<vmem>>[vector<16xi32>, vector<16xi32>], vector<16xf32>,
        %parallel_loop3A_230 = arith.addi %mul3A_52, %parallel_loop3A_228 : vector<16xi32>
        tpu.vector_store_idx %arg7[%shift_right_arithmetic3A_26, %parallel_loop3A_230], %parallel_loop3A_229 : memref<64x128xf32, #tpu.memory_space<vmem>>[vector<16xi32>, vector<16xi32>], vector<16xf32>,
        %parallel_loop3A_231 = tpu.vector_load_idx %arg5[%parallel_loop3A_228, %add3A_6] : memref<64x128xf32, #tpu.memory_space<vmem>>[vector<16xi32>, vector<16xi32>], vector<16xf32>,
        %parallel_loop3A_232 = arith.addi %mul3A_58, %parallel_loop3A_228 : vector<16xi32>
        tpu.vector_store_idx %arg7[%shift_right_arithmetic3A_29, %parallel_loop3A_232], %parallel_loop3A_231 : memref<64x128xf32, #tpu.memory_space<vmem>>[vector<16xi32>, vector<16xi32>], vector<16xf32>,
        %parallel_loop3A_233 = tpu.vector_load_idx %arg5[%parallel_loop3A_228, %add3A_9] : memref<64x128xf32, #tpu.memory_space<vmem>>[vector<16xi32>, vector<16xi32>], vector<16xf32>,
        %parallel_loop3A_234 = arith.addi %mul3A_64, %parallel_loop3A_228 : vector<16xi32>
        tpu.vector_store_idx %arg7[%shift_right_arithmetic3A_32, %parallel_loop3A_234], %parallel_loop3A_233 : memref<64x128xf32, #tpu.memory_space<vmem>>[vector<16xi32>, vector<16xi32>], vector<16xf32>,
        %parallel_loop3A_235 = tpu.vector_load_idx %arg5[%parallel_loop3A_228, %add3A_12] : memref<64x128xf32, #tpu.memory_space<vmem>>[vector<16xi32>, vector<16xi32>], vector<16xf32>,
        %parallel_loop3A_236 = arith.addi %mul3A_70, %parallel_loop3A_228 : vector<16xi32>
        tpu.vector_store_idx %arg7[%shift_right_arithmetic3A_35, %parallel_loop3A_236], %parallel_loop3A_235 : memref<64x128xf32, #tpu.memory_space<vmem>>[vector<16xi32>, vector<16xi32>], vector<16xf32>,
        %parallel_loop3A_237 = tpu.vector_load_idx %arg5[%parallel_loop3A_228, %add3A_15] : memref<64x128xf32, #tpu.memory_space<vmem>>[vector<16xi32>, vector<16xi32>], vector<16xf32>,
        %parallel_loop3A_238 = arith.addi %mul3A_76, %parallel_loop3A_228 : vector<16xi32>
        tpu.vector_store_idx %arg7[%shift_right_arithmetic3A_38, %parallel_loop3A_238], %parallel_loop3A_237 : memref<64x128xf32, #tpu.memory_space<vmem>>[vector<16xi32>, vector<16xi32>], vector<16xf32>,
        %parallel_loop3A_239 = tpu.vector_load_idx %arg5[%parallel_loop3A_228, %add3A_18] : memref<64x128xf32, #tpu.memory_space<vmem>>[vector<16xi32>, vector<16xi32>], vector<16xf32>,
        %parallel_loop3A_240 = arith.addi %mul3A_82, %parallel_loop3A_228 : vector<16xi32>
        tpu.vector_store_idx %arg7[%shift_right_arithmetic3A_41, %parallel_loop3A_240], %parallel_loop3A_239 : memref<64x128xf32, #tpu.memory_space<vmem>>[vector<16xi32>, vector<16xi32>], vector<16xf32>,
        %parallel_loop3A_241 = tpu.vector_load_idx %arg5[%parallel_loop3A_228, %add3A_21] : memref<64x128xf32, #tpu.memory_space<vmem>>[vector<16xi32>, vector<16xi32>], vector<16xf32>,
        %parallel_loop3A_242 = arith.addi %mul3A_88, %parallel_loop3A_228 : vector<16xi32>
        tpu.vector_store_idx %arg7[%shift_right_arithmetic3A_44, %parallel_loop3A_242], %parallel_loop3A_241 : memref<64x128xf32, #tpu.memory_space<vmem>>[vector<16xi32>, vector<16xi32>], vector<16xf32>,
        %parallel_loop3A_243 = tpu.vector_load_idx %arg5[%parallel_loop3A_228, %add3A_24] : memref<64x128xf32, #tpu.memory_space<vmem>>[vector<16xi32>, vector<16xi32>], vector<16xf32>,
        %parallel_loop3A_244 = arith.addi %mul3A_94, %parallel_loop3A_228 : vector<16xi32>
        tpu.vector_store_idx %arg7[%shift_right_arithmetic3A_47, %parallel_loop3A_244], %parallel_loop3A_243 : memref<64x128xf32, #tpu.memory_space<vmem>>[vector<16xi32>, vector<16xi32>], vector<16xf32>,
      } {sc.loop_unroll_factor = 4 : i64, sc.parallel_access}
      %mul3A_150 = arith.constant 64 : i32
      %mul3A_151 = arith.muli %add3A_134, %mul3A_150 : i32
      %multiple_of3A_152 = tpu.assume_multiple %mul3A_151, 64 : i32
      %dma_start3A_153 = arith.constant 0 : i32
      %dma_start3A_154 = tpu.memref_slice %arg4[%multiple_of3A_152, %dma_start3A_153] : memref<500000x128xf32, #tpu.memory_space<hbm>> -> memref<64x128xf32, #tpu.memory_space<hbm>>
      %dma_start3A_155 = arith.constant 0 : i32
      %dma_start3A_156 = tpu.memref_slice %arg4[%multiple_of3A_152, %dma_start3A_155] : memref<500000x128xf32, #tpu.memory_space<hbm>> -> memref<64x128xf32, #tpu.memory_space<hbm>>
      tpu.enqueue_dma source(%arg7 : memref<64x128xf32, #tpu.memory_space<vmem>>) target(%dma_start3A_156 : memref<64x128xf32, #tpu.memory_space<hbm>>) target_semaphore(%arg11 : memref<!tpu.dma_semaphore, #tpu.memory_space<semaphore_mem>>)
      %dma_wait3A_157 = arith.constant 0 : i32
      %dma_wait3A_158 = arith.constant 0 : i32
      %dma_wait3A_159 = tpu.memref_slice %arg4[%dma_wait3A_157, %dma_wait3A_158] : memref<500000x128xf32, #tpu.memory_space<hbm>> -> memref<64x128xf32, #tpu.memory_space<hbm>>
      %dma_wait3A_160 = arith.constant 0 : i32
      %dma_wait3A_161 = arith.constant 0 : i32
      %dma_wait3A_162 = tpu.memref_slice %arg4[%dma_wait3A_160, %dma_wait3A_161] : memref<500000x128xf32, #tpu.memory_space<hbm>> -> memref<64x128xf32, #tpu.memory_space<hbm>>
      tpu.wait_dma2 semaphore(%arg11 : memref<!tpu.dma_semaphore, #tpu.memory_space<semaphore_mem>>) src(%arg7 : memref<64x128xf32, #tpu.memory_space<vmem>>) dst(%dma_wait3A_162 : memref<64x128xf32, #tpu.memory_space<hbm>>)
    } else {
    }
    %eq3A = arith.constant 8 : i32
    %eq3A_129 = arith.cmpi eq, %add3A, %eq3A : i32
    %convert_element_type3A_130 = arith.extui %eq3A_129 : i1 to i32
    %cond3A_131 = arith.constant 0 : i32
    %cond3A_132 = arith.cmpi ne, %convert_element_type3A_130, %cond3A_131 : i32
    scf.if %cond3A_132 {
      tpu.enqueue_dma source(%arg3 : memref<64x128xf32, #tpu.memory_space<hbm>>) target(%arg6 : memref<64x128xf32, #tpu.memory_space<vmem>>) target_semaphore(%arg10 : memref<!tpu.dma_semaphore, #tpu.memory_space<semaphore_mem>>)
      tpu.wait_dma2 semaphore(%arg10 : memref<!tpu.dma_semaphore, #tpu.memory_space<semaphore_mem>>) src(%arg3 : memref<64x128xf32, #tpu.memory_space<hbm>>) dst(%arg6 : memref<64x128xf32, #tpu.memory_space<vmem>>)
      %parallel_loop3A = arith.constant 0 : i32
      %parallel_loop3A_133 = arith.constant 16 : i32
      %parallel_loop3A_134 = arith.constant 1 : i32
      scf.for %parallel_loop3A_147 = %parallel_loop3A to %parallel_loop3A_133 step %parallel_loop3A_134  : i32 {
        %parallel_loop3A_148 = vector.broadcast %parallel_loop3A_147 : i32 to vector<16xi32>
        %parallel_loop3A_149 = arith.addi %iota3A, %parallel_loop3A_148 : vector<16xi32>
        %parallel_loop3A_150 = arith.constant 15 : i32
        %parallel_loop3A_151 = vector.broadcast %parallel_loop3A_150 : i32 to vector<16xi32>
        %parallel_loop3A_152 = arith.andi %parallel_loop3A_149, %parallel_loop3A_151 : vector<16xi32>
        %parallel_loop3A_153 = arith.constant 0 : i32
        %parallel_loop3A_154 = vector.broadcast %parallel_loop3A_153 : i32 to vector<16xi32>
        %parallel_loop3A_155 = arith.addi %parallel_loop3A_152, %parallel_loop3A_154 : vector<16xi32>
        %parallel_loop3A_156 = tpu.vector_load_idx %arg6[%parallel_loop3A_155, %add3A_3] : memref<64x128xf32, #tpu.memory_space<vmem>>[vector<16xi32>, vector<16xi32>], vector<16xf32>,
        %parallel_loop3A_157 = arith.addi %mul3A_52, %parallel_loop3A_155 : vector<16xi32>
        tpu.vector_store_idx %arg8[%shift_right_arithmetic3A_26, %parallel_loop3A_157], %parallel_loop3A_156 : memref<64x128xf32, #tpu.memory_space<vmem>>[vector<16xi32>, vector<16xi32>], vector<16xf32>,
        %parallel_loop3A_158 = tpu.vector_load_idx %arg6[%parallel_loop3A_155, %add3A_6] : memref<64x128xf32, #tpu.memory_space<vmem>>[vector<16xi32>, vector<16xi32>], vector<16xf32>,
        %parallel_loop3A_159 = arith.addi %mul3A_58, %parallel_loop3A_155 : vector<16xi32>
        tpu.vector_store_idx %arg8[%shift_right_arithmetic3A_29, %parallel_loop3A_159], %parallel_loop3A_158 : memref<64x128xf32, #tpu.memory_space<vmem>>[vector<16xi32>, vector<16xi32>], vector<16xf32>,
        %parallel_loop3A_160 = tpu.vector_load_idx %arg6[%parallel_loop3A_155, %add3A_9] : memref<64x128xf32, #tpu.memory_space<vmem>>[vector<16xi32>, vector<16xi32>], vector<16xf32>,
        %parallel_loop3A_161 = arith.addi %mul3A_64, %parallel_loop3A_155 : vector<16xi32>
        tpu.vector_store_idx %arg8[%shift_right_arithmetic3A_32, %parallel_loop3A_161], %parallel_loop3A_160 : memref<64x128xf32, #tpu.memory_space<vmem>>[vector<16xi32>, vector<16xi32>], vector<16xf32>,
        %parallel_loop3A_162 = tpu.vector_load_idx %arg6[%parallel_loop3A_155, %add3A_12] : memref<64x128xf32, #tpu.memory_space<vmem>>[vector<16xi32>, vector<16xi32>], vector<16xf32>,
        %parallel_loop3A_163 = arith.addi %mul3A_70, %parallel_loop3A_155 : vector<16xi32>
        tpu.vector_store_idx %arg8[%shift_right_arithmetic3A_35, %parallel_loop3A_163], %parallel_loop3A_162 : memref<64x128xf32, #tpu.memory_space<vmem>>[vector<16xi32>, vector<16xi32>], vector<16xf32>,
        %parallel_loop3A_164 = tpu.vector_load_idx %arg6[%parallel_loop3A_155, %add3A_15] : memref<64x128xf32, #tpu.memory_space<vmem>>[vector<16xi32>, vector<16xi32>], vector<16xf32>,
        %parallel_loop3A_165 = arith.addi %mul3A_76, %parallel_loop3A_155 : vector<16xi32>
        tpu.vector_store_idx %arg8[%shift_right_arithmetic3A_38, %parallel_loop3A_165], %parallel_loop3A_164 : memref<64x128xf32, #tpu.memory_space<vmem>>[vector<16xi32>, vector<16xi32>], vector<16xf32>,
        %parallel_loop3A_166 = tpu.vector_load_idx %arg6[%parallel_loop3A_155, %add3A_18] : memref<64x128xf32, #tpu.memory_space<vmem>>[vector<16xi32>, vector<16xi32>], vector<16xf32>,
        %parallel_loop3A_167 = arith.addi %mul3A_82, %parallel_loop3A_155 : vector<16xi32>
        tpu.vector_store_idx %arg8[%shift_right_arithmetic3A_41, %parallel_loop3A_167], %parallel_loop3A_166 : memref<64x128xf32, #tpu.memory_space<vmem>>[vector<16xi32>, vector<16xi32>], vector<16xf32>,
        %parallel_loop3A_168 = tpu.vector_load_idx %arg6[%parallel_loop3A_155, %add3A_21] : memref<64x128xf32, #tpu.memory_space<vmem>>[vector<16xi32>, vector<16xi32>], vector<16xf32>,
        %parallel_loop3A_169 = arith.addi %mul3A_88, %parallel_loop3A_155 : vector<16xi32>
        tpu.vector_store_idx %arg8[%shift_right_arithmetic3A_44, %parallel_loop3A_169], %parallel_loop3A_168 : memref<64x128xf32, #tpu.memory_space<vmem>>[vector<16xi32>, vector<16xi32>], vector<16xf32>,
        %parallel_loop3A_170 = tpu.vector_load_idx %arg6[%parallel_loop3A_155, %add3A_24] : memref<64x128xf32, #tpu.memory_space<vmem>>[vector<16xi32>, vector<16xi32>], vector<16xf32>,
        %parallel_loop3A_171 = arith.addi %mul3A_94, %parallel_loop3A_155 : vector<16xi32>
        tpu.vector_store_idx %arg8[%shift_right_arithmetic3A_47, %parallel_loop3A_171], %parallel_loop3A_170 : memref<64x128xf32, #tpu.memory_space<vmem>>[vector<16xi32>, vector<16xi32>], vector<16xf32>,
        %parallel_loop3A_172 = arith.constant 16 : i32
        %parallel_loop3A_173 = vector.broadcast %parallel_loop3A_172 : i32 to vector<16xi32>
        %parallel_loop3A_174 = arith.addi %parallel_loop3A_152, %parallel_loop3A_173 : vector<16xi32>
        %parallel_loop3A_175 = tpu.vector_load_idx %arg6[%parallel_loop3A_174, %add3A_3] : memref<64x128xf32, #tpu.memory_space<vmem>>[vector<16xi32>, vector<16xi32>], vector<16xf32>,
        %parallel_loop3A_176 = arith.addi %mul3A_52, %parallel_loop3A_174 : vector<16xi32>
        tpu.vector_store_idx %arg8[%shift_right_arithmetic3A_26, %parallel_loop3A_176], %parallel_loop3A_175 : memref<64x128xf32, #tpu.memory_space<vmem>>[vector<16xi32>, vector<16xi32>], vector<16xf32>,
        %parallel_loop3A_177 = tpu.vector_load_idx %arg6[%parallel_loop3A_174, %add3A_6] : memref<64x128xf32, #tpu.memory_space<vmem>>[vector<16xi32>, vector<16xi32>], vector<16xf32>,
        %parallel_loop3A_178 = arith.addi %mul3A_58, %parallel_loop3A_174 : vector<16xi32>
        tpu.vector_store_idx %arg8[%shift_right_arithmetic3A_29, %parallel_loop3A_178], %parallel_loop3A_177 : memref<64x128xf32, #tpu.memory_space<vmem>>[vector<16xi32>, vector<16xi32>], vector<16xf32>,
        %parallel_loop3A_179 = tpu.vector_load_idx %arg6[%parallel_loop3A_174, %add3A_9] : memref<64x128xf32, #tpu.memory_space<vmem>>[vector<16xi32>, vector<16xi32>], vector<16xf32>,
        %parallel_loop3A_180 = arith.addi %mul3A_64, %parallel_loop3A_174 : vector<16xi32>
        tpu.vector_store_idx %arg8[%shift_right_arithmetic3A_32, %parallel_loop3A_180], %parallel_loop3A_179 : memref<64x128xf32, #tpu.memory_space<vmem>>[vector<16xi32>, vector<16xi32>], vector<16xf32>,
        %parallel_loop3A_181 = tpu.vector_load_idx %arg6[%parallel_loop3A_174, %add3A_12] : memref<64x128xf32, #tpu.memory_space<vmem>>[vector<16xi32>, vector<16xi32>], vector<16xf32>,
        %parallel_loop3A_182 = arith.addi %mul3A_70, %parallel_loop3A_174 : vector<16xi32>
        tpu.vector_store_idx %arg8[%shift_right_arithmetic3A_35, %parallel_loop3A_182], %parallel_loop3A_181 : memref<64x128xf32, #tpu.memory_space<vmem>>[vector<16xi32>, vector<16xi32>], vector<16xf32>,
        %parallel_loop3A_183 = tpu.vector_load_idx %arg6[%parallel_loop3A_174, %add3A_15] : memref<64x128xf32, #tpu.memory_space<vmem>>[vector<16xi32>, vector<16xi32>], vector<16xf32>,
        %parallel_loop3A_184 = arith.addi %mul3A_76, %parallel_loop3A_174 : vector<16xi32>
        tpu.vector_store_idx %arg8[%shift_right_arithmetic3A_38, %parallel_loop3A_184], %parallel_loop3A_183 : memref<64x128xf32, #tpu.memory_space<vmem>>[vector<16xi32>, vector<16xi32>], vector<16xf32>,
        %parallel_loop3A_185 = tpu.vector_load_idx %arg6[%parallel_loop3A_174, %add3A_18] : memref<64x128xf32, #tpu.memory_space<vmem>>[vector<16xi32>, vector<16xi32>], vector<16xf32>,
        %parallel_loop3A_186 = arith.addi %mul3A_82, %parallel_loop3A_174 : vector<16xi32>
        tpu.vector_store_idx %arg8[%shift_right_arithmetic3A_41, %parallel_loop3A_186], %parallel_loop3A_185 : memref<64x128xf32, #tpu.memory_space<vmem>>[vector<16xi32>, vector<16xi32>], vector<16xf32>,
        %parallel_loop3A_187 = tpu.vector_load_idx %arg6[%parallel_loop3A_174, %add3A_21] : memref<64x128xf32, #tpu.memory_space<vmem>>[vector<16xi32>, vector<16xi32>], vector<16xf32>,
        %parallel_loop3A_188 = arith.addi %mul3A_88, %parallel_loop3A_174 : vector<16xi32>
        tpu.vector_store_idx %arg8[%shift_right_arithmetic3A_44, %parallel_loop3A_188], %parallel_loop3A_187 : memref<64x128xf32, #tpu.memory_space<vmem>>[vector<16xi32>, vector<16xi32>], vector<16xf32>,
        %parallel_loop3A_189 = tpu.vector_load_idx %arg6[%parallel_loop3A_174, %add3A_24] : memref<64x128xf32, #tpu.memory_space<vmem>>[vector<16xi32>, vector<16xi32>], vector<16xf32>,
        %parallel_loop3A_190 = arith.addi %mul3A_94, %parallel_loop3A_174 : vector<16xi32>
        tpu.vector_store_idx %arg8[%shift_right_arithmetic3A_47, %parallel_loop3A_190], %parallel_loop3A_189 : memref<64x128xf32, #tpu.memory_space<vmem>>[vector<16xi32>, vector<16xi32>], vector<16xf32>,
        %parallel_loop3A_191 = arith.constant 32 : i32
        %parallel_loop3A_192 = vector.broadcast %parallel_loop3A_191 : i32 to vector<16xi32>
        %parallel_loop3A_193 = arith.addi %parallel_loop3A_152, %parallel_loop3A_192 : vector<16xi32>
        %parallel_loop3A_194 = tpu.vector_load_idx %arg6[%parallel_loop3A_193, %add3A_3] : memref<64x128xf32, #tpu.memory_space<vmem>>[vector<16xi32>, vector<16xi32>], vector<16xf32>,
        %parallel_loop3A_195 = arith.addi %mul3A_52, %parallel_loop3A_193 : vector<16xi32>
        tpu.vector_store_idx %arg8[%shift_right_arithmetic3A_26, %parallel_loop3A_195], %parallel_loop3A_194 : memref<64x128xf32, #tpu.memory_space<vmem>>[vector<16xi32>, vector<16xi32>], vector<16xf32>,
        %parallel_loop3A_196 = tpu.vector_load_idx %arg6[%parallel_loop3A_193, %add3A_6] : memref<64x128xf32, #tpu.memory_space<vmem>>[vector<16xi32>, vector<16xi32>], vector<16xf32>,
        %parallel_loop3A_197 = arith.addi %mul3A_58, %parallel_loop3A_193 : vector<16xi32>
        tpu.vector_store_idx %arg8[%shift_right_arithmetic3A_29, %parallel_loop3A_197], %parallel_loop3A_196 : memref<64x128xf32, #tpu.memory_space<vmem>>[vector<16xi32>, vector<16xi32>], vector<16xf32>,
        %parallel_loop3A_198 = tpu.vector_load_idx %arg6[%parallel_loop3A_193, %add3A_9] : memref<64x128xf32, #tpu.memory_space<vmem>>[vector<16xi32>, vector<16xi32>], vector<16xf32>,
        %parallel_loop3A_199 = arith.addi %mul3A_64, %parallel_loop3A_193 : vector<16xi32>
        tpu.vector_store_idx %arg8[%shift_right_arithmetic3A_32, %parallel_loop3A_199], %parallel_loop3A_198 : memref<64x128xf32, #tpu.memory_space<vmem>>[vector<16xi32>, vector<16xi32>], vector<16xf32>,
        %parallel_loop3A_200 = tpu.vector_load_idx %arg6[%parallel_loop3A_193, %add3A_12] : memref<64x128xf32, #tpu.memory_space<vmem>>[vector<16xi32>, vector<16xi32>], vector<16xf32>,
        %parallel_loop3A_201 = arith.addi %mul3A_70, %parallel_loop3A_193 : vector<16xi32>
        tpu.vector_store_idx %arg8[%shift_right_arithmetic3A_35, %parallel_loop3A_201], %parallel_loop3A_200 : memref<64x128xf32, #tpu.memory_space<vmem>>[vector<16xi32>, vector<16xi32>], vector<16xf32>,
        %parallel_loop3A_202 = tpu.vector_load_idx %arg6[%parallel_loop3A_193, %add3A_15] : memref<64x128xf32, #tpu.memory_space<vmem>>[vector<16xi32>, vector<16xi32>], vector<16xf32>,
        %parallel_loop3A_203 = arith.addi %mul3A_76, %parallel_loop3A_193 : vector<16xi32>
        tpu.vector_store_idx %arg8[%shift_right_arithmetic3A_38, %parallel_loop3A_203], %parallel_loop3A_202 : memref<64x128xf32, #tpu.memory_space<vmem>>[vector<16xi32>, vector<16xi32>], vector<16xf32>,
        %parallel_loop3A_204 = tpu.vector_load_idx %arg6[%parallel_loop3A_193, %add3A_18] : memref<64x128xf32, #tpu.memory_space<vmem>>[vector<16xi32>, vector<16xi32>], vector<16xf32>,
        %parallel_loop3A_205 = arith.addi %mul3A_82, %parallel_loop3A_193 : vector<16xi32>
        tpu.vector_store_idx %arg8[%shift_right_arithmetic3A_41, %parallel_loop3A_205], %parallel_loop3A_204 : memref<64x128xf32, #tpu.memory_space<vmem>>[vector<16xi32>, vector<16xi32>], vector<16xf32>,
        %parallel_loop3A_206 = tpu.vector_load_idx %arg6[%parallel_loop3A_193, %add3A_21] : memref<64x128xf32, #tpu.memory_space<vmem>>[vector<16xi32>, vector<16xi32>], vector<16xf32>,
        %parallel_loop3A_207 = arith.addi %mul3A_88, %parallel_loop3A_193 : vector<16xi32>
        tpu.vector_store_idx %arg8[%shift_right_arithmetic3A_44, %parallel_loop3A_207], %parallel_loop3A_206 : memref<64x128xf32, #tpu.memory_space<vmem>>[vector<16xi32>, vector<16xi32>], vector<16xf32>,
        %parallel_loop3A_208 = tpu.vector_load_idx %arg6[%parallel_loop3A_193, %add3A_24] : memref<64x128xf32, #tpu.memory_space<vmem>>[vector<16xi32>, vector<16xi32>], vector<16xf32>,
        %parallel_loop3A_209 = arith.addi %mul3A_94, %parallel_loop3A_193 : vector<16xi32>
        tpu.vector_store_idx %arg8[%shift_right_arithmetic3A_47, %parallel_loop3A_209], %parallel_loop3A_208 : memref<64x128xf32, #tpu.memory_space<vmem>>[vector<16xi32>, vector<16xi32>], vector<16xf32>,
        %parallel_loop3A_210 = arith.constant 48 : i32
        %parallel_loop3A_211 = vector.broadcast %parallel_loop3A_210 : i32 to vector<16xi32>
        %parallel_loop3A_212 = arith.addi %parallel_loop3A_152, %parallel_loop3A_211 : vector<16xi32>
        %parallel_loop3A_213 = tpu.vector_load_idx %arg6[%parallel_loop3A_212, %add3A_3] : memref<64x128xf32, #tpu.memory_space<vmem>>[vector<16xi32>, vector<16xi32>], vector<16xf32>,
        %parallel_loop3A_214 = arith.addi %mul3A_52, %parallel_loop3A_212 : vector<16xi32>
        tpu.vector_store_idx %arg8[%shift_right_arithmetic3A_26, %parallel_loop3A_214], %parallel_loop3A_213 : memref<64x128xf32, #tpu.memory_space<vmem>>[vector<16xi32>, vector<16xi32>], vector<16xf32>,
        %parallel_loop3A_215 = tpu.vector_load_idx %arg6[%parallel_loop3A_212, %add3A_6] : memref<64x128xf32, #tpu.memory_space<vmem>>[vector<16xi32>, vector<16xi32>], vector<16xf32>,
        %parallel_loop3A_216 = arith.addi %mul3A_58, %parallel_loop3A_212 : vector<16xi32>
        tpu.vector_store_idx %arg8[%shift_right_arithmetic3A_29, %parallel_loop3A_216], %parallel_loop3A_215 : memref<64x128xf32, #tpu.memory_space<vmem>>[vector<16xi32>, vector<16xi32>], vector<16xf32>,
        %parallel_loop3A_217 = tpu.vector_load_idx %arg6[%parallel_loop3A_212, %add3A_9] : memref<64x128xf32, #tpu.memory_space<vmem>>[vector<16xi32>, vector<16xi32>], vector<16xf32>,
        %parallel_loop3A_218 = arith.addi %mul3A_64, %parallel_loop3A_212 : vector<16xi32>
        tpu.vector_store_idx %arg8[%shift_right_arithmetic3A_32, %parallel_loop3A_218], %parallel_loop3A_217 : memref<64x128xf32, #tpu.memory_space<vmem>>[vector<16xi32>, vector<16xi32>], vector<16xf32>,
        %parallel_loop3A_219 = tpu.vector_load_idx %arg6[%parallel_loop3A_212, %add3A_12] : memref<64x128xf32, #tpu.memory_space<vmem>>[vector<16xi32>, vector<16xi32>], vector<16xf32>,
        %parallel_loop3A_220 = arith.addi %mul3A_70, %parallel_loop3A_212 : vector<16xi32>
        tpu.vector_store_idx %arg8[%shift_right_arithmetic3A_35, %parallel_loop3A_220], %parallel_loop3A_219 : memref<64x128xf32, #tpu.memory_space<vmem>>[vector<16xi32>, vector<16xi32>], vector<16xf32>,
        %parallel_loop3A_221 = tpu.vector_load_idx %arg6[%parallel_loop3A_212, %add3A_15] : memref<64x128xf32, #tpu.memory_space<vmem>>[vector<16xi32>, vector<16xi32>], vector<16xf32>,
        %parallel_loop3A_222 = arith.addi %mul3A_76, %parallel_loop3A_212 : vector<16xi32>
        tpu.vector_store_idx %arg8[%shift_right_arithmetic3A_38, %parallel_loop3A_222], %parallel_loop3A_221 : memref<64x128xf32, #tpu.memory_space<vmem>>[vector<16xi32>, vector<16xi32>], vector<16xf32>,
        %parallel_loop3A_223 = tpu.vector_load_idx %arg6[%parallel_loop3A_212, %add3A_18] : memref<64x128xf32, #tpu.memory_space<vmem>>[vector<16xi32>, vector<16xi32>], vector<16xf32>,
        %parallel_loop3A_224 = arith.addi %mul3A_82, %parallel_loop3A_212 : vector<16xi32>
        tpu.vector_store_idx %arg8[%shift_right_arithmetic3A_41, %parallel_loop3A_224], %parallel_loop3A_223 : memref<64x128xf32, #tpu.memory_space<vmem>>[vector<16xi32>, vector<16xi32>], vector<16xf32>,
        %parallel_loop3A_225 = tpu.vector_load_idx %arg6[%parallel_loop3A_212, %add3A_21] : memref<64x128xf32, #tpu.memory_space<vmem>>[vector<16xi32>, vector<16xi32>], vector<16xf32>,
        %parallel_loop3A_226 = arith.addi %mul3A_88, %parallel_loop3A_212 : vector<16xi32>
        tpu.vector_store_idx %arg8[%shift_right_arithmetic3A_44, %parallel_loop3A_226], %parallel_loop3A_225 : memref<64x128xf32, #tpu.memory_space<vmem>>[vector<16xi32>, vector<16xi32>], vector<16xf32>,
        %parallel_loop3A_227 = tpu.vector_load_idx %arg6[%parallel_loop3A_212, %add3A_24] : memref<64x128xf32, #tpu.memory_space<vmem>>[vector<16xi32>, vector<16xi32>], vector<16xf32>,
        %parallel_loop3A_228 = arith.addi %mul3A_94, %parallel_loop3A_212 : vector<16xi32>
        tpu.vector_store_idx %arg8[%shift_right_arithmetic3A_47, %parallel_loop3A_228], %parallel_loop3A_227 : memref<64x128xf32, #tpu.memory_space<vmem>>[vector<16xi32>, vector<16xi32>], vector<16xf32>,
      } {sc.loop_unroll_factor = 4 : i64, sc.parallel_access}
      %dma_start3A_135 = arith.constant 499936 : i32
      %dma_start3A_136 = arith.constant 0 : i32
      %dma_start3A_137 = tpu.memref_slice %arg4[%dma_start3A_135, %dma_start3A_136] : memref<500000x128xf32, #tpu.memory_space<hbm>> -> memref<64x128xf32, #tpu.memory_space<hbm>>
      %dma_start3A_138 = arith.constant 499936 : i32
      %dma_start3A_139 = arith.constant 0 : i32
      %dma_start3A_140 = tpu.memref_slice %arg4[%dma_start3A_138, %dma_start3A_139] : memref<500000x128xf32, #tpu.memory_space<hbm>> -> memref<64x128xf32, #tpu.memory_space<hbm>>
      tpu.enqueue_dma source(%arg8 : memref<64x128xf32, #tpu.memory_space<vmem>>) target(%dma_start3A_140 : memref<64x128xf32, #tpu.memory_space<hbm>>) target_semaphore(%arg12 : memref<!tpu.dma_semaphore, #tpu.memory_space<semaphore_mem>>)
      %dma_wait3A_141 = arith.constant 0 : i32
      %dma_wait3A_142 = arith.constant 0 : i32
      %dma_wait3A_143 = tpu.memref_slice %arg4[%dma_wait3A_141, %dma_wait3A_142] : memref<500000x128xf32, #tpu.memory_space<hbm>> -> memref<64x128xf32, #tpu.memory_space<hbm>>
      %dma_wait3A_144 = arith.constant 0 : i32
      %dma_wait3A_145 = arith.constant 0 : i32
      %dma_wait3A_146 = tpu.memref_slice %arg4[%dma_wait3A_144, %dma_wait3A_145] : memref<500000x128xf32, #tpu.memory_space<hbm>> -> memref<64x128xf32, #tpu.memory_space<hbm>>
      tpu.wait_dma2 semaphore(%arg12 : memref<!tpu.dma_semaphore, #tpu.memory_space<semaphore_mem>>) src(%arg8 : memref<64x128xf32, #tpu.memory_space<vmem>>) dst(%dma_wait3A_146 : memref<64x128xf32, #tpu.memory_space<hbm>>)
    } else {
    }
    return
  }
}

</mosaic_0001>

<sc_bundles>
// kernel: _prep.3.cloned.1.call-start
scs
__scs_entry_jumppad:
0x0: {  	(pc) =	sbr.rel $0x88, $3  }
0x1: {  	(tag) =	ssettag $0x0;
	lr =	simm.s32 $0x1  }
0x2: {  	[smem:$0x3F9F] =	sst lr;
	_ =	strace $0xD0000000  }
0x3: {  	_ = 	snop  }
0x4: {  	_ = 	snop  }
0x5: {  	_ = 	snop  }
0x6: {  	_ = 	snop  }
0x7: {  	_ = 	snop  }
__scs_overlays_trampoline_lowered:
0x8: {  	[smem:$0x3FAE] =	sst s0  }
0x9: {  	[smem:$0x3FAF] =	sst s1  }
0xa: {  	[smem:$0x3FB0] =	sst s2  }
0xb: {  	[smem:$0x3FB1] =	sst s3  }
0xc: {  	[smem:$0x3FB2] =	sst s4  }
0xd: {  	[smem:$0x3FB3] =	sst s5  }
0xe: {  	[smem:$0x3FB4] =	sst s6  }
0xf: {  	[smem:$0x3FB5] =	sst s7  }
0x10: {  	[smem:$0x3FB6] =	sst s8  }
0x11: {  	[smem:$0x3FB7] =	sst s9;
	s0 =	simm.s32 @!p0 $0x0  }
0x12: {  	s1 =	sld [smem:$0x3F9D];
	s0 =	simm.s32 @p0 $0x1  }
0x13: {  	[smem:$0x3FB8] =	sst s0;
	s0 =	simm.s32 @!p1 $0x0  }
0x14: {  	s2 =	sld [smem:$0x3F9C];
	s0 =	simm.s32 @p1 $0x1  }
0x15: {  	[smem:$0x3FB9] =	sst s0;
	s0 =	simm.s32 @!p2 $0x0  }
0x16: {  	s3 =	sld [smem:$0x3FDB];
	s0 =	simm.s32 @p2 $0x1  }
0x17: {  	s4 =	simm.s32 $0x1BF5;
	[smem:$0x3FBB] =	sst s0  }
0x18: {  	s0 =	sld [smem:$0x3F9E];
	_ =	swait.ge [sflag:s4], $0x0  }
0x19: {  	s7 =	sld [smem:$0x3F9F]  }
0x1a: {  	s8 =	sadd.s32 $0xFFFFE003, lr  }
0x1b: {  	s9 =	sadd.s32 $0xFFFFFEF7, lr;
	s5 =	simm.s32 $0xFFFFFFFF;
	p2 =	slt.u32 s8, $0xFFFFF086  }
0x1c: {  	p1 =	slt.u32 s9, $0xF7A;
	s5 =	simm.s32 @!p2 $0x0  }
0x1d: {  	s5 =	simm.s32 @p1 $0x1;
	p0 =	seq.s32 s7, s2  }
0x1e: {  	s7 =	smul.u32 @!p0 $0xF7A, s2;
	p2 =	seq.s32 @!p0 s5, $0x0  }
0x1f: {  	s9 =	smul.u32 $0xF7A, s1;
	s8 =	simm.s32 @!p0 $0x1BF5;
	p2 =	por !p2, p0  }
0x20: {  	[sflag:s8] =	ssyncset.s32 @!p0 $0xFFFFF086;
	s6 =	sadd.s32 @!p0 s3, s7;
	s7 =	simm.s32 @!p0 $0x108  }
0x21: {  	s3 =	sadd.s32 s3, s9;
	s6 =	sadd.s32 @!p0 $0x88, s6;
	s7 =	simm.s32 @p2 $0x1082  }
0x22: {  	[simem:s7], [sflag:s8] =	dma.local @!p0 [hbm:s6], $0xF7A  }
0x23: {  	s9 =	sor.u32 $0xD0000000, s2;
	s6 =	simm.s32 $0x108;
	_ =	swait.ge @!p0 [sflag:s8], $0x0  }
0x24: {  	s3 =	sadd.s32 $0x88, s3;
	s6 =	simm.s32 @!p1 $0x1082;
	[sflag:s4] =	ssyncset.s32 $0xFFFFF086  }
0x25: {  	[simem:s6], [sflag:s4] =	dma.local [hbm:s3], $0xF7A  }
0x26: {  	[smem:$0x3F9F] =	sst s1;
	(tag) =	ssettag s2;
	_ =	strace s9  }
0x27: {  	s1 =	sld [smem:$0x3FAF]  }
0x28: {  	s2 =	sld [smem:$0x3FB0]  }
0x29: {  	s4 =	sld [smem:$0x3FB2]  }
0x2a: {  	p0 =	seq.s32 s5, $0x0;
	s5 =	sld [smem:$0x3FB3]  }
0x2b: {  	s6 =	sld [smem:$0x3FB4]  }
0x2c: {  	s7 =	sld [smem:$0x3FB5]  }
0x2d: {  	s3 =	simm.s32 $0x108;
	s8 =	sld [smem:$0x3FB6]  }
0x2e: {  	s3 =	simm.s32 @!p0 $0x1082;
	s9 =	sld [smem:$0x3FB7]  }
0x2f: {  	lr =	sadd.s32 s0, s3;
	s0 =	sld [smem:$0x3FAE]  }
0x30: {  	s3 =	sld [smem:$0x3FB1]  }
0x31: {  	[smem:$0x3FBA] =	sst s10  }
0x32: {  	s10 =	sld [smem:$0x3FB8];
	_ =	sdelay $0x3  }
0x33: {  	p0 =	seq.s32 s10, $0x1;
	s10 =	sld [smem:$0x3FBA];
	_ =	sdelay $0x3  }
0x34: {  	[smem:$0x3FBA] =	sst s10  }
0x35: {  	s10 =	sld [smem:$0x3FB9];
	_ =	sdelay $0x3  }
0x36: {  	p1 =	seq.s32 s10, $0x1;
	s10 =	sld [smem:$0x3FBA];
	_ =	sdelay $0x3  }
0x37: {  	[smem:$0x3FBA] =	sst s10  }
0x38: {  	s10 =	sld [smem:$0x3FBB]  }
0x39: {  	_ = 	snop;
	(pc) =	sbr.ind lr, $3  }
0x3a: {  	_ = 	snop  }
0x3b: {  	_ = 	snop  }
0x3c: {  	p2 =	seq.s32 s10, $0x1;
	s10 =	sld [smem:$0x3FBA]  }
0x3d: {  	_ =	shalt  }
0x3e: {  	_ =	shalt  }
0x3f: {  	_ =	shalt  }
0x40: {  	_ =	shalt  }
0x41: {  	_ =	shalt  }
0x42: {  	_ =	shalt  }
0x43: {  	_ =	shalt  }
0x44: {  	_ =	shalt  }
0x45: {  	_ =	shalt  }
0x46: {  	_ =	shalt  }
0x47: {  	_ =	shalt  }
0x48: {  	_ =	shalt  }
0x49: {  	_ =	shalt  }
0x4a: {  	_ =	shalt  }
0x4b: {  	_ =	shalt  }
0x4c: {  	_ =	shalt  }
0x4d: {  	_ =	shalt  }
0x4e: {  	_ =	shalt  }
0x4f: {  	_ =	shalt  }
0x50: {  	_ =	shalt  }
0x51: {  	_ =	shalt  }
0x52: {  	_ =	shalt  }
0x53: {  	_ =	shalt  }
0x54: {  	_ =	shalt  }
0x55: {  	_ =	shalt  }
0x56: {  	_ =	shalt  }
0x57: {  	_ =	shalt  }
0x58: {  	_ =	shalt  }
0x59: {  	_ =	shalt  }
0x5a: {  	_ =	shalt  }
0x5b: {  	_ =	shalt  }
0x5c: {  	_ =	shalt  }
0x5d: {  	_ =	shalt  }
0x5e: {  	_ =	shalt  }
0x5f: {  	_ =	shalt  }
0x60: {  	_ =	shalt  }
0x61: {  	_ =	shalt  }
0x62: {  	_ =	shalt  }
0x63: {  	_ =	shalt  }
0x64: {  	_ =	shalt  }
0x65: {  	_ =	shalt  }
0x66: {  	_ =	shalt  }
0x67: {  	_ =	shalt  }
0x68: {  	_ =	shalt  }
0x69: {  	_ =	shalt  }
0x6a: {  	_ =	shalt  }
0x6b: {  	_ =	shalt  }
0x6c: {  	_ =	shalt  }
0x6d: {  	_ =	shalt  }
0x6e: {  	_ =	shalt  }
0x6f: {  	_ =	shalt  }
0x70: {  	_ =	shalt  }
0x71: {  	_ =	shalt  }
0x72: {  	_ =	shalt  }
0x73: {  	_ =	shalt  }
0x74: {  	_ =	shalt  }
0x75: {  	_ =	shalt  }
0x76: {  	_ =	shalt  }
0x77: {  	_ =	shalt  }
0x78: {  	_ =	shalt  }
0x79: {  	_ =	shalt  }
0x7a: {  	_ =	shalt  }
0x7b: {  	_ =	shalt  }
0x7c: {  	_ =	shalt  }
0x7d: {  	_ =	shalt  }
0x7e: {  	_ =	shalt  }
0x7f: {  	_ =	shalt  }
0x80: {  	_ =	shalt  }
0x81: {  	_ =	shalt  }
0x82: {  	_ =	shalt  }
0x83: {  	_ =	shalt  }
0x84: {  	_ =	shalt  }
0x85: {  	_ =	shalt  }
0x86: {  	_ =	shalt  }
0x87: {  	_ =	shalt  }
.Lfunc_end0:
.L_simem_size_0:
called_computation_lowered:
.L_overlay_start_0:
0x88: {  	s2 =	sld [smem:$0x3FD9]  }
0x89: {  	s3 =	sld [smem:$0x3FFE];
	_ =	sdelay $0x1  }
0x8a: {  	s1 =	srdreg.scid  }
0x8b: {  	s0 =	sand.u32 $0x1, s1  }
0x8c: {  	s18 =	sshll.u32 s0, $0xA;
	s2 =	sadd.s32 s3, s2  }
0x8d: {  	s2 =	sadd.s32 s2, s18  }
0x8e: {  	[smem:$0x3FC6] =	sst s2  }
0x8f: {  	_ = 	snop  }
0x90: {  	s2 =	sld [smem:$0x3FC9]  }
0x91: {  	s19 =	sld [smem:$0x3FC8]  }
0x92: {  	s4 =	sld [smem:$0x3FD0];
	(tm) =	ssettm $0x1  }
0x93: {  	s5 =	sld [smem:$0x3FFB];
	_ =	sdelay $0x3  }
0x94: {  	_ =	strace s5  }
0x95: {  	s5 =	sld [smem:$0x3FFC];
	_ =	sdelay $0x3  }
0x96: {  	_ =	strace s5  }
0x97: {  	s5 =	sld [smem:$0x3FFD];
	_ =	sdelay $0x3  }
0x98: {  	_ =	strace s5  }
0x99: {  	_ =	strace $0x8FFFFFFF  }
0x9a: {  	s20 =	sld [smem:$0x3FDB];
	_ =	sdelay $0x1  }
0x9b: {  	s6 =	simm.s32 $_scs_section_size  }
0x9c: {  	s7 =	simm.s32 $_size__tile_overlayer_lowered;
	s8 =	simm.s32 $_tile_overlayer_lowered  }
0x9d: {  	s23 =	simm.s32 $0x1BFF;
	s22 =	sshll.u32 s8, $0x1;
	s5 =	sadd.s32 s6, s20  }
0x9e: {  	s9 =	simm.s32 $0x0;
	s21 =	sshll.u32 s7, $0x1;
	s7 =	sadd.s32 s22, s5  }
0x9f: {  	[timem:s9], [sflag:s23] =	dma.local [hbm:s7], s21  }
0xa0: {  	_ =	swait.ge [sflag:s23], s21  }
0xa1: {  	s6 =	ssub.s32 $0x0, s21;
	[sflag:s23] =	ssyncset.done $0x0  }
0xa2: {  	[sflag:s23] =	ssyncadd.s32 s6;
	_ =	sdelay $0x1  }
0xa3: {  	s24 =	simm.s32 $0x1B8B  }
0xa4: {  	_ =	swait.ge [sflag:s24], $0x1  }
0xa5: {  	[sflag:s24] =	ssyncset.done $0x0  }
0xa6: {  	s25 =	simm.s32 $0x1B8E;
	[sflag:s24] =	ssyncadd.s32 $0xFFFFFFFF  }
0xa7: {  	s26 =	simm.s32 $execute0_lowered;
	[smem:$0x3FD2] =	sst s25  }
0xa8: {  	s6 =	sshll.u32 s26, $0x1;
	_ =	strace $0x80000046;
	[dreg:$0x1] =	wrdreg $0xFFFFFFFF  }
0xa9: {  	s28 =	simm.s32 $_size_execute0_lowered;
	s5 =	sadd.s32 s5, s6;
	[dreg:$0x0] =	wrdreg $0x0  }
0xaa: {  	s6 =	sshll.u32 s28, $0x1;
	[dreg:$0x2] =	wrdreg s5  }
0xab: {  	[dreg:$0x3] =	wrdreg s6  }
0xac: {  	[dreg:$0x4] =	wrdreg $0xC0  }
0xad: {  	_ =	task [dreg:s9], $0x5FFFF  }
0xae: {  	[dreg:$0x1] =	wrdreg $0xFFFFFFFF  }
0xaf: {  	[dreg:$0x0] =	wrdreg $0x60  }
0xb0: {  	[dreg:$0x2] =	wrdreg s2  }
0xb1: {  	[dreg:$0x3] =	wrdreg s19  }
0xb2: {  	[dreg:$0x4] =	wrdreg s4  }
0xb3: {  	[dreg:$0x5] =	wrdreg $0x9  }
0xb4: {  	_ =	task.clear_ibuf [dreg:s9], $0x6FFFF;
	_ =	strace $0x90000046  }
0xb5: {  	s29 =	simm.s32 $0x9;
	_ =	strace $0x80000048  }
0xb6: {  	_ =	swait.ge [sflag:s29], $0x1  }
0xb7: {  	[sflag:s29] =	ssyncadd.s32 $0xFFFFFFFF  }
0xb8: {  	_ =	strace $0x90000048  }
0xb9: {  	_ =	sfence  }
0xba: {  	s30 =	sld [smem:$0x0];
	_ =	sdelay $0x2  }
0xbb: {  	s31 =	sshll.u32 s1, $0xD;
	s1 =	sshrl.u32 s1, $0x2  }
0xbc: {  	s3 =	sand.u32 $0x4000, s31;
	s1 =	sadd.s32 s1, s30  }
0xbd: {  	s0 =	sor.u32 s3, s0;
	s1 =	sshll.u32 s1, $0x11  }
0xbe: {  	s0 =	sor.u32 s1, s0  }
0xbf: {  	s0 =	sadd.s32 $0x8F2B, s0  }
0xc0: {  	[sflag:s0] =	ssyncadd.remote.s32 $0x1  }
0xc1: {  	_ =	sfence.sel $0xFFFF  }
0xc2: {  	[dreg:$0x0] =	wrdreg $0xFFFFFFFF;
	(pc) =	sbr.abs _section_cstart, $3  }
0xc3: {  	[dreg:$0x1] =	wrdreg $0xFFFFFFFF  }
0xc4: {  	_ =	task.clear_ibuf [dreg:s9], $0x2FFFF;
	_ =	strace $0x9FFFFFFF  }
0xc5: {  	(tm) =	ssettm $0x7FFFFFFF  }
tec
execute0_lowered:
.L_overlay_start_1:
0x0: {  	(tag) =	ssettag $0x1  }
0x1: {  	v37 =	vlaneseq.u32  }
0x2: {  	v29 =	vmul.u32 $0x40, v37  }
0x3: {  	s9 =	rddreg [dreg:$0x0];
	s4 =	srdreg.scid  }
0x4: {  	s0 =	rddreg [dreg:$0x1];
	s5 =	sand.u32 $0x1, s4;
	s4 =	simm.s32 $0x0;
	v0 =	vor.u32 $0x1C10, v29  }
0x5: {  	[smem:$0x7FF] =	sst s4;
	v6 =	vor.u32 $0x820, v29;
	[tilespmem:$0x1FC10] =	vst v0  }
0x6: {  	s1 =	rddreg [dreg:$0x2];
	v7 =	vor.u32 $0x1030, v37;
	_ =	strace $0x80000047;
	[tilespmem:$0x1FC20] =	vst v6  }
0x7: {  	v40 =	vor.u32 $0x1050, v37;
	[tilespmem:$0x1FC30] =	vst v7  }
0x8: {  	v42 =	vor.u32 $0x1420, v29;
	[tilespmem:$0x1FC40] =	vst v40  }
0x9: {  	v44 =	vor.u32 $0x1060, v37;
	[tilespmem:$0x1FC50] =	vst v42  }
0xa: {  	v47 =	vor.u32 $0x1820, v29;
	[tilespmem:$0x1FC60] =	vst v44  }
0xb: {  	v48 =	vor.u32 $0x1C20, v29;
	[tilespmem:$0x1FC70] =	vst v47  }
0xc: {  	v49 =	vor.u32 $0x1800, v37;
	[tilespmem:$0x1FC80] =	vst v48  }
0xd: {  	[tilespmem:$0x1FC90] =	vst v49  }
0xe: {  	v34 =	vor.u32 $0x10, v37;
	[tilespmem:$0x1FCA0] =	vst v29  }
0xf: {  	v46 =	vor.u32 $0x400, v29;
	[tilespmem:$0x1FCB0] =	vst v34  }
0x10: {  	v10 =	vor.u32 $0x20, v37;
	[tilespmem:$0x1FCC0] =	vst v46  }
0x11: {  	v19 =	vor.u32 $0x800, v29;
	[tilespmem:$0x1FCD0] =	vst v10  }
0x12: {  	v50 =	vor.u32 $0x30, v37;
	[tilespmem:$0x1FCE0] =	vst v19  }
0x13: {  	v51 =	vor.u32 $0xC00, v29;
	[tilespmem:$0x1FCF0] =	vst v50  }
0x14: {  	v61 =	vor.u32 $0x40, v37;
	[tilespmem:$0x1FD00] =	vst v51  }
0x15: {  	v53 =	vor.u32 $0x1000, v29;
	[tilespmem:$0x1FD10] =	vst v61  }
0x16: {  	v54 =	vor.u32 $0x50, v37;
	[tilespmem:$0x1FD20] =	vst v53  }
0x17: {  	v62 =	vor.u32 $0x1400, v29;
	[tilespmem:$0x1FD30] =	vst v54  }
0x18: {  	v63 =	vor.u32 $0x60, v37;
	[tilespmem:$0x1FD40] =	vst v62  }
0x19: {  	v31 =	vor.u32 $0x1800, v29;
	[tilespmem:$0x1FD50] =	vst v63  }
0x1a: {  	v43 =	vor.u32 $0x70, v37;
	[tilespmem:$0x1FD60] =	vst v31  }
0x1b: {  	v27 =	vor.u32 $0x1C00, v29;
	[tilespmem:$0x1FD70] =	vst v43  }
0x1c: {  	v22 =	vor.u32 $0x800, v37;
	[tilespmem:$0x1FD80] =	vst v27  }
0x1d: {  	v23 =	vor.u32 $0x10, v29;
	[tilespmem:$0x1FD90] =	vst v22  }
0x1e: {  	v26 =	vor.u32 $0x810, v37;
	[tilespmem:$0x1FDA0] =	vst v23  }
0x1f: {  	v24 =	vor.u32 $0x410, v29;
	[tilespmem:$0x1FDB0] =	vst v26  }
0x20: {  	v21 =	vor.u32 $0x820, v37;
	[tilespmem:$0x1FDC0] =	vst v24  }
0x21: {  	v20 =	vor.u32 $0x810, v29;
	[tilespmem:$0x1FDD0] =	vst v21  }
0x22: {  	v39 =	vor.u32 $0x830, v37;
	[tilespmem:$0x1FDE0] =	vst v20  }
0x23: {  	v55 =	vor.u32 $0xC10, v29;
	[tilespmem:$0x1FDF0] =	vst v39  }
0x24: {  	v38 =	vor.u32 $0x840, v37;
	[tilespmem:$0x1FE00] =	vst v55  }
0x25: {  	v41 =	vor.u32 $0x1010, v29;
	[tilespmem:$0x1FE10] =	vst v38  }
0x26: {  	v32 =	vor.u32 $0x850, v37;
	[tilespmem:$0x1FE20] =	vst v41  }
0x27: {  	v36 =	vor.u32 $0x1410, v29;
	[tilespmem:$0x1FE30] =	vst v32  }
0x28: {  	v30 =	vor.u32 $0x860, v37;
	[tilespmem:$0x1FE40] =	vst v36  }
0x29: {  	v33 =	vor.u32 $0x1810, v29;
	[tilespmem:$0x1FE50] =	vst v30  }
0x2a: {  	v35 =	vor.u32 $0x870, v37;
	[tilespmem:$0x1FE60] =	vst v33  }
0x2b: {  	v13 =	vor.u32 $0x1000, v37;
	[tilespmem:$0x1FE70] =	vst v35  }
0x2c: {  	v12 =	vor.u32 $0x20, v29;
	[tilespmem:$0x1FE80] =	vst v13  }
0x2d: {  	v45 =	vor.u32 $0x1010, v37;
	[tilespmem:$0x1FE90] =	vst v12  }
0x2e: {  	v17 =	vor.u32 $0x420, v29;
	[tilespmem:$0x1FEA0] =	vst v45  }
0x2f: {  	v2 =	vor.u32 $0x30, v29;
	[tilespmem:$0x1FEB0] =	vst v17  }
0x30: {  	v52 =	vor.u32 $0x1810, v37;
	[tilespmem:$0x1FEC0] =	vst v2  }
0x31: {  	v3 =	vor.u32 $0x430, v29;
	[tilespmem:$0x1FED0] =	vst v52  }
0x32: {  	v4 =	vor.u32 $0x1820, v37;
	[tilespmem:$0x1FEE0] =	vst v3  }
0x33: {  	v5 =	vor.u32 $0x830, v29;
	[tilespmem:$0x1FEF0] =	vst v4  }
0x34: {  	v9 =	vor.u32 $0x1840, v37;
	[tilespmem:$0x1FF00] =	vst v5  }
0x35: {  	v11 =	vor.u32 $0x1030, v29;
	[tilespmem:$0x1FF30] =	vst v9  }
0x36: {  	v14 =	vor.u32 $0x1850, v37;
	[tilespmem:$0x1FF40] =	vst v11  }
0x37: {  	v15 =	vor.u32 $0x1430, v29;
	[tilespmem:$0x1FF50] =	vst v14  }
0x38: {  	v18 =	vor.u32 $0x1860, v37;
	[tilespmem:$0x1FF60] =	vst v15  }
0x39: {  	s2 =	stileid.u32;
	s14 =	simm.s32 $0x400;
	s16 =	simm.s32 $0x7A1400;
	v59 =	vor.u32 $0x1830, v29;
	[tilespmem:$0x1FF70] =	vst v18  }
0x3a: {  	s17 =	simm.s32 $0x2000;
	s18 =	simm.s32 $0x1;
	s19 =	simm.s32 $0x4000;
	v60 =	vor.u32 $0x1870, v37;
	[tilespmem:$0x1FF80] =	vst v59  }
0x3b: {  	s20 =	simm.s32 $0x2;
	s21 =	simm.s32 $0x4;
	s22 =	simm.s32 $0x6000;
	v8 =	vor.u32 $0x1C30, v29;
	[tilespmem:$0x1FF90] =	vst v60  }
0x3c: {  	s23 =	simm.s32 $0x3;
	s6 =	sshll.u32 s2, $0x1;
	s8 =	sadd.s32 $0x8000, s1;
	v1 =	vor.u32 $0x1070, v37;
	[tilespmem:$0x1FFA0] =	vst v8  }
0x3d: {  	v25 =	vor.u32 $0x1020, v37;
	p0 =	sgt.u32 s2, $0x1;
	s7 =	ssub.s32 $0x2, s5;
	s24 =	sor.u32 s5, s6;
	[tilespmem:$0x1FFB0] =	vst v1  }
0x3e: {  	s31 =	sshrl.u32 s7, $0x1;
	s6 =	sshll.u32 s24, $0x7;
	s10 =	sor.u32 $0x1E80, s24;
	v16 =	vor.u32 $0x1020, v29;
	[tilespmem:$0x1FFC0] =	vst v25  }
.Ltmp0:
0x3f: {  	v56 =	vor.u32 $0xC20, v29;
	p1 =	sne.s32 s24, $0x8;
	s12 =	ssub.s32 s7, s31;
	[tilespmem:$0x1FFD0] =	vst v16;
	(pc) =	sbr.rel .LBB2_1-.Ltmp0, $4  }
0x40: {  	v57 =	vor.u32 $0x1040, v37;
	s5 =	sadd.s32 s9, s6;
	s6 =	sshll.u32 s24, $0xA;
	s11 =	sshll.u32 s10, $0x7;
	[tilespmem:$0x1FFE0] =	vst v56  }
0x41: {  	s10 =	sshll.u32 s10, $0xA;
	s24 =	simm.s32 $0x0;
	s7 =	sadd.s32 $0x1000, s5;
	v6 =	vor.u32 $0x1830, v37;
	[tilespmem:$0x1FFF0] =	vst v57  }
0x42: {  	s9 =	sadd.s32 s9, s11;
	s10 =	sadd.s32 s1, s10;
	s11 =	sadd.s32 $0x7A0E00, s1;
	v7 =	vor.u32 $0xC30, v29;
	[tilespmem:$0x1FF10] =	vst v6  }
0x43: {  	s12 =	smax.u32 s12, $0x1;
	s13 =	sadd.s32 $0x3000, s5;
	s15 =	sadd.s32 $0x2000, s5;
	[tilespmem:$0x1FF20] =	vst v7  }
.LBB2_20:
0x44: {  	s24 =	sadd.s32 $0x1, s24  }
0x45: {  	p2 =	sne.s32 s24, s12  }
.Ltmp1:
0x46: {  	_ = 	snop;
	(pc) =	sbr.rel @!p2 .LBB2_21-.Ltmp1, $4  }
0x47: {  	v13 =	vld [tilespmem:$0x1FE80]  }
0x48: {  	v12 =	vld [tilespmem:$0x1FE90]  }
0x49: {  	v45 =	vld [tilespmem:$0x1FEA0]  }
0x4a: {  	v17 =	vld [tilespmem:$0x1FEB0]  }
.LBB2_1:
0x4b: {  	[tilespmem:s4], [sflag:$0x1] =	stream.strided.gather [hbm4b:s5+s14], $0x2000, s16, s14, $0x38;
	[tilespmem:$0x8000] =	vst v63  }
0x4c: {  	s25 =	simm.s32 $0x0;
	v52 =	vmovc v55;
	v28 =	vmovc v20;
	v20 =	vmov v21;
	v21 =	vmov v24;
	v24 =	vmov v26  }
0x4d: {  	v26 =	vmovc v23;
	v23 =	vmovc v22;
	v22 =	vmov v27;
	v27 =	vmov v43;
	v43 =	vmov v31;
	[tilespmem:s17], [sflag:$0x2] =	stream.strided.gather [hbm4b:s7+s14], $0x2000, s16, s14, $0x38;
	[tilespmem:$0x8000] =	vst v63  }
.LBB2_2:
0x4e: {  	s26 =	simm.s32 $0x0  }
0x4f: {  	v48 =	vadd.s32 s26, v37  }
0x50: {  	s3 =	simm.s32 $0x2;
	v42 =	vand.u32 $0xF, v48  }
0x51: {  	_ =	swait.ge [sflag:s18], $0x2000;
	s28 =	simm.s32 $0x1;
	v59 =	vadd.s32 s3, v37;
	v56 =	vshll.u32 v42, $0x7  }
0x52: {  	p2 =	seq.s32 s25, $0x0;
	[sflag:s18] =	ssyncset.done $0x0;
	v58 =	vadd.s32 s28, v37;
	v40 =	vand.u32 $0xF, v59;
	v0 =	vor.u32 v37, v56  }
0x53: {  	v31 =	vmov v32;
	s26 =	simm.s32 @!p2 $0x3;
	[sflag:s18] =	ssyncadd.s32 $0xFFFFE000;
	v32 =	vand.u32 $0xF, v58;
	v14 =	vshll.u32 v40, $0x7  }
0x54: {  	_ =	swait.ge @!p2 [sflag:s26], $0x2000;
	v15 =	vshll.u32 v32, $0x7;
	v1 =	vor.u32 v37, v14  }
0x55: {  	s28 =	simm.s32 $0x3;
	[sflag:s26] =	ssyncset.done @!p2 $0x0;
	v2 =	vor.u32 v37, v15  }
0x56: {  	v55 =	vadd.s32 s28, v37;
	[sflag:s26] =	ssyncadd.s32 @!p2 $0xFFFFE000  }
0x57: {  	v60 =	vand.u32 $0xF, v55;
	v3 =	vor.u32 v29, v42;
	v0 =	vld.idx.msk [tilespmem:v0+s4+$0x0], $0xffff  }
0x58: {  	v57 =	vshll.u32 v60, $0x7;
	v4 =	vor.u32 v34, v56  }
0x59: {  	v6 =	vor.u32 v29, v40;
	v5 =	vor.u32 v37, v57;
	v1 =	vld.idx.msk [tilespmem:v1+s4+$0x0], $0xffff  }
0x5a: {  	v7 =	vor.u32 v29, v32;
	v8 =	vor.u32 v34, v14;
	v2 =	vld.idx.msk [tilespmem:v2+s4+$0x0], $0xffff;
	_ =	sdelay $0x1  }
0x5b: {  	[tilespmem:v3+s19+$0x0] =	vst.idx.msk $0xffff, v0  }
0x5c: {  	v9 =	vor.u32 v34, v15;
	v3 =	vor.u32 v46, v42;
	v0 =	vld.idx.msk [tilespmem:v4+s4+$0x0], $0xffff  }
0x5d: {  	[tilespmem:v6+s19+$0x0] =	vst.idx.msk $0xffff, v1;
	v1 =	vor.u32 v10, v56;
	v4 =	vld.idx.msk [tilespmem:v5+s4+$0x0], $0xffff;
	v5 =	vor.u32 v29, v60  }
0x5e: {  	v6 =	vor.u32 v34, v57;
	[tilespmem:v7+s19+$0x0] =	vst.idx.msk $0xffff, v2;
	v7 =	vor.u32 v46, v40;
	v2 =	vld.idx.msk [tilespmem:v8+s4+$0x0], $0xffff;
	_ =	sdelay $0x1  }
0x5f: {  	v18 =	vmov v10  }
0x60: {  	v10 =	vor.u32 v10, v14;
	v8 =	vor.u32 v46, v32;
	v9 =	vld.idx.msk [tilespmem:v9+s4+$0x0], $0xffff;
	[tilespmem:v3+s19+$0x0] =	vst.idx.msk $0xffff, v0  }
0x61: {  	v11 =	vor.u32 v18, v15;
	[tilespmem:v5+s19+$0x0] =	vst.idx.msk $0xffff, v4;
	v0 =	vld.idx.msk [tilespmem:v1+s4+$0x0], $0xffff;
	v1 =	vor.u32 v19, v42  }
0x62: {  	v4 =	vor.u32 v46, v60;
	[tilespmem:v7+s19+$0x0] =	vst.idx.msk $0xffff, v2;
	v2 =	vor.u32 v50, v56;
	v3 =	vld.idx.msk [tilespmem:v6+s4+$0x0], $0xffff  }
0x63: {  	v5 =	vor.u32 v18, v57;
	_ =	sdelay $0x1  }
0x64: {  	[tilespmem:v8+s19+$0x0] =	vst.idx.msk $0xffff, v9;
	v7 =	vor.u32 v19, v40;
	v6 =	vld.idx.msk [tilespmem:v10+s4+$0x0], $0xffff  }
0x65: {  	v8 =	vor.u32 v19, v32;
	v9 =	vld.idx.msk [tilespmem:v11+s4+$0x0], $0xffff;
	v10 =	vor.u32 v50, v14;
	[tilespmem:v1+s19+$0x0] =	vst.idx.msk $0xffff, v0  }
0x66: {  	v11 =	vor.u32 v50, v15;
	[tilespmem:v4+s19+$0x0] =	vst.idx.msk $0xffff, v3;
	v1 =	vor.u32 v51, v42;
	v0 =	vld.idx.msk [tilespmem:v2+s4+$0x0], $0xffff  }
0x67: {  	v3 =	vor.u32 v19, v60;
	v4 =	vor.u32 v61, v56;
	v2 =	vld.idx.msk [tilespmem:v5+s4+$0x0], $0xffff  }
0x68: {  	v5 =	vor.u32 v50, v57  }
0x69: {  	[tilespmem:v7+s19+$0x0] =	vst.idx.msk $0xffff, v6  }
0x6a: {  	[tilespmem:v8+s19+$0x0] =	vst.idx.msk $0xffff, v9;
	v7 =	vor.u32 v51, v40;
	v6 =	vld.idx.msk [tilespmem:v10+s4+$0x0], $0xffff  }
0x6b: {  	v9 =	vor.u32 v51, v32;
	v8 =	vld.idx.msk [tilespmem:v11+s4+$0x0], $0xffff;
	v10 =	vor.u32 v61, v14;
	[tilespmem:v1+s19+$0x0] =	vst.idx.msk $0xffff, v0  }
0x6c: {  	v11 =	vor.u32 v61, v15;
	[tilespmem:v3+s19+$0x0] =	vst.idx.msk $0xffff, v2;
	v1 =	vor.u32 v53, v42;
	v0 =	vld.idx.msk [tilespmem:v4+s4+$0x0], $0xffff  }
0x6d: {  	v3 =	vor.u32 v51, v60;
	v2 =	vld.idx.msk [tilespmem:v5+s4+$0x0], $0xffff;
	v4 =	vor.u32 v54, v56  }
0x6e: {  	v5 =	vor.u32 v61, v57  }
0x6f: {  	[tilespmem:v7+s19+$0x0] =	vst.idx.msk $0xffff, v6  }
0x70: {  	[tilespmem:v9+s19+$0x0] =	vst.idx.msk $0xffff, v8;
	v7 =	vor.u32 v53, v40;
	v6 =	vld.idx.msk [tilespmem:v10+s4+$0x0], $0xffff  }
0x71: {  	v9 =	vor.u32 v53, v32;
	v8 =	vld.idx.msk [tilespmem:v11+s4+$0x0], $0xffff;
	v10 =	vor.u32 v54, v14;
	[tilespmem:v1+s19+$0x0] =	vst.idx.msk $0xffff, v0  }
0x72: {  	v11 =	vor.u32 v54, v15;
	[tilespmem:v3+s19+$0x0] =	vst.idx.msk $0xffff, v2;
	v1 =	vor.u32 v62, v42;
	v0 =	vld.idx.msk [tilespmem:v4+s4+$0x0], $0xffff  }
0x73: {  	v3 =	vor.u32 v53, v60;
	v2 =	vld.idx.msk [tilespmem:v5+s4+$0x0], $0xffff;
	v4 =	vor.u32 v63, v56  }
0x74: {  	v5 =	vor.u32 v54, v57  }
0x75: {  	[tilespmem:v7+s19+$0x0] =	vst.idx.msk $0xffff, v6  }
0x76: {  	[tilespmem:v9+s19+$0x0] =	vst.idx.msk $0xffff, v8;
	v7 =	vor.u32 v62, v40;
	v6 =	vld.idx.msk [tilespmem:v10+s4+$0x0], $0xffff  }
0x77: {  	v9 =	vor.u32 v62, v32;
	v8 =	vld.idx.msk [tilespmem:v11+s4+$0x0], $0xffff;
	v10 =	vor.u32 v63, v14;
	[tilespmem:v1+s19+$0x0] =	vst.idx.msk $0xffff, v0  }
0x78: {  	v11 =	vor.u32 v63, v15;
	[tilespmem:v3+s19+$0x0] =	vst.idx.msk $0xffff, v2;
	v1 =	vor.u32 v43, v42;
	v0 =	vld.idx.msk [tilespmem:v4+s4+$0x0], $0xffff  }
0x79: {  	v3 =	vor.u32 v62, v60;
	v2 =	vld.idx.msk [tilespmem:v5+s4+$0x0], $0xffff;
	v4 =	vor.u32 v27, v56  }
0x7a: {  	v5 =	vor.u32 v63, v57  }
0x7b: {  	[tilespmem:v7+s19+$0x0] =	vst.idx.msk $0xffff, v6  }
0x7c: {  	[tilespmem:v9+s19+$0x0] =	vst.idx.msk $0xffff, v8;
	v7 =	vor.u32 v43, v40;
	v6 =	vld.idx.msk [tilespmem:v10+s4+$0x0], $0xffff  }
0x7d: {  	v9 =	vor.u32 v43, v32;
	v8 =	vld.idx.msk [tilespmem:v11+s4+$0x0], $0xffff;
	v10 =	vor.u32 v27, v14;
	[tilespmem:v1+s19+$0x0] =	vst.idx.msk $0xffff, v0  }
0x7e: {  	v11 =	vor.u32 v27, v15;
	[tilespmem:v3+s19+$0x0] =	vst.idx.msk $0xffff, v2;
	v1 =	vor.u32 v22, v42;
	v0 =	vld.idx.msk [tilespmem:v4+s4+$0x0], $0xffff  }
0x7f: {  	v3 =	vor.u32 v43, v60;
	v2 =	vld.idx.msk [tilespmem:v5+s4+$0x0], $0xffff;
	v4 =	vor.u32 v23, v56  }
0x80: {  	v5 =	vor.u32 v27, v57  }
0x81: {  	[tilespmem:v7+s19+$0x0] =	vst.idx.msk $0xffff, v6  }
0x82: {  	[tilespmem:v9+s19+$0x0] =	vst.idx.msk $0xffff, v8;
	v7 =	vor.u32 v22, v40;
	v6 =	vld.idx.msk [tilespmem:v10+s4+$0x0], $0xffff  }
0x83: {  	v9 =	vor.u32 v22, v32;
	v8 =	vld.idx.msk [tilespmem:v11+s4+$0x0], $0xffff;
	v10 =	vor.u32 v23, v14;
	[tilespmem:v1+s19+$0x0] =	vst.idx.msk $0xffff, v0  }
0x84: {  	v11 =	vor.u32 v23, v15;
	[tilespmem:v3+s19+$0x0] =	vst.idx.msk $0xffff, v2;
	v1 =	vor.u32 v26, v48;
	v0 =	vld.idx.msk [tilespmem:v4+s4+$0x0], $0xffff  }
0x85: {  	v3 =	vor.u32 v22, v60;
	v2 =	vld.idx.msk [tilespmem:v5+s4+$0x0], $0xffff;
	v4 =	vor.u32 v24, v56  }
0x86: {  	v5 =	vor.u32 v23, v57  }
0x87: {  	[tilespmem:v7+s19+$0x0] =	vst.idx.msk $0xffff, v6  }
0x88: {  	[tilespmem:v9+s19+$0x0] =	vst.idx.msk $0xffff, v8;
	v7 =	vor.u32 v26, v59;
	v6 =	vld.idx.msk [tilespmem:v10+s4+$0x0], $0xffff  }
0x89: {  	v9 =	vor.u32 v26, v58;
	v8 =	vld.idx.msk [tilespmem:v11+s4+$0x0], $0xffff;
	v10 =	vor.u32 v24, v14;
	[tilespmem:v1+s19+$0x0] =	vst.idx.msk $0xffff, v0  }
0x8a: {  	v11 =	vor.u32 v24, v15;
	[tilespmem:v3+s19+$0x0] =	vst.idx.msk $0xffff, v2;
	v1 =	vor.u32 v21, v48;
	v0 =	vld.idx.msk [tilespmem:v4+s4+$0x0], $0xffff  }
0x8b: {  	v3 =	vor.u32 v26, v55;
	v2 =	vld.idx.msk [tilespmem:v5+s4+$0x0], $0xffff;
	v4 =	vor.u32 v20, v56  }
0x8c: {  	v5 =	vor.u32 v24, v57  }
0x8d: {  	[tilespmem:v7+s19+$0x0] =	vst.idx.msk $0xffff, v6  }
0x8e: {  	[tilespmem:v9+s19+$0x0] =	vst.idx.msk $0xffff, v8;
	v7 =	vor.u32 v21, v59;
	v6 =	vld.idx.msk [tilespmem:v10+s4+$0x0], $0xffff  }
0x8f: {  	v9 =	vor.u32 v21, v58;
	v8 =	vld.idx.msk [tilespmem:v11+s4+$0x0], $0xffff;
	v10 =	vor.u32 v20, v14;
	[tilespmem:v1+s19+$0x0] =	vst.idx.msk $0xffff, v0  }
0x90: {  	v11 =	vor.u32 v20, v15;
	[tilespmem:v3+s19+$0x0] =	vst.idx.msk $0xffff, v2;
	v1 =	vor.u32 v28, v48;
	v0 =	vld.idx.msk [tilespmem:v4+s4+$0x0], $0xffff  }
0x91: {  	v3 =	vor.u32 v21, v55;
	v2 =	vld.idx.msk [tilespmem:v5+s4+$0x0], $0xffff;
	v4 =	vor.u32 v39, v56  }
0x92: {  	v5 =	vor.u32 v20, v57  }
0x93: {  	[tilespmem:v7+s19+$0x0] =	vst.idx.msk $0xffff, v6  }
0x94: {  	[tilespmem:v9+s19+$0x0] =	vst.idx.msk $0xffff, v8;
	v7 =	vor.u32 v28, v59;
	v6 =	vld.idx.msk [tilespmem:v10+s4+$0x0], $0xffff  }
0x95: {  	v9 =	vor.u32 v28, v58;
	v8 =	vld.idx.msk [tilespmem:v11+s4+$0x0], $0xffff;
	v10 =	vor.u32 v39, v14;
	[tilespmem:v1+s19+$0x0] =	vst.idx.msk $0xffff, v0  }
0x96: {  	v11 =	vor.u32 v39, v15;
	[tilespmem:v3+s19+$0x0] =	vst.idx.msk $0xffff, v2;
	v1 =	vor.u32 v52, v48;
	v0 =	vld.idx.msk [tilespmem:v4+s4+$0x0], $0xffff  }
0x97: {  	v3 =	vor.u32 v28, v55;
	v2 =	vld.idx.msk [tilespmem:v5+s4+$0x0], $0xffff;
	v4 =	vor.u32 v38, v56  }
0x98: {  	v5 =	vor.u32 v39, v57  }
0x99: {  	[tilespmem:v7+s19+$0x0] =	vst.idx.msk $0xffff, v6  }
0x9a: {  	[tilespmem:v9+s19+$0x0] =	vst.idx.msk $0xffff, v8;
	v7 =	vor.u32 v52, v59;
	v6 =	vld.idx.msk [tilespmem:v10+s4+$0x0], $0xffff  }
0x9b: {  	v9 =	vor.u32 v52, v58;
	v8 =	vld.idx.msk [tilespmem:v11+s4+$0x0], $0xffff;
	v10 =	vor.u32 v38, v14;
	[tilespmem:v1+s19+$0x0] =	vst.idx.msk $0xffff, v0  }
0x9c: {  	v11 =	vor.u32 v38, v15;
	[tilespmem:v3+s19+$0x0] =	vst.idx.msk $0xffff, v2;
	v1 =	vor.u32 v41, v48;
	v0 =	vld.idx.msk [tilespmem:v4+s4+$0x0], $0xffff  }
0x9d: {  	v3 =	vor.u32 v52, v55;
	v2 =	vld.idx.msk [tilespmem:v5+s4+$0x0], $0xffff;
	v4 =	vor.u32 v31, v56  }
0x9e: {  	v5 =	vor.u32 v38, v57  }
0x9f: {  	[tilespmem:v7+s19+$0x0] =	vst.idx.msk $0xffff, v6  }
0xa0: {  	[tilespmem:v9+s19+$0x0] =	vst.idx.msk $0xffff, v8;
	v7 =	vor.u32 v41, v59;
	v6 =	vld.idx.msk [tilespmem:v10+s4+$0x0], $0xffff  }
0xa1: {  	v9 =	vor.u32 v41, v58;
	v8 =	vld.idx.msk [tilespmem:v11+s4+$0x0], $0xffff;
	v10 =	vor.u32 v31, v14;
	[tilespmem:v1+s19+$0x0] =	vst.idx.msk $0xffff, v0  }
0xa2: {  	v11 =	vor.u32 v31, v15;
	[tilespmem:v3+s19+$0x0] =	vst.idx.msk $0xffff, v2;
	v1 =	vor.u32 v36, v48;
	v0 =	vld.idx.msk [tilespmem:v4+s4+$0x0], $0xffff  }
0xa3: {  	v3 =	vor.u32 v41, v55;
	v2 =	vld.idx.msk [tilespmem:v5+s4+$0x0], $0xffff;
	v4 =	vor.u32 v30, v56  }
0xa4: {  	v5 =	vor.u32 v31, v57  }
0xa5: {  	[tilespmem:v7+s19+$0x0] =	vst.idx.msk $0xffff, v6  }
0xa6: {  	[tilespmem:v9+s19+$0x0] =	vst.idx.msk $0xffff, v8;
	v7 =	vor.u32 v36, v59;
	v6 =	vld.idx.msk [tilespmem:v10+s4+$0x0], $0xffff  }
0xa7: {  	v9 =	vor.u32 v36, v58;
	v8 =	vld.idx.msk [tilespmem:v11+s4+$0x0], $0xffff;
	[tilespmem:v1+s19+$0x0] =	vst.idx.msk $0xffff, v0  }
0xa8: {  	[tilespmem:v3+s19+$0x0] =	vst.idx.msk $0xffff, v2;
	v1 =	vor.u32 v33, v48;
	v0 =	vld.idx.msk [tilespmem:v4+s4+$0x0], $0xffff  }
0xa9: {  	v3 =	vor.u32 v36, v55;
	v2 =	vld.idx.msk [tilespmem:v5+s4+$0x0], $0xffff;
	_ =	sdelay $0x1  }
0xaa: {  	[tilespmem:v7+s19+$0x0] =	vst.idx.msk $0xffff, v6  }
0xab: {  	[tilespmem:v9+s19+$0x0] =	vst.idx.msk $0xffff, v8  }
0xac: {  	v10 =	vor.u32 v30, v14;
	[tilespmem:v1+s19+$0x0] =	vst.idx.msk $0xffff, v0  }
0xad: {  	v11 =	vor.u32 v30, v15;
	[tilespmem:v3+s19+$0x0] =	vst.idx.msk $0xffff, v2  }
0xae: {  	v49 =	vmov v18;
	v4 =	vor.u32 v35, v56;
	v18 =	vld [tilespmem:$0x1FC10]  }
0xaf: {  	v5 =	vor.u32 v30, v57;
	_ =	sdelay $0x1  }
0xb0: {  	v7 =	vor.u32 v33, v59;
	v6 =	vld.idx.msk [tilespmem:v10+s4+$0x0], $0xffff  }
0xb1: {  	v9 =	vor.u32 v33, v58;
	v8 =	vld.idx.msk [tilespmem:v11+s4+$0x0], $0xffff;
	v10 =	vor.u32 v35, v14  }
0xb2: {  	v11 =	vor.u32 v35, v15;
	v0 =	vld.idx.msk [tilespmem:v4+s4+$0x0], $0xffff;
	v1 =	vor.u32 v18, v48  }
0xb3: {  	v3 =	vor.u32 v33, v55;
	v2 =	vld.idx.msk [tilespmem:v5+s4+$0x0], $0xffff;
	v4 =	vor.u32 v13, v56  }
0xb4: {  	v5 =	vor.u32 v35, v57  }
0xb5: {  	[tilespmem:v7+s19+$0x0] =	vst.idx.msk $0xffff, v6  }
0xb6: {  	[tilespmem:v9+s19+$0x0] =	vst.idx.msk $0xffff, v8;
	v6 =	vld.idx.msk [tilespmem:v10+s4+$0x0], $0xffff;
	v7 =	vor.u32 v18, v59  }
0xb7: {  	v8 =	vld.idx.msk [tilespmem:v11+s4+$0x0], $0xffff;
	v10 =	vor.u32 v13, v14;
	v9 =	vor.u32 v18, v58;
	[tilespmem:v1+s19+$0x0] =	vst.idx.msk $0xffff, v0  }
0xb8: {  	v11 =	vor.u32 v13, v15;
	[tilespmem:v3+s19+$0x0] =	vst.idx.msk $0xffff, v2;
	v1 =	vor.u32 v12, v42;
	v0 =	vld.idx.msk [tilespmem:v4+s4+$0x0], $0xffff  }
0xb9: {  	v3 =	vor.u32 v18, v55;
	v2 =	vld.idx.msk [tilespmem:v5+s4+$0x0], $0xffff;
	v4 =	vor.u32 v45, v56  }
0xba: {  	v5 =	vor.u32 v13, v57  }
0xbb: {  	[tilespmem:v7+s19+$0x0] =	vst.idx.msk $0xffff, v6  }
0xbc: {  	[tilespmem:v9+s19+$0x0] =	vst.idx.msk $0xffff, v8;
	v7 =	vor.u32 v12, v40;
	v6 =	vld.idx.msk [tilespmem:v10+s4+$0x0], $0xffff  }
0xbd: {  	v9 =	vor.u32 v12, v32;
	v8 =	vld.idx.msk [tilespmem:v11+s4+$0x0], $0xffff;
	[tilespmem:v1+s19+$0x0] =	vst.idx.msk $0xffff, v0  }
0xbe: {  	v10 =	vor.u32 v45, v14;
	[tilespmem:v3+s19+$0x0] =	vst.idx.msk $0xffff, v2;
	v1 =	vor.u32 v17, v42;
	v0 =	vld.idx.msk [tilespmem:v4+s4+$0x0], $0xffff  }
0xbf: {  	v3 =	vor.u32 v12, v60;
	v2 =	vld.idx.msk [tilespmem:v5+s4+$0x0], $0xffff;
	_ =	sdelay $0x1  }
0xc0: {  	v11 =	vor.u32 v45, v15;
	[tilespmem:v7+s19+$0x0] =	vst.idx.msk $0xffff, v6  }
0xc1: {  	[tilespmem:v9+s19+$0x0] =	vst.idx.msk $0xffff, v8  }
0xc2: {  	v6 =	vld.idx.msk [tilespmem:v10+s4+$0x0], $0xffff;
	[tilespmem:v1+s19+$0x0] =	vst.idx.msk $0xffff, v0  }
0xc3: {  	v5 =	vor.u32 v45, v57;
	v1 =	vld [tilespmem:$0x1FC30];
	[tilespmem:v3+s19+$0x0] =	vst.idx.msk $0xffff, v2  }
0xc4: {  	v7 =	vor.u32 v17, v40;
	v4 =	vor.u32 v25, v56;
	v30 =	vld [tilespmem:$0x1FC20]  }
0xc5: {  	v9 =	vor.u32 v17, v32;
	v8 =	vld.idx.msk [tilespmem:v11+s4+$0x0], $0xffff;
	v10 =	vor.u32 v25, v14;
	_ =	sdelay $0x2  }
0xc6: {  	v21 =	vor.u32 v17, v60;
	v20 =	vld.idx.msk [tilespmem:v5+s4+$0x0], $0xffff  }
0xc7: {  	v11 =	vor.u32 v25, v15;
	v3 =	vld.idx.msk [tilespmem:v4+s4+$0x0], $0xffff;
	[tilespmem:v7+s19+$0x0] =	vst.idx.msk $0xffff, v6;
	v4 =	vor.u32 v30, v42  }
0xc8: {  	[tilespmem:v9+s19+$0x0] =	vst.idx.msk $0xffff, v8;
	v7 =	vld.idx.msk [tilespmem:v10+s4+$0x0], $0xffff;
	v8 =	vor.u32 v30, v40;
	_ =	sdelay $0x1  }
0xc9: {  	v47 =	vmov v34;
	v26 =	vor.u32 v25, v57;
	v34 =	vld [tilespmem:$0x1FFE0]  }
0xca: {  	v52 =	vmovc v50;
	v50 =	vmov v61;
	v61 =	vmov v53;
	v6 =	vor.u32 v1, v56;
	[tilespmem:v21+s19+$0x0] =	vst.idx.msk $0xffff, v20  }
0xcb: {  	s29 =	simm.s32 $0x4;
	s30 =	simm.s32 $0x5;
	v23 =	vld.idx.msk [tilespmem:v11+s4+$0x0], $0xffff;
	v24 =	vor.u32 v1, v14;
	v22 =	vor.u32 v30, v32;
	[tilespmem:v4+s19+$0x0] =	vst.idx.msk $0xffff, v3  }
0xcc: {  	s31 =	simm.s32 $0x6;
	v53 =	vadd.s32 s29, v37;
	v0 =	vmovc v19;
	v2 =	vadd.s32 s30, v37;
	v19 =	vor.u32 v1, v15;
	[tilespmem:v8+s19+$0x0] =	vst.idx.msk $0xffff, v7  }
0xcd: {  	v44 =	vmovc v29;
	v9 =	vand.u32 $0xF, v53;
	v5 =	vadd.s32 s31, v37;
	v10 =	vand.u32 $0xF, v2;
	v29 =	vld [tilespmem:$0x1FFF0]  }
0xce: {  	v11 =	vand.u32 $0xF, v5;
	v31 =	vor.u32 v34, v42;
	v3 =	vshll.u32 v9, $0x7  }
0xcf: {  	v7 =	vshll.u32 v11, $0x7;
	v20 =	vld.idx.msk [tilespmem:v6+s4+$0x0], $0xffff;
	v21 =	vor.u32 v37, v3;
	v6 =	vshll.u32 v10, $0x7  }
0xd0: {  	[tilespmem:v22+s19+$0x0] =	vst.idx.msk $0xffff, v23;
	v22 =	vld.idx.msk [tilespmem:v24+s4+$0x0], $0xffff;
	v23 =	vor.u32 v37, v7;
	v24 =	vor.u32 v34, v40  }
0xd1: {  	v12 =	vor.u32 v34, v32;
	v19 =	vld.idx.msk [tilespmem:v19+s4+$0x0], $0xffff;
	v28 =	vor.u32 v37, v6  }
0xd2: {  	s28 =	simm.s32 $0x7;
	v27 =	vor.u32 v29, v56  }
0xd3: {  	v1 =	vadd.s32 s28, v37;
	v13 =	vor.u32 v30, v60;
	v26 =	vld.idx.msk [tilespmem:v26+s4+$0x0], $0xffff  }
0xd4: {  	v8 =	vand.u32 $0xF, v1;
	v21 =	vld.idx.msk [tilespmem:v21+s4+$0x0], $0xffff;
	[tilespmem:v31+s19+$0x0] =	vst.idx.msk $0xffff, v20;
	v20 =	vor.u32 v44, v9  }
0xd5: {  	v4 =	vshll.u32 v8, $0x7;
	[tilespmem:v24+s19+$0x0] =	vst.idx.msk $0xffff, v22;
	v23 =	vld.idx.msk [tilespmem:v23+s4+$0x0], $0xffff;
	v24 =	vor.u32 v44, v11  }
0xd6: {  	v18 =	vor.u32 v29, v14;
	[tilespmem:v12+s19+$0x0] =	vst.idx.msk $0xffff, v19;
	v12 =	vor.u32 v44, v10;
	v19 =	vld.idx.msk [tilespmem:v28+s4+$0x0], $0xffff  }
0xd7: {  	v17 =	vor.u32 v16, v42;
	v25 =	vor.u32 v37, v4;
	v27 =	vld.idx.msk [tilespmem:v27+s4+$0x0], $0xffff  }
0xd8: {  	v31 =	vld [tilespmem:$0x1FC40];
	[tilespmem:v13+s19+$0x0] =	vst.idx.msk $0xffff, v26  }
0xd9: {  	v22 =	vor.u32 v47, v3;
	[tilespmem:v20+s19+$0x0] =	vst.idx.msk $0xffff, v21  }
0xda: {  	v30 =	vmov v16;
	v16 =	vor.u32 v29, v15;
	[tilespmem:v24+s19+$0x0] =	vst.idx.msk $0xffff, v23  }
0xdb: {  	v13 =	vor.u32 v47, v7;
	v26 =	vor.u32 v30, v40;
	v18 =	vld.idx.msk [tilespmem:v18+s4+$0x0], $0xffff;
	[tilespmem:v12+s19+$0x0] =	vst.idx.msk $0xffff, v19  }
0xdc: {  	v20 =	vor.u32 v47, v6;
	v21 =	vld.idx.msk [tilespmem:v25+s4+$0x0], $0xffff;
	v25 =	vor.u32 v44, v8;
	[tilespmem:v17+s19+$0x0] =	vst.idx.msk $0xffff, v27  }
0xdd: {  	v23 =	vor.u32 v47, v4;
	v28 =	vor.u32 v31, v56;
	v47 =	vld [tilespmem:$0x1FC50]  }
0xde: {  	v24 =	vor.u32 v46, v9;
	v22 =	vld.idx.msk [tilespmem:v22+s4+$0x0], $0xffff  }
0xdf: {  	v16 =	vld.idx.msk [tilespmem:v16+s4+$0x0], $0xffff;
	v27 =	vor.u32 v30, v32  }
0xe0: {  	v13 =	vld.idx.msk [tilespmem:v13+s4+$0x0], $0xffff;
	[tilespmem:v26+s19+$0x0] =	vst.idx.msk $0xffff, v18;
	v26 =	vor.u32 v46, v11  }
0xe1: {  	v17 =	vor.u32 v31, v14;
	v20 =	vld.idx.msk [tilespmem:v20+s4+$0x0], $0xffff;
	[tilespmem:v25+s19+$0x0] =	vst.idx.msk $0xffff, v21;
	v21 =	vor.u32 v46, v10  }
0xe2: {  	v19 =	vld.idx.msk [tilespmem:v28+s4+$0x0], $0xffff;
	v12 =	vor.u32 v47, v42  }
0xe3: {  	v44 =	vmov v30;
	v30 =	vld [tilespmem:$0x1FC60];
	[tilespmem:v24+s19+$0x0] =	vst.idx.msk $0xffff, v22  }
0xe4: {  	v18 =	vor.u32 v49, v3;
	[tilespmem:v27+s19+$0x0] =	vst.idx.msk $0xffff, v16  }
0xe5: {  	v28 =	vor.u32 v31, v15;
	[tilespmem:v26+s19+$0x0] =	vst.idx.msk $0xffff, v13  }
0xe6: {  	v16 =	vor.u32 v49, v7;
	v17 =	vld.idx.msk [tilespmem:v17+s4+$0x0], $0xffff;
	v27 =	vor.u32 v47, v40;
	[tilespmem:v21+s19+$0x0] =	vst.idx.msk $0xffff, v20  }
0xe7: {  	v22 =	vor.u32 v49, v6;
	v23 =	vld.idx.msk [tilespmem:v23+s4+$0x0], $0xffff;
	v24 =	vor.u32 v46, v8;
	[tilespmem:v12+s19+$0x0] =	vst.idx.msk $0xffff, v19  }
0xe8: {  	v25 =	vor.u32 v30, v56;
	v45 =	vld [tilespmem:$0x1FC70]  }
0xe9: {  	v18 =	vld.idx.msk [tilespmem:v18+s4+$0x0], $0xffff;
	v26 =	vor.u32 v0, v9  }
0xea: {  	v28 =	vld.idx.msk [tilespmem:v28+s4+$0x0], $0xffff;
	v19 =	vor.u32 v47, v32  }
0xeb: {  	v16 =	vld.idx.msk [tilespmem:v16+s4+$0x0], $0xffff;
	[tilespmem:v27+s19+$0x0] =	vst.idx.msk $0xffff, v17;
	v27 =	vor.u32 v0, v11  }
0xec: {  	v22 =	vld.idx.msk [tilespmem:v22+s4+$0x0], $0xffff;
	v12 =	vor.u32 v30, v14;
	[tilespmem:v24+s19+$0x0] =	vst.idx.msk $0xffff, v23;
	v23 =	vor.u32 v0, v10  }
0xed: {  	v13 =	vor.u32 v49, v4;
	v21 =	vld.idx.msk [tilespmem:v25+s4+$0x0], $0xffff;
	v20 =	vor.u32 v45, v42  }
0xee: {  	v49 =	vmov v0;
	v0 =	vld [tilespmem:$0x1FFB0];
	[tilespmem:v26+s19+$0x0] =	vst.idx.msk $0xffff, v18  }
0xef: {  	v17 =	vor.u32 v52, v3;
	[tilespmem:v19+s19+$0x0] =	vst.idx.msk $0xffff, v28  }
0xf0: {  	v25 =	vor.u32 v30, v15;
	[tilespmem:v27+s19+$0x0] =	vst.idx.msk $0xffff, v16  }
0xf1: {  	v19 =	vor.u32 v52, v7;
	v12 =	vld.idx.msk [tilespmem:v12+s4+$0x0], $0xffff;
	v28 =	vor.u32 v45, v40;
	[tilespmem:v23+s19+$0x0] =	vst.idx.msk $0xffff, v22  }
0xf2: {  	v18 =	vor.u32 v52, v6;
	v13 =	vld.idx.msk [tilespmem:v13+s4+$0x0], $0xffff;
	v26 =	vor.u32 v49, v8;
	[tilespmem:v20+s19+$0x0] =	vst.idx.msk $0xffff, v21  }
0xf3: {  	v24 =	vor.u32 v0, v56;
	v43 =	vld [tilespmem:$0x1FC80]  }
0xf4: {  	v17 =	vld.idx.msk [tilespmem:v17+s4+$0x0], $0xffff;
	v27 =	vor.u32 v51, v9  }
0xf5: {  	v25 =	vld.idx.msk [tilespmem:v25+s4+$0x0], $0xffff;
	v21 =	vor.u32 v45, v32  }
0xf6: {  	v19 =	vld.idx.msk [tilespmem:v19+s4+$0x0], $0xffff;
	[tilespmem:v28+s19+$0x0] =	vst.idx.msk $0xffff, v12;
	v28 =	vor.u32 v51, v11  }
0xf7: {  	v18 =	vld.idx.msk [tilespmem:v18+s4+$0x0], $0xffff;
	v20 =	vor.u32 v0, v14;
	[tilespmem:v26+s19+$0x0] =	vst.idx.msk $0xffff, v13;
	v26 =	vor.u32 v51, v10  }
0xf8: {  	v16 =	vor.u32 v52, v4;
	v22 =	vld.idx.msk [tilespmem:v24+s4+$0x0], $0xffff;
	v24 =	vor.u32 v43, v42  }
0xf9: {  	v46 =	vmov v31;
	v31 =	vld [tilespmem:$0x1FC90];
	[tilespmem:v27+s19+$0x0] =	vst.idx.msk $0xffff, v17  }
0xfa: {  	v12 =	vor.u32 v50, v3;
	[tilespmem:v21+s19+$0x0] =	vst.idx.msk $0xffff, v25  }
0xfb: {  	v23 =	vor.u32 v0, v15;
	[tilespmem:v28+s19+$0x0] =	vst.idx.msk $0xffff, v19  }
0xfc: {  	v21 =	vor.u32 v50, v7;
	v20 =	vld.idx.msk [tilespmem:v20+s4+$0x0], $0xffff;
	v25 =	vor.u32 v43, v40;
	[tilespmem:v26+s19+$0x0] =	vst.idx.msk $0xffff, v18  }
0xfd: {  	v17 =	vor.u32 v50, v6;
	v16 =	vld.idx.msk [tilespmem:v16+s4+$0x0], $0xffff;
	v27 =	vor.u32 v51, v8;
	[tilespmem:v24+s19+$0x0] =	vst.idx.msk $0xffff, v22  }
0xfe: {  	v13 =	vor.u32 v31, v56;
	v24 =	vor.u32 v43, v32;
	v32 =	vld [tilespmem:$0x1FEC0]  }
0xff: {  	v12 =	vld.idx.msk [tilespmem:v12+s4+$0x0], $0xffff;
	v28 =	vor.u32 v61, v9  }
0x100: {  	v22 =	vld.idx.msk [tilespmem:v23+s4+$0x0], $0xffff  }
0x101: {  	v21 =	vld.idx.msk [tilespmem:v21+s4+$0x0], $0xffff;
	[tilespmem:v25+s19+$0x0] =	vst.idx.msk $0xffff, v20;
	v25 =	vor.u32 v61, v11  }
0x102: {  	v17 =	vld.idx.msk [tilespmem:v17+s4+$0x0], $0xffff;
	[tilespmem:v27+s19+$0x0] =	vst.idx.msk $0xffff, v16;
	v27 =	vor.u32 v61, v10  }
0x103: {  	v13 =	vld.idx.msk [tilespmem:v13+s4+$0x0], $0xffff;
	v26 =	vor.u32 v32, v48  }
0x104: {  	v52 =	vld [tilespmem:$0x1FED0];
	[tilespmem:v28+s19+$0x0] =	vst.idx.msk $0xffff, v12  }
0x105: {  	[tilespmem:v24+s19+$0x0] =	vst.idx.msk $0xffff, v22  }
0x106: {  	v23 =	vor.u32 v31, v14;
	[tilespmem:v25+s19+$0x0] =	vst.idx.msk $0xffff, v21  }
0x107: {  	v19 =	vor.u32 v50, v4;
	[tilespmem:v27+s19+$0x0] =	vst.idx.msk $0xffff, v17  }
0x108: {  	v18 =	vor.u32 v31, v15;
	v20 =	vor.u32 v54, v3;
	[tilespmem:v26+s19+$0x0] =	vst.idx.msk $0xffff, v13  }
0x109: {  	v12 =	vor.u32 v54, v6;
	v22 =	vor.u32 v54, v7;
	v21 =	vor.u32 v54, v4;
	v54 =	vld [tilespmem:$0x1FC30]  }
0x10a: {  	v16 =	vor.u32 v52, v56;
	v40 =	vld [tilespmem:$0x1FEE0]  }
0x10b: {  	v23 =	vld.idx.msk [tilespmem:v23+s4+$0x0], $0xffff;
	v24 =	vor.u32 v32, v59  }
0x10c: {  	v19 =	vld.idx.msk [tilespmem:v19+s4+$0x0], $0xffff;
	v28 =	vor.u32 v61, v8  }
0x10d: {  	v20 =	vld.idx.msk [tilespmem:v20+s4+$0x0], $0xffff;
	v25 =	vor.u32 v62, v9  }
0x10e: {  	v18 =	vld.idx.msk [tilespmem:v18+s4+$0x0], $0xffff;
	v13 =	vor.u32 v52, v14;
	v26 =	vor.u32 v32, v58  }
0x10f: {  	v16 =	vld.idx.msk [tilespmem:v16+s4+$0x0], $0xffff;
	v17 =	vor.u32 v54, v57;
	v27 =	vor.u32 v40, v48  }
0x110: {  	v22 =	vld.idx.msk [tilespmem:v22+s4+$0x0], $0xffff;
	[tilespmem:v24+s19+$0x0] =	vst.idx.msk $0xffff, v23;
	v24 =	vor.u32 v62, v11  }
0x111: {  	v12 =	vld.idx.msk [tilespmem:v12+s4+$0x0], $0xffff;
	[tilespmem:v28+s19+$0x0] =	vst.idx.msk $0xffff, v19  }
0x112: {  	[tilespmem:v25+s19+$0x0] =	vst.idx.msk $0xffff, v20;
	v21 =	vld.idx.msk [tilespmem:v21+s4+$0x0], $0xffff  }
0x113: {  	v23 =	vor.u32 v63, v3;
	v28 =	vor.u32 v62, v10;
	[tilespmem:v26+s19+$0x0] =	vst.idx.msk $0xffff, v18;
	v13 =	vld.idx.msk [tilespmem:v13+s4+$0x0], $0xffff  }
0x114: {  	v19 =	vor.u32 v52, v15;
	v26 =	vor.u32 v40, v59;
	[tilespmem:v27+s19+$0x0] =	vst.idx.msk $0xffff, v16;
	v17 =	vld.idx.msk [tilespmem:v17+s4+$0x0], $0xffff  }
0x115: {  	v25 =	vor.u32 v62, v8;
	v51 =	vld [tilespmem:$0x1FEF0];
	[tilespmem:v24+s19+$0x0] =	vst.idx.msk $0xffff, v22  }
0x116: {  	v18 =	vor.u32 v63, v7;
	v27 =	vor.u32 v34, v60;
	v45 =	vld [tilespmem:$0x1FD60];
	_ =	sdelay $0x1  }
0x117: {  	v23 =	vld.idx.msk [tilespmem:v23+s4+$0x0], $0xffff;
	[tilespmem:v28+s19+$0x0] =	vst.idx.msk $0xffff, v12  }
0x118: {  	v20 =	vor.u32 v63, v6;
	v19 =	vld.idx.msk [tilespmem:v19+s4+$0x0], $0xffff;
	v22 =	vor.u32 v63, v4;
	[tilespmem:v26+s19+$0x0] =	vst.idx.msk $0xffff, v13  }
0x119: {  	v12 =	vor.u32 v29, v57;
	v28 =	vor.u32 v40, v58;
	v29 =	vld [tilespmem:$0x1FD70];
	[tilespmem:v25+s19+$0x0] =	vst.idx.msk $0xffff, v21  }
0x11a: {  	v18 =	vld.idx.msk [tilespmem:v18+s4+$0x0], $0xffff;
	[tilespmem:v27+s19+$0x0] =	vst.idx.msk $0xffff, v17;
	v16 =	vor.u32 v51, v14;
	v24 =	vor.u32 v45, v9  }
0x11b: {  	v50 =	vld [tilespmem:$0x1FF00];
	v26 =	vor.u32 v45, v11;
	_ =	sdelay $0x1  }
0x11c: {  	v20 =	vld.idx.msk [tilespmem:v20+s4+$0x0], $0xffff  }
0x11d: {  	v21 =	vor.u32 v51, v15;
	v22 =	vld.idx.msk [tilespmem:v22+s4+$0x0], $0xffff;
	[tilespmem:v28+s19+$0x0] =	vst.idx.msk $0xffff, v19  }
0x11e: {  	v25 =	vor.u32 v45, v10;
	v13 =	vor.u32 v29, v3;
	v16 =	vld.idx.msk [tilespmem:v16+s4+$0x0], $0xffff;
	[tilespmem:v24+s19+$0x0] =	vst.idx.msk $0xffff, v23  }
0x11f: {  	v17 =	vor.u32 v29, v7;
	v27 =	vor.u32 v50, v59;
	v49 =	vld [tilespmem:$0x1FF10];
	[tilespmem:v26+s19+$0x0] =	vst.idx.msk $0xffff, v18  }
0x120: {  	v23 =	vor.u32 v29, v6;
	v24 =	vor.u32 v45, v8;
	v18 =	vor.u32 v29, v4;
	v29 =	vld [tilespmem:$0x1FD80]  }
0x121: {  	v12 =	vld.idx.msk [tilespmem:v12+s4+$0x0], $0xffff;
	v28 =	vor.u32 v44, v60;
	_ =	sdelay $0x1  }
0x122: {  	v21 =	vld.idx.msk [tilespmem:v21+s4+$0x0], $0xffff;
	[tilespmem:v25+s19+$0x0] =	vst.idx.msk $0xffff, v20  }
0x123: {  	v13 =	vld.idx.msk [tilespmem:v13+s4+$0x0], $0xffff;
	v25 =	vor.u32 v50, v58;
	[tilespmem:v27+s19+$0x0] =	vst.idx.msk $0xffff, v16  }
0x124: {  	v31 =	vld [tilespmem:$0x1FD90];
	[tilespmem:v24+s19+$0x0] =	vst.idx.msk $0xffff, v22;
	v19 =	vor.u32 v49, v14;
	v26 =	vor.u32 v29, v9  }
0x125: {  	v17 =	vld.idx.msk [tilespmem:v17+s4+$0x0], $0xffff;
	[tilespmem:v28+s19+$0x0] =	vst.idx.msk $0xffff, v12;
	v27 =	vor.u32 v29, v11  }
0x126: {  	v61 =	vld [tilespmem:$0x1FF20];
	_ =	sdelay $0x1  }
0x127: {  	v20 =	vor.u32 v46, v57;
	v23 =	vld.idx.msk [tilespmem:v23+s4+$0x0], $0xffff;
	[tilespmem:v25+s19+$0x0] =	vst.idx.msk $0xffff, v21  }
0x128: {  	v22 =	vor.u32 v49, v15;
	v24 =	vor.u32 v29, v10;
	v19 =	vld.idx.msk [tilespmem:v19+s4+$0x0], $0xffff;
	[tilespmem:v26+s19+$0x0] =	vst.idx.msk $0xffff, v13  }
0x129: {  	v16 =	vor.u32 v31, v3;
	v12 =	vor.u32 v31, v7;
	v46 =	vld [tilespmem:$0x1FF30];
	[tilespmem:v27+s19+$0x0] =	vst.idx.msk $0xffff, v17  }
0x12a: {  	v28 =	vor.u32 v61, v59;
	v13 =	vor.u32 v31, v6;
	v17 =	vor.u32 v31, v4;
	v31 =	vld [tilespmem:$0x1FDA0]  }
0x12b: {  	v18 =	vld.idx.msk [tilespmem:v18+s4+$0x0], $0xffff;
	v26 =	vor.u32 v29, v8  }
0x12c: {  	v20 =	vld.idx.msk [tilespmem:v20+s4+$0x0], $0xffff;
	v25 =	vor.u32 v47, v60;
	_ =	sdelay $0x1  }
0x12d: {  	v22 =	vld.idx.msk [tilespmem:v22+s4+$0x0], $0xffff;
	[tilespmem:v24+s19+$0x0] =	vst.idx.msk $0xffff, v23;
	v24 =	vor.u32 v61, v58  }
0x12e: {  	v16 =	vld.idx.msk [tilespmem:v16+s4+$0x0], $0xffff;
	[tilespmem:v28+s19+$0x0] =	vst.idx.msk $0xffff, v19;
	v21 =	vor.u32 v46, v14;
	v27 =	vor.u32 v31, v53  }
0x12f: {  	v29 =	vld [tilespmem:$0x1FDB0];
	[tilespmem:v26+s19+$0x0] =	vst.idx.msk $0xffff, v18  }
0x130: {  	v12 =	vld.idx.msk [tilespmem:v12+s4+$0x0], $0xffff;
	[tilespmem:v25+s19+$0x0] =	vst.idx.msk $0xffff, v20;
	v28 =	vor.u32 v31, v5  }
0x131: {  	v45 =	vld [tilespmem:$0x1FF40]  }
0x132: {  	v13 =	vld.idx.msk [tilespmem:v13+s4+$0x0], $0xffff;
	[tilespmem:v24+s19+$0x0] =	vst.idx.msk $0xffff, v22  }
0x133: {  	v23 =	vor.u32 v30, v57;
	v21 =	vld.idx.msk [tilespmem:v21+s4+$0x0], $0xffff;
	[tilespmem:v27+s19+$0x0] =	vst.idx.msk $0xffff, v16  }
0x134: {  	v18 =	vor.u32 v46, v15;
	v26 =	vor.u32 v31, v2;
	v44 =	vld [tilespmem:$0x1FF50]  }
0x135: {  	v19 =	vor.u32 v29, v3;
	v20 =	vor.u32 v29, v7;
	v24 =	vld [tilespmem:$0x1FC70];
	[tilespmem:v28+s19+$0x0] =	vst.idx.msk $0xffff, v12  }
0x136: {  	v25 =	vor.u32 v45, v59;
	v16 =	vor.u32 v29, v6;
	v12 =	vor.u32 v29, v4;
	v29 =	vld [tilespmem:$0x1FDC0]  }
0x137: {  	v17 =	vld.idx.msk [tilespmem:v17+s4+$0x0], $0xffff  }
0x138: {  	v23 =	vld.idx.msk [tilespmem:v23+s4+$0x0], $0xffff;
	v27 =	vor.u32 v31, v1  }
0x139: {  	v18 =	vld.idx.msk [tilespmem:v18+s4+$0x0], $0xffff  }
0x13a: {  	[tilespmem:v26+s19+$0x0] =	vst.idx.msk $0xffff, v13;
	v19 =	vld.idx.msk [tilespmem:v19+s4+$0x0], $0xffff;
	v22 =	vor.u32 v44, v14;
	v24 =	vor.u32 v24, v60  }
0x13b: {  	v20 =	vld.idx.msk [tilespmem:v20+s4+$0x0], $0xffff;
	[tilespmem:v25+s19+$0x0] =	vst.idx.msk $0xffff, v21;
	v28 =	vor.u32 v29, v53  }
0x13c: {  	v13 =	vor.u32 v0, v57;
	v26 =	vor.u32 v45, v58;
	v0 =	vld [tilespmem:$0x1FDD0]  }
0x13d: {  	v16 =	vld.idx.msk [tilespmem:v16+s4+$0x0], $0xffff;
	[tilespmem:v27+s19+$0x0] =	vst.idx.msk $0xffff, v17  }
0x13e: {  	v12 =	vld.idx.msk [tilespmem:v12+s4+$0x0], $0xffff  }
0x13f: {  	v25 =	vor.u32 v29, v5;
	[tilespmem:v24+s19+$0x0] =	vst.idx.msk $0xffff, v23;
	v22 =	vld.idx.msk [tilespmem:v22+s4+$0x0], $0xffff  }
0x140: {  	v27 =	vor.u32 v29, v2;
	v47 =	vld [tilespmem:$0x1FF60];
	[tilespmem:v28+s19+$0x0] =	vst.idx.msk $0xffff, v19  }
0x141: {  	[tilespmem:v26+s19+$0x0] =	vst.idx.msk $0xffff, v18;
	v13 =	vld.idx.msk [tilespmem:v13+s4+$0x0], $0xffff  }
0x142: {  	v31 =	vld [tilespmem:$0x1FF70]  }
0x143: {  	v21 =	vor.u32 v0, v3;
	v26 =	vor.u32 v43, v60;
	v60 =	vld [tilespmem:$0x1FE50]  }
0x144: {  	v23 =	vor.u32 v0, v7;
	v28 =	vor.u32 v29, v1;
	v62 =	vld [tilespmem:$0x1FE30];
	[tilespmem:v25+s19+$0x0] =	vst.idx.msk $0xffff, v20  }
0x145: {  	v19 =	vor.u32 v0, v6;
	v20 =	vor.u32 v0, v4;
	v0 =	vld [tilespmem:$0x1FDE0];
	[tilespmem:v27+s19+$0x0] =	vst.idx.msk $0xffff, v16  }
0x146: {  	v17 =	vor.u32 v44, v15;
	v16 =	vld [tilespmem:$0x1FC90];
	v24 =	vor.u32 v47, v59;
	_ =	sdelay $0x2  }
0x147: {  	[tilespmem:v28+s19+$0x0] =	vst.idx.msk $0xffff, v12  }
0x148: {  	v21 =	vld.idx.msk [tilespmem:v21+s4+$0x0], $0xffff;
	[tilespmem:v26+s19+$0x0] =	vst.idx.msk $0xffff, v13;
	v25 =	vor.u32 v0, v53  }
0x149: {  	v17 =	vld.idx.msk [tilespmem:v17+s4+$0x0], $0xffff;
	v27 =	vor.u32 v47, v58;
	v16 =	vor.u32 v16, v57;
	[tilespmem:v24+s19+$0x0] =	vst.idx.msk $0xffff, v22  }
0x14a: {  	v18 =	vor.u32 v31, v14;
	v29 =	vld [tilespmem:$0x1FF80]  }
0x14b: {  	v23 =	vld.idx.msk [tilespmem:v23+s4+$0x0], $0xffff;
	v24 =	vor.u32 v0, v5  }
0x14c: {  	v19 =	vld.idx.msk [tilespmem:v19+s4+$0x0], $0xffff;
	v28 =	vor.u32 v0, v2  }
0x14d: {  	v20 =	vld.idx.msk [tilespmem:v20+s4+$0x0], $0xffff;
	[tilespmem:v25+s19+$0x0] =	vst.idx.msk $0xffff, v21;
	v25 =	vor.u32 v0, v1  }
0x14e: {  	[tilespmem:v27+s19+$0x0] =	vst.idx.msk $0xffff, v17;
	v17 =	vor.u32 v32, v55;
	v16 =	vld.idx.msk [tilespmem:v16+s4+$0x0], $0xffff  }
0x14f: {  	v18 =	vld.idx.msk [tilespmem:v18+s4+$0x0], $0xffff;
	v26 =	vor.u32 v29, v59  }
0x150: {  	v30 =	vld [tilespmem:$0x1FF90];
	[tilespmem:v24+s19+$0x0] =	vst.idx.msk $0xffff, v23  }
0x151: {  	v22 =	vor.u32 v39, v3;
	v0 =	vld [tilespmem:$0x1FE00];
	[tilespmem:v28+s19+$0x0] =	vst.idx.msk $0xffff, v19  }
0x152: {  	v12 =	vor.u32 v31, v15;
	[tilespmem:v25+s19+$0x0] =	vst.idx.msk $0xffff, v20  }
0x153: {  	v13 =	vor.u32 v39, v7;
	[tilespmem:v17+s19+$0x0] =	vst.idx.msk $0xffff, v16  }
0x154: {  	v21 =	vor.u32 v39, v6;
	[tilespmem:v26+s19+$0x0] =	vst.idx.msk $0xffff, v18  }
0x155: {  	v14 =	vor.u32 v30, v14;
	v63 =	vld [tilespmem:$0x1FFA0]  }
0x156: {  	v22 =	vld.idx.msk [tilespmem:v22+s4+$0x0], $0xffff;
	v23 =	vor.u32 v39, v4;
	v24 =	vor.u32 v0, v53  }
0x157: {  	v12 =	vld.idx.msk [tilespmem:v12+s4+$0x0], $0xffff;
	v19 =	vor.u32 v52, v57;
	v27 =	vor.u32 v29, v58  }
0x158: {  	v13 =	vld.idx.msk [tilespmem:v13+s4+$0x0], $0xffff;
	v18 =	vor.u32 v38, v3;
	v26 =	vor.u32 v0, v5  }
0x159: {  	v20 =	vld.idx.msk [tilespmem:v21+s4+$0x0], $0xffff;
	v15 =	vor.u32 v30, v15;
	v21 =	vor.u32 v0, v2  }
0x15a: {  	v16 =	vor.u32 v38, v7;
	v14 =	vld.idx.msk [tilespmem:v14+s4+$0x0], $0xffff;
	v17 =	vor.u32 v63, v59  }
0x15b: {  	v23 =	vld.idx.msk [tilespmem:v23+s4+$0x0], $0xffff;
	[tilespmem:v24+s19+$0x0] =	vst.idx.msk $0xffff, v22;
	v22 =	vor.u32 v38, v6;
	v24 =	vor.u32 v0, v1  }
0x15c: {  	v25 =	vor.u32 v40, v55;
	v19 =	vld.idx.msk [tilespmem:v19+s4+$0x0], $0xffff;
	[tilespmem:v27+s19+$0x0] =	vst.idx.msk $0xffff, v12;
	v12 =	vor.u32 v51, v56  }
0x15d: {  	[tilespmem:v26+s19+$0x0] =	vst.idx.msk $0xffff, v13;
	v13 =	vor.u32 v38, v4;
	v26 =	vor.u32 v41, v53;
	v18 =	vld.idx.msk [tilespmem:v18+s4+$0x0], $0xffff  }
0x15e: {  	v15 =	vld.idx.msk [tilespmem:v15+s4+$0x0], $0xffff;
	[tilespmem:v21+s19+$0x0] =	vst.idx.msk $0xffff, v20;
	v20 =	vor.u32 v51, v57;
	v21 =	vor.u32 v63, v58  }
0x15f: {  	v16 =	vld.idx.msk [tilespmem:v16+s4+$0x0], $0xffff;
	[tilespmem:v17+s19+$0x0] =	vst.idx.msk $0xffff, v14;
	v14 =	vor.u32 v62, v3;
	v17 =	vor.u32 v41, v5  }
0x160: {  	v22 =	vld.idx.msk [tilespmem:v22+s4+$0x0], $0xffff;
	[tilespmem:v24+s19+$0x0] =	vst.idx.msk $0xffff, v23;
	v23 =	vor.u32 v41, v2;
	v24 =	vor.u32 v62, v7  }
0x161: {  	[tilespmem:v25+s19+$0x0] =	vst.idx.msk $0xffff, v19;
	v19 =	vor.u32 v62, v6;
	v25 =	vor.u32 v50, v48;
	v12 =	vld.idx.msk [tilespmem:v12+s4+$0x0], $0xffff  }
0x162: {  	v13 =	vld.idx.msk [tilespmem:v13+s4+$0x0], $0xffff;
	[tilespmem:v26+s19+$0x0] =	vst.idx.msk $0xffff, v18;
	v18 =	vor.u32 v41, v1;
	v26 =	vor.u32 v49, v56  }
0x163: {  	v20 =	vld.idx.msk [tilespmem:v20+s4+$0x0], $0xffff;
	[tilespmem:v21+s19+$0x0] =	vst.idx.msk $0xffff, v15;
	v15 =	vor.u32 v62, v4;
	v21 =	vor.u32 v50, v55  }
0x164: {  	v14 =	vld.idx.msk [tilespmem:v14+s4+$0x0], $0xffff;
	[tilespmem:v17+s19+$0x0] =	vst.idx.msk $0xffff, v16;
	v16 =	vor.u32 v36, v53;
	v17 =	vor.u32 v49, v57  }
0x165: {  	[tilespmem:v23+s19+$0x0] =	vst.idx.msk $0xffff, v22;
	v22 =	vor.u32 v60, v3;
	v23 =	vld.idx.msk [tilespmem:v24+s4+$0x0], $0xffff;
	v24 =	vor.u32 v36, v5  }
0x166: {  	[tilespmem:v25+s19+$0x0] =	vst.idx.msk $0xffff, v12;
	v12 =	vor.u32 v36, v2;
	v25 =	vor.u32 v60, v7;
	v19 =	vld.idx.msk [tilespmem:v19+s4+$0x0], $0xffff  }
0x167: {  	[tilespmem:v18+s19+$0x0] =	vst.idx.msk $0xffff, v13;
	v13 =	vld.idx.msk [tilespmem:v26+s4+$0x0], $0xffff;
	v26 =	vor.u32 v61, v48  }
0x168: {  	[tilespmem:v21+s19+$0x0] =	vst.idx.msk $0xffff, v20;
	v20 =	vor.u32 v36, v1;
	v15 =	vld.idx.msk [tilespmem:v15+s4+$0x0], $0xffff  }
0x169: {  	[tilespmem:v16+s19+$0x0] =	vst.idx.msk $0xffff, v14;
	v14 =	vld.idx.msk [tilespmem:v17+s4+$0x0], $0xffff;
	v17 =	vor.u32 v61, v55  }
0x16a: {  	v22 =	vld.idx.msk [tilespmem:v22+s4+$0x0], $0xffff;
	[tilespmem:v24+s19+$0x0] =	vst.idx.msk $0xffff, v23;
	v23 =	vor.u32 v33, v53  }
0x16b: {  	v18 =	vor.u32 v60, v6;
	[tilespmem:v12+s19+$0x0] =	vst.idx.msk $0xffff, v19;
	v19 =	vld.idx.msk [tilespmem:v25+s4+$0x0], $0xffff;
	v25 =	vor.u32 v33, v5  }
0x16c: {  	[tilespmem:v26+s19+$0x0] =	vst.idx.msk $0xffff, v13  }
0x16d: {  	v21 =	vor.u32 v46, v56;
	[tilespmem:v20+s19+$0x0] =	vst.idx.msk $0xffff, v15  }
0x16e: {  	v16 =	vor.u32 v60, v4;
	[tilespmem:v17+s19+$0x0] =	vst.idx.msk $0xffff, v14  }
0x16f: {  	v24 =	vor.u32 v46, v57;
	[tilespmem:v23+s19+$0x0] =	vst.idx.msk $0xffff, v22  }
0x170: {  	v12 =	vor.u32 v35, v3;
	v18 =	vld.idx.msk [tilespmem:v18+s4+$0x0], $0xffff;
	[tilespmem:v25+s19+$0x0] =	vst.idx.msk $0xffff, v19  }
0x171: {  	v13 =	vor.u32 v33, v2;
	v26 =	vor.u32 v35, v7;
	v27 =	vld [tilespmem:$0x1FC10]  }
0x172: {  	v15 =	vld.idx.msk [tilespmem:v21+s4+$0x0], $0xffff  }
0x173: {  	v21 =	vor.u32 v45, v48;
	v16 =	vld.idx.msk [tilespmem:v16+s4+$0x0], $0xffff  }
0x174: {  	v14 =	vor.u32 v33, v1;
	v22 =	vld.idx.msk [tilespmem:v24+s4+$0x0], $0xffff  }
0x175: {  	v24 =	vor.u32 v45, v55;
	v12 =	vld.idx.msk [tilespmem:v12+s4+$0x0], $0xffff  }
0x176: {  	[tilespmem:v13+s19+$0x0] =	vst.idx.msk $0xffff, v18;
	v18 =	vld.idx.msk [tilespmem:v26+s4+$0x0], $0xffff;
	v19 =	vor.u32 v27, v53  }
0x177: {  	v20 =	vor.u32 v35, v6;
	v0 =	vld [tilespmem:$0x1FE80];
	v26 =	vor.u32 v27, v5  }
0x178: {  	[tilespmem:v21+s19+$0x0] =	vst.idx.msk $0xffff, v15  }
0x179: {  	v17 =	vor.u32 v44, v56;
	[tilespmem:v14+s19+$0x0] =	vst.idx.msk $0xffff, v16  }
0x17a: {  	v23 =	vor.u32 v35, v4;
	[tilespmem:v24+s19+$0x0] =	vst.idx.msk $0xffff, v22  }
0x17b: {  	v25 =	vor.u32 v44, v57;
	[tilespmem:v19+s19+$0x0] =	vst.idx.msk $0xffff, v12  }
0x17c: {  	v20 =	vld.idx.msk [tilespmem:v20+s4+$0x0], $0xffff;
	v15 =	vor.u32 v27, v2;
	v13 =	vor.u32 v0, v3;
	[tilespmem:v26+s19+$0x0] =	vst.idx.msk $0xffff, v18  }
0x17d: {  	v21 =	vor.u32 v0, v7;
	v16 =	vor.u32 v0, v6;
	v19 =	vor.u32 v0, v4;
	v0 =	vld [tilespmem:$0x1FE90]  }
0x17e: {  	v14 =	vld.idx.msk [tilespmem:v17+s4+$0x0], $0xffff  }
0x17f: {  	v17 =	vor.u32 v47, v48;
	v23 =	vld.idx.msk [tilespmem:v23+s4+$0x0], $0xffff  }
0x180: {  	v22 =	vor.u32 v27, v1;
	v12 =	vld.idx.msk [tilespmem:v25+s4+$0x0], $0xffff  }
0x181: {  	v24 =	vor.u32 v31, v56;
	v25 =	vor.u32 v47, v55;
	v13 =	vld.idx.msk [tilespmem:v13+s4+$0x0], $0xffff  }
0x182: {  	[tilespmem:v15+s19+$0x0] =	vst.idx.msk $0xffff, v20;
	v20 =	vld.idx.msk [tilespmem:v21+s4+$0x0], $0xffff;
	v18 =	vor.u32 v0, v9  }
0x183: {  	v26 =	vor.u32 v31, v57;
	v27 =	vld [tilespmem:$0x1FEA0];
	v21 =	vor.u32 v0, v11  }
0x184: {  	[tilespmem:v17+s19+$0x0] =	vst.idx.msk $0xffff, v14  }
0x185: {  	v16 =	vld.idx.msk [tilespmem:v16+s4+$0x0], $0xffff;
	[tilespmem:v22+s19+$0x0] =	vst.idx.msk $0xffff, v23  }
0x186: {  	v22 =	vld.idx.msk [tilespmem:v24+s4+$0x0], $0xffff;
	[tilespmem:v25+s19+$0x0] =	vst.idx.msk $0xffff, v12  }
0x187: {  	v12 =	vld.idx.msk [tilespmem:v19+s4+$0x0], $0xffff;
	v14 =	vor.u32 v0, v10;
	[tilespmem:v18+s19+$0x0] =	vst.idx.msk $0xffff, v13  }
0x188: {  	v24 =	vor.u32 v29, v48;
	v15 =	vor.u32 v27, v3;
	v18 =	vld.idx.msk [tilespmem:v26+s4+$0x0], $0xffff;
	[tilespmem:v21+s19+$0x0] =	vst.idx.msk $0xffff, v20  }
0x189: {  	v19 =	vor.u32 v0, v8;
	v17 =	vor.u32 v27, v7;
	v26 =	vld [tilespmem:$0x1FEB0];
	_ =	sdelay $0x1  }
0x18a: {  	v23 =	vor.u32 v27, v6  }
0x18b: {  	[tilespmem:v14+s19+$0x0] =	vst.idx.msk $0xffff, v16  }
0x18c: {  	v25 =	vor.u32 v29, v55;
	v15 =	vld.idx.msk [tilespmem:v15+s4+$0x0], $0xffff;
	[tilespmem:v24+s19+$0x0] =	vst.idx.msk $0xffff, v22  }
0x18d: {  	v14 =	vld.idx.msk [tilespmem:v17+s4+$0x0], $0xffff;
	[tilespmem:v19+s19+$0x0] =	vst.idx.msk $0xffff, v12;
	v21 =	vor.u32 v26, v9  }
0x18e: {  	v13 =	vor.u32 v30, v56;
	v0 =	vld [tilespmem:$0x1FFC0];
	v16 =	vor.u32 v26, v11  }
0x18f: {  	v20 =	vor.u32 v27, v4;
	v22 =	vld.idx.msk [tilespmem:v23+s4+$0x0], $0xffff;
	v23 =	vor.u32 v26, v10;
	_ =	sdelay $0x1  }
0x190: {  	[tilespmem:v25+s19+$0x0] =	vst.idx.msk $0xffff, v18  }
0x191: {  	v17 =	vor.u32 v30, v57;
	[tilespmem:v21+s19+$0x0] =	vst.idx.msk $0xffff, v15  }
0x192: {  	v13 =	vld.idx.msk [tilespmem:v13+s4+$0x0], $0xffff;
	v18 =	vor.u32 v63, v48;
	v19 =	vor.u32 v0, v3;
	[tilespmem:v16+s19+$0x0] =	vst.idx.msk $0xffff, v14  }
0x193: {  	v27 =	vld.idx.msk [tilespmem:v20+s4+$0x0], $0xffff;
	v28 =	vor.u32 v26, v8;
	v24 =	vor.u32 v0, v7;
	[tilespmem:v23+s19+$0x0] =	vst.idx.msk $0xffff, v22  }
0x194: {  	v21 =	vor.u32 v0, v6;
	v0 =	vld [tilespmem:$0x1FC20];
	_ =	sdelay $0x1  }
0x195: {  	v15 =	vld.idx.msk [tilespmem:v17+s4+$0x0], $0xffff  }
0x196: {  	v12 =	vor.u32 v54, v6;
	v16 =	vor.u32 v63, v55;
	v17 =	vld.idx.msk [tilespmem:v19+s4+$0x0], $0xffff;
	[tilespmem:v18+s19+$0x0] =	vst.idx.msk $0xffff, v13  }
0x197: {  	v18 =	vor.u32 v54, v3;
	v20 =	vld.idx.msk [tilespmem:v24+s4+$0x0], $0xffff;
	[tilespmem:v28+s19+$0x0] =	vst.idx.msk $0xffff, v27;
	v28 =	vor.u32 v54, v7  }
0x198: {  	s28 =	simm.s32 $0x8;
	v25 =	vld.idx.msk [tilespmem:v21+s4+$0x0], $0xffff;
	v19 =	vor.u32 v0, v9;
	v26 =	vor.u32 v0, v11;
	v27 =	vor.u32 v0, v10  }
.LBB2_3:
0x199: {  	v47 =	vld [tilespmem:$0x1FFE0]  }
0x19a: {  	v0 =	vld [tilespmem:$0x1FFC0]  }
0x19b: {  	v48 =	vld [tilespmem:$0x1FFF0]  }
0x19c: {  	v46 =	vld [tilespmem:$0x1FC30]  }
0x19d: {  	v44 =	vld [tilespmem:$0x1FC20]  }
0x19e: {  	v45 =	vld [tilespmem:$0x1FCA0]  }
0x19f: {  	v55 =	vld [tilespmem:$0x1FFD0]  }
0x1a0: {  	s29 =	sadd.s32 $0x1, s28;
	v54 =	vld [tilespmem:$0x1FC40]  }
0x1a1: {  	v13 =	vadd.s32 s28, v37;
	s30 =	sadd.s32 $0x3, s28;
	s31 =	smov.u32 s28;
	v62 =	vlaneseq.u32;
	v49 =	vld [tilespmem:$0x1FC50];
	v24 =	vadd.s32 s29, v37;
	[tilespmem:v16+s19+$0x0] =	vst.idx.msk $0xffff, v15  }
0x1a2: {  	v51 =	vld [tilespmem:$0x1FCD0];
	v23 =	vand.u32 $0xF, v13;
	s31 =	sadd.s32 $0x2, s31;
	v14 =	vadd.s32 s30, v37;
	v22 =	vand.u32 $0xF, v24;
	[tilespmem:v19+s19+$0x0] =	vst.idx.msk $0xffff, v17  }
0x1a3: {  	v50 =	vld [tilespmem:$0x1FC60];
	v15 =	vshll.u32 v23, $0x7;
	v19 =	vadd.s32 s31, v37;
	[tilespmem:v26+s19+$0x0] =	vst.idx.msk $0xffff, v20;
	v30 =	vor.u32 v0, v4  }
0x1a4: {  	v29 =	vor.u32 v47, v9;
	v31 =	vld.idx.msk [tilespmem:v18+s4+$0x0], $0xffff;
	v32 =	vor.u32 v37, v15;
	v21 =	vand.u32 $0xF, v19  }
0x1a5: {  	v20 =	vshll.u32 v22, $0x7;
	[tilespmem:v27+s19+$0x0] =	vst.idx.msk $0xffff, v25;
	v26 =	vor.u32 v48, v3;
	v25 =	vld.idx.msk [tilespmem:v28+s4+$0x0], $0xffff;
	v17 =	vshll.u32 v21, $0x7  }
0x1a6: {  	v18 =	vand.u32 $0xF, v14;
	v28 =	vld.idx.msk [tilespmem:v12+s4+$0x0], $0xffff;
	v12 =	vor.u32 v46, v20;
	v27 =	vor.u32 v37, v17  }
0x1a7: {  	v33 =	vor.u32 v47, v11;
	v34 =	vor.u32 v37, v20;
	[tilespmem:$0x1FC00] =	vst v12;
	v16 =	vshll.u32 v18, $0x7;
	v12 =	vld [tilespmem:$0x1FCB0]  }
0x1a8: {  	v37 =	vor.u32 v62, v16;
	v30 =	vld.idx.msk [tilespmem:v30+s4+$0x0], $0xffff  }
0x1a9: {  	v35 =	vor.u32 v47, v10;
	v32 =	vld.idx.msk [tilespmem:v32+s4+$0x0], $0xffff;
	[tilespmem:v29+s19+$0x0] =	vst.idx.msk $0xffff, v31  }
0x1aa: {  	v36 =	vor.u32 v48, v7;
	v26 =	vld.idx.msk [tilespmem:v26+s4+$0x0], $0xffff  }
0x1ab: {  	v38 =	vor.u32 v55, v9;
	v39 =	vor.u32 v48, v6;
	v29 =	vor.u32 v44, v8;
	v27 =	vld.idx.msk [tilespmem:v27+s4+$0x0], $0xffff  }
0x1ac: {  	v52 =	vor.u32 v54, v3;
	v31 =	vor.u32 v45, v23;
	[tilespmem:v33+s19+$0x0] =	vst.idx.msk $0xffff, v25;
	v25 =	vld.idx.msk [tilespmem:v34+s4+$0x0], $0xffff  }
0x1ad: {  	v63 =	vor.u32 v45, v21;
	v40 =	vor.u32 v12, v15;
	v42 =	vor.u32 v12, v20;
	v37 =	vld.idx.msk [tilespmem:v37+s4+$0x0], $0xffff  }
0x1ae: {  	v56 =	vor.u32 v12, v16;
	[tilespmem:v35+s19+$0x0] =	vst.idx.msk $0xffff, v28;
	v28 =	vor.u32 v12, v17;
	v12 =	vld [tilespmem:$0x1FCC0]  }
0x1af: {  	v36 =	vld.idx.msk [tilespmem:v36+s4+$0x0], $0xffff  }
0x1b0: {  	v41 =	vor.u32 v45, v22;
	[tilespmem:v29+s19+$0x0] =	vst.idx.msk $0xffff, v30;
	v30 =	vld.idx.msk [tilespmem:v39+s4+$0x0], $0xffff  }
0x1b1: {  	[tilespmem:v31+s19+$0x0] =	vst.idx.msk $0xffff, v32;
	v29 =	vor.u32 v45, v18;
	v45 =	vld [tilespmem:$0x1FC70]  }
0x1b2: {  	v32 =	vld.idx.msk [tilespmem:v40+s4+$0x0], $0xffff;
	[tilespmem:v38+s19+$0x0] =	vst.idx.msk $0xffff, v26  }
0x1b3: {  	v43 =	vor.u32 v55, v11;
	[tilespmem:v63+s19+$0x0] =	vst.idx.msk $0xffff, v27;
	v27 =	vld.idx.msk [tilespmem:v52+s4+$0x0], $0xffff  }
0x1b4: {  	v31 =	vor.u32 v54, v7;
	v52 =	vld [tilespmem:$0x1FCE0]  }
0x1b5: {  	[tilespmem:v41+s19+$0x0] =	vst.idx.msk $0xffff, v25;
	v28 =	vld.idx.msk [tilespmem:v28+s4+$0x0], $0xffff  }
0x1b6: {  	v26 =	vor.u32 v55, v10;
	v40 =	vld.idx.msk [tilespmem:v42+s4+$0x0], $0xffff  }
0x1b7: {  	v58 =	vor.u32 v54, v6;
	v57 =	vor.u32 v12, v23;
	v42 =	vld [tilespmem:$0x1FE50]  }
0x1b8: {  	[tilespmem:v43+s19+$0x0] =	vst.idx.msk $0xffff, v36;
	v43 =	vld [tilespmem:$0x1FC80]  }
0x1b9: {  	v59 =	vor.u32 v51, v15;
	v35 =	vor.u32 v49, v9;
	[tilespmem:v29+s19+$0x0] =	vst.idx.msk $0xffff, v37;
	v31 =	vld.idx.msk [tilespmem:v31+s4+$0x0], $0xffff  }
0x1ba: {  	v60 =	vor.u32 v12, v21;
	v39 =	vld.idx.msk [tilespmem:v56+s4+$0x0], $0xffff  }
0x1bb: {  	v25 =	vor.u32 v12, v22;
	[tilespmem:v26+s19+$0x0] =	vst.idx.msk $0xffff, v30;
	v30 =	vor.u32 v12, v18;
	v12 =	vld [tilespmem:$0x1FFB0]  }
0x1bc: {  	v61 =	vor.u32 v50, v3;
	[tilespmem:v57+s19+$0x0] =	vst.idx.msk $0xffff, v32;
	v32 =	vld.idx.msk [tilespmem:v58+s4+$0x0], $0xffff  }
0x1bd: {  	v62 =	vor.u32 v51, v17;
	v63 =	vor.u32 v51, v20;
	v57 =	vor.u32 v51, v16;
	v51 =	vld [tilespmem:$0x1FD00]  }
0x1be: {  	v26 =	vor.u32 v49, v11;
	v34 =	vld.idx.msk [tilespmem:v59+s4+$0x0], $0xffff;
	[tilespmem:v35+s19+$0x0] =	vst.idx.msk $0xffff, v27  }
0x1bf: {  	v56 =	vor.u32 v50, v7;
	[tilespmem:v60+s19+$0x0] =	vst.idx.msk $0xffff, v28;
	v60 =	vld [tilespmem:$0x1FCF0]  }
0x1c0: {  	[tilespmem:v25+s19+$0x0] =	vst.idx.msk $0xffff, v40;
	v40 =	vld [tilespmem:$0x1FD20]  }
0x1c1: {  	v27 =	vor.u32 v49, v10;
	v28 =	vld.idx.msk [tilespmem:v61+s4+$0x0], $0xffff  }
0x1c2: {  	v58 =	vor.u32 v52, v23;
	v59 =	vor.u32 v50, v6;
	v36 =	vld.idx.msk [tilespmem:v62+s4+$0x0], $0xffff  }
0x1c3: {  	v37 =	vld.idx.msk [tilespmem:v63+s4+$0x0], $0xffff;
	v62 =	vor.u32 v52, v21;
	[tilespmem:v26+s19+$0x0] =	vst.idx.msk $0xffff, v31  }
0x1c4: {  	[tilespmem:v30+s19+$0x0] =	vst.idx.msk $0xffff, v39;
	v30 =	vld.idx.msk [tilespmem:v56+s4+$0x0], $0xffff;
	v61 =	vor.u32 v60, v15  }
0x1c5: {  	v25 =	vor.u32 v52, v22;
	v33 =	vld.idx.msk [tilespmem:v57+s4+$0x0], $0xffff;
	v26 =	vor.u32 v60, v17  }
0x1c6: {  	v56 =	vld [tilespmem:$0x1FD10];
	v31 =	vor.u32 v60, v20;
	[tilespmem:v27+s19+$0x0] =	vst.idx.msk $0xffff, v32  }
0x1c7: {  	v29 =	vor.u32 v45, v9;
	[tilespmem:v58+s19+$0x0] =	vst.idx.msk $0xffff, v34;
	v34 =	vld.idx.msk [tilespmem:v59+s4+$0x0], $0xffff  }
0x1c8: {  	v63 =	vor.u32 v12, v3;
	[tilespmem:v62+s19+$0x0] =	vst.idx.msk $0xffff, v36;
	v62 =	vld [tilespmem:$0x1FEC0]  }
0x1c9: {  	v27 =	vor.u32 v45, v11;
	v38 =	vld.idx.msk [tilespmem:v61+s4+$0x0], $0xffff  }
0x1ca: {  	v35 =	vor.u32 v12, v7;
	v32 =	vor.u32 v52, v18;
	[tilespmem:v25+s19+$0x0] =	vst.idx.msk $0xffff, v37;
	v25 =	vld.idx.msk [tilespmem:v26+s4+$0x0], $0xffff  }
0x1cb: {  	v39 =	vor.u32 v60, v16;
	v26 =	vld.idx.msk [tilespmem:v31+s4+$0x0], $0xffff  }
0x1cc: {  	[tilespmem:v29+s19+$0x0] =	vst.idx.msk $0xffff, v28;
	v61 =	vld [tilespmem:$0x1FED0]  }
0x1cd: {  	v28 =	vor.u32 v45, v10;
	v36 =	vld.idx.msk [tilespmem:v63+s4+$0x0], $0xffff  }
0x1ce: {  	v52 =	vor.u32 v12, v6;
	v29 =	vor.u32 v51, v23;
	[tilespmem:v27+s19+$0x0] =	vst.idx.msk $0xffff, v30;
	v63 =	vld [tilespmem:$0x1FC90]  }
0x1cf: {  	v31 =	vor.u32 v51, v21;
	[tilespmem:v32+s19+$0x0] =	vst.idx.msk $0xffff, v33;
	v32 =	vld.idx.msk [tilespmem:v35+s4+$0x0], $0xffff  }
0x1d0: {  	v9 =	vor.u32 v43, v9;
	v41 =	vor.u32 v56, v15;
	v58 =	vor.u32 v56, v20;
	v35 =	vld.idx.msk [tilespmem:v39+s4+$0x0], $0xffff  }
0x1d1: {  	v27 =	vor.u32 v51, v22;
	v30 =	vor.u32 v56, v17;
	v39 =	vor.u32 v56, v16;
	v56 =	vld [tilespmem:$0x1FD30]  }
0x1d2: {  	[tilespmem:v28+s19+$0x0] =	vst.idx.msk $0xffff, v34;
	v28 =	vor.u32 v51, v18;
	v51 =	vld [tilespmem:$0x1FE20]  }
0x1d3: {  	[tilespmem:v29+s19+$0x0] =	vst.idx.msk $0xffff, v38;
	v29 =	vld.idx.msk [tilespmem:v52+s4+$0x0], $0xffff  }
0x1d4: {  	v11 =	vor.u32 v43, v11;
	[tilespmem:v31+s19+$0x0] =	vst.idx.msk $0xffff, v25;
	v57 =	vor.u32 v63, v3;
	v52 =	vld [tilespmem:$0x1FE00]  }
0x1d5: {  	v59 =	vor.u32 v63, v7;
	v38 =	vld.idx.msk [tilespmem:v41+s4+$0x0], $0xffff;
	[tilespmem:v9+s19+$0x0] =	vst.idx.msk $0xffff, v36  }
0x1d6: {  	v9 =	vor.u32 v43, v10;
	[tilespmem:v27+s19+$0x0] =	vst.idx.msk $0xffff, v26;
	v26 =	vld.idx.msk [tilespmem:v30+s4+$0x0], $0xffff  }
0x1d7: {  	v10 =	vor.u32 v40, v23;
	v41 =	vld [tilespmem:$0x1FD60]  }
0x1d8: {  	v31 =	vor.u32 v63, v6;
	v30 =	vld.idx.msk [tilespmem:v58+s4+$0x0], $0xffff  }
0x1d9: {  	[tilespmem:v11+s19+$0x0] =	vst.idx.msk $0xffff, v32;
	v25 =	vld.idx.msk [tilespmem:v57+s4+$0x0], $0xffff;
	v57 =	vor.u32 v56, v15  }
0x1da: {  	v33 =	vor.u32 v40, v21;
	v27 =	vor.u32 v62, v53;
	[tilespmem:v28+s19+$0x0] =	vst.idx.msk $0xffff, v35;
	v28 =	vld.idx.msk [tilespmem:v59+s4+$0x0], $0xffff  }
0x1db: {  	v11 =	vor.u32 v40, v22;
	v58 =	vor.u32 v56, v17;
	v35 =	vld.idx.msk [tilespmem:v39+s4+$0x0], $0xffff;
	[tilespmem:v9+s19+$0x0] =	vst.idx.msk $0xffff, v29  }
0x1dc: {  	v59 =	vor.u32 v56, v20;
	[tilespmem:v10+s19+$0x0] =	vst.idx.msk $0xffff, v38;
	v10 =	vor.u32 v40, v18;
	v40 =	vld [tilespmem:$0x1FD50]  }
0x1dd: {  	v60 =	vor.u32 v61, v3;
	v29 =	vld.idx.msk [tilespmem:v31+s4+$0x0], $0xffff  }
0x1de: {  	v36 =	vld.idx.msk [tilespmem:v57+s4+$0x0], $0xffff  }
0x1df: {  	v9 =	vor.u32 v62, v5;
	[tilespmem:v33+s19+$0x0] =	vst.idx.msk $0xffff, v26;
	v57 =	vld [tilespmem:$0x1FD40]  }
0x1e0: {  	v31 =	vor.u32 v61, v7;
	[tilespmem:v11+s19+$0x0] =	vst.idx.msk $0xffff, v30;
	v11 =	vld.idx.msk [tilespmem:v58+s4+$0x0], $0xffff  }
0x1e1: {  	v56 =	vor.u32 v56, v16;
	[tilespmem:v27+s19+$0x0] =	vst.idx.msk $0xffff, v25;
	v32 =	vld.idx.msk [tilespmem:v59+s4+$0x0], $0xffff  }
0x1e2: {  	v33 =	vor.u32 v46, v4;
	v26 =	vld.idx.msk [tilespmem:v60+s4+$0x0], $0xffff  }
0x1e3: {  	v25 =	vor.u32 v62, v2;
	v60 =	vld [tilespmem:$0x1FEE0]  }
0x1e4: {  	v39 =	vor.u32 v61, v6;
	[tilespmem:v9+s19+$0x0] =	vst.idx.msk $0xffff, v28;
	v59 =	vld [tilespmem:$0x1FEF0];
	v34 =	vor.u32 v57, v21  }
0x1e5: {  	[tilespmem:v10+s19+$0x0] =	vst.idx.msk $0xffff, v35;
	v10 =	vld.idx.msk [tilespmem:v31+s4+$0x0], $0xffff;
	v27 =	vor.u32 v57, v23  }
0x1e6: {  	v35 =	vld.idx.msk [tilespmem:v56+s4+$0x0], $0xffff;
	v9 =	vor.u32 v57, v22  }
0x1e7: {  	v37 =	vor.u32 v40, v15;
	v28 =	vor.u32 v40, v17;
	v58 =	vor.u32 v40, v16;
	v33 =	vld.idx.msk [tilespmem:v33+s4+$0x0], $0xffff  }
0x1e8: {  	v31 =	vor.u32 v40, v20;
	v40 =	vld [tilespmem:$0x1FD70];
	[tilespmem:v25+s19+$0x0] =	vst.idx.msk $0xffff, v29;
	v30 =	vor.u32 v60, v53  }
0x1e9: {  	v25 =	vor.u32 v60, v5;
	[tilespmem:v34+s19+$0x0] =	vst.idx.msk $0xffff, v11;
	v11 =	vld.idx.msk [tilespmem:v39+s4+$0x0], $0xffff  }
0x1ea: {  	v29 =	vor.u32 v59, v7;
	[tilespmem:v27+s19+$0x0] =	vst.idx.msk $0xffff, v36;
	v27 =	vor.u32 v57, v18;
	v57 =	vld [tilespmem:$0x1FF10]  }
0x1eb: {  	[tilespmem:v9+s19+$0x0] =	vst.idx.msk $0xffff, v32;
	v32 =	vor.u32 v54, v4;
	v54 =	vld [tilespmem:$0x1FF40]  }
0x1ec: {  	v36 =	vld.idx.msk [tilespmem:v37+s4+$0x0], $0xffff  }
0x1ed: {  	v38 =	vor.u32 v40, v15;
	[tilespmem:v30+s19+$0x0] =	vst.idx.msk $0xffff, v26;
	v9 =	vld.idx.msk [tilespmem:v28+s4+$0x0], $0xffff  }
0x1ee: {  	v56 =	vor.u32 v40, v16;
	v26 =	vor.u32 v47, v8;
	v31 =	vld.idx.msk [tilespmem:v31+s4+$0x0], $0xffff;
	[tilespmem:v25+s19+$0x0] =	vst.idx.msk $0xffff, v10  }
0x1ef: {  	v34 =	vor.u32 v48, v4;
	v28 =	vor.u32 v60, v2;
	[tilespmem:v27+s19+$0x0] =	vst.idx.msk $0xffff, v35;
	v27 =	vld.idx.msk [tilespmem:v29+s4+$0x0], $0xffff  }
0x1f0: {  	v30 =	vor.u32 v41, v23;
	v25 =	vor.u32 v40, v17;
	v29 =	vor.u32 v40, v20;
	v40 =	vld [tilespmem:$0x1FD90]  }
0x1f1: {  	v35 =	vld.idx.msk [tilespmem:v58+s4+$0x0], $0xffff  }
0x1f2: {  	v48 =	vor.u32 v59, v6;
	v47 =	vor.u32 v41, v21;
	v58 =	vld [tilespmem:$0x1FF00]  }
0x1f3: {  	v10 =	vor.u32 v41, v22;
	[tilespmem:v26+s19+$0x0] =	vst.idx.msk $0xffff, v33;
	v26 =	vor.u32 v41, v18;
	v41 =	vld [tilespmem:$0x1FD80]  }
0x1f4: {  	[tilespmem:v28+s19+$0x0] =	vst.idx.msk $0xffff, v11;
	v11 =	vor.u32 v55, v8;
	v55 =	vld [tilespmem:$0x1FF30]  }
0x1f5: {  	[tilespmem:v30+s19+$0x0] =	vst.idx.msk $0xffff, v36;
	v33 =	vld.idx.msk [tilespmem:v34+s4+$0x0], $0xffff  }
0x1f6: {  	v34 =	vld.idx.msk [tilespmem:v38+s4+$0x0], $0xffff  }
0x1f7: {  	[tilespmem:v47+s19+$0x0] =	vst.idx.msk $0xffff, v9;
	v9 =	vld.idx.msk [tilespmem:v48+s4+$0x0], $0xffff  }
0x1f8: {  	[tilespmem:v10+s19+$0x0] =	vst.idx.msk $0xffff, v31;
	v10 =	vld.idx.msk [tilespmem:v25+s4+$0x0], $0xffff;
	v25 =	vor.u32 v58, v2  }
0x1f9: {  	v29 =	vld.idx.msk [tilespmem:v29+s4+$0x0], $0xffff;
	v37 =	vor.u32 v58, v5;
	[tilespmem:v26+s19+$0x0] =	vst.idx.msk $0xffff, v35  }
0x1fa: {  	v30 =	vor.u32 v57, v7;
	v28 =	vor.u32 v41, v23;
	v35 =	vld.idx.msk [tilespmem:v56+s4+$0x0], $0xffff  }
0x1fb: {  	v48 =	vor.u32 v40, v15;
	v56 =	vld [tilespmem:$0x1FF20];
	[tilespmem:v11+s19+$0x0] =	vst.idx.msk $0xffff, v33  }
0x1fc: {  	v31 =	vor.u32 v41, v21;
	v32 =	vld.idx.msk [tilespmem:v32+s4+$0x0], $0xffff  }
0x1fd: {  	v47 =	vor.u32 v57, v6;
	[tilespmem:v25+s19+$0x0] =	vst.idx.msk $0xffff, v9;
	v9 =	vor.u32 v49, v8;
	v49 =	vld [tilespmem:$0x1FDA0]  }
0x1fe: {  	v11 =	vor.u32 v41, v18;
	[tilespmem:v37+s19+$0x0] =	vst.idx.msk $0xffff, v27;
	v27 =	vor.u32 v41, v22;
	v41 =	vld [tilespmem:$0x1FF60]  }
0x1ff: {  	v37 =	vor.u32 v40, v17;
	[tilespmem:v28+s19+$0x0] =	vst.idx.msk $0xffff, v34;
	v26 =	vld.idx.msk [tilespmem:v30+s4+$0x0], $0xffff  }
0x200: {  	v30 =	vor.u32 v40, v20;
	v36 =	vor.u32 v56, v5;
	v33 =	vld.idx.msk [tilespmem:v48+s4+$0x0], $0xffff  }
0x201: {  	v48 =	vor.u32 v40, v16;
	[tilespmem:v31+s19+$0x0] =	vst.idx.msk $0xffff, v10;
	v31 =	vor.u32 v50, v4;
	v50 =	vld [tilespmem:$0x1FDB0]  }
0x202: {  	v28 =	vor.u32 v55, v7;
	v10 =	vld.idx.msk [tilespmem:v47+s4+$0x0], $0xffff  }
0x203: {  	v40 =	vld [tilespmem:$0x1FF50]  }
0x204: {  	v25 =	vor.u32 v49, v13;
	[tilespmem:v27+s19+$0x0] =	vst.idx.msk $0xffff, v29;
	v27 =	vld.idx.msk [tilespmem:v37+s4+$0x0], $0xffff  }
0x205: {  	[tilespmem:v11+s19+$0x0] =	vst.idx.msk $0xffff, v35;
	v29 =	vor.u32 v56, v2;
	v30 =	vld.idx.msk [tilespmem:v30+s4+$0x0], $0xffff  }
0x206: {  	v47 =	vor.u32 v50, v15;
	[tilespmem:v36+s19+$0x0] =	vst.idx.msk $0xffff, v26;
	v34 =	vld.idx.msk [tilespmem:v48+s4+$0x0], $0xffff  }
0x207: {  	v39 =	vor.u32 v55, v6;
	v37 =	vor.u32 v49, v19;
	[tilespmem:v9+s19+$0x0] =	vst.idx.msk $0xffff, v32;
	v11 =	vld.idx.msk [tilespmem:v28+s4+$0x0], $0xffff  }
0x208: {  	v26 =	vor.u32 v49, v24;
	v36 =	vor.u32 v50, v17;
	v9 =	vor.u32 v49, v14;
	v31 =	vld.idx.msk [tilespmem:v31+s4+$0x0], $0xffff  }
0x209: {  	v49 =	vor.u32 v50, v16;
	v28 =	vor.u32 v50, v20;
	v50 =	vld [tilespmem:$0x1FDC0];
	[tilespmem:v25+s19+$0x0] =	vst.idx.msk $0xffff, v33  }
0x20a: {  	[tilespmem:v29+s19+$0x0] =	vst.idx.msk $0xffff, v10;
	v10 =	vor.u32 v45, v8;
	v8 =	vor.u32 v43, v8;
	v43 =	vmov v42;
	v42 =	vld [tilespmem:$0x1FE30]  }
0x20b: {  	v48 =	vld.idx.msk [tilespmem:v47+s4+$0x0], $0xffff  }
0x20c: {  	v35 =	vor.u32 v54, v5;
	[tilespmem:v37+s19+$0x0] =	vst.idx.msk $0xffff, v27;
	v27 =	vld.idx.msk [tilespmem:v39+s4+$0x0], $0xffff  }
0x20d: {  	v25 =	vor.u32 v40, v7;
	v47 =	vld [tilespmem:$0x1FDD0]  }
0x20e: {  	[tilespmem:v26+s19+$0x0] =	vst.idx.msk $0xffff, v30;
	v26 =	vld.idx.msk [tilespmem:v36+s4+$0x0], $0xffff  }
0x20f: {  	v37 =	vor.u32 v12, v4;
	v30 =	vor.u32 v54, v2;
	[tilespmem:v9+s19+$0x0] =	vst.idx.msk $0xffff, v34;
	v28 =	vld.idx.msk [tilespmem:v28+s4+$0x0], $0xffff  }
0x210: {  	v39 =	vor.u32 v40, v6;
	v36 =	vor.u32 v50, v19;
	v33 =	vld.idx.msk [tilespmem:v49+s4+$0x0], $0xffff  }
0x211: {  	v29 =	vor.u32 v50, v13;
	[tilespmem:v35+s19+$0x0] =	vst.idx.msk $0xffff, v11;
	v49 =	vld [tilespmem:$0x1FDE0]  }
0x212: {  	v11 =	vor.u32 v50, v24;
	v9 =	vld.idx.msk [tilespmem:v25+s4+$0x0], $0xffff  }
0x213: {  	[tilespmem:v10+s19+$0x0] =	vst.idx.msk $0xffff, v31;
	v10 =	vor.u32 v50, v14;
	v50 =	vld [tilespmem:$0x1FF70];
	v38 =	vor.u32 v47, v15  }
0x214: {  	v35 =	vor.u32 v47, v17;
	v31 =	vld.idx.msk [tilespmem:v37+s4+$0x0], $0xffff;
	[tilespmem:v30+s19+$0x0] =	vst.idx.msk $0xffff, v27  }
0x215: {  	v25 =	vor.u32 v47, v20;
	[tilespmem:v36+s19+$0x0] =	vst.idx.msk $0xffff, v26;
	v26 =	vld.idx.msk [tilespmem:v39+s4+$0x0], $0xffff  }
0x216: {  	[tilespmem:v29+s19+$0x0] =	vst.idx.msk $0xffff, v48;
	v48 =	vor.u32 v47, v16;
	v39 =	vld [tilespmem:$0x1FDF0]  }
0x217: {  	v34 =	vor.u32 v41, v5;
	v47 =	vld [tilespmem:$0x1FF80]  }
0x218: {  	v32 =	vld.idx.msk [tilespmem:v38+s4+$0x0], $0xffff  }
0x219: {  	[tilespmem:v11+s19+$0x0] =	vst.idx.msk $0xffff, v28;
	v28 =	vor.u32 v41, v2;
	v29 =	vor.u32 v50, v7;
	v11 =	vld.idx.msk [tilespmem:v35+s4+$0x0], $0xffff  }
0x21a: {  	v30 =	vor.u32 v63, v4;
	v27 =	vor.u32 v49, v13;
	[tilespmem:v10+s19+$0x0] =	vst.idx.msk $0xffff, v33;
	v25 =	vld.idx.msk [tilespmem:v25+s4+$0x0], $0xffff  }
0x21b: {  	v35 =	vor.u32 v49, v19;
	v38 =	vor.u32 v50, v6;
	v33 =	vld.idx.msk [tilespmem:v48+s4+$0x0], $0xffff  }
0x21c: {  	[tilespmem:v34+s19+$0x0] =	vst.idx.msk $0xffff, v9;
	v9 =	vor.u32 v49, v24;
	v48 =	vld [tilespmem:$0x1FF90]  }
0x21d: {  	v36 =	vor.u32 v39, v15;
	[tilespmem:v8+s19+$0x0] =	vst.idx.msk $0xffff, v31;
	v8 =	vor.u32 v49, v14;
	v49 =	vld [tilespmem:$0x1FFA0]  }
0x21e: {  	v63 =	vor.u32 v39, v17;
	[tilespmem:v28+s19+$0x0] =	vst.idx.msk $0xffff, v26;
	v10 =	vld.idx.msk [tilespmem:v29+s4+$0x0], $0xffff  }
0x21f: {  	[tilespmem:v27+s19+$0x0] =	vst.idx.msk $0xffff, v32;
	v27 =	vld.idx.msk [tilespmem:v30+s4+$0x0], $0xffff  }
0x220: {  	v37 =	vor.u32 v47, v5;
	v31 =	vor.u32 v39, v16;
	[tilespmem:v35+s19+$0x0] =	vst.idx.msk $0xffff, v11;
	v11 =	vld.idx.msk [tilespmem:v38+s4+$0x0], $0xffff  }
0x221: {  	v26 =	vor.u32 v62, v1;
	v29 =	vor.u32 v39, v20;
	v38 =	vld [tilespmem:$0x1FE10]  }
0x222: {  	[tilespmem:v9+s19+$0x0] =	vst.idx.msk $0xffff, v25;
	v25 =	vor.u32 v47, v2;
	v7 =	vor.u32 v48, v7;
	v30 =	vld.idx.msk [tilespmem:v36+s4+$0x0], $0xffff  }
0x223: {  	v61 =	vor.u32 v61, v4;
	v28 =	vor.u32 v52, v13;
	v9 =	vld.idx.msk [tilespmem:v63+s4+$0x0], $0xffff  }
0x224: {  	v6 =	vor.u32 v48, v6;
	[tilespmem:v8+s19+$0x0] =	vst.idx.msk $0xffff, v33;
	v33 =	vld [tilespmem:$0x1FE60]  }
0x225: {  	v63 =	vor.u32 v52, v19;
	v31 =	vld.idx.msk [tilespmem:v31+s4+$0x0], $0xffff;
	[tilespmem:v37+s19+$0x0] =	vst.idx.msk $0xffff, v10  }
0x226: {  	v29 =	vld.idx.msk [tilespmem:v29+s4+$0x0], $0xffff;
	[tilespmem:v26+s19+$0x0] =	vst.idx.msk $0xffff, v27  }
0x227: {  	v10 =	vor.u32 v52, v24;
	v62 =	vor.u32 v38, v15;
	[tilespmem:v25+s19+$0x0] =	vst.idx.msk $0xffff, v11;
	v7 =	vld.idx.msk [tilespmem:v7+s4+$0x0], $0xffff  }
0x228: {  	v45 =	vor.u32 v38, v17;
	[tilespmem:v28+s19+$0x0] =	vst.idx.msk $0xffff, v30;
	v28 =	vld.idx.msk [tilespmem:v61+s4+$0x0], $0xffff  }
0x229: {  	v8 =	vor.u32 v38, v20;
	v26 =	vor.u32 v52, v14;
	v6 =	vld.idx.msk [tilespmem:v6+s4+$0x0], $0xffff  }
0x22a: {  	v5 =	vor.u32 v49, v5;
	v27 =	vor.u32 v59, v3;
	[tilespmem:v63+s19+$0x0] =	vst.idx.msk $0xffff, v9;
	v63 =	vld [tilespmem:$0x1FE40]  }
0x22b: {  	v52 =	vor.u32 v38, v16;
	v11 =	vor.u32 v60, v1;
	v61 =	vor.u32 v59, v4;
	v59 =	vld [tilespmem:$0x1FE90]  }
0x22c: {  	[tilespmem:v10+s19+$0x0] =	vst.idx.msk $0xffff, v29;
	v29 =	vor.u32 v49, v2;
	v30 =	vld.idx.msk [tilespmem:v62+s4+$0x0], $0xffff  }
0x22d: {  	v25 =	vor.u32 v51, v13;
	v10 =	vld.idx.msk [tilespmem:v45+s4+$0x0], $0xffff  }
0x22e: {  	v39 =	vor.u32 v51, v19;
	v9 =	vmov v23;
	v2 =	vmov v24;
	v8 =	vld.idx.msk [tilespmem:v8+s4+$0x0], $0xffff;
	[tilespmem:v26+s19+$0x0] =	vst.idx.msk $0xffff, v31  }
0x22f: {  	v24 =	vor.u32 v42, v20;
	v62 =	vor.u32 v42, v15;
	v23 =	vld.idx.msk [tilespmem:v27+s4+$0x0], $0xffff;
	[tilespmem:v5+s19+$0x0] =	vst.idx.msk $0xffff, v7  }
0x230: {  	v5 =	vor.u32 v51, v2;
	v7 =	vor.u32 v42, v17;
	v26 =	vld.idx.msk [tilespmem:v52+s4+$0x0], $0xffff;
	[tilespmem:v11+s19+$0x0] =	vst.idx.msk $0xffff, v28  }
0x231: {  	v27 =	vor.u32 v58, v53;
	v28 =	vor.u32 v57, v3;
	v52 =	vld [tilespmem:$0x1FE70];
	[tilespmem:v29+s19+$0x0] =	vst.idx.msk $0xffff, v6  }
0x232: {  	v29 =	vor.u32 v58, v1;
	v58 =	vld [tilespmem:$0x1FE80];
	[tilespmem:v25+s19+$0x0] =	vst.idx.msk $0xffff, v30;
	v25 =	vor.u32 v51, v14  }
0x233: {  	v42 =	vor.u32 v42, v16;
	v45 =	vor.u32 v63, v13;
	v6 =	vmov v20;
	v30 =	vld.idx.msk [tilespmem:v61+s4+$0x0], $0xffff  }
0x234: {  	v20 =	vor.u32 v43, v17;
	[tilespmem:v39+s19+$0x0] =	vst.idx.msk $0xffff, v10;
	v51 =	vor.u32 v57, v4;
	v31 =	vld.idx.msk [tilespmem:v62+s4+$0x0], $0xffff  }
0x235: {  	v10 =	vmov v22;
	v22 =	vor.u32 v43, v15;
	[tilespmem:v5+s19+$0x0] =	vst.idx.msk $0xffff, v8;
	v35 =	vld.idx.msk [tilespmem:v7+s4+$0x0], $0xffff;
	v5 =	vmov v19  }
0x236: {  	v11 =	vmov v21;
	[tilespmem:v27+s19+$0x0] =	vst.idx.msk $0xffff, v23;
	v8 =	vmov v18;
	v19 =	vld.idx.msk [tilespmem:v24+s4+$0x0], $0xffff;
	v21 =	vor.u32 v63, v5  }
0x237: {  	v18 =	vor.u32 v63, v2;
	v27 =	vor.u32 v63, v14;
	v23 =	vld.idx.msk [tilespmem:v28+s4+$0x0], $0xffff;
	[tilespmem:v25+s19+$0x0] =	vst.idx.msk $0xffff, v26  }
0x238: {  	v24 =	vor.u32 v43, v6;
	v26 =	vor.u32 v56, v53;
	v25 =	vld.idx.msk [tilespmem:v42+s4+$0x0], $0xffff;
	[tilespmem:v29+s19+$0x0] =	vst.idx.msk $0xffff, v30  }
0x239: {  	v28 =	vor.u32 v55, v3;
	[tilespmem:v45+s19+$0x0] =	vst.idx.msk $0xffff, v31;
	v31 =	vor.u32 v56, v1;
	v56 =	vld [tilespmem:$0x1FC10]  }
0x23a: {  	v30 =	vor.u32 v43, v16;
	v29 =	vld.idx.msk [tilespmem:v51+s4+$0x0], $0xffff  }
0x23b: {  	v7 =	vmov v17;
	v17 =	vor.u32 v33, v13;
	v22 =	vld.idx.msk [tilespmem:v22+s4+$0x0], $0xffff;
	[tilespmem:v21+s19+$0x0] =	vst.idx.msk $0xffff, v35  }
0x23c: {  	v21 =	vor.u32 v55, v4;
	[tilespmem:v18+s19+$0x0] =	vst.idx.msk $0xffff, v19;
	v18 =	vld.idx.msk [tilespmem:v20+s4+$0x0], $0xffff  }
0x23d: {  	v55 =	vor.u32 v52, v15;
	v19 =	vld.idx.msk [tilespmem:v24+s4+$0x0], $0xffff;
	v20 =	vor.u32 v33, v5;
	[tilespmem:v26+s19+$0x0] =	vst.idx.msk $0xffff, v23  }
0x23e: {  	v24 =	vor.u32 v52, v7;
	v23 =	vor.u32 v33, v2;
	[tilespmem:v27+s19+$0x0] =	vst.idx.msk $0xffff, v25;
	v25 =	vld.idx.msk [tilespmem:v28+s4+$0x0], $0xffff  }
0x23f: {  	v26 =	vor.u32 v52, v6;
	v28 =	vor.u32 v54, v53;
	v27 =	vld.idx.msk [tilespmem:v30+s4+$0x0], $0xffff;
	[tilespmem:v31+s19+$0x0] =	vst.idx.msk $0xffff, v29  }
0x240: {  	v61 =	vld [tilespmem:$0x1FEA0];
	[tilespmem:v17+s19+$0x0] =	vst.idx.msk $0xffff, v22;
	v17 =	vor.u32 v33, v14;
	v22 =	vor.u32 v40, v3  }
0x241: {  	v30 =	vor.u32 v52, v16;
	v31 =	vor.u32 v54, v1;
	v21 =	vld.idx.msk [tilespmem:v21+s4+$0x0], $0xffff  }
0x242: {  	v57 =	vor.u32 v56, v13;
	v29 =	vld.idx.msk [tilespmem:v55+s4+$0x0], $0xffff;
	[tilespmem:v20+s19+$0x0] =	vst.idx.msk $0xffff, v18  }
0x243: {  	v18 =	vor.u32 v40, v4;
	[tilespmem:v23+s19+$0x0] =	vst.idx.msk $0xffff, v19;
	v19 =	vld.idx.msk [tilespmem:v24+s4+$0x0], $0xffff  }
0x244: {  	v20 =	vor.u32 v58, v15;
	v24 =	vor.u32 v56, v5;
	v23 =	vld.idx.msk [tilespmem:v26+s4+$0x0], $0xffff;
	[tilespmem:v28+s19+$0x0] =	vst.idx.msk $0xffff, v25  }
0x245: {  	v25 =	vor.u32 v56, v2;
	v26 =	vor.u32 v58, v7;
	[tilespmem:v17+s19+$0x0] =	vst.idx.msk $0xffff, v27;
	v17 =	vld.idx.msk [tilespmem:v22+s4+$0x0], $0xffff  }
0x246: {  	v28 =	vor.u32 v41, v53;
	v22 =	vor.u32 v58, v6;
	v27 =	vld.idx.msk [tilespmem:v30+s4+$0x0], $0xffff;
	[tilespmem:v31+s19+$0x0] =	vst.idx.msk $0xffff, v21  }
0x247: {  	v62 =	vld [tilespmem:$0x1FEB0];
	[tilespmem:v57+s19+$0x0] =	vst.idx.msk $0xffff, v29;
	v21 =	vor.u32 v56, v14;
	v29 =	vor.u32 v50, v3  }
0x248: {  	v30 =	vor.u32 v58, v16;
	v31 =	vor.u32 v41, v1;
	v18 =	vld.idx.msk [tilespmem:v18+s4+$0x0], $0xffff  }
0x249: {  	v60 =	vor.u32 v59, v9;
	v20 =	vld.idx.msk [tilespmem:v20+s4+$0x0], $0xffff;
	[tilespmem:v24+s19+$0x0] =	vst.idx.msk $0xffff, v19  }
0x24a: {  	v24 =	vor.u32 v61, v15;
	[tilespmem:v25+s19+$0x0] =	vst.idx.msk $0xffff, v23;
	v23 =	vld.idx.msk [tilespmem:v26+s4+$0x0], $0xffff  }
0x24b: {  	v19 =	vor.u32 v50, v4;
	v25 =	vor.u32 v59, v11;
	v22 =	vld.idx.msk [tilespmem:v22+s4+$0x0], $0xffff;
	[tilespmem:v28+s19+$0x0] =	vst.idx.msk $0xffff, v17  }
0x24c: {  	v26 =	vor.u32 v61, v7;
	v17 =	vor.u32 v59, v10;
	[tilespmem:v21+s19+$0x0] =	vst.idx.msk $0xffff, v27;
	v21 =	vld.idx.msk [tilespmem:v29+s4+$0x0], $0xffff  }
0x24d: {  	v27 =	vor.u32 v61, v6;
	v29 =	vor.u32 v47, v53;
	v28 =	vld.idx.msk [tilespmem:v30+s4+$0x0], $0xffff;
	[tilespmem:v31+s19+$0x0] =	vst.idx.msk $0xffff, v18  }
0x24e: {  	[tilespmem:v60+s19+$0x0] =	vst.idx.msk $0xffff, v20;
	v18 =	vor.u32 v59, v8;
	v20 =	vor.u32 v48, v3  }
0x24f: {  	v30 =	vor.u32 v61, v16;
	v3 =	vmov v15;
	v15 =	vor.u32 v62, v9;
	v24 =	vld.idx.msk [tilespmem:v24+s4+$0x0], $0xffff  }
0x250: {  	v31 =	vor.u32 v47, v1;
	v19 =	vld.idx.msk [tilespmem:v19+s4+$0x0], $0xffff;
	[tilespmem:v25+s19+$0x0] =	vst.idx.msk $0xffff, v23;
	v23 =	vor.u32 v48, v4  }
0x251: {  	v4 =	vmov v16;
	[tilespmem:v17+s19+$0x0] =	vst.idx.msk $0xffff, v22;
	v22 =	vld.idx.msk [tilespmem:v26+s4+$0x0], $0xffff;
	v26 =	vor.u32 v62, v11  }
0x252: {  	v16 =	vor.u32 v0, v3;
	v25 =	vld.idx.msk [tilespmem:v27+s4+$0x0], $0xffff;
	[tilespmem:v29+s19+$0x0] =	vst.idx.msk $0xffff, v21;
	v21 =	vor.u32 v62, v10  }
0x253: {  	v63 =	vor.u32 v49, v53;
	v27 =	vor.u32 v0, v7;
	[tilespmem:v18+s19+$0x0] =	vst.idx.msk $0xffff, v28;
	v28 =	vld.idx.msk [tilespmem:v20+s4+$0x0], $0xffff  }
0x254: {  	p3 =	slt.u32 s28, $0xC;
	v29 =	vor.u32 v0, v6;
	v30 =	vld.idx.msk [tilespmem:v30+s4+$0x0], $0xffff;
	[tilespmem:v15+s19+$0x0] =	vst.idx.msk $0xffff, v24;
	v24 =	vor.u32 v62, v8  }
.Ltmp2:
0x255: {  	v12 =	vld [tilespmem:$0x1FC00];
	[tilespmem:v31+s19+$0x0] =	vst.idx.msk $0xffff, v19;
	(pc) =	sbr.rel @p3 .LBB2_3-.Ltmp2, $4  }
0x256: {  	v18 =	vor.u32 v46, v3;
	v15 =	vld.idx.msk [tilespmem:v23+s4+$0x0], $0xffff;
	[tilespmem:v26+s19+$0x0] =	vst.idx.msk $0xffff, v22  }
0x257: {  	v19 =	vor.u32 v44, v9;
	v17 =	vld.idx.msk [tilespmem:v16+s4+$0x0], $0xffff;
	v16 =	vor.u32 v49, v1;
	[tilespmem:v21+s19+$0x0] =	vst.idx.msk $0xffff, v25  }
0x258: {  	s26 =	sadd.s32 $0x4, s28;
	v53 =	vmov v13;
	v1 =	vmov v14;
	v26 =	vor.u32 v44, v11;
	v20 =	vld.idx.msk [tilespmem:v27+s4+$0x0], $0xffff;
	[tilespmem:v63+s19+$0x0] =	vst.idx.msk $0xffff, v28  }
0x259: {  	s28 =	smov.u32 s26;
	v37 =	vlaneseq.u32;
	v27 =	vor.u32 v44, v10;
	v25 =	vld.idx.msk [tilespmem:v29+s4+$0x0], $0xffff;
	v28 =	vor.u32 v46, v7;
	[tilespmem:v24+s19+$0x0] =	vst.idx.msk $0xffff, v30  }
0x25a: {  	v13 =	vld [tilespmem:$0x1FFC0];
	_ =	sdelay $0x2  }
0x25b: {  	v14 =	vld [tilespmem:$0x1FC20]  }
0x25c: {  	v21 =	vld [tilespmem:$0x1FC30];
	[tilespmem:v26+s19+$0x0] =	vst.idx.msk $0xffff, v20  }
0x25d: {  	[tilespmem:v27+s19+$0x0] =	vst.idx.msk $0xffff, v25;
	v29 =	vmov v13;
	v13 =	vor.u32 v13, v4  }
0x25e: {  	v57 =	vld [tilespmem:$0x1FFE0];
	_ =	sdelay $0x3  }
0x25f: {  	v30 =	vmov v14;
	v14 =	vor.u32 v14, v8;
	v13 =	vld.idx.msk [tilespmem:v13+s4+$0x0], $0xffff  }
0x260: {  	v20 =	vld.idx.msk [tilespmem:v28+s4+$0x0], $0xffff;
	v22 =	vor.u32 v57, v11  }
0x261: {  	[tilespmem:v19+s19+$0x0] =	vst.idx.msk $0xffff, v17;
	v12 =	vld.idx.msk [tilespmem:v12+s4+$0x0], $0xffff;
	v46 =	vor.u32 v57, v10  }
0x262: {  	v59 =	vld [tilespmem:$0x1FFF0];
	_ =	sdelay $0x1  }
0x263: {  	[tilespmem:v14+s19+$0x0] =	vst.idx.msk $0xffff, v13  }
0x264: {  	[tilespmem:v22+s19+$0x0] =	vst.idx.msk $0xffff, v20  }
0x265: {  	v31 =	vmov v21;
	v21 =	vor.u32 v21, v4;
	[tilespmem:v46+s19+$0x0] =	vst.idx.msk $0xffff, v12  }
0x266: {  	v47 =	vor.u32 v59, v7;
	v32 =	vld [tilespmem:$0x1FFD0]  }
0x267: {  	v18 =	vld.idx.msk [tilespmem:v18+s4+$0x0], $0xffff;
	v23 =	vor.u32 v57, v9;
	v24 =	vor.u32 v59, v6;
	_ =	sdelay $0x2  }
0x268: {  	v49 =	vor.u32 v57, v8;
	v14 =	vld.idx.msk [tilespmem:v21+s4+$0x0], $0xffff  }
0x269: {  	v51 =	vld.idx.msk [tilespmem:v47+s4+$0x0], $0xffff;
	v52 =	vor.u32 v32, v11  }
0x26a: {  	[tilespmem:v23+s19+$0x0] =	vst.idx.msk $0xffff, v18;
	v54 =	vld.idx.msk [tilespmem:v24+s4+$0x0], $0xffff;
	v56 =	vor.u32 v32, v10  }
0x26b: {  	v28 =	vld [tilespmem:$0x1FC40]  }
0x26c: {  	v48 =	vor.u32 v59, v3  }
0x26d: {  	[tilespmem:v49+s19+$0x0] =	vst.idx.msk $0xffff, v14  }
0x26e: {  	[tilespmem:v52+s19+$0x0] =	vst.idx.msk $0xffff, v51  }
0x26f: {  	v50 =	vor.u32 v59, v4;
	[tilespmem:v56+s19+$0x0] =	vst.idx.msk $0xffff, v54  }
0x270: {  	v55 =	vor.u32 v28, v7;
	v0 =	vld [tilespmem:$0x1FC50]  }
0x271: {  	v13 =	vld.idx.msk [tilespmem:v48+s4+$0x0], $0xffff;
	v58 =	vor.u32 v32, v9;
	v60 =	vor.u32 v28, v6;
	_ =	sdelay $0x2  }
0x272: {  	v62 =	vor.u32 v32, v8;
	v21 =	vld.idx.msk [tilespmem:v50+s4+$0x0], $0xffff  }
0x273: {  	v12 =	vld.idx.msk [tilespmem:v55+s4+$0x0], $0xffff;
	v36 =	vor.u32 v0, v11  }
0x274: {  	[tilespmem:v58+s19+$0x0] =	vst.idx.msk $0xffff, v13;
	v38 =	vld.idx.msk [tilespmem:v60+s4+$0x0], $0xffff;
	v41 =	vor.u32 v0, v10  }
0x275: {  	v39 =	vld [tilespmem:$0x1FC60]  }
0x276: {  	v61 =	vor.u32 v28, v3  }
0x277: {  	[tilespmem:v62+s19+$0x0] =	vst.idx.msk $0xffff, v21  }
0x278: {  	[tilespmem:v36+s19+$0x0] =	vst.idx.msk $0xffff, v12  }
0x279: {  	v63 =	vor.u32 v28, v4;
	[tilespmem:v41+s19+$0x0] =	vst.idx.msk $0xffff, v38  }
0x27a: {  	v40 =	vor.u32 v39, v7;
	v34 =	vld [tilespmem:$0x1FC70]  }
0x27b: {  	v14 =	vld.idx.msk [tilespmem:v61+s4+$0x0], $0xffff;
	v42 =	vor.u32 v0, v9;
	v43 =	vor.u32 v39, v6;
	_ =	sdelay $0x2  }
0x27c: {  	v45 =	vld.idx.msk [tilespmem:v63+s4+$0x0], $0xffff;
	v46 =	vor.u32 v0, v8  }
0x27d: {  	v12 =	vld.idx.msk [tilespmem:v40+s4+$0x0], $0xffff;
	v48 =	vor.u32 v34, v11  }
0x27e: {  	[tilespmem:v42+s19+$0x0] =	vst.idx.msk $0xffff, v14;
	v49 =	vld.idx.msk [tilespmem:v43+s4+$0x0], $0xffff;
	v52 =	vor.u32 v34, v10  }
0x27f: {  	v50 =	vld [tilespmem:$0x1FFB0]  }
0x280: {  	v44 =	vor.u32 v39, v3  }
0x281: {  	[tilespmem:v46+s19+$0x0] =	vst.idx.msk $0xffff, v45  }
0x282: {  	[tilespmem:v48+s19+$0x0] =	vst.idx.msk $0xffff, v12  }
0x283: {  	v47 =	vor.u32 v39, v4;
	[tilespmem:v52+s19+$0x0] =	vst.idx.msk $0xffff, v49  }
0x284: {  	v51 =	vor.u32 v50, v7;
	v61 =	vld [tilespmem:$0x1FC80]  }
0x285: {  	v20 =	vld.idx.msk [tilespmem:v44+s4+$0x0], $0xffff;
	v54 =	vor.u32 v34, v9;
	v55 =	vor.u32 v50, v6;
	_ =	sdelay $0x2  }
0x286: {  	v23 =	vld.idx.msk [tilespmem:v47+s4+$0x0], $0xffff;
	v58 =	vor.u32 v34, v8  }
0x287: {  	v12 =	vld.idx.msk [tilespmem:v51+s4+$0x0], $0xffff;
	v62 =	vor.u32 v61, v11  }
0x288: {  	[tilespmem:v54+s19+$0x0] =	vst.idx.msk $0xffff, v20;
	v63 =	vld.idx.msk [tilespmem:v55+s4+$0x0], $0xffff;
	v32 =	vor.u32 v61, v10  }
0x289: {  	v0 =	vld [tilespmem:$0x1FC90]  }
0x28a: {  	v56 =	vor.u32 v50, v3  }
0x28b: {  	[tilespmem:v58+s19+$0x0] =	vst.idx.msk $0xffff, v23  }
0x28c: {  	[tilespmem:v62+s19+$0x0] =	vst.idx.msk $0xffff, v12  }
0x28d: {  	v60 =	vor.u32 v50, v4;
	[tilespmem:v32+s19+$0x0] =	vst.idx.msk $0xffff, v63  }
0x28e: {  	v26 =	vor.u32 v0, v7;
	v23 =	vld [tilespmem:$0x1FEC0]  }
0x28f: {  	v35 =	vld.idx.msk [tilespmem:v56+s4+$0x0], $0xffff;
	v36 =	vor.u32 v61, v9;
	v38 =	vor.u32 v0, v6;
	_ =	sdelay $0x2  }
0x290: {  	v40 =	vld.idx.msk [tilespmem:v60+s4+$0x0], $0xffff;
	v41 =	vor.u32 v61, v8  }
0x291: {  	v11 =	vld.idx.msk [tilespmem:v26+s4+$0x0], $0xffff;
	v42 =	vor.u32 v23, v5  }
0x292: {  	v39 =	vor.u32 v0, v3;
	[tilespmem:v36+s19+$0x0] =	vst.idx.msk $0xffff, v35;
	v43 =	vld.idx.msk [tilespmem:v38+s4+$0x0], $0xffff;
	v46 =	vor.u32 v23, v2  }
0x293: {  	v44 =	vld [tilespmem:$0x1FED0];
	_ =	sdelay $0x1  }
0x294: {  	[tilespmem:v41+s19+$0x0] =	vst.idx.msk $0xffff, v40  }
0x295: {  	[tilespmem:v42+s19+$0x0] =	vst.idx.msk $0xffff, v11  }
0x296: {  	v21 =	vor.u32 v0, v4;
	v47 =	vld.idx.msk [tilespmem:v39+s4+$0x0], $0xffff;
	[tilespmem:v46+s19+$0x0] =	vst.idx.msk $0xffff, v43  }
0x297: {  	v48 =	vor.u32 v23, v53;
	v45 =	vor.u32 v44, v7;
	v55 =	vld [tilespmem:$0x1FEE0];
	_ =	sdelay $0x3  }
0x298: {  	v51 =	vld.idx.msk [tilespmem:v21+s4+$0x0], $0xffff;
	v52 =	vor.u32 v23, v1;
	v49 =	vor.u32 v44, v6  }
0x299: {  	v50 =	vor.u32 v44, v3;
	v10 =	vld.idx.msk [tilespmem:v45+s4+$0x0], $0xffff;
	[tilespmem:v48+s19+$0x0] =	vst.idx.msk $0xffff, v47;
	v56 =	vor.u32 v55, v5  }
0x29a: {  	v58 =	vld [tilespmem:$0x1FEF0];
	_ =	sdelay $0x2  }
0x29b: {  	v61 =	vld.idx.msk [tilespmem:v49+s4+$0x0], $0xffff;
	[tilespmem:v52+s19+$0x0] =	vst.idx.msk $0xffff, v51  }
0x29c: {  	v54 =	vor.u32 v44, v4;
	v8 =	vld.idx.msk [tilespmem:v50+s4+$0x0], $0xffff;
	v62 =	vor.u32 v55, v2;
	[tilespmem:v56+s19+$0x0] =	vst.idx.msk $0xffff, v10  }
0x29d: {  	v63 =	vor.u32 v55, v53;
	v60 =	vor.u32 v58, v7;
	v32 =	vld [tilespmem:$0x1FF00];
	_ =	sdelay $0x3  }
0x29e: {  	v19 =	vld.idx.msk [tilespmem:v54+s4+$0x0], $0xffff;
	v25 =	vor.u32 v55, v1;
	[tilespmem:v62+s19+$0x0] =	vst.idx.msk $0xffff, v61  }
0x29f: {  	v0 =	vor.u32 v58, v6;
	v9 =	vld.idx.msk [tilespmem:v60+s4+$0x0], $0xffff;
	[tilespmem:v63+s19+$0x0] =	vst.idx.msk $0xffff, v8;
	v34 =	vor.u32 v32, v5  }
0x2a0: {  	v35 =	vld [tilespmem:$0x1FF10];
	_ =	sdelay $0x2  }
0x2a1: {  	v24 =	vor.u32 v58, v3;
	[tilespmem:v25+s19+$0x0] =	vst.idx.msk $0xffff, v19  }
0x2a2: {  	v26 =	vor.u32 v58, v4;
	v38 =	vld.idx.msk [tilespmem:v0+s4+$0x0], $0xffff;
	[tilespmem:v34+s19+$0x0] =	vst.idx.msk $0xffff, v9  }
0x2a3: {  	v39 =	vor.u32 v32, v2;
	v36 =	vor.u32 v35, v7;
	v45 =	vld [tilespmem:$0x1FF20];
	_ =	sdelay $0x2  }
0x2a4: {  	v14 =	vld.idx.msk [tilespmem:v24+s4+$0x0], $0xffff;
	v41 =	vor.u32 v32, v53  }
0x2a5: {  	v19 =	vld.idx.msk [tilespmem:v26+s4+$0x0], $0xffff;
	v43 =	vor.u32 v32, v1  }
0x2a6: {  	v40 =	vor.u32 v35, v6;
	v8 =	vld.idx.msk [tilespmem:v36+s4+$0x0], $0xffff;
	[tilespmem:v39+s19+$0x0] =	vst.idx.msk $0xffff, v38;
	v46 =	vor.u32 v45, v5  }
0x2a7: {  	v47 =	vld [tilespmem:$0x1FF30];
	_ =	sdelay $0x1  }
0x2a8: {  	[tilespmem:v41+s19+$0x0] =	vst.idx.msk $0xffff, v14  }
0x2a9: {  	v42 =	vor.u32 v35, v3;
	[tilespmem:v43+s19+$0x0] =	vst.idx.msk $0xffff, v19  }
0x2aa: {  	v44 =	vor.u32 v35, v4;
	v11 =	vld.idx.msk [tilespmem:v40+s4+$0x0], $0xffff;
	[tilespmem:v46+s19+$0x0] =	vst.idx.msk $0xffff, v8  }
0x2ab: {  	v49 =	vor.u32 v45, v2;
	v48 =	vor.u32 v47, v7;
	v56 =	vld [tilespmem:$0x1FF40];
	_ =	sdelay $0x2  }
0x2ac: {  	v14 =	vld.idx.msk [tilespmem:v42+s4+$0x0], $0xffff;
	v51 =	vor.u32 v45, v53  }
0x2ad: {  	v19 =	vld.idx.msk [tilespmem:v44+s4+$0x0], $0xffff;
	v54 =	vor.u32 v45, v1  }
0x2ae: {  	v50 =	vor.u32 v47, v6;
	v8 =	vld.idx.msk [tilespmem:v48+s4+$0x0], $0xffff;
	[tilespmem:v49+s19+$0x0] =	vst.idx.msk $0xffff, v11;
	v58 =	vor.u32 v56, v5  }
0x2af: {  	v60 =	vld [tilespmem:$0x1FF50];
	_ =	sdelay $0x1  }
0x2b0: {  	[tilespmem:v51+s19+$0x0] =	vst.idx.msk $0xffff, v14  }
0x2b1: {  	v52 =	vor.u32 v47, v3;
	[tilespmem:v54+s19+$0x0] =	vst.idx.msk $0xffff, v19  }
0x2b2: {  	v55 =	vor.u32 v47, v4;
	v11 =	vld.idx.msk [tilespmem:v50+s4+$0x0], $0xffff;
	[tilespmem:v58+s19+$0x0] =	vst.idx.msk $0xffff, v8  }
0x2b3: {  	v62 =	vor.u32 v56, v2;
	v61 =	vor.u32 v60, v7;
	v32 =	vld [tilespmem:$0x1FF60];
	_ =	sdelay $0x2  }
0x2b4: {  	v14 =	vld.idx.msk [tilespmem:v52+s4+$0x0], $0xffff;
	v0 =	vor.u32 v56, v53  }
0x2b5: {  	v19 =	vld.idx.msk [tilespmem:v55+s4+$0x0], $0xffff;
	v25 =	vor.u32 v56, v1  }
0x2b6: {  	v63 =	vor.u32 v60, v6;
	v8 =	vld.idx.msk [tilespmem:v61+s4+$0x0], $0xffff;
	[tilespmem:v62+s19+$0x0] =	vst.idx.msk $0xffff, v11;
	v34 =	vor.u32 v32, v5  }
0x2b7: {  	v35 =	vld [tilespmem:$0x1FF70];
	_ =	sdelay $0x1  }
0x2b8: {  	[tilespmem:v0+s19+$0x0] =	vst.idx.msk $0xffff, v14  }
0x2b9: {  	v24 =	vor.u32 v60, v3;
	[tilespmem:v25+s19+$0x0] =	vst.idx.msk $0xffff, v19  }
0x2ba: {  	v26 =	vor.u32 v60, v4;
	v11 =	vld.idx.msk [tilespmem:v63+s4+$0x0], $0xffff;
	[tilespmem:v34+s19+$0x0] =	vst.idx.msk $0xffff, v8  }
0x2bb: {  	v38 =	vor.u32 v32, v2;
	v36 =	vor.u32 v35, v7;
	v44 =	vld [tilespmem:$0x1FF80];
	_ =	sdelay $0x2  }
0x2bc: {  	v14 =	vld.idx.msk [tilespmem:v24+s4+$0x0], $0xffff;
	v40 =	vor.u32 v32, v53  }
0x2bd: {  	v19 =	vld.idx.msk [tilespmem:v26+s4+$0x0], $0xffff;
	v42 =	vor.u32 v32, v1  }
0x2be: {  	v39 =	vor.u32 v35, v6;
	v8 =	vld.idx.msk [tilespmem:v36+s4+$0x0], $0xffff;
	[tilespmem:v38+s19+$0x0] =	vst.idx.msk $0xffff, v11;
	v45 =	vor.u32 v44, v5  }
0x2bf: {  	v46 =	vld [tilespmem:$0x1FF90]  }
0x2c0: {  	v41 =	vor.u32 v35, v3  }
0x2c1: {  	v43 =	vor.u32 v35, v4;
	[tilespmem:v40+s19+$0x0] =	vst.idx.msk $0xffff, v14  }
0x2c2: {  	[tilespmem:v42+s19+$0x0] =	vst.idx.msk $0xffff, v19  }
0x2c3: {  	v48 =	vld.idx.msk [tilespmem:v39+s4+$0x0], $0xffff;
	[tilespmem:v45+s19+$0x0] =	vst.idx.msk $0xffff, v8  }
0x2c4: {  	v49 =	vor.u32 v44, v2;
	v47 =	vor.u32 v46, v7;
	v8 =	vld [tilespmem:$0x1FFA0]  }
0x2c5: {  	v51 =	vld.idx.msk [tilespmem:v41+s4+$0x0], $0xffff;
	v52 =	vor.u32 v44, v53;
	v50 =	vor.u32 v46, v6  }
0x2c6: {  	v55 =	vld.idx.msk [tilespmem:v43+s4+$0x0], $0xffff;
	v56 =	vor.u32 v44, v1;
	v54 =	vor.u32 v46, v3  }
0x2c7: {  	v58 =	vor.u32 v46, v4;
	_ =	sdelay $0x1  }
0x2c8: {  	v7 =	vld.idx.msk [tilespmem:v47+s4+$0x0], $0xffff;
	[tilespmem:v49+s19+$0x0] =	vst.idx.msk $0xffff, v48;
	v60 =	vor.u32 v8, v5  }
0x2c9: {  	[tilespmem:v52+s19+$0x0] =	vst.idx.msk $0xffff, v51;
	v6 =	vld.idx.msk [tilespmem:v50+s4+$0x0], $0xffff;
	v61 =	vor.u32 v8, v2  }
0x2ca: {  	[tilespmem:v56+s19+$0x0] =	vst.idx.msk $0xffff, v55;
	v3 =	vld.idx.msk [tilespmem:v54+s4+$0x0], $0xffff;
	v62 =	vor.u32 v8, v53  }
0x2cb: {  	v4 =	vld.idx.msk [tilespmem:v58+s4+$0x0], $0xffff;
	v63 =	vor.u32 v8, v1  }
0x2cc: {  	p3 =	sne.s32 s25, $0x79;
	[tilespmem:v16+s19+$0x0] =	vst.idx.msk $0xffff, v15  }
.Ltmp3:
0x2cd: {  	[tilespmem:v60+s19+$0x0] =	vst.idx.msk $0xffff, v7;
	(pc) =	sbr.rel @p3 .LBB2_6-.Ltmp3, $4  }
0x2ce: {  	s26 =	sshll.u32 s25, $0x10;
	[tilespmem:v61+s19+$0x0] =	vst.idx.msk $0xffff, v6  }
0x2cf: {  	s26 =	sor.u32 s6, s26;
	[tilespmem:v62+s19+$0x0] =	vst.idx.msk $0xffff, v3  }
0x2d0: {  	s28 =	sadd.s32 s1, s26;
	[tilespmem:v63+s19+$0x0] =	vst.idx.msk $0xffff, v4  }
0x2d1: {  	[hbm4b:s28+s4] =	stream.linear.scatter [tilespmem:s19], [sflag:$0x3], $0x2000, $0x38;
	[tilespmem:$0x8000] =	vst v63  }
0x2d2: {  	_ =	swait.ge [sflag:s20], $0x2000  }
0x2d3: {  	v3 =	vld [tilespmem:$0x1FCA0]  }
0x2d4: {  	v4 =	vld [tilespmem:$0x1FCB0]  }
0x2d5: {  	v43 =	vld [tilespmem:$0x1FCC0]  }
0x2d6: {  	v38 =	vld [tilespmem:$0x1FCD0]  }
0x2d7: {  	v19 =	vld [tilespmem:$0x1FCE0]  }
0x2d8: {  	v20 =	vld [tilespmem:$0x1FCF0]  }
0x2d9: {  	v56 =	vld [tilespmem:$0x1FD00]  }
0x2da: {  	v22 =	vld [tilespmem:$0x1FD10]  }
0x2db: {  	v49 =	vld [tilespmem:$0x1FD20]  }
0x2dc: {  	v23 =	vld [tilespmem:$0x1FD30]  }
0x2dd: {  	v24 =	vld [tilespmem:$0x1FD40]  }
0x2de: {  	v25 =	vld [tilespmem:$0x1FD50]  }
0x2df: {  	v28 =	vld [tilespmem:$0x1FD60]  }
0x2e0: {  	v32 =	vld [tilespmem:$0x1FD70]  }
0x2e1: {  	v46 =	vld [tilespmem:$0x1FD80]  }
0x2e2: {  	v34 =	vld [tilespmem:$0x1FD90]  }
0x2e3: {  	v47 =	vld [tilespmem:$0x1FDA0]  }
.Ltmp4:
0x2e4: {  	v36 =	vld [tilespmem:$0x1FDB0];
	(pc) =	sbr.rel .LBB2_7-.Ltmp4, $4  }
0x2e5: {  	v41 =	vld [tilespmem:$0x1FDC0]  }
0x2e6: {  	v39 =	vld [tilespmem:$0x1FDD0]  }
0x2e7: {  	[sflag:s20] =	ssyncset.done $0x0;
	v45 =	vld [tilespmem:$0x1FDE0]  }
0x2e8: {  	v52 =	vld [tilespmem:$0x1FC10];
	[sflag:s20] =	ssyncadd.s32 $0xFFFFE000  }
.LBB2_6:
0x2e9: {  	s28 =	sshll.u32 s25, $0xD  }
0x2ea: {  	s28 =	sadd.s32 s15, s28  }
0x2eb: {  	[tilespmem:s4], [sflag:$0x1] =	stream.strided.gather [hbm4b:s28+s14], $0x2000, s16, s14, $0x38;
	[tilespmem:$0x8000] =	vst v63  }
0x2ec: {  	_ =	swait.ge [sflag:s20], $0x2000  }
0x2ed: {  	v3 =	vld [tilespmem:$0x1FCA0]  }
0x2ee: {  	v4 =	vld [tilespmem:$0x1FCB0]  }
0x2ef: {  	v43 =	vld [tilespmem:$0x1FCC0]  }
0x2f0: {  	v38 =	vld [tilespmem:$0x1FCD0]  }
0x2f1: {  	v19 =	vld [tilespmem:$0x1FCE0]  }
0x2f2: {  	v20 =	vld [tilespmem:$0x1FCF0]  }
0x2f3: {  	v56 =	vld [tilespmem:$0x1FD00]  }
0x2f4: {  	v22 =	vld [tilespmem:$0x1FD10]  }
0x2f5: {  	v49 =	vld [tilespmem:$0x1FD20]  }
0x2f6: {  	v23 =	vld [tilespmem:$0x1FD30]  }
0x2f7: {  	v24 =	vld [tilespmem:$0x1FD40]  }
0x2f8: {  	v25 =	vld [tilespmem:$0x1FD50]  }
0x2f9: {  	v28 =	vld [tilespmem:$0x1FD60]  }
0x2fa: {  	v32 =	vld [tilespmem:$0x1FD70]  }
0x2fb: {  	v46 =	vld [tilespmem:$0x1FD80]  }
0x2fc: {  	v34 =	vld [tilespmem:$0x1FD90]  }
0x2fd: {  	v47 =	vld [tilespmem:$0x1FDA0]  }
.Ltmp5:
0x2fe: {  	v36 =	vld [tilespmem:$0x1FDB0];
	(pc) =	sbr.rel @p2 .LBB2_8-.Ltmp5, $4  }
0x2ff: {  	v41 =	vld [tilespmem:$0x1FDC0]  }
0x300: {  	v39 =	vld [tilespmem:$0x1FDD0]  }
0x301: {  	[sflag:s20] =	ssyncset.done $0x0;
	v45 =	vld [tilespmem:$0x1FDE0]  }
0x302: {  	v52 =	vld [tilespmem:$0x1FC10];
	[sflag:s20] =	ssyncadd.s32 $0xFFFFE000  }
.LBB2_7:
0x303: {  	_ =	swait.ge [sflag:s21], $0x2000  }
0x304: {  	[sflag:s21] =	ssyncset.done $0x0  }
0x305: {  	[sflag:s21] =	ssyncadd.s32 $0xFFFFE000  }
.LBB2_8:
0x306: {  	s28 =	simm.s32 $0x0  }
0x307: {  	v42 =	vadd.s32 s28, v37  }
0x308: {  	s30 =	simm.s32 $0x2;
	v18 =	vand.u32 $0xF, v42  }
0x309: {  	s29 =	simm.s32 $0x1;
	v12 =	vadd.s32 s30, v37;
	v55 =	vshll.u32 v18, $0x7  }
0x30a: {  	v58 =	vadd.s32 s29, v37;
	v17 =	vand.u32 $0xF, v12;
	v0 =	vor.u32 v37, v55  }
0x30b: {  	v16 =	vand.u32 $0xF, v58;
	v14 =	vshll.u32 v17, $0x7  }
0x30c: {  	v13 =	vshll.u32 v16, $0x7;
	v1 =	vor.u32 v37, v14  }
0x30d: {  	s31 =	simm.s32 $0x3;
	v2 =	vor.u32 v37, v13  }
0x30e: {  	v44 =	vadd.s32 s31, v37  }
0x30f: {  	v40 =	vmov v3;
	v15 =	vand.u32 $0xF, v44;
	v3 =	vor.u32 v3, v18;
	v0 =	vld.idx.msk [tilespmem:v0+s17+$0x0], $0xffff  }
0x310: {  	v35 =	vmov v4;
	v61 =	vshll.u32 v15, $0x7;
	v4 =	vor.u32 v4, v55  }
0x311: {  	v6 =	vor.u32 v40, v17;
	v5 =	vor.u32 v37, v61;
	v1 =	vld.idx.msk [tilespmem:v1+s17+$0x0], $0xffff  }
0x312: {  	v7 =	vor.u32 v40, v16;
	v8 =	vor.u32 v35, v14;
	v2 =	vld.idx.msk [tilespmem:v2+s17+$0x0], $0xffff;
	_ =	sdelay $0x1  }
0x313: {  	[tilespmem:v3+s22+$0x0] =	vst.idx.msk $0xffff, v0  }
0x314: {  	v9 =	vor.u32 v35, v13;
	v3 =	vor.u32 v43, v18;
	v0 =	vld.idx.msk [tilespmem:v4+s17+$0x0], $0xffff  }
0x315: {  	[tilespmem:v6+s22+$0x0] =	vst.idx.msk $0xffff, v1;
	v1 =	vor.u32 v38, v55;
	v4 =	vld.idx.msk [tilespmem:v5+s17+$0x0], $0xffff;
	v5 =	vor.u32 v40, v15  }
0x316: {  	v6 =	vor.u32 v35, v61;
	[tilespmem:v7+s22+$0x0] =	vst.idx.msk $0xffff, v2;
	v7 =	vor.u32 v43, v17;
	v2 =	vld.idx.msk [tilespmem:v8+s17+$0x0], $0xffff  }
0x317: {  	v10 =	vor.u32 v38, v14;
	_ =	sdelay $0x1  }
0x318: {  	v8 =	vor.u32 v43, v16;
	v9 =	vld.idx.msk [tilespmem:v9+s17+$0x0], $0xffff;
	[tilespmem:v3+s22+$0x0] =	vst.idx.msk $0xffff, v0  }
0x319: {  	v11 =	vor.u32 v38, v13;
	[tilespmem:v5+s22+$0x0] =	vst.idx.msk $0xffff, v4;
	v0 =	vld.idx.msk [tilespmem:v1+s17+$0x0], $0xffff;
	v1 =	vor.u32 v19, v18  }
0x31a: {  	v4 =	vor.u32 v43, v15;
	[tilespmem:v7+s22+$0x0] =	vst.idx.msk $0xffff, v2;
	v2 =	vor.u32 v20, v55;
	v3 =	vld.idx.msk [tilespmem:v6+s17+$0x0], $0xffff  }
0x31b: {  	v5 =	vor.u32 v38, v61;
	v7 =	vor.u32 v19, v17;
	v6 =	vld.idx.msk [tilespmem:v10+s17+$0x0], $0xffff  }
0x31c: {  	v10 =	vor.u32 v20, v14  }
0x31d: {  	[tilespmem:v8+s22+$0x0] =	vst.idx.msk $0xffff, v9  }
0x31e: {  	v8 =	vor.u32 v19, v16;
	v9 =	vld.idx.msk [tilespmem:v11+s17+$0x0], $0xffff;
	[tilespmem:v1+s22+$0x0] =	vst.idx.msk $0xffff, v0  }
0x31f: {  	v11 =	vor.u32 v20, v13;
	[tilespmem:v4+s22+$0x0] =	vst.idx.msk $0xffff, v3;
	v1 =	vor.u32 v56, v18;
	v0 =	vld.idx.msk [tilespmem:v2+s17+$0x0], $0xffff  }
0x320: {  	v3 =	vor.u32 v19, v15;
	[tilespmem:v7+s22+$0x0] =	vst.idx.msk $0xffff, v6;
	v4 =	vor.u32 v22, v55;
	v2 =	vld.idx.msk [tilespmem:v5+s17+$0x0], $0xffff  }
0x321: {  	v7 =	vor.u32 v56, v17;
	v5 =	vor.u32 v20, v61;
	v6 =	vld.idx.msk [tilespmem:v10+s17+$0x0], $0xffff  }
0x322: {  	v10 =	vor.u32 v22, v14  }
0x323: {  	[tilespmem:v8+s22+$0x0] =	vst.idx.msk $0xffff, v9  }
0x324: {  	v9 =	vor.u32 v56, v16;
	v8 =	vld.idx.msk [tilespmem:v11+s17+$0x0], $0xffff;
	[tilespmem:v1+s22+$0x0] =	vst.idx.msk $0xffff, v0  }
0x325: {  	v11 =	vor.u32 v22, v13;
	[tilespmem:v3+s22+$0x0] =	vst.idx.msk $0xffff, v2;
	v1 =	vor.u32 v49, v18;
	v0 =	vld.idx.msk [tilespmem:v4+s17+$0x0], $0xffff  }
0x326: {  	v3 =	vor.u32 v56, v15;
	[tilespmem:v7+s22+$0x0] =	vst.idx.msk $0xffff, v6;
	v2 =	vld.idx.msk [tilespmem:v5+s17+$0x0], $0xffff;
	v4 =	vor.u32 v23, v55  }
0x327: {  	v7 =	vor.u32 v49, v17;
	v5 =	vor.u32 v22, v61;
	v6 =	vld.idx.msk [tilespmem:v10+s17+$0x0], $0xffff  }
0x328: {  	v10 =	vor.u32 v23, v14  }
0x329: {  	[tilespmem:v9+s22+$0x0] =	vst.idx.msk $0xffff, v8  }
0x32a: {  	v9 =	vor.u32 v49, v16;
	v8 =	vld.idx.msk [tilespmem:v11+s17+$0x0], $0xffff;
	[tilespmem:v1+s22+$0x0] =	vst.idx.msk $0xffff, v0  }
0x32b: {  	v11 =	vor.u32 v23, v13;
	[tilespmem:v3+s22+$0x0] =	vst.idx.msk $0xffff, v2;
	v1 =	vor.u32 v24, v18;
	v0 =	vld.idx.msk [tilespmem:v4+s17+$0x0], $0xffff  }
0x32c: {  	v3 =	vor.u32 v49, v15;
	[tilespmem:v7+s22+$0x0] =	vst.idx.msk $0xffff, v6;
	v2 =	vld.idx.msk [tilespmem:v5+s17+$0x0], $0xffff;
	v4 =	vor.u32 v25, v55  }
0x32d: {  	v7 =	vor.u32 v24, v17;
	v5 =	vor.u32 v23, v61;
	v6 =	vld.idx.msk [tilespmem:v10+s17+$0x0], $0xffff  }
0x32e: {  	v10 =	vor.u32 v25, v14  }
0x32f: {  	[tilespmem:v9+s22+$0x0] =	vst.idx.msk $0xffff, v8  }
0x330: {  	v9 =	vor.u32 v24, v16;
	v8 =	vld.idx.msk [tilespmem:v11+s17+$0x0], $0xffff;
	[tilespmem:v1+s22+$0x0] =	vst.idx.msk $0xffff, v0  }
0x331: {  	v11 =	vor.u32 v25, v13;
	[tilespmem:v3+s22+$0x0] =	vst.idx.msk $0xffff, v2;
	v1 =	vor.u32 v28, v18;
	v0 =	vld.idx.msk [tilespmem:v4+s17+$0x0], $0xffff  }
0x332: {  	v3 =	vor.u32 v24, v15;
	[tilespmem:v7+s22+$0x0] =	vst.idx.msk $0xffff, v6;
	v2 =	vld.idx.msk [tilespmem:v5+s17+$0x0], $0xffff;
	v4 =	vor.u32 v32, v55  }
0x333: {  	v7 =	vor.u32 v28, v17;
	v5 =	vor.u32 v25, v61;
	v6 =	vld.idx.msk [tilespmem:v10+s17+$0x0], $0xffff  }
0x334: {  	v10 =	vor.u32 v32, v14  }
0x335: {  	[tilespmem:v9+s22+$0x0] =	vst.idx.msk $0xffff, v8  }
0x336: {  	v9 =	vor.u32 v28, v16;
	v8 =	vld.idx.msk [tilespmem:v11+s17+$0x0], $0xffff;
	[tilespmem:v1+s22+$0x0] =	vst.idx.msk $0xffff, v0  }
0x337: {  	v11 =	vor.u32 v32, v13;
	[tilespmem:v3+s22+$0x0] =	vst.idx.msk $0xffff, v2;
	v1 =	vor.u32 v46, v18;
	v0 =	vld.idx.msk [tilespmem:v4+s17+$0x0], $0xffff  }
0x338: {  	v3 =	vor.u32 v28, v15;
	[tilespmem:v7+s22+$0x0] =	vst.idx.msk $0xffff, v6;
	v2 =	vld.idx.msk [tilespmem:v5+s17+$0x0], $0xffff;
	v4 =	vor.u32 v34, v55  }
0x339: {  	v7 =	vor.u32 v46, v17;
	v5 =	vor.u32 v32, v61;
	v6 =	vld.idx.msk [tilespmem:v10+s17+$0x0], $0xffff  }
0x33a: {  	v10 =	vor.u32 v34, v14  }
0x33b: {  	[tilespmem:v9+s22+$0x0] =	vst.idx.msk $0xffff, v8  }
0x33c: {  	v9 =	vor.u32 v46, v16;
	v8 =	vld.idx.msk [tilespmem:v11+s17+$0x0], $0xffff;
	[tilespmem:v1+s22+$0x0] =	vst.idx.msk $0xffff, v0  }
0x33d: {  	v11 =	vor.u32 v34, v13;
	[tilespmem:v3+s22+$0x0] =	vst.idx.msk $0xffff, v2;
	v1 =	vor.u32 v47, v42;
	v0 =	vld.idx.msk [tilespmem:v4+s17+$0x0], $0xffff  }
0x33e: {  	v3 =	vor.u32 v46, v15;
	[tilespmem:v7+s22+$0x0] =	vst.idx.msk $0xffff, v6;
	v2 =	vld.idx.msk [tilespmem:v5+s17+$0x0], $0xffff;
	v4 =	vor.u32 v36, v55  }
0x33f: {  	v7 =	vor.u32 v47, v12;
	v5 =	vor.u32 v34, v61;
	v6 =	vld.idx.msk [tilespmem:v10+s17+$0x0], $0xffff  }
0x340: {  	v10 =	vor.u32 v36, v14  }
0x341: {  	[tilespmem:v9+s22+$0x0] =	vst.idx.msk $0xffff, v8  }
0x342: {  	v9 =	vor.u32 v47, v58;
	v8 =	vld.idx.msk [tilespmem:v11+s17+$0x0], $0xffff;
	[tilespmem:v1+s22+$0x0] =	vst.idx.msk $0xffff, v0  }
0x343: {  	v11 =	vor.u32 v36, v13;
	[tilespmem:v3+s22+$0x0] =	vst.idx.msk $0xffff, v2;
	v1 =	vor.u32 v41, v42;
	v0 =	vld.idx.msk [tilespmem:v4+s17+$0x0], $0xffff  }
0x344: {  	v3 =	vor.u32 v47, v44;
	[tilespmem:v7+s22+$0x0] =	vst.idx.msk $0xffff, v6;
	v2 =	vld.idx.msk [tilespmem:v5+s17+$0x0], $0xffff;
	v4 =	vor.u32 v39, v55  }
0x345: {  	v7 =	vor.u32 v41, v12;
	v5 =	vor.u32 v36, v61;
	v6 =	vld.idx.msk [tilespmem:v10+s17+$0x0], $0xffff;
	_ =	sdelay $0x1  }
0x346: {  	[tilespmem:v9+s22+$0x0] =	vst.idx.msk $0xffff, v8  }
0x347: {  	v9 =	vor.u32 v41, v58;
	v8 =	vld.idx.msk [tilespmem:v11+s17+$0x0], $0xffff;
	[tilespmem:v1+s22+$0x0] =	vst.idx.msk $0xffff, v0  }
0x348: {  	v10 =	vor.u32 v39, v14;
	[tilespmem:v3+s22+$0x0] =	vst.idx.msk $0xffff, v2;
	v1 =	vor.u32 v45, v42;
	v0 =	vld.idx.msk [tilespmem:v4+s17+$0x0], $0xffff  }
0x349: {  	v3 =	vor.u32 v41, v44;
	[tilespmem:v7+s22+$0x0] =	vst.idx.msk $0xffff, v6;
	v2 =	vld.idx.msk [tilespmem:v5+s17+$0x0], $0xffff  }
0x34a: {  	v41 =	vld [tilespmem:$0x1FDF0];
	_ =	sdelay $0x1  }
0x34b: {  	v11 =	vor.u32 v39, v13;
	[tilespmem:v9+s22+$0x0] =	vst.idx.msk $0xffff, v8  }
0x34c: {  	v7 =	vor.u32 v45, v12;
	v5 =	vor.u32 v39, v61;
	v6 =	vld.idx.msk [tilespmem:v10+s17+$0x0], $0xffff;
	[tilespmem:v1+s22+$0x0] =	vst.idx.msk $0xffff, v0  }
0x34d: {  	[tilespmem:v3+s22+$0x0] =	vst.idx.msk $0xffff, v2  }
0x34e: {  	v63 =	vmov v45;
	v9 =	vor.u32 v45, v58;
	v4 =	vor.u32 v41, v55;
	v45 =	vld [tilespmem:$0x1FE00];
	_ =	sdelay $0x1  }
0x34f: {  	v8 =	vld.idx.msk [tilespmem:v11+s17+$0x0], $0xffff  }
0x350: {  	v2 =	vld.idx.msk [tilespmem:v5+s17+$0x0], $0xffff;
	[tilespmem:v7+s22+$0x0] =	vst.idx.msk $0xffff, v6  }
0x351: {  	v3 =	vor.u32 v63, v44;
	v39 =	vld [tilespmem:$0x1FE10]  }
0x352: {  	v10 =	vor.u32 v41, v14;
	v0 =	vld.idx.msk [tilespmem:v4+s17+$0x0], $0xffff;
	v1 =	vor.u32 v45, v42;
	_ =	sdelay $0x2  }
0x353: {  	v11 =	vor.u32 v41, v13;
	[tilespmem:v9+s22+$0x0] =	vst.idx.msk $0xffff, v8  }
0x354: {  	v5 =	vor.u32 v41, v61;
	[tilespmem:v3+s22+$0x0] =	vst.idx.msk $0xffff, v2  }
0x355: {  	v6 =	vld.idx.msk [tilespmem:v10+s17+$0x0], $0xffff;
	v7 =	vor.u32 v45, v12;
	v4 =	vor.u32 v39, v55;
	[tilespmem:v1+s22+$0x0] =	vst.idx.msk $0xffff, v0  }
0x356: {  	v47 =	vld [tilespmem:$0x1FE20];
	_ =	sdelay $0x1  }
0x357: {  	v8 =	vld.idx.msk [tilespmem:v11+s17+$0x0], $0xffff  }
0x358: {  	v9 =	vor.u32 v45, v58;
	v2 =	vld.idx.msk [tilespmem:v5+s17+$0x0], $0xffff  }
0x359: {  	v3 =	vor.u32 v45, v44;
	v0 =	vld.idx.msk [tilespmem:v4+s17+$0x0], $0xffff;
	[tilespmem:v7+s22+$0x0] =	vst.idx.msk $0xffff, v6  }
0x35a: {  	v10 =	vor.u32 v39, v14;
	v46 =	vld [tilespmem:$0x1FE30];
	v1 =	vor.u32 v47, v42;
	_ =	sdelay $0x2  }
0x35b: {  	v11 =	vor.u32 v39, v13;
	[tilespmem:v9+s22+$0x0] =	vst.idx.msk $0xffff, v8  }
0x35c: {  	v5 =	vor.u32 v39, v61;
	[tilespmem:v3+s22+$0x0] =	vst.idx.msk $0xffff, v2  }
0x35d: {  	v6 =	vld.idx.msk [tilespmem:v10+s17+$0x0], $0xffff;
	v7 =	vor.u32 v47, v12;
	v4 =	vor.u32 v46, v55;
	[tilespmem:v1+s22+$0x0] =	vst.idx.msk $0xffff, v0  }
0x35e: {  	v53 =	vld [tilespmem:$0x1FE40]  }
0x35f: {  	v10 =	vor.u32 v46, v14  }
0x360: {  	v8 =	vld.idx.msk [tilespmem:v11+s17+$0x0], $0xffff  }
0x361: {  	v2 =	vld.idx.msk [tilespmem:v5+s17+$0x0], $0xffff;
	v9 =	vor.u32 v47, v58  }
0x362: {  	v3 =	vor.u32 v47, v44;
	v0 =	vld.idx.msk [tilespmem:v4+s17+$0x0], $0xffff;
	[tilespmem:v7+s22+$0x0] =	vst.idx.msk $0xffff, v6  }
0x363: {  	v50 =	vld [tilespmem:$0x1FE50];
	v1 =	vor.u32 v53, v42  }
0x364: {  	v6 =	vld.idx.msk [tilespmem:v10+s17+$0x0], $0xffff;
	v7 =	vor.u32 v53, v12;
	_ =	sdelay $0x1  }
0x365: {  	[tilespmem:v9+s22+$0x0] =	vst.idx.msk $0xffff, v8  }
0x366: {  	v11 =	vor.u32 v46, v13;
	[tilespmem:v3+s22+$0x0] =	vst.idx.msk $0xffff, v2  }
0x367: {  	v5 =	vor.u32 v46, v61;
	[tilespmem:v1+s22+$0x0] =	vst.idx.msk $0xffff, v0  }
0x368: {  	v4 =	vor.u32 v50, v55;
	[tilespmem:v7+s22+$0x0] =	vst.idx.msk $0xffff, v6  }
0x369: {  	v10 =	vor.u32 v50, v14;
	v54 =	vld [tilespmem:$0x1FE70];
	_ =	sdelay $0x1  }
0x36a: {  	v8 =	vld.idx.msk [tilespmem:v11+s17+$0x0], $0xffff;
	v9 =	vor.u32 v53, v58  }
0x36b: {  	v2 =	vld.idx.msk [tilespmem:v5+s17+$0x0], $0xffff;
	v3 =	vor.u32 v53, v44;
	v11 =	vor.u32 v50, v13  }
0x36c: {  	v5 =	vor.u32 v50, v61;
	v1 =	vor.u32 v33, v42;
	v0 =	vld.idx.msk [tilespmem:v4+s17+$0x0], $0xffff  }
0x36d: {  	v7 =	vor.u32 v33, v12;
	v6 =	vld.idx.msk [tilespmem:v10+s17+$0x0], $0xffff;
	v4 =	vor.u32 v54, v55;
	_ =	sdelay $0x1  }
0x36e: {  	[tilespmem:v9+s22+$0x0] =	vst.idx.msk $0xffff, v8  }
0x36f: {  	v9 =	vor.u32 v33, v58;
	[tilespmem:v3+s22+$0x0] =	vst.idx.msk $0xffff, v2;
	v8 =	vld.idx.msk [tilespmem:v11+s17+$0x0], $0xffff  }
0x370: {  	v3 =	vor.u32 v33, v44;
	v2 =	vld.idx.msk [tilespmem:v5+s17+$0x0], $0xffff;
	[tilespmem:v1+s22+$0x0] =	vst.idx.msk $0xffff, v0  }
0x371: {  	v10 =	vor.u32 v54, v14;
	v1 =	vor.u32 v52, v42;
	[tilespmem:v7+s22+$0x0] =	vst.idx.msk $0xffff, v6;
	v0 =	vld.idx.msk [tilespmem:v4+s17+$0x0], $0xffff  }
0x372: {  	v62 =	vld [tilespmem:$0x1FE80];
	_ =	sdelay $0x1  }
0x373: {  	[tilespmem:v9+s22+$0x0] =	vst.idx.msk $0xffff, v8  }
0x374: {  	v11 =	vor.u32 v54, v13;
	[tilespmem:v3+s22+$0x0] =	vst.idx.msk $0xffff, v2  }
0x375: {  	v5 =	vor.u32 v54, v61;
	v6 =	vld.idx.msk [tilespmem:v10+s17+$0x0], $0xffff;
	[tilespmem:v1+s22+$0x0] =	vst.idx.msk $0xffff, v0  }
0x376: {  	v7 =	vor.u32 v52, v12;
	v4 =	vor.u32 v62, v55;
	v36 =	vld [tilespmem:$0x1FE90];
	_ =	sdelay $0x2  }
0x377: {  	v9 =	vor.u32 v52, v58;
	v8 =	vld.idx.msk [tilespmem:v11+s17+$0x0], $0xffff  }
0x378: {  	v3 =	vor.u32 v52, v44;
	v2 =	vld.idx.msk [tilespmem:v5+s17+$0x0], $0xffff  }
0x379: {  	v0 =	vld.idx.msk [tilespmem:v4+s17+$0x0], $0xffff;
	[tilespmem:v7+s22+$0x0] =	vst.idx.msk $0xffff, v6;
	v1 =	vor.u32 v36, v18  }
0x37a: {  	v60 =	vmov v40;
	v40 =	vld [tilespmem:$0x1FEA0]  }
0x37b: {  	v10 =	vor.u32 v62, v14  }
0x37c: {  	[tilespmem:v9+s22+$0x0] =	vst.idx.msk $0xffff, v8  }
0x37d: {  	v11 =	vor.u32 v62, v13;
	[tilespmem:v3+s22+$0x0] =	vst.idx.msk $0xffff, v2  }
0x37e: {  	[tilespmem:v1+s22+$0x0] =	vst.idx.msk $0xffff, v0  }
0x37f: {  	v4 =	vor.u32 v40, v55;
	v21 =	vld [tilespmem:$0x1FEB0]  }
0x380: {  	v5 =	vor.u32 v62, v61;
	v6 =	vld.idx.msk [tilespmem:v10+s17+$0x0], $0xffff;
	v7 =	vor.u32 v36, v17  }
0x381: {  	v10 =	vor.u32 v40, v14  }
0x382: {  	v8 =	vld.idx.msk [tilespmem:v11+s17+$0x0], $0xffff;
	v9 =	vor.u32 v36, v16  }
0x383: {  	v11 =	vor.u32 v40, v13  }
0x384: {  	v0 =	vld.idx.msk [tilespmem:v4+s17+$0x0], $0xffff;
	v1 =	vor.u32 v21, v18  }
0x385: {  	v2 =	vld.idx.msk [tilespmem:v5+s17+$0x0], $0xffff;
	v3 =	vor.u32 v36, v15;
	[tilespmem:v7+s22+$0x0] =	vst.idx.msk $0xffff, v6;
	v4 =	vor.u32 v29, v55  }
0x386: {  	v5 =	vor.u32 v40, v61;
	v6 =	vld.idx.msk [tilespmem:v10+s17+$0x0], $0xffff;
	v7 =	vor.u32 v21, v17  }
0x387: {  	[tilespmem:v9+s22+$0x0] =	vst.idx.msk $0xffff, v8  }
0x388: {  	v8 =	vld.idx.msk [tilespmem:v11+s17+$0x0], $0xffff;
	v10 =	vor.u32 v29, v14;
	v9 =	vor.u32 v21, v16  }
0x389: {  	v11 =	vor.u32 v29, v13;
	[tilespmem:v1+s22+$0x0] =	vst.idx.msk $0xffff, v0  }
0x38a: {  	v34 =	vmov v20;
	[tilespmem:v3+s22+$0x0] =	vst.idx.msk $0xffff, v2;
	v3 =	vld.idx.msk [tilespmem:v4+s17+$0x0], $0xffff;
	v4 =	vor.u32 v30, v18  }
0x38b: {  	v20 =	vld.idx.msk [tilespmem:v5+s17+$0x0], $0xffff;
	v21 =	vor.u32 v21, v15;
	[tilespmem:v7+s22+$0x0] =	vst.idx.msk $0xffff, v6;
	v6 =	vor.u32 v31, v55;
	_ =	sdelay $0x1  }
0x38c: {  	v26 =	vor.u32 v29, v61;
	[tilespmem:v9+s22+$0x0] =	vst.idx.msk $0xffff, v8;
	v8 =	vor.u32 v30, v17;
	v7 =	vld.idx.msk [tilespmem:v10+s17+$0x0], $0xffff  }
0x38d: {  	s3 =	simm.s32 $0x4;
	v24 =	vor.u32 v31, v14;
	v52 =	vmovc v23;
	v36 =	vmov v22;
	v22 =	vor.u32 v30, v16;
	v23 =	vld.idx.msk [tilespmem:v11+s17+$0x0], $0xffff  }
0x38e: {  	s31 =	simm.s32 $0x6;
	v35 =	vmov v19;
	v19 =	vor.u32 v31, v13;
	v0 =	vadd.s32 s3, v37;
	[tilespmem:v4+s22+$0x0] =	vst.idx.msk $0xffff, v3  }
0x38f: {  	s30 =	simm.s32 $0x5;
	v25 =	vor.u32 v57, v18;
	v5 =	vadd.s32 s31, v37;
	[tilespmem:v21+s22+$0x0] =	vst.idx.msk $0xffff, v20;
	v9 =	vand.u32 $0xF, v0;
	v20 =	vld.idx.msk [tilespmem:v6+s17+$0x0], $0xffff  }
0x390: {  	v2 =	vadd.s32 s30, v37;
	v11 =	vand.u32 $0xF, v5;
	v3 =	vshll.u32 v9, $0x7  }
0x391: {  	v48 =	vmovc v30;
	v10 =	vand.u32 $0xF, v2;
	[tilespmem:v8+s22+$0x0] =	vst.idx.msk $0xffff, v7;
	v7 =	vshll.u32 v11, $0x7;
	v21 =	vor.u32 v37, v3  }
0x392: {  	[tilespmem:v22+s22+$0x0] =	vst.idx.msk $0xffff, v23;
	v22 =	vld.idx.msk [tilespmem:v24+s17+$0x0], $0xffff;
	v23 =	vor.u32 v37, v7;
	v24 =	vor.u32 v57, v17  }
0x393: {  	v26 =	vld.idx.msk [tilespmem:v26+s17+$0x0], $0xffff;
	v6 =	vshll.u32 v10, $0x7  }
0x394: {  	v29 =	vor.u32 v57, v16;
	v19 =	vld.idx.msk [tilespmem:v19+s17+$0x0], $0xffff;
	v28 =	vor.u32 v37, v6;
	[tilespmem:v25+s22+$0x0] =	vst.idx.msk $0xffff, v20  }
0x395: {  	v27 =	vor.u32 v59, v55;
	v31 =	vor.u32 v48, v15;
	v48 =	vmovc v60;
	v20 =	vor.u32 v60, v9;
	v60 =	vld [tilespmem:$0x1FFD0]  }
0x396: {  	s29 =	simm.s32 $0x7;
	v21 =	vld.idx.msk [tilespmem:v21+s17+$0x0], $0xffff  }
0x397: {  	v1 =	vadd.s32 s29, v37;
	v23 =	vld.idx.msk [tilespmem:v23+s17+$0x0], $0xffff;
	[tilespmem:v24+s22+$0x0] =	vst.idx.msk $0xffff, v22  }
0x398: {  	v30 =	vor.u32 v59, v14;
	v8 =	vand.u32 $0xF, v1;
	v24 =	vor.u32 v48, v11;
	v51 =	vld [tilespmem:$0x1FCB0]  }
0x399: {  	v4 =	vshll.u32 v8, $0x7;
	v28 =	vld.idx.msk [tilespmem:v28+s17+$0x0], $0xffff;
	[tilespmem:v29+s22+$0x0] =	vst.idx.msk $0xffff, v19;
	v19 =	vor.u32 v48, v10  }
0x39a: {  	v40 =	vmov v32;
	v32 =	vor.u32 v37, v4;
	v25 =	vld.idx.msk [tilespmem:v27+s17+$0x0], $0xffff;
	v27 =	vor.u32 v60, v18  }
0x39b: {  	v63 =	vld [tilespmem:$0x1FC40];
	[tilespmem:v31+s22+$0x0] =	vst.idx.msk $0xffff, v26  }
0x39c: {  	v33 =	vor.u32 v59, v13;
	[tilespmem:v20+s22+$0x0] =	vst.idx.msk $0xffff, v21  }
0x39d: {  	[tilespmem:v24+s22+$0x0] =	vst.idx.msk $0xffff, v23;
	v22 =	vor.u32 v51, v3  }
0x39e: {  	v30 =	vld.idx.msk [tilespmem:v30+s17+$0x0], $0xffff;
	v31 =	vor.u32 v60, v17;
	v26 =	vor.u32 v51, v7;
	[tilespmem:v19+s22+$0x0] =	vst.idx.msk $0xffff, v28  }
0x39f: {  	v21 =	vld.idx.msk [tilespmem:v32+s17+$0x0], $0xffff;
	v32 =	vor.u32 v48, v8;
	v20 =	vor.u32 v51, v6;
	[tilespmem:v27+s22+$0x0] =	vst.idx.msk $0xffff, v25  }
0x3a0: {  	v29 =	vor.u32 v63, v55;
	v48 =	vld [tilespmem:$0x1FC50]  }
0x3a1: {  	v33 =	vld.idx.msk [tilespmem:v33+s17+$0x0], $0xffff;
	v27 =	vor.u32 v60, v16  }
0x3a2: {  	v24 =	vor.u32 v43, v9;
	v25 =	vor.u32 v63, v14;
	v22 =	vld.idx.msk [tilespmem:v22+s17+$0x0], $0xffff  }
0x3a3: {  	v23 =	vor.u32 v51, v4;
	[tilespmem:v31+s22+$0x0] =	vst.idx.msk $0xffff, v30;
	v26 =	vld.idx.msk [tilespmem:v26+s17+$0x0], $0xffff;
	v31 =	vor.u32 v43, v11  }
0x3a4: {  	[tilespmem:v32+s22+$0x0] =	vst.idx.msk $0xffff, v21;
	v21 =	vor.u32 v43, v10;
	v20 =	vld.idx.msk [tilespmem:v20+s17+$0x0], $0xffff  }
0x3a5: {  	v28 =	vld.idx.msk [tilespmem:v29+s17+$0x0], $0xffff;
	v29 =	vor.u32 v63, v13;
	v19 =	vor.u32 v48, v18  }
0x3a6: {  	v51 =	vmov v43;
	v43 =	vld [tilespmem:$0x1FC60];
	[tilespmem:v27+s22+$0x0] =	vst.idx.msk $0xffff, v33  }
0x3a7: {  	v30 =	vor.u32 v38, v3;
	v25 =	vld.idx.msk [tilespmem:v25+s17+$0x0], $0xffff;
	v33 =	vor.u32 v48, v17;
	[tilespmem:v24+s22+$0x0] =	vst.idx.msk $0xffff, v22  }
0x3a8: {  	v23 =	vld.idx.msk [tilespmem:v23+s17+$0x0], $0xffff;
	v27 =	vor.u32 v38, v7;
	v24 =	vor.u32 v51, v8;
	[tilespmem:v31+s22+$0x0] =	vst.idx.msk $0xffff, v26  }
0x3a9: {  	[tilespmem:v21+s22+$0x0] =	vst.idx.msk $0xffff, v20  }
0x3aa: {  	v22 =	vor.u32 v38, v6;
	v29 =	vld.idx.msk [tilespmem:v29+s17+$0x0], $0xffff;
	[tilespmem:v19+s22+$0x0] =	vst.idx.msk $0xffff, v28  }
0x3ab: {  	v51 =	vmov v35;
	v31 =	vor.u32 v35, v9;
	v32 =	vor.u32 v43, v55;
	v35 =	vld [tilespmem:$0x1FC70]  }
0x3ac: {  	v30 =	vld.idx.msk [tilespmem:v30+s17+$0x0], $0xffff;
	[tilespmem:v33+s22+$0x0] =	vst.idx.msk $0xffff, v25  }
0x3ad: {  	v27 =	vld.idx.msk [tilespmem:v27+s17+$0x0], $0xffff;
	v28 =	vor.u32 v48, v16;
	[tilespmem:v24+s22+$0x0] =	vst.idx.msk $0xffff, v23  }
0x3ae: {  	v26 =	vor.u32 v38, v4;
	v33 =	vor.u32 v51, v11;
	v38 =	vld [tilespmem:$0x1FFB0]  }
0x3af: {  	v19 =	vor.u32 v43, v14;
	v22 =	vld.idx.msk [tilespmem:v22+s17+$0x0], $0xffff;
	v23 =	vor.u32 v51, v10  }
0x3b0: {  	v21 =	vld.idx.msk [tilespmem:v32+s17+$0x0], $0xffff;
	v32 =	vor.u32 v43, v13;
	v20 =	vor.u32 v35, v18  }
0x3b1: {  	[tilespmem:v31+s22+$0x0] =	vst.idx.msk $0xffff, v30  }
0x3b2: {  	v25 =	vor.u32 v34, v3;
	[tilespmem:v28+s22+$0x0] =	vst.idx.msk $0xffff, v29  }
0x3b3: {  	v26 =	vld.idx.msk [tilespmem:v26+s17+$0x0], $0xffff;
	[tilespmem:v33+s22+$0x0] =	vst.idx.msk $0xffff, v27;
	v24 =	vor.u32 v38, v55  }
0x3b4: {  	v43 =	vmov v51;
	v28 =	vor.u32 v34, v7;
	v19 =	vld.idx.msk [tilespmem:v19+s17+$0x0], $0xffff;
	[tilespmem:v23+s22+$0x0] =	vst.idx.msk $0xffff, v22  }
0x3b5: {  	v30 =	vor.u32 v34, v6;
	v29 =	vor.u32 v35, v17;
	v32 =	vld.idx.msk [tilespmem:v32+s17+$0x0], $0xffff;
	[tilespmem:v20+s22+$0x0] =	vst.idx.msk $0xffff, v21  }
0x3b6: {  	v31 =	vor.u32 v43, v8;
	v51 =	vld [tilespmem:$0x1FC80]  }
0x3b7: {  	v48 =	vor.u32 v56, v9;
	v25 =	vld.idx.msk [tilespmem:v25+s17+$0x0], $0xffff  }
0x3b8: {  	v21 =	vor.u32 v35, v16;
	v22 =	vld.idx.msk [tilespmem:v24+s17+$0x0], $0xffff  }
0x3b9: {  	v24 =	vld.idx.msk [tilespmem:v28+s17+$0x0], $0xffff;
	v28 =	vor.u32 v56, v11  }
0x3ba: {  	[tilespmem:v29+s22+$0x0] =	vst.idx.msk $0xffff, v19;
	v29 =	vld.idx.msk [tilespmem:v30+s17+$0x0], $0xffff;
	v30 =	vor.u32 v56, v10  }
0x3bb: {  	v20 =	vor.u32 v38, v14;
	[tilespmem:v31+s22+$0x0] =	vst.idx.msk $0xffff, v26;
	v18 =	vor.u32 v51, v18  }
0x3bc: {  	v43 =	vld [tilespmem:$0x1FC90];
	[tilespmem:v48+s22+$0x0] =	vst.idx.msk $0xffff, v25  }
0x3bd: {  	v27 =	vor.u32 v34, v4;
	[tilespmem:v21+s22+$0x0] =	vst.idx.msk $0xffff, v32  }
0x3be: {  	v19 =	vor.u32 v36, v3;
	[tilespmem:v28+s22+$0x0] =	vst.idx.msk $0xffff, v24  }
0x3bf: {  	v23 =	vor.u32 v38, v13;
	[tilespmem:v30+s22+$0x0] =	vst.idx.msk $0xffff, v29  }
0x3c0: {  	v21 =	vor.u32 v36, v7;
	v20 =	vld.idx.msk [tilespmem:v20+s17+$0x0], $0xffff;
	v17 =	vor.u32 v51, v17;
	[tilespmem:v18+s22+$0x0] =	vst.idx.msk $0xffff, v22  }
0x3c1: {  	v26 =	vor.u32 v43, v55;
	v33 =	vld [tilespmem:$0x1FEC0]  }
0x3c2: {  	v31 =	vor.u32 v56, v8;
	v25 =	vor.u32 v36, v6;
	v27 =	vld.idx.msk [tilespmem:v27+s17+$0x0], $0xffff  }
0x3c3: {  	v19 =	vld.idx.msk [tilespmem:v19+s17+$0x0], $0xffff;
	v24 =	vor.u32 v49, v9  }
0x3c4: {  	v16 =	vor.u32 v51, v16;
	v18 =	vld.idx.msk [tilespmem:v23+s17+$0x0], $0xffff  }
0x3c5: {  	[tilespmem:v17+s22+$0x0] =	vst.idx.msk $0xffff, v20;
	v20 =	vld.idx.msk [tilespmem:v21+s17+$0x0], $0xffff;
	v21 =	vor.u32 v49, v11  }
0x3c6: {  	v22 =	vor.u32 v43, v14;
	v26 =	vld.idx.msk [tilespmem:v26+s17+$0x0], $0xffff;
	v29 =	vor.u32 v33, v42  }
0x3c7: {  	v30 =	vor.u32 v49, v10;
	v25 =	vld.idx.msk [tilespmem:v25+s17+$0x0], $0xffff;
	[tilespmem:v31+s22+$0x0] =	vst.idx.msk $0xffff, v27  }
0x3c8: {  	v31 =	vld [tilespmem:$0x1FED0];
	[tilespmem:v24+s22+$0x0] =	vst.idx.msk $0xffff, v19  }
0x3c9: {  	v23 =	vor.u32 v36, v4;
	[tilespmem:v16+s22+$0x0] =	vst.idx.msk $0xffff, v18  }
0x3ca: {  	v28 =	vor.u32 v43, v13;
	[tilespmem:v21+s22+$0x0] =	vst.idx.msk $0xffff, v20  }
0x3cb: {  	v17 =	vor.u32 v52, v3;
	v18 =	vld.idx.msk [tilespmem:v22+s17+$0x0], $0xffff;
	[tilespmem:v29+s22+$0x0] =	vst.idx.msk $0xffff, v26  }
0x3cc: {  	v36 =	vld [tilespmem:$0x1FD40];
	[tilespmem:v30+s22+$0x0] =	vst.idx.msk $0xffff, v25  }
0x3cd: {  	v27 =	vor.u32 v31, v55;
	v48 =	vld [tilespmem:$0x1FEE0]  }
0x3ce: {  	v16 =	vor.u32 v52, v7;
	v23 =	vld.idx.msk [tilespmem:v23+s17+$0x0], $0xffff;
	v22 =	vor.u32 v33, v12  }
0x3cf: {  	v24 =	vor.u32 v49, v8;
	v28 =	vld.idx.msk [tilespmem:v28+s17+$0x0], $0xffff  }
0x3d0: {  	v17 =	vld.idx.msk [tilespmem:v17+s17+$0x0], $0xffff;
	v29 =	vor.u32 v33, v58  }
0x3d1: {  	v19 =	vor.u32 v52, v6;
	v25 =	vld [tilespmem:$0x1FC30];
	v21 =	vor.u32 v36, v9  }
0x3d2: {  	v26 =	vor.u32 v31, v14;
	v27 =	vld.idx.msk [tilespmem:v27+s17+$0x0], $0xffff;
	v30 =	vor.u32 v48, v42  }
0x3d3: {  	v16 =	vld.idx.msk [tilespmem:v16+s17+$0x0], $0xffff;
	[tilespmem:v22+s22+$0x0] =	vst.idx.msk $0xffff, v18;
	v22 =	vor.u32 v36, v11  }
0x3d4: {  	v32 =	vld [tilespmem:$0x1FD50];
	[tilespmem:v24+s22+$0x0] =	vst.idx.msk $0xffff, v23  }
0x3d5: {  	v20 =	vor.u32 v52, v4;
	[tilespmem:v29+s22+$0x0] =	vst.idx.msk $0xffff, v28  }
0x3d6: {  	v19 =	vld.idx.msk [tilespmem:v19+s17+$0x0], $0xffff;
	v25 =	vor.u32 v25, v61;
	[tilespmem:v21+s22+$0x0] =	vst.idx.msk $0xffff, v17  }
0x3d7: {  	v26 =	vld.idx.msk [tilespmem:v26+s17+$0x0], $0xffff;
	[tilespmem:v30+s22+$0x0] =	vst.idx.msk $0xffff, v27  }
0x3d8: {  	v23 =	vor.u32 v31, v13;
	v24 =	vor.u32 v36, v10;
	v51 =	vld [tilespmem:$0x1FEF0];
	[tilespmem:v22+s22+$0x0] =	vst.idx.msk $0xffff, v16  }
0x3d9: {  	v29 =	vor.u32 v48, v12;
	v18 =	vor.u32 v32, v3;
	v52 =	vld [tilespmem:$0x1FD60]  }
0x3da: {  	v20 =	vld.idx.msk [tilespmem:v20+s17+$0x0], $0xffff;
	v28 =	vor.u32 v32, v7;
	v21 =	vor.u32 v36, v8  }
0x3db: {  	v25 =	vld.idx.msk [tilespmem:v25+s17+$0x0], $0xffff;
	v30 =	vor.u32 v57, v15;
	_ =	sdelay $0x1  }
0x3dc: {  	v23 =	vld.idx.msk [tilespmem:v23+s17+$0x0], $0xffff;
	[tilespmem:v24+s22+$0x0] =	vst.idx.msk $0xffff, v19;
	v24 =	vor.u32 v48, v58  }
0x3dd: {  	v17 =	vor.u32 v32, v6;
	v18 =	vld.idx.msk [tilespmem:v18+s17+$0x0], $0xffff;
	[tilespmem:v29+s22+$0x0] =	vst.idx.msk $0xffff, v26;
	v22 =	vor.u32 v52, v9  }
0x3de: {  	v28 =	vld.idx.msk [tilespmem:v28+s17+$0x0], $0xffff;
	[tilespmem:v21+s22+$0x0] =	vst.idx.msk $0xffff, v20;
	v29 =	vor.u32 v52, v11  }
0x3df: {  	[tilespmem:v30+s22+$0x0] =	vst.idx.msk $0xffff, v25  }
0x3e0: {  	v27 =	vor.u32 v51, v14;
	v57 =	vld [tilespmem:$0x1FF00]  }
0x3e1: {  	v16 =	vor.u32 v32, v4;
	[tilespmem:v24+s22+$0x0] =	vst.idx.msk $0xffff, v23  }
0x3e2: {  	v19 =	vor.u32 v59, v61;
	v17 =	vld.idx.msk [tilespmem:v17+s17+$0x0], $0xffff;
	[tilespmem:v22+s22+$0x0] =	vst.idx.msk $0xffff, v18  }
0x3e3: {  	v20 =	vor.u32 v51, v13;
	v21 =	vor.u32 v52, v10;
	v59 =	vld [tilespmem:$0x1FF10];
	[tilespmem:v29+s22+$0x0] =	vst.idx.msk $0xffff, v28  }
0x3e4: {  	v26 =	vor.u32 v40, v3;
	v56 =	vld [tilespmem:$0x1FD80]  }
0x3e5: {  	v25 =	vor.u32 v40, v7;
	v27 =	vld.idx.msk [tilespmem:v27+s17+$0x0], $0xffff;
	v30 =	vor.u32 v57, v12  }
0x3e6: {  	v16 =	vld.idx.msk [tilespmem:v16+s17+$0x0], $0xffff;
	v22 =	vor.u32 v52, v8  }
0x3e7: {  	v19 =	vld.idx.msk [tilespmem:v19+s17+$0x0], $0xffff;
	v24 =	vor.u32 v60, v15;
	v18 =	vor.u32 v40, v6  }
0x3e8: {  	v20 =	vld.idx.msk [tilespmem:v20+s17+$0x0], $0xffff;
	[tilespmem:v21+s22+$0x0] =	vst.idx.msk $0xffff, v17;
	v21 =	vor.u32 v57, v58  }
0x3e9: {  	v26 =	vld.idx.msk [tilespmem:v26+s17+$0x0], $0xffff;
	v28 =	vor.u32 v40, v4;
	v29 =	vor.u32 v56, v9  }
0x3ea: {  	v25 =	vld.idx.msk [tilespmem:v25+s17+$0x0], $0xffff;
	[tilespmem:v30+s22+$0x0] =	vst.idx.msk $0xffff, v27  }
0x3eb: {  	v36 =	vld [tilespmem:$0x1FD90];
	[tilespmem:v22+s22+$0x0] =	vst.idx.msk $0xffff, v16;
	v30 =	vor.u32 v56, v11  }
0x3ec: {  	v18 =	vld.idx.msk [tilespmem:v18+s17+$0x0], $0xffff;
	[tilespmem:v24+s22+$0x0] =	vst.idx.msk $0xffff, v19  }
0x3ed: {  	v23 =	vor.u32 v59, v14;
	v60 =	vld [tilespmem:$0x1FF20];
	[tilespmem:v21+s22+$0x0] =	vst.idx.msk $0xffff, v20  }
0x3ee: {  	v17 =	vor.u32 v63, v61;
	v28 =	vld.idx.msk [tilespmem:v28+s17+$0x0], $0xffff;
	[tilespmem:v29+s22+$0x0] =	vst.idx.msk $0xffff, v26  }
0x3ef: {  	v16 =	vor.u32 v59, v13;
	v21 =	vld [tilespmem:$0x1FC50]  }
0x3f0: {  	v22 =	vor.u32 v56, v10;
	v27 =	vor.u32 v36, v3;
	v63 =	vld [tilespmem:$0x1FF30];
	[tilespmem:v30+s22+$0x0] =	vst.idx.msk $0xffff, v25  }
0x3f1: {  	v19 =	vor.u32 v36, v7;
	v26 =	vor.u32 v36, v6;
	v25 =	vor.u32 v36, v4;
	v36 =	vld [tilespmem:$0x1FDA0]  }
0x3f2: {  	v23 =	vld.idx.msk [tilespmem:v23+s17+$0x0], $0xffff;
	v24 =	vor.u32 v60, v12  }
0x3f3: {  	v17 =	vld.idx.msk [tilespmem:v17+s17+$0x0], $0xffff;
	v29 =	vor.u32 v56, v8  }
0x3f4: {  	v16 =	vld.idx.msk [tilespmem:v16+s17+$0x0], $0xffff;
	v21 =	vor.u32 v21, v15  }
0x3f5: {  	[tilespmem:v22+s22+$0x0] =	vst.idx.msk $0xffff, v18;
	v27 =	vld.idx.msk [tilespmem:v27+s17+$0x0], $0xffff  }
0x3f6: {  	v18 =	vld [tilespmem:$0x1FC60];
	v30 =	vor.u32 v36, v0  }
0x3f7: {  	v22 =	vor.u32 v60, v58;
	v19 =	vld.idx.msk [tilespmem:v19+s17+$0x0], $0xffff;
	[tilespmem:v24+s22+$0x0] =	vst.idx.msk $0xffff, v23  }
0x3f8: {  	v40 =	vld [tilespmem:$0x1FDB0];
	[tilespmem:v29+s22+$0x0] =	vst.idx.msk $0xffff, v28;
	v24 =	vor.u32 v36, v5  }
0x3f9: {  	[tilespmem:v21+s22+$0x0] =	vst.idx.msk $0xffff, v17  }
0x3fa: {  	v32 =	vld [tilespmem:$0x1FC10]  }
0x3fb: {  	v20 =	vor.u32 v63, v14;
	v56 =	vld [tilespmem:$0x1FF40];
	[tilespmem:v30+s22+$0x0] =	vst.idx.msk $0xffff, v27  }
0x3fc: {  	[tilespmem:v22+s22+$0x0] =	vst.idx.msk $0xffff, v16  }
0x3fd: {  	v18 =	vor.u32 v18, v61;
	v23 =	vor.u32 v40, v3;
	v52 =	vld [tilespmem:$0x1FF50];
	[tilespmem:v24+s22+$0x0] =	vst.idx.msk $0xffff, v19  }
0x3fe: {  	v17 =	vor.u32 v40, v7;
	v27 =	vor.u32 v40, v6;
	v19 =	vor.u32 v40, v4;
	v40 =	vld [tilespmem:$0x1FDC0]  }
0x3ff: {  	v26 =	vld.idx.msk [tilespmem:v26+s17+$0x0], $0xffff;
	v28 =	vor.u32 v63, v13;
	v29 =	vor.u32 v36, v2  }
0x400: {  	v20 =	vld.idx.msk [tilespmem:v20+s17+$0x0], $0xffff;
	v21 =	vor.u32 v56, v12  }
0x401: {  	v25 =	vld.idx.msk [tilespmem:v25+s17+$0x0], $0xffff;
	v30 =	vor.u32 v36, v1  }
0x402: {  	v22 =	vor.u32 v35, v15;
	v18 =	vld.idx.msk [tilespmem:v18+s17+$0x0], $0xffff  }
0x403: {  	v23 =	vld.idx.msk [tilespmem:v23+s17+$0x0], $0xffff;
	v24 =	vor.u32 v40, v0  }
0x404: {  	v28 =	vld.idx.msk [tilespmem:v28+s17+$0x0], $0xffff;
	[tilespmem:v29+s22+$0x0] =	vst.idx.msk $0xffff, v26;
	v29 =	vor.u32 v56, v58  }
0x405: {  	[tilespmem:v21+s22+$0x0] =	vst.idx.msk $0xffff, v20  }
0x406: {  	v16 =	vor.u32 v52, v14;
	v49 =	vld [tilespmem:$0x1FDD0];
	[tilespmem:v30+s22+$0x0] =	vst.idx.msk $0xffff, v25  }
0x407: {  	v17 =	vld.idx.msk [tilespmem:v17+s17+$0x0], $0xffff;
	[tilespmem:v22+s22+$0x0] =	vst.idx.msk $0xffff, v18  }
0x408: {  	v21 =	vor.u32 v40, v5;
	v35 =	vld [tilespmem:$0x1FF60];
	[tilespmem:v24+s22+$0x0] =	vst.idx.msk $0xffff, v23  }
0x409: {  	v26 =	vor.u32 v38, v61;
	v27 =	vld.idx.msk [tilespmem:v27+s17+$0x0], $0xffff;
	[tilespmem:v29+s22+$0x0] =	vst.idx.msk $0xffff, v28  }
0x40a: {  	v29 =	vld [tilespmem:$0x1FC80]  }
0x40b: {  	v16 =	vld.idx.msk [tilespmem:v16+s17+$0x0], $0xffff  }
0x40c: {  	v30 =	vor.u32 v40, v2;
	v19 =	vld.idx.msk [tilespmem:v19+s17+$0x0], $0xffff  }
0x40d: {  	v25 =	vor.u32 v52, v13;
	v24 =	vor.u32 v40, v1;
	v38 =	vld [tilespmem:$0x1FF70];
	[tilespmem:v21+s22+$0x0] =	vst.idx.msk $0xffff, v17  }
0x40e: {  	v26 =	vld.idx.msk [tilespmem:v26+s17+$0x0], $0xffff;
	v20 =	vor.u32 v49, v3;
	v18 =	vor.u32 v49, v7;
	v22 =	vor.u32 v35, v12  }
0x40f: {  	v23 =	vor.u32 v49, v6;
	v17 =	vor.u32 v49, v4;
	v49 =	vld [tilespmem:$0x1FDE0];
	v15 =	vor.u32 v29, v15;
	_ =	sdelay $0x1  }
0x410: {  	[tilespmem:v30+s22+$0x0] =	vst.idx.msk $0xffff, v27  }
0x411: {  	[tilespmem:v24+s22+$0x0] =	vst.idx.msk $0xffff, v19  }
0x412: {  	v25 =	vld.idx.msk [tilespmem:v25+s17+$0x0], $0xffff;
	v27 =	vor.u32 v43, v61;
	v29 =	vor.u32 v35, v58;
	[tilespmem:v22+s22+$0x0] =	vst.idx.msk $0xffff, v16  }
0x413: {  	v20 =	vld.idx.msk [tilespmem:v20+s17+$0x0], $0xffff;
	v21 =	vor.u32 v49, v0;
	[tilespmem:v15+s22+$0x0] =	vst.idx.msk $0xffff, v26  }
0x414: {  	v28 =	vor.u32 v38, v14;
	v30 =	vld [tilespmem:$0x1FF80]  }
0x415: {  	v18 =	vld.idx.msk [tilespmem:v18+s17+$0x0], $0xffff;
	v22 =	vor.u32 v49, v5  }
0x416: {  	v23 =	vld.idx.msk [tilespmem:v23+s17+$0x0], $0xffff;
	v24 =	vor.u32 v49, v2  }
0x417: {  	[tilespmem:v29+s22+$0x0] =	vst.idx.msk $0xffff, v25;
	v25 =	vld.idx.msk [tilespmem:v27+s17+$0x0], $0xffff;
	v27 =	vor.u32 v33, v44  }
0x418: {  	v17 =	vld.idx.msk [tilespmem:v17+s17+$0x0], $0xffff;
	[tilespmem:v21+s22+$0x0] =	vst.idx.msk $0xffff, v20;
	v21 =	vor.u32 v49, v1  }
0x419: {  	v26 =	vld.idx.msk [tilespmem:v28+s17+$0x0], $0xffff;
	v28 =	vor.u32 v30, v12  }
0x41a: {  	v29 =	vld [tilespmem:$0x1FF90];
	[tilespmem:v22+s22+$0x0] =	vst.idx.msk $0xffff, v18  }
0x41b: {  	v16 =	vor.u32 v41, v3;
	[tilespmem:v24+s22+$0x0] =	vst.idx.msk $0xffff, v23  }
0x41c: {  	v19 =	vor.u32 v38, v13;
	[tilespmem:v27+s22+$0x0] =	vst.idx.msk $0xffff, v25  }
0x41d: {  	v15 =	vor.u32 v41, v7;
	[tilespmem:v21+s22+$0x0] =	vst.idx.msk $0xffff, v17  }
0x41e: {  	v20 =	vor.u32 v41, v6;
	[tilespmem:v28+s22+$0x0] =	vst.idx.msk $0xffff, v26  }
0x41f: {  	v23 =	vor.u32 v31, v61;
	v14 =	vor.u32 v29, v14;
	v31 =	vld [tilespmem:$0x1FFA0]  }
0x420: {  	v16 =	vld.idx.msk [tilespmem:v16+s17+$0x0], $0xffff;
	v18 =	vor.u32 v41, v4;
	v22 =	vor.u32 v45, v0  }
0x421: {  	v19 =	vld.idx.msk [tilespmem:v19+s17+$0x0], $0xffff;
	v24 =	vor.u32 v30, v58  }
0x422: {  	v15 =	vld.idx.msk [tilespmem:v15+s17+$0x0], $0xffff;
	v26 =	vor.u32 v39, v3;
	v28 =	vor.u32 v45, v5  }
0x423: {  	v17 =	vld.idx.msk [tilespmem:v20+s17+$0x0], $0xffff;
	v20 =	vor.u32 v45, v2;
	v13 =	vor.u32 v29, v13  }
0x424: {  	v21 =	vor.u32 v39, v7;
	v14 =	vld.idx.msk [tilespmem:v14+s17+$0x0], $0xffff;
	v12 =	vor.u32 v31, v12  }
0x425: {  	v18 =	vld.idx.msk [tilespmem:v18+s17+$0x0], $0xffff;
	[tilespmem:v22+s22+$0x0] =	vst.idx.msk $0xffff, v16;
	v16 =	vor.u32 v39, v6;
	v22 =	vor.u32 v45, v1  }
0x426: {  	v23 =	vld.idx.msk [tilespmem:v23+s17+$0x0], $0xffff;
	[tilespmem:v24+s22+$0x0] =	vst.idx.msk $0xffff, v19;
	v19 =	vor.u32 v51, v55;
	v24 =	vor.u32 v48, v44  }
0x427: {  	v25 =	vld.idx.msk [tilespmem:v26+s17+$0x0], $0xffff;
	[tilespmem:v28+s22+$0x0] =	vst.idx.msk $0xffff, v15;
	v15 =	vor.u32 v39, v4;
	v26 =	vor.u32 v47, v0  }
0x428: {  	[tilespmem:v20+s22+$0x0] =	vst.idx.msk $0xffff, v17;
	v17 =	vor.u32 v51, v61;
	v13 =	vld.idx.msk [tilespmem:v13+s17+$0x0], $0xffff;
	v20 =	vor.u32 v31, v58  }
0x429: {  	[tilespmem:v12+s22+$0x0] =	vst.idx.msk $0xffff, v14;
	v12 =	vor.u32 v46, v3;
	v14 =	vld.idx.msk [tilespmem:v21+s17+$0x0], $0xffff;
	v21 =	vor.u32 v47, v5  }
0x42a: {  	v16 =	vld.idx.msk [tilespmem:v16+s17+$0x0], $0xffff;
	[tilespmem:v22+s22+$0x0] =	vst.idx.msk $0xffff, v18;
	v18 =	vor.u32 v47, v2;
	v22 =	vor.u32 v46, v7  }
0x42b: {  	v19 =	vld.idx.msk [tilespmem:v19+s17+$0x0], $0xffff;
	[tilespmem:v24+s22+$0x0] =	vst.idx.msk $0xffff, v23;
	v24 =	vor.u32 v57, v42  }
0x42c: {  	v15 =	vld.idx.msk [tilespmem:v15+s17+$0x0], $0xffff;
	[tilespmem:v26+s22+$0x0] =	vst.idx.msk $0xffff, v25;
	v25 =	vor.u32 v47, v1  }
0x42d: {  	v17 =	vld.idx.msk [tilespmem:v17+s17+$0x0], $0xffff;
	[tilespmem:v20+s22+$0x0] =	vst.idx.msk $0xffff, v13;
	v20 =	vor.u32 v57, v44  }
0x42e: {  	v12 =	vld.idx.msk [tilespmem:v12+s17+$0x0], $0xffff;
	[tilespmem:v21+s22+$0x0] =	vst.idx.msk $0xffff, v14;
	v14 =	vor.u32 v53, v0  }
0x42f: {  	[tilespmem:v18+s22+$0x0] =	vst.idx.msk $0xffff, v16;
	v18 =	vld.idx.msk [tilespmem:v22+s17+$0x0], $0xffff;
	v22 =	vor.u32 v53, v5  }
0x430: {  	[tilespmem:v24+s22+$0x0] =	vst.idx.msk $0xffff, v19  }
0x431: {  	v23 =	vor.u32 v46, v6;
	[tilespmem:v25+s22+$0x0] =	vst.idx.msk $0xffff, v15  }
0x432: {  	v26 =	vor.u32 v59, v55;
	[tilespmem:v20+s22+$0x0] =	vst.idx.msk $0xffff, v17  }
0x433: {  	v13 =	vor.u32 v46, v4;
	[tilespmem:v14+s22+$0x0] =	vst.idx.msk $0xffff, v12  }
0x434: {  	v21 =	vor.u32 v59, v61;
	[tilespmem:v22+s22+$0x0] =	vst.idx.msk $0xffff, v18  }
0x435: {  	v16 =	vor.u32 v50, v3;
	v27 =	vld [tilespmem:$0x1FE60]  }
0x436: {  	v19 =	vor.u32 v53, v2;
	v24 =	vor.u32 v50, v7;
	v23 =	vld.idx.msk [tilespmem:v23+s17+$0x0], $0xffff  }
0x437: {  	v15 =	vld.idx.msk [tilespmem:v26+s17+$0x0], $0xffff;
	v25 =	vor.u32 v50, v6;
	v26 =	vor.u32 v60, v42  }
0x438: {  	v13 =	vld.idx.msk [tilespmem:v13+s17+$0x0], $0xffff;
	v17 =	vor.u32 v53, v1;
	v20 =	vor.u32 v63, v55  }
0x439: {  	v12 =	vld.idx.msk [tilespmem:v21+s17+$0x0], $0xffff;
	v14 =	vor.u32 v50, v4;
	v21 =	vor.u32 v60, v44  }
0x43a: {  	v16 =	vld.idx.msk [tilespmem:v16+s17+$0x0], $0xffff;
	v22 =	vor.u32 v63, v61;
	v18 =	vor.u32 v27, v0  }
0x43b: {  	[tilespmem:v19+s22+$0x0] =	vst.idx.msk $0xffff, v23;
	v19 =	vor.u32 v54, v3;
	v23 =	vld.idx.msk [tilespmem:v24+s17+$0x0], $0xffff;
	v24 =	vor.u32 v27, v5  }
0x43c: {  	[tilespmem:v26+s22+$0x0] =	vst.idx.msk $0xffff, v15;
	v26 =	vor.u32 v54, v7;
	v25 =	vld.idx.msk [tilespmem:v25+s17+$0x0], $0xffff;
	v15 =	vor.u32 v27, v2  }
0x43d: {  	[tilespmem:v17+s22+$0x0] =	vst.idx.msk $0xffff, v13;
	v13 =	vld.idx.msk [tilespmem:v20+s17+$0x0], $0xffff;
	v20 =	vor.u32 v56, v42  }
0x43e: {  	v14 =	vld.idx.msk [tilespmem:v14+s17+$0x0], $0xffff;
	[tilespmem:v21+s22+$0x0] =	vst.idx.msk $0xffff, v12;
	v12 =	vor.u32 v27, v1  }
0x43f: {  	[tilespmem:v18+s22+$0x0] =	vst.idx.msk $0xffff, v16;
	v16 =	vld.idx.msk [tilespmem:v22+s17+$0x0], $0xffff;
	v22 =	vor.u32 v56, v44  }
0x440: {  	[tilespmem:v24+s22+$0x0] =	vst.idx.msk $0xffff, v23;
	v23 =	vor.u32 v32, v0;
	v19 =	vld.idx.msk [tilespmem:v19+s17+$0x0], $0xffff  }
0x441: {  	v17 =	vor.u32 v54, v6;
	[tilespmem:v15+s22+$0x0] =	vst.idx.msk $0xffff, v25;
	v25 =	vld.idx.msk [tilespmem:v26+s17+$0x0], $0xffff;
	v26 =	vor.u32 v32, v5  }
0x442: {  	[tilespmem:v20+s22+$0x0] =	vst.idx.msk $0xffff, v13  }
0x443: {  	v21 =	vor.u32 v52, v55;
	[tilespmem:v12+s22+$0x0] =	vst.idx.msk $0xffff, v14  }
0x444: {  	v18 =	vor.u32 v54, v4;
	[tilespmem:v22+s22+$0x0] =	vst.idx.msk $0xffff, v16  }
0x445: {  	v24 =	vor.u32 v52, v61;
	[tilespmem:v23+s22+$0x0] =	vst.idx.msk $0xffff, v19  }
0x446: {  	v15 =	vor.u32 v62, v3;
	v17 =	vld.idx.msk [tilespmem:v17+s17+$0x0], $0xffff;
	[tilespmem:v26+s22+$0x0] =	vst.idx.msk $0xffff, v25  }
0x447: {  	v13 =	vor.u32 v32, v2;
	v20 =	vor.u32 v62, v7;
	v27 =	vld [tilespmem:$0x1FE90]  }
0x448: {  	v12 =	vld.idx.msk [tilespmem:v21+s17+$0x0], $0xffff  }
0x449: {  	v21 =	vor.u32 v35, v42;
	v18 =	vld.idx.msk [tilespmem:v18+s17+$0x0], $0xffff  }
0x44a: {  	v14 =	vor.u32 v62, v6;
	v16 =	vor.u32 v32, v1;
	v19 =	vld.idx.msk [tilespmem:v24+s17+$0x0], $0xffff  }
0x44b: {  	v22 =	vor.u32 v38, v55;
	v24 =	vor.u32 v35, v44;
	v15 =	vld.idx.msk [tilespmem:v15+s17+$0x0], $0xffff  }
0x44c: {  	v23 =	vor.u32 v62, v4;
	[tilespmem:v13+s22+$0x0] =	vst.idx.msk $0xffff, v17;
	v17 =	vld.idx.msk [tilespmem:v20+s17+$0x0], $0xffff;
	v25 =	vor.u32 v27, v9  }
0x44d: {  	v26 =	vor.u32 v38, v61;
	v28 =	vld [tilespmem:$0x1FEA0];
	v20 =	vor.u32 v27, v11  }
0x44e: {  	[tilespmem:v21+s22+$0x0] =	vst.idx.msk $0xffff, v12  }
0x44f: {  	v14 =	vld.idx.msk [tilespmem:v14+s17+$0x0], $0xffff;
	[tilespmem:v16+s22+$0x0] =	vst.idx.msk $0xffff, v18  }
0x450: {  	v16 =	vld.idx.msk [tilespmem:v22+s17+$0x0], $0xffff;
	[tilespmem:v24+s22+$0x0] =	vst.idx.msk $0xffff, v19  }
0x451: {  	v19 =	vld.idx.msk [tilespmem:v23+s17+$0x0], $0xffff;
	v12 =	vor.u32 v27, v10;
	[tilespmem:v25+s22+$0x0] =	vst.idx.msk $0xffff, v15  }
0x452: {  	v22 =	vor.u32 v30, v42;
	v24 =	vld.idx.msk [tilespmem:v26+s17+$0x0], $0xffff;
	v13 =	vor.u32 v28, v3;
	[tilespmem:v20+s22+$0x0] =	vst.idx.msk $0xffff, v17  }
0x453: {  	v23 =	vor.u32 v27, v8;
	v21 =	vor.u32 v28, v7;
	v26 =	vld [tilespmem:$0x1FEB0];
	_ =	sdelay $0x1  }
0x454: {  	v18 =	vor.u32 v28, v6  }
0x455: {  	[tilespmem:v12+s22+$0x0] =	vst.idx.msk $0xffff, v14  }
0x456: {  	v25 =	vor.u32 v30, v44;
	v13 =	vld.idx.msk [tilespmem:v13+s17+$0x0], $0xffff;
	[tilespmem:v22+s22+$0x0] =	vst.idx.msk $0xffff, v16  }
0x457: {  	v12 =	vld.idx.msk [tilespmem:v21+s17+$0x0], $0xffff;
	[tilespmem:v23+s22+$0x0] =	vst.idx.msk $0xffff, v19;
	v20 =	vor.u32 v26, v9  }
0x458: {  	v15 =	vor.u32 v29, v55;
	v27 =	vld [tilespmem:$0x1FFC0];
	v14 =	vor.u32 v26, v11  }
0x459: {  	v17 =	vor.u32 v28, v4;
	v18 =	vld.idx.msk [tilespmem:v18+s17+$0x0], $0xffff;
	v21 =	vor.u32 v26, v10;
	_ =	sdelay $0x1  }
0x45a: {  	[tilespmem:v25+s22+$0x0] =	vst.idx.msk $0xffff, v24  }
0x45b: {  	v16 =	vor.u32 v29, v61;
	[tilespmem:v20+s22+$0x0] =	vst.idx.msk $0xffff, v13  }
0x45c: {  	v23 =	vld.idx.msk [tilespmem:v15+s17+$0x0], $0xffff;
	v24 =	vor.u32 v31, v42;
	v19 =	vor.u32 v27, v3;
	[tilespmem:v14+s22+$0x0] =	vst.idx.msk $0xffff, v12  }
0x45d: {  	v22 =	vor.u32 v27, v7;
	v13 =	vor.u32 v27, v6;
	v27 =	vld.idx.msk [tilespmem:v17+s17+$0x0], $0xffff;
	[tilespmem:v21+s22+$0x0] =	vst.idx.msk $0xffff, v18  }
0x45e: {  	v28 =	vor.u32 v26, v8;
	v12 =	vld [tilespmem:$0x1FC30]  }
0x45f: {  	v14 =	vld [tilespmem:$0x1FC20]  }
0x460: {  	v15 =	vld.idx.msk [tilespmem:v16+s17+$0x0], $0xffff  }
0x461: {  	v17 =	vld.idx.msk [tilespmem:v19+s17+$0x0], $0xffff  }
0x462: {  	v49 =	vmov v49;
	[tilespmem:v24+s22+$0x0] =	vst.idx.msk $0xffff, v23;
	v20 =	vld.idx.msk [tilespmem:v22+s17+$0x0], $0xffff  }
0x463: {  	v60 =	vmov v36;
	v56 =	vmov v32;
	v16 =	vor.u32 v31, v44;
	v25 =	vld.idx.msk [tilespmem:v13+s17+$0x0], $0xffff;
	[tilespmem:v28+s22+$0x0] =	vst.idx.msk $0xffff, v27  }
0x464: {  	v62 =	vmovc v40;
	v34 =	vor.u32 v12, v6;
	v19 =	vor.u32 v14, v9;
	v18 =	vor.u32 v12, v3;
	v58 =	vld [tilespmem:$0x1FD80]  }
0x465: {  	s29 =	simm.s32 $0x8;
	v55 =	vmovc v49;
	v26 =	vor.u32 v14, v11;
	v27 =	vor.u32 v14, v10;
	v28 =	vor.u32 v12, v7;
	v54 =	vld [tilespmem:$0x1FD40]  }
.LBB2_9:
0x466: {  	v51 =	vld [tilespmem:$0x1FFE0]  }
0x467: {  	v12 =	vld [tilespmem:$0x1FFC0]  }
0x468: {  	v53 =	vld [tilespmem:$0x1FFF0]  }
0x469: {  	v45 =	vld [tilespmem:$0x1FC30]  }
0x46a: {  	v49 =	vld [tilespmem:$0x1FC20]  }
0x46b: {  	v46 =	vld [tilespmem:$0x1FCA0]  }
0x46c: {  	v13 =	vadd.s32 s29, v37;
	s30 =	sadd.s32 $0x1, s29;
	s31 =	sadd.s32 $0x3, s29;
	s3 =	smov.u32 s29;
	v57 =	vld [tilespmem:$0x1FFD0]  }
0x46d: {  	v44 =	vld [tilespmem:$0x1FCB0];
	v23 =	vand.u32 $0xF, v13;
	v24 =	vadd.s32 s30, v37;
	s3 =	sadd.s32 $0x2, s3;
	v14 =	vadd.s32 s31, v37;
	[tilespmem:v16+s22+$0x0] =	vst.idx.msk $0xffff, v15  }
0x46e: {  	v47 =	vld [tilespmem:$0x1FC50];
	v22 =	vand.u32 $0xF, v24;
	[tilespmem:v19+s22+$0x0] =	vst.idx.msk $0xffff, v17;
	v15 =	vshll.u32 v23, $0x7;
	v19 =	vadd.s32 s3, v37  }
0x46f: {  	v48 =	vld [tilespmem:$0x1FCC0];
	[tilespmem:v26+s22+$0x0] =	vst.idx.msk $0xffff, v20;
	v20 =	vshll.u32 v22, $0x7;
	v29 =	vor.u32 v51, v9;
	v30 =	vor.u32 v12, v4  }
0x470: {  	[tilespmem:v27+s22+$0x0] =	vst.idx.msk $0xffff, v25;
	v31 =	vld.idx.msk [tilespmem:v18+s17+$0x0], $0xffff;
	v32 =	vor.u32 v37, v15;
	v21 =	vand.u32 $0xF, v19;
	v18 =	vand.u32 $0xF, v14  }
0x471: {  	v26 =	vor.u32 v53, v3;
	v25 =	vld.idx.msk [tilespmem:v28+s17+$0x0], $0xffff;
	v16 =	vor.u32 v45, v20;
	v17 =	vshll.u32 v21, $0x7  }
0x472: {  	v59 =	vlaneseq.u32;
	v28 =	vld.idx.msk [tilespmem:v34+s17+$0x0], $0xffff;
	[tilespmem:$0x1FBF0] =	vst v16;
	v16 =	vshll.u32 v18, $0x7;
	v27 =	vor.u32 v37, v17  }
0x473: {  	v33 =	vor.u32 v51, v11;
	v52 =	vor.u32 v37, v20;
	v37 =	vor.u32 v59, v16;
	v59 =	vld [tilespmem:$0x1FC40]  }
0x474: {  	v30 =	vld.idx.msk [tilespmem:v30+s17+$0x0], $0xffff  }
0x475: {  	v35 =	vor.u32 v51, v10;
	v36 =	vor.u32 v53, v7;
	v32 =	vld.idx.msk [tilespmem:v32+s17+$0x0], $0xffff;
	[tilespmem:v29+s22+$0x0] =	vst.idx.msk $0xffff, v31  }
0x476: {  	v39 =	vor.u32 v53, v6;
	v29 =	vor.u32 v49, v8;
	v26 =	vld.idx.msk [tilespmem:v26+s17+$0x0], $0xffff  }
0x477: {  	v27 =	vld.idx.msk [tilespmem:v27+s17+$0x0], $0xffff  }
0x478: {  	v31 =	vor.u32 v46, v23;
	[tilespmem:v33+s22+$0x0] =	vst.idx.msk $0xffff, v25;
	v25 =	vld.idx.msk [tilespmem:v52+s17+$0x0], $0xffff  }
0x479: {  	v38 =	vor.u32 v57, v9;
	v40 =	vor.u32 v44, v15;
	v37 =	vld.idx.msk [tilespmem:v37+s17+$0x0], $0xffff  }
0x47a: {  	v61 =	vor.u32 v46, v21;
	v63 =	vor.u32 v59, v3;
	[tilespmem:v35+s22+$0x0] =	vst.idx.msk $0xffff, v28;
	v36 =	vld.idx.msk [tilespmem:v36+s17+$0x0], $0xffff  }
0x47b: {  	v41 =	vor.u32 v46, v22;
	[tilespmem:v29+s22+$0x0] =	vst.idx.msk $0xffff, v30;
	v30 =	vld.idx.msk [tilespmem:v39+s17+$0x0], $0xffff  }
0x47c: {  	v42 =	vor.u32 v44, v20;
	v28 =	vor.u32 v44, v17;
	v39 =	vor.u32 v44, v16;
	v44 =	vld [tilespmem:$0x1FCD0]  }
0x47d: {  	[tilespmem:v31+s22+$0x0] =	vst.idx.msk $0xffff, v32;
	v29 =	vor.u32 v46, v18;
	v46 =	vld [tilespmem:$0x1FC60]  }
0x47e: {  	v43 =	vor.u32 v57, v11;
	v32 =	vld.idx.msk [tilespmem:v40+s17+$0x0], $0xffff;
	[tilespmem:v38+s22+$0x0] =	vst.idx.msk $0xffff, v26  }
0x47f: {  	v31 =	vor.u32 v59, v7;
	[tilespmem:v61+s22+$0x0] =	vst.idx.msk $0xffff, v27;
	v27 =	vld.idx.msk [tilespmem:v63+s17+$0x0], $0xffff  }
0x480: {  	v61 =	vld [tilespmem:$0x1FC70]  }
0x481: {  	v26 =	vor.u32 v57, v10;
	[tilespmem:v41+s22+$0x0] =	vst.idx.msk $0xffff, v25;
	v28 =	vld.idx.msk [tilespmem:v28+s17+$0x0], $0xffff  }
0x482: {  	v38 =	vor.u32 v48, v23;
	v40 =	vld.idx.msk [tilespmem:v42+s17+$0x0], $0xffff  }
0x483: {  	v33 =	vor.u32 v59, v6;
	[tilespmem:v43+s22+$0x0] =	vst.idx.msk $0xffff, v36;
	v43 =	vld [tilespmem:$0x1FD10]  }
0x484: {  	v41 =	vor.u32 v48, v21;
	v50 =	vor.u32 v44, v15;
	[tilespmem:v29+s22+$0x0] =	vst.idx.msk $0xffff, v37;
	v31 =	vld.idx.msk [tilespmem:v31+s17+$0x0], $0xffff  }
0x485: {  	v35 =	vor.u32 v47, v9;
	v25 =	vor.u32 v48, v22;
	v52 =	vor.u32 v44, v17;
	v39 =	vld.idx.msk [tilespmem:v39+s17+$0x0], $0xffff  }
0x486: {  	v63 =	vor.u32 v44, v20;
	[tilespmem:v26+s22+$0x0] =	vst.idx.msk $0xffff, v30;
	v30 =	vor.u32 v48, v18;
	v48 =	vld [tilespmem:$0x1FCE0]  }
0x487: {  	v42 =	vor.u32 v46, v3;
	[tilespmem:v38+s22+$0x0] =	vst.idx.msk $0xffff, v32;
	v38 =	vor.u32 v44, v16;
	v44 =	vld [tilespmem:$0x1FCF0]  }
0x488: {  	v26 =	vor.u32 v47, v11;
	v32 =	vld.idx.msk [tilespmem:v33+s17+$0x0], $0xffff  }
0x489: {  	[tilespmem:v41+s22+$0x0] =	vst.idx.msk $0xffff, v28;
	v34 =	vld.idx.msk [tilespmem:v50+s17+$0x0], $0xffff  }
0x48a: {  	v33 =	vor.u32 v46, v7;
	[tilespmem:v25+s22+$0x0] =	vst.idx.msk $0xffff, v40;
	v36 =	vld.idx.msk [tilespmem:v52+s17+$0x0], $0xffff  }
0x48b: {  	v41 =	vor.u32 v46, v6;
	[tilespmem:v35+s22+$0x0] =	vst.idx.msk $0xffff, v27;
	v37 =	vld.idx.msk [tilespmem:v63+s17+$0x0], $0xffff  }
0x48c: {  	v27 =	vor.u32 v47, v10;
	v35 =	vor.u32 v48, v23;
	v28 =	vld.idx.msk [tilespmem:v42+s17+$0x0], $0xffff;
	v42 =	vor.u32 v44, v15  }
0x48d: {  	v63 =	vld [tilespmem:$0x1FFB0];
	v52 =	vor.u32 v48, v21;
	[tilespmem:v26+s22+$0x0] =	vst.idx.msk $0xffff, v31;
	v26 =	vor.u32 v44, v17  }
0x48e: {  	[tilespmem:v30+s22+$0x0] =	vst.idx.msk $0xffff, v39;
	v31 =	vor.u32 v44, v20;
	v39 =	vor.u32 v44, v16;
	v44 =	vld [tilespmem:$0x1FD00]  }
0x48f: {  	v25 =	vor.u32 v48, v22;
	v30 =	vld.idx.msk [tilespmem:v33+s17+$0x0], $0xffff  }
0x490: {  	v33 =	vld.idx.msk [tilespmem:v38+s17+$0x0], $0xffff  }
0x491: {  	v29 =	vor.u32 v61, v9;
	[tilespmem:v27+s22+$0x0] =	vst.idx.msk $0xffff, v32;
	v32 =	vor.u32 v48, v18;
	v48 =	vld [tilespmem:$0x1FC80]  }
0x492: {  	v50 =	vor.u32 v63, v3;
	v27 =	vor.u32 v61, v11;
	[tilespmem:v35+s22+$0x0] =	vst.idx.msk $0xffff, v34;
	v34 =	vld.idx.msk [tilespmem:v41+s17+$0x0], $0xffff  }
0x493: {  	v35 =	vor.u32 v63, v7;
	[tilespmem:v52+s22+$0x0] =	vst.idx.msk $0xffff, v36;
	v38 =	vld.idx.msk [tilespmem:v42+s17+$0x0], $0xffff  }
0x494: {  	[tilespmem:v25+s22+$0x0] =	vst.idx.msk $0xffff, v37;
	v25 =	vld.idx.msk [tilespmem:v26+s17+$0x0], $0xffff  }
0x495: {  	v26 =	vld.idx.msk [tilespmem:v31+s17+$0x0], $0xffff  }
0x496: {  	[tilespmem:v29+s22+$0x0] =	vst.idx.msk $0xffff, v28;
	v28 =	vor.u32 v61, v10;
	v42 =	vld [tilespmem:$0x1FC90]  }
0x497: {  	v40 =	vor.u32 v63, v6;
	v29 =	vor.u32 v44, v23;
	v36 =	vld.idx.msk [tilespmem:v50+s17+$0x0], $0xffff;
	[tilespmem:v27+s22+$0x0] =	vst.idx.msk $0xffff, v30  }
0x498: {  	v41 =	vor.u32 v43, v15;
	[tilespmem:v32+s22+$0x0] =	vst.idx.msk $0xffff, v33;
	v32 =	vld.idx.msk [tilespmem:v35+s17+$0x0], $0xffff  }
0x499: {  	v31 =	vor.u32 v44, v21;
	v35 =	vld.idx.msk [tilespmem:v39+s17+$0x0], $0xffff  }
0x49a: {  	v30 =	vor.u32 v43, v17;
	v50 =	vor.u32 v43, v20;
	v39 =	vor.u32 v43, v16;
	v43 =	vld [tilespmem:$0x1FD30]  }
0x49b: {  	v27 =	vor.u32 v44, v22;
	[tilespmem:v28+s22+$0x0] =	vst.idx.msk $0xffff, v34;
	v28 =	vor.u32 v44, v18;
	v44 =	vld [tilespmem:$0x1FD20]  }
0x49c: {  	v9 =	vor.u32 v48, v9;
	[tilespmem:v29+s22+$0x0] =	vst.idx.msk $0xffff, v38;
	v29 =	vld.idx.msk [tilespmem:v40+s17+$0x0], $0xffff  }
0x49d: {  	v38 =	vld.idx.msk [tilespmem:v41+s17+$0x0], $0xffff  }
0x49e: {  	v52 =	vor.u32 v42, v3;
	v40 =	vld [tilespmem:$0x1FEC0]  }
0x49f: {  	v41 =	vld [tilespmem:$0x1FED0]  }
0x4a0: {  	v11 =	vor.u32 v48, v11;
	[tilespmem:v31+s22+$0x0] =	vst.idx.msk $0xffff, v25  }
0x4a1: {  	v34 =	vor.u32 v42, v7;
	[tilespmem:v9+s22+$0x0] =	vst.idx.msk $0xffff, v36  }
0x4a2: {  	v9 =	vor.u32 v48, v10;
	[tilespmem:v27+s22+$0x0] =	vst.idx.msk $0xffff, v26;
	v26 =	vld.idx.msk [tilespmem:v30+s17+$0x0], $0xffff;
	v10 =	vor.u32 v44, v23  }
0x4a3: {  	v36 =	vor.u32 v43, v15;
	v25 =	vld.idx.msk [tilespmem:v52+s17+$0x0], $0xffff;
	v27 =	vor.u32 v40, v0  }
0x4a4: {  	v30 =	vld.idx.msk [tilespmem:v50+s17+$0x0], $0xffff;
	v52 =	vor.u32 v44, v21;
	v50 =	vor.u32 v41, v3  }
0x4a5: {  	[tilespmem:v11+s22+$0x0] =	vst.idx.msk $0xffff, v32  }
0x4a6: {  	v31 =	vor.u32 v42, v6;
	[tilespmem:v28+s22+$0x0] =	vst.idx.msk $0xffff, v35;
	v28 =	vld.idx.msk [tilespmem:v34+s17+$0x0], $0xffff  }
0x4a7: {  	v35 =	vld.idx.msk [tilespmem:v39+s17+$0x0], $0xffff;
	[tilespmem:v10+s22+$0x0] =	vst.idx.msk $0xffff, v38  }
0x4a8: {  	v32 =	vor.u32 v43, v17;
	v11 =	vor.u32 v44, v22;
	v36 =	vld.idx.msk [tilespmem:v36+s17+$0x0], $0xffff;
	[tilespmem:v27+s22+$0x0] =	vst.idx.msk $0xffff, v25  }
0x4a9: {  	v34 =	vor.u32 v43, v20;
	[tilespmem:v52+s22+$0x0] =	vst.idx.msk $0xffff, v26;
	v26 =	vld.idx.msk [tilespmem:v50+s17+$0x0], $0xffff  }
0x4aa: {  	[tilespmem:v9+s22+$0x0] =	vst.idx.msk $0xffff, v29;
	v9 =	vor.u32 v40, v5;
	v50 =	vld [tilespmem:$0x1FD50]  }
0x4ab: {  	v29 =	vld.idx.msk [tilespmem:v31+s17+$0x0], $0xffff;
	v31 =	vor.u32 v41, v7;
	v10 =	vor.u32 v44, v18  }
0x4ac: {  	v38 =	vor.u32 v43, v16;
	v43 =	vld [tilespmem:$0x1FEE0]  }
0x4ad: {  	v33 =	vor.u32 v45, v4;
	[tilespmem:v11+s22+$0x0] =	vst.idx.msk $0xffff, v30;
	v27 =	vor.u32 v54, v23;
	v11 =	vld.idx.msk [tilespmem:v32+s17+$0x0], $0xffff  }
0x4ae: {  	v32 =	vld.idx.msk [tilespmem:v34+s17+$0x0], $0xffff;
	v34 =	vor.u32 v54, v21  }
0x4af: {  	v44 =	vld [tilespmem:$0x1FEF0];
	[tilespmem:v9+s22+$0x0] =	vst.idx.msk $0xffff, v28;
	v52 =	vor.u32 v50, v15  }
0x4b0: {  	v25 =	vor.u32 v40, v2;
	[tilespmem:v10+s22+$0x0] =	vst.idx.msk $0xffff, v35;
	v10 =	vld.idx.msk [tilespmem:v31+s17+$0x0], $0xffff  }
0x4b1: {  	v39 =	vor.u32 v41, v6;
	v35 =	vld.idx.msk [tilespmem:v38+s17+$0x0], $0xffff  }
0x4b2: {  	v9 =	vor.u32 v54, v22;
	v30 =	vor.u32 v43, v0;
	[tilespmem:v27+s22+$0x0] =	vst.idx.msk $0xffff, v36;
	v33 =	vld.idx.msk [tilespmem:v33+s17+$0x0], $0xffff  }
0x4b3: {  	[tilespmem:v34+s22+$0x0] =	vst.idx.msk $0xffff, v11;
	v34 =	vor.u32 v53, v4;
	v53 =	vld [tilespmem:$0x1FF10];
	v28 =	vor.u32 v50, v17  }
0x4b4: {  	v31 =	vor.u32 v50, v20;
	v36 =	vld.idx.msk [tilespmem:v52+s17+$0x0], $0xffff  }
0x4b5: {  	[tilespmem:v25+s22+$0x0] =	vst.idx.msk $0xffff, v29;
	v27 =	vor.u32 v54, v18;
	v52 =	vld [tilespmem:$0x1FD60]  }
0x4b6: {  	v25 =	vor.u32 v43, v5;
	v37 =	vor.u32 v50, v16;
	v11 =	vld.idx.msk [tilespmem:v39+s17+$0x0], $0xffff  }
0x4b7: {  	v29 =	vor.u32 v44, v7;
	v50 =	vld [tilespmem:$0x1FD70];
	[tilespmem:v30+s22+$0x0] =	vst.idx.msk $0xffff, v26;
	v26 =	vor.u32 v51, v8  }
0x4b8: {  	[tilespmem:v9+s22+$0x0] =	vst.idx.msk $0xffff, v32;
	v9 =	vld.idx.msk [tilespmem:v28+s17+$0x0], $0xffff;
	v28 =	vor.u32 v43, v2  }
0x4b9: {  	v31 =	vld.idx.msk [tilespmem:v31+s17+$0x0], $0xffff  }
0x4ba: {  	v39 =	vor.u32 v44, v6;
	[tilespmem:v27+s22+$0x0] =	vst.idx.msk $0xffff, v35;
	v51 =	vld [tilespmem:$0x1FF00];
	v32 =	vor.u32 v52, v21  }
0x4bb: {  	[tilespmem:v25+s22+$0x0] =	vst.idx.msk $0xffff, v10;
	v35 =	vld.idx.msk [tilespmem:v37+s17+$0x0], $0xffff;
	v30 =	vor.u32 v52, v23  }
0x4bc: {  	v27 =	vld.idx.msk [tilespmem:v29+s17+$0x0], $0xffff;
	[tilespmem:v26+s22+$0x0] =	vst.idx.msk $0xffff, v33  }
0x4bd: {  	v38 =	vor.u32 v50, v15;
	[tilespmem:v28+s22+$0x0] =	vst.idx.msk $0xffff, v11;
	v11 =	vor.u32 v57, v8;
	v57 =	vld [tilespmem:$0x1FF20]  }
0x4be: {  	v25 =	vor.u32 v50, v17;
	v29 =	vor.u32 v50, v20;
	v10 =	vor.u32 v52, v22;
	v33 =	vld.idx.msk [tilespmem:v34+s17+$0x0], $0xffff  }
0x4bf: {  	v37 =	vor.u32 v51, v5;
	v26 =	vor.u32 v52, v18;
	[tilespmem:v32+s22+$0x0] =	vst.idx.msk $0xffff, v9;
	v9 =	vld.idx.msk [tilespmem:v39+s17+$0x0], $0xffff  }
0x4c0: {  	[tilespmem:v30+s22+$0x0] =	vst.idx.msk $0xffff, v36;
	v30 =	vor.u32 v53, v7;
	v36 =	vor.u32 v50, v16;
	v50 =	vld [tilespmem:$0x1FD90]  }
0x4c1: {  	v32 =	vor.u32 v59, v4;
	v59 =	vld [tilespmem:$0x1FF30]  }
0x4c2: {  	v34 =	vld.idx.msk [tilespmem:v38+s17+$0x0], $0xffff  }
0x4c3: {  	v28 =	vor.u32 v58, v23;
	[tilespmem:v10+s22+$0x0] =	vst.idx.msk $0xffff, v31;
	v10 =	vld.idx.msk [tilespmem:v25+s17+$0x0], $0xffff  }
0x4c4: {  	v31 =	vor.u32 v58, v21;
	v29 =	vld.idx.msk [tilespmem:v29+s17+$0x0], $0xffff;
	[tilespmem:v37+s22+$0x0] =	vst.idx.msk $0xffff, v27  }
0x4c5: {  	[tilespmem:v26+s22+$0x0] =	vst.idx.msk $0xffff, v35;
	v25 =	vor.u32 v51, v2;
	v26 =	vld.idx.msk [tilespmem:v30+s17+$0x0], $0xffff  }
0x4c6: {  	v52 =	vor.u32 v53, v6;
	v27 =	vor.u32 v58, v22;
	v35 =	vld.idx.msk [tilespmem:v36+s17+$0x0], $0xffff;
	[tilespmem:v11+s22+$0x0] =	vst.idx.msk $0xffff, v33  }
0x4c7: {  	v38 =	vor.u32 v50, v15;
	v37 =	vor.u32 v50, v17;
	v30 =	vor.u32 v50, v20;
	v32 =	vld.idx.msk [tilespmem:v32+s17+$0x0], $0xffff  }
0x4c8: {  	v36 =	vor.u32 v57, v5;
	[tilespmem:v28+s22+$0x0] =	vst.idx.msk $0xffff, v34;
	v34 =	vor.u32 v50, v16;
	v50 =	vld [tilespmem:$0x1FDB0]  }
0x4c9: {  	v11 =	vor.u32 v58, v18;
	[tilespmem:v31+s22+$0x0] =	vst.idx.msk $0xffff, v10;
	v31 =	vor.u32 v46, v4;
	v46 =	vld [tilespmem:$0x1FF40]  }
0x4ca: {  	v28 =	vor.u32 v59, v7;
	[tilespmem:v25+s22+$0x0] =	vst.idx.msk $0xffff, v9;
	v9 =	vor.u32 v47, v8;
	v47 =	vld [tilespmem:$0x1FF50]  }
0x4cb: {  	v10 =	vld.idx.msk [tilespmem:v52+s17+$0x0], $0xffff  }
0x4cc: {  	v33 =	vld.idx.msk [tilespmem:v38+s17+$0x0], $0xffff  }
0x4cd: {  	[tilespmem:v27+s22+$0x0] =	vst.idx.msk $0xffff, v29;
	v29 =	vor.u32 v57, v2;
	v27 =	vld.idx.msk [tilespmem:v37+s17+$0x0], $0xffff  }
0x4ce: {  	v25 =	vor.u32 v60, v13;
	v30 =	vld.idx.msk [tilespmem:v30+s17+$0x0], $0xffff;
	[tilespmem:v36+s22+$0x0] =	vst.idx.msk $0xffff, v26  }
0x4cf: {  	v39 =	vor.u32 v59, v6;
	v37 =	vor.u32 v60, v19;
	[tilespmem:v11+s22+$0x0] =	vst.idx.msk $0xffff, v35;
	v11 =	vld.idx.msk [tilespmem:v28+s17+$0x0], $0xffff  }
0x4d0: {  	v52 =	vor.u32 v50, v15;
	v34 =	vld.idx.msk [tilespmem:v34+s17+$0x0], $0xffff;
	[tilespmem:v9+s22+$0x0] =	vst.idx.msk $0xffff, v32  }
0x4d1: {  	v26 =	vor.u32 v60, v24;
	v31 =	vld.idx.msk [tilespmem:v31+s17+$0x0], $0xffff  }
0x4d2: {  	[tilespmem:v29+s22+$0x0] =	vst.idx.msk $0xffff, v10;
	v10 =	vor.u32 v61, v8;
	v61 =	vld [tilespmem:$0x1FF60]  }
0x4d3: {  	v36 =	vor.u32 v50, v17;
	v8 =	vor.u32 v48, v8;
	v48 =	vld [tilespmem:$0x1FF90];
	[tilespmem:v25+s22+$0x0] =	vst.idx.msk $0xffff, v33  }
0x4d4: {  	v28 =	vor.u32 v50, v20;
	v35 =	vor.u32 v46, v5;
	[tilespmem:v37+s22+$0x0] =	vst.idx.msk $0xffff, v27;
	v27 =	vld.idx.msk [tilespmem:v39+s17+$0x0], $0xffff  }
0x4d5: {  	v9 =	vor.u32 v60, v14;
	v25 =	vor.u32 v47, v7;
	v32 =	vld.idx.msk [tilespmem:v52+s17+$0x0], $0xffff  }
0x4d6: {  	[tilespmem:v26+s22+$0x0] =	vst.idx.msk $0xffff, v30;
	v30 =	vor.u32 v46, v2;
	v52 =	vor.u32 v50, v16;
	v50 =	vld [tilespmem:$0x1FDD0]  }
0x4d7: {  	v37 =	vor.u32 v63, v4;
	v63 =	vld [tilespmem:$0x1FF70]  }
0x4d8: {  	v39 =	vor.u32 v47, v6;
	v26 =	vld.idx.msk [tilespmem:v36+s17+$0x0], $0xffff;
	v36 =	vor.u32 v62, v19  }
0x4d9: {  	v29 =	vor.u32 v62, v13;
	v28 =	vld.idx.msk [tilespmem:v28+s17+$0x0], $0xffff;
	[tilespmem:v35+s22+$0x0] =	vst.idx.msk $0xffff, v11  }
0x4da: {  	[tilespmem:v9+s22+$0x0] =	vst.idx.msk $0xffff, v34;
	v9 =	vld.idx.msk [tilespmem:v25+s17+$0x0], $0xffff  }
0x4db: {  	[tilespmem:v30+s22+$0x0] =	vst.idx.msk $0xffff, v27;
	v30 =	vor.u32 v42, v4;
	v42 =	vld [tilespmem:$0x1FF80];
	v38 =	vor.u32 v50, v15  }
0x4dc: {  	v11 =	vor.u32 v62, v24;
	v35 =	vor.u32 v50, v17;
	v33 =	vld.idx.msk [tilespmem:v52+s17+$0x0], $0xffff;
	[tilespmem:v10+s22+$0x0] =	vst.idx.msk $0xffff, v31  }
0x4dd: {  	v25 =	vor.u32 v50, v20;
	v52 =	vor.u32 v61, v5;
	[tilespmem:v36+s22+$0x0] =	vst.idx.msk $0xffff, v26;
	v26 =	vld.idx.msk [tilespmem:v39+s17+$0x0], $0xffff  }
0x4de: {  	[tilespmem:v29+s22+$0x0] =	vst.idx.msk $0xffff, v32;
	v10 =	vor.u32 v62, v14;
	v29 =	vor.u32 v63, v7;
	v39 =	vld [tilespmem:$0x1FDF0]  }
0x4df: {  	v50 =	vor.u32 v50, v16;
	v31 =	vld.idx.msk [tilespmem:v37+s17+$0x0], $0xffff  }
0x4e0: {  	v32 =	vld.idx.msk [tilespmem:v38+s17+$0x0], $0xffff  }
0x4e1: {  	[tilespmem:v11+s22+$0x0] =	vst.idx.msk $0xffff, v28;
	v28 =	vor.u32 v61, v2;
	v11 =	vld.idx.msk [tilespmem:v35+s17+$0x0], $0xffff  }
0x4e2: {  	v27 =	vor.u32 v55, v13;
	v25 =	vld.idx.msk [tilespmem:v25+s17+$0x0], $0xffff;
	[tilespmem:v52+s22+$0x0] =	vst.idx.msk $0xffff, v9  }
0x4e3: {  	v35 =	vor.u32 v55, v19;
	v38 =	vor.u32 v63, v6;
	[tilespmem:v10+s22+$0x0] =	vst.idx.msk $0xffff, v33;
	v10 =	vld.idx.msk [tilespmem:v29+s17+$0x0], $0xffff  }
0x4e4: {  	v36 =	vor.u32 v39, v15;
	v52 =	vor.u32 v39, v17;
	v33 =	vld.idx.msk [tilespmem:v50+s17+$0x0], $0xffff  }
0x4e5: {  	v29 =	vor.u32 v39, v20;
	[tilespmem:v8+s22+$0x0] =	vst.idx.msk $0xffff, v31;
	v31 =	vor.u32 v39, v16;
	v39 =	vld [tilespmem:$0x1FE00]  }
0x4e6: {  	v9 =	vor.u32 v55, v24;
	[tilespmem:v28+s22+$0x0] =	vst.idx.msk $0xffff, v26;
	v26 =	vor.u32 v40, v1;
	v40 =	vld [tilespmem:$0x1FFA0]  }
0x4e7: {  	v37 =	vor.u32 v42, v5;
	[tilespmem:v27+s22+$0x0] =	vst.idx.msk $0xffff, v32;
	v27 =	vld.idx.msk [tilespmem:v30+s17+$0x0], $0xffff  }
0x4e8: {  	v7 =	vor.u32 v48, v7;
	v8 =	vor.u32 v55, v14;
	[tilespmem:v35+s22+$0x0] =	vst.idx.msk $0xffff, v11;
	v11 =	vld.idx.msk [tilespmem:v38+s17+$0x0], $0xffff  }
0x4e9: {  	v38 =	vld [tilespmem:$0x1FE10]  }
0x4ea: {  	v32 =	vor.u32 v41, v4;
	v30 =	vld.idx.msk [tilespmem:v36+s17+$0x0], $0xffff;
	v28 =	vor.u32 v39, v13  }
0x4eb: {  	[tilespmem:v9+s22+$0x0] =	vst.idx.msk $0xffff, v25;
	v9 =	vld.idx.msk [tilespmem:v52+s17+$0x0], $0xffff  }
0x4ec: {  	v29 =	vld.idx.msk [tilespmem:v29+s17+$0x0], $0xffff;
	v52 =	vor.u32 v39, v19;
	[tilespmem:v37+s22+$0x0] =	vst.idx.msk $0xffff, v10  }
0x4ed: {  	[tilespmem:v8+s22+$0x0] =	vst.idx.msk $0xffff, v33;
	v7 =	vld.idx.msk [tilespmem:v7+s17+$0x0], $0xffff  }
0x4ee: {  	v6 =	vor.u32 v48, v6;
	v25 =	vor.u32 v42, v2;
	v31 =	vld.idx.msk [tilespmem:v31+s17+$0x0], $0xffff;
	[tilespmem:v26+s22+$0x0] =	vst.idx.msk $0xffff, v27  }
0x4ef: {  	v10 =	vor.u32 v39, v24;
	v50 =	vor.u32 v38, v15;
	[tilespmem:v28+s22+$0x0] =	vst.idx.msk $0xffff, v30;
	v28 =	vld.idx.msk [tilespmem:v32+s17+$0x0], $0xffff  }
0x4f0: {  	v36 =	vor.u32 v38, v17;
	v8 =	vor.u32 v38, v20;
	v32 =	vor.u32 v38, v16;
	v38 =	vld [tilespmem:$0x1FE20]  }
0x4f1: {  	[tilespmem:v52+s22+$0x0] =	vst.idx.msk $0xffff, v9;
	v52 =	vld [tilespmem:$0x1FE30];
	_ =	sdelay $0x1  }
0x4f2: {  	v5 =	vor.u32 v40, v5;
	[tilespmem:v25+s22+$0x0] =	vst.idx.msk $0xffff, v11  }
0x4f3: {  	v27 =	vor.u32 v44, v3;
	v6 =	vld.idx.msk [tilespmem:v6+s17+$0x0], $0xffff;
	[tilespmem:v10+s22+$0x0] =	vst.idx.msk $0xffff, v29;
	v29 =	vor.u32 v40, v2  }
0x4f4: {  	v30 =	vld.idx.msk [tilespmem:v50+s17+$0x0], $0xffff;
	v25 =	vor.u32 v38, v13  }
0x4f5: {  	v33 =	vld [tilespmem:$0x1FE60];
	v26 =	vor.u32 v39, v14;
	v11 =	vor.u32 v43, v1;
	v43 =	vor.u32 v52, v15  }
0x4f6: {  	v10 =	vld.idx.msk [tilespmem:v36+s17+$0x0], $0xffff  }
0x4f7: {  	v9 =	vmov v23;
	v8 =	vld.idx.msk [tilespmem:v8+s17+$0x0], $0xffff;
	[tilespmem:v5+s22+$0x0] =	vst.idx.msk $0xffff, v7  }
0x4f8: {  	v50 =	vor.u32 v44, v4;
	v23 =	vld.idx.msk [tilespmem:v27+s17+$0x0], $0xffff;
	v27 =	vor.u32 v51, v0;
	[tilespmem:v29+s22+$0x0] =	vst.idx.msk $0xffff, v6  }
0x4f9: {  	v2 =	vmov v24;
	v44 =	vor.u32 v38, v19;
	v29 =	vor.u32 v51, v1;
	v51 =	vld [tilespmem:$0x1FE40];
	[tilespmem:v25+s22+$0x0] =	vst.idx.msk $0xffff, v30  }
0x4fa: {  	[tilespmem:v26+s22+$0x0] =	vst.idx.msk $0xffff, v31;
	v5 =	vor.u32 v38, v2;
	v31 =	vld.idx.msk [tilespmem:v43+s17+$0x0], $0xffff  }
0x4fb: {  	v7 =	vor.u32 v52, v17;
	v43 =	vld [tilespmem:$0x1FE50]  }
0x4fc: {  	v41 =	vor.u32 v53, v4;
	v24 =	vor.u32 v52, v20;
	v26 =	vld.idx.msk [tilespmem:v32+s17+$0x0], $0xffff  }
0x4fd: {  	[tilespmem:v11+s22+$0x0] =	vst.idx.msk $0xffff, v28;
	v28 =	vor.u32 v53, v3;
	v53 =	vld [tilespmem:$0x1FE90];
	v25 =	vor.u32 v38, v14  }
0x4fe: {  	v30 =	vld.idx.msk [tilespmem:v50+s17+$0x0], $0xffff;
	v50 =	vor.u32 v52, v16;
	[tilespmem:v44+s22+$0x0] =	vst.idx.msk $0xffff, v10  }
0x4ff: {  	v11 =	vmovc v21;
	v6 =	vmov v20;
	v52 =	vor.u32 v51, v13;
	[tilespmem:v5+s22+$0x0] =	vst.idx.msk $0xffff, v8;
	v5 =	vmov v19;
	v44 =	vld [tilespmem:$0x1FE70]  }
0x500: {  	v10 =	vmovc v22;
	v8 =	vmov v18;
	v35 =	vld.idx.msk [tilespmem:v7+s17+$0x0], $0xffff;
	v21 =	vor.u32 v51, v5;
	v22 =	vor.u32 v43, v15  }
0x501: {  	v18 =	vor.u32 v51, v2;
	v19 =	vld.idx.msk [tilespmem:v24+s17+$0x0], $0xffff;
	[tilespmem:v27+s22+$0x0] =	vst.idx.msk $0xffff, v23;
	v20 =	vor.u32 v43, v17  }
0x502: {  	v23 =	vld.idx.msk [tilespmem:v28+s17+$0x0], $0xffff;
	[tilespmem:v25+s22+$0x0] =	vst.idx.msk $0xffff, v26;
	v26 =	vor.u32 v57, v0;
	v24 =	vor.u32 v43, v6  }
0x503: {  	v27 =	vor.u32 v51, v14;
	v28 =	vor.u32 v59, v3;
	v25 =	vld.idx.msk [tilespmem:v50+s17+$0x0], $0xffff;
	[tilespmem:v29+s22+$0x0] =	vst.idx.msk $0xffff, v30  }
0x504: {  	[tilespmem:v52+s22+$0x0] =	vst.idx.msk $0xffff, v31;
	v30 =	vor.u32 v43, v16;
	v31 =	vor.u32 v57, v1;
	v29 =	vld.idx.msk [tilespmem:v41+s17+$0x0], $0xffff  }
0x505: {  	v7 =	vmov v17;
	v17 =	vor.u32 v33, v13;
	[tilespmem:v21+s22+$0x0] =	vst.idx.msk $0xffff, v35;
	v22 =	vld.idx.msk [tilespmem:v22+s17+$0x0], $0xffff  }
0x506: {  	v21 =	vor.u32 v59, v4;
	[tilespmem:v18+s22+$0x0] =	vst.idx.msk $0xffff, v19;
	v18 =	vld.idx.msk [tilespmem:v20+s17+$0x0], $0xffff  }
0x507: {  	v50 =	vor.u32 v44, v15;
	v19 =	vld.idx.msk [tilespmem:v24+s17+$0x0], $0xffff;
	v20 =	vor.u32 v33, v5;
	[tilespmem:v26+s22+$0x0] =	vst.idx.msk $0xffff, v23  }
0x508: {  	v23 =	vor.u32 v33, v2;
	[tilespmem:v27+s22+$0x0] =	vst.idx.msk $0xffff, v25;
	v25 =	vld.idx.msk [tilespmem:v28+s17+$0x0], $0xffff  }
0x509: {  	v24 =	vor.u32 v44, v7;
	v27 =	vld.idx.msk [tilespmem:v30+s17+$0x0], $0xffff;
	v28 =	vor.u32 v46, v0;
	[tilespmem:v31+s22+$0x0] =	vst.idx.msk $0xffff, v29  }
0x50a: {  	v52 =	vld [tilespmem:$0x1FE80];
	v26 =	vor.u32 v44, v6;
	[tilespmem:v17+s22+$0x0] =	vst.idx.msk $0xffff, v22;
	v17 =	vor.u32 v33, v14  }
0x50b: {  	v30 =	vor.u32 v44, v16;
	v31 =	vor.u32 v46, v1;
	v21 =	vld.idx.msk [tilespmem:v21+s17+$0x0], $0xffff  }
0x50c: {  	v51 =	vor.u32 v56, v13;
	v22 =	vor.u32 v47, v3;
	[tilespmem:v20+s22+$0x0] =	vst.idx.msk $0xffff, v18;
	v29 =	vld.idx.msk [tilespmem:v50+s17+$0x0], $0xffff  }
0x50d: {  	v59 =	vld [tilespmem:$0x1FEA0];
	[tilespmem:v23+s22+$0x0] =	vst.idx.msk $0xffff, v19  }
0x50e: {  	v18 =	vor.u32 v47, v4;
	v19 =	vld.idx.msk [tilespmem:v24+s17+$0x0], $0xffff;
	[tilespmem:v28+s22+$0x0] =	vst.idx.msk $0xffff, v25  }
0x50f: {  	v20 =	vor.u32 v52, v15;
	v23 =	vld.idx.msk [tilespmem:v26+s17+$0x0], $0xffff;
	v24 =	vor.u32 v56, v5;
	[tilespmem:v17+s22+$0x0] =	vst.idx.msk $0xffff, v27  }
0x510: {  	v25 =	vor.u32 v56, v2;
	v26 =	vor.u32 v52, v7;
	v27 =	vld.idx.msk [tilespmem:v30+s17+$0x0], $0xffff;
	[tilespmem:v31+s22+$0x0] =	vst.idx.msk $0xffff, v21  }
0x511: {  	v28 =	vor.u32 v61, v0;
	v17 =	vld.idx.msk [tilespmem:v22+s17+$0x0], $0xffff;
	v22 =	vor.u32 v52, v6;
	[tilespmem:v51+s22+$0x0] =	vst.idx.msk $0xffff, v29  }
0x512: {  	v21 =	vor.u32 v56, v14;
	v29 =	vor.u32 v63, v3;
	v31 =	vor.u32 v61, v1;
	v61 =	vld [tilespmem:$0x1FEB0]  }
0x513: {  	v30 =	vor.u32 v52, v16;
	v18 =	vld.idx.msk [tilespmem:v18+s17+$0x0], $0xffff  }
0x514: {  	v57 =	vor.u32 v53, v9;
	[tilespmem:v24+s22+$0x0] =	vst.idx.msk $0xffff, v19;
	v20 =	vld.idx.msk [tilespmem:v20+s17+$0x0], $0xffff  }
0x515: {  	v24 =	vor.u32 v59, v15;
	[tilespmem:v25+s22+$0x0] =	vst.idx.msk $0xffff, v23;
	v23 =	vld.idx.msk [tilespmem:v26+s17+$0x0], $0xffff  }
0x516: {  	v19 =	vor.u32 v63, v4;
	v25 =	vor.u32 v53, v11;
	v22 =	vld.idx.msk [tilespmem:v22+s17+$0x0], $0xffff;
	[tilespmem:v28+s22+$0x0] =	vst.idx.msk $0xffff, v17  }
0x517: {  	v26 =	vor.u32 v59, v7;
	v17 =	vor.u32 v53, v10;
	[tilespmem:v21+s22+$0x0] =	vst.idx.msk $0xffff, v27;
	v21 =	vld.idx.msk [tilespmem:v29+s17+$0x0], $0xffff  }
0x518: {  	v27 =	vor.u32 v59, v6;
	v29 =	vor.u32 v42, v0;
	v28 =	vld.idx.msk [tilespmem:v30+s17+$0x0], $0xffff;
	[tilespmem:v31+s22+$0x0] =	vst.idx.msk $0xffff, v18  }
0x519: {  	[tilespmem:v57+s22+$0x0] =	vst.idx.msk $0xffff, v20;
	v18 =	vor.u32 v53, v8;
	v20 =	vor.u32 v48, v3  }
0x51a: {  	v30 =	vor.u32 v59, v16;
	v3 =	vmov v15;
	v15 =	vor.u32 v61, v9;
	v24 =	vld.idx.msk [tilespmem:v24+s17+$0x0], $0xffff  }
0x51b: {  	v31 =	vor.u32 v42, v1;
	[tilespmem:v25+s22+$0x0] =	vst.idx.msk $0xffff, v23;
	v23 =	vor.u32 v48, v4;
	v19 =	vld.idx.msk [tilespmem:v19+s17+$0x0], $0xffff  }
0x51c: {  	v4 =	vmov v16;
	[tilespmem:v17+s22+$0x0] =	vst.idx.msk $0xffff, v22;
	v22 =	vld.idx.msk [tilespmem:v26+s17+$0x0], $0xffff;
	v26 =	vor.u32 v61, v11  }
0x51d: {  	v16 =	vor.u32 v12, v3;
	v25 =	vld.idx.msk [tilespmem:v27+s17+$0x0], $0xffff;
	[tilespmem:v29+s22+$0x0] =	vst.idx.msk $0xffff, v21;
	v21 =	vor.u32 v61, v10  }
0x51e: {  	v63 =	vor.u32 v40, v0;
	v27 =	vor.u32 v12, v7;
	[tilespmem:v18+s22+$0x0] =	vst.idx.msk $0xffff, v28;
	v28 =	vld.idx.msk [tilespmem:v20+s17+$0x0], $0xffff  }
0x51f: {  	p2 =	slt.u32 s29, $0xC;
	v29 =	vor.u32 v12, v6;
	v30 =	vld.idx.msk [tilespmem:v30+s17+$0x0], $0xffff;
	[tilespmem:v15+s22+$0x0] =	vst.idx.msk $0xffff, v24;
	v24 =	vor.u32 v61, v8  }
.Ltmp6:
0x520: {  	v34 =	vld [tilespmem:$0x1FBF0];
	[tilespmem:v31+s22+$0x0] =	vst.idx.msk $0xffff, v19;
	(pc) =	sbr.rel @p2 .LBB2_9-.Ltmp6, $4  }
0x521: {  	v18 =	vor.u32 v45, v3;
	v15 =	vld.idx.msk [tilespmem:v23+s17+$0x0], $0xffff;
	[tilespmem:v26+s22+$0x0] =	vst.idx.msk $0xffff, v22  }
0x522: {  	v19 =	vor.u32 v49, v9;
	v17 =	vld.idx.msk [tilespmem:v16+s17+$0x0], $0xffff;
	v16 =	vor.u32 v40, v1;
	[tilespmem:v21+s22+$0x0] =	vst.idx.msk $0xffff, v25  }
0x523: {  	s28 =	sadd.s32 $0x4, s29;
	v0 =	vmov v13;
	v1 =	vmov v14;
	v26 =	vor.u32 v49, v11;
	v20 =	vld.idx.msk [tilespmem:v27+s17+$0x0], $0xffff;
	[tilespmem:v63+s22+$0x0] =	vst.idx.msk $0xffff, v28  }
0x524: {  	s29 =	smov.u32 s28;
	v37 =	vlaneseq.u32;
	v27 =	vor.u32 v49, v10;
	v25 =	vld.idx.msk [tilespmem:v29+s17+$0x0], $0xffff;
	v28 =	vor.u32 v45, v7;
	[tilespmem:v24+s22+$0x0] =	vst.idx.msk $0xffff, v30  }
0x525: {  	v29 =	vld [tilespmem:$0x1FFC0];
	_ =	sdelay $0x2  }
0x526: {  	v12 =	vld [tilespmem:$0x1FC20]  }
0x527: {  	v60 =	vld [tilespmem:$0x1FC30];
	[tilespmem:v26+s22+$0x0] =	vst.idx.msk $0xffff, v20  }
0x528: {  	[tilespmem:v27+s22+$0x0] =	vst.idx.msk $0xffff, v25;
	v13 =	vor.u32 v29, v4  }
0x529: {  	v56 =	vld [tilespmem:$0x1FFE0];
	_ =	sdelay $0x3  }
0x52a: {  	v14 =	vor.u32 v12, v8;
	v13 =	vld.idx.msk [tilespmem:v13+s17+$0x0], $0xffff  }
0x52b: {  	v20 =	vld.idx.msk [tilespmem:v28+s17+$0x0], $0xffff;
	v22 =	vor.u32 v56, v11  }
0x52c: {  	[tilespmem:v19+s22+$0x0] =	vst.idx.msk $0xffff, v17;
	v61 =	vld.idx.msk [tilespmem:v34+s17+$0x0], $0xffff;
	v17 =	vor.u32 v56, v10  }
0x52d: {  	v57 =	vld [tilespmem:$0x1FFF0];
	_ =	sdelay $0x1  }
0x52e: {  	[tilespmem:v14+s22+$0x0] =	vst.idx.msk $0xffff, v13  }
0x52f: {  	[tilespmem:v22+s22+$0x0] =	vst.idx.msk $0xffff, v20  }
0x530: {  	v21 =	vor.u32 v60, v4;
	[tilespmem:v17+s22+$0x0] =	vst.idx.msk $0xffff, v61  }
0x531: {  	v19 =	vor.u32 v57, v7;
	v32 =	vld [tilespmem:$0x1FFD0]  }
0x532: {  	v18 =	vld.idx.msk [tilespmem:v18+s17+$0x0], $0xffff;
	v23 =	vor.u32 v56, v9;
	v24 =	vor.u32 v57, v6;
	_ =	sdelay $0x2  }
0x533: {  	v63 =	vor.u32 v56, v8;
	v14 =	vld.idx.msk [tilespmem:v21+s17+$0x0], $0xffff  }
0x534: {  	v36 =	vld.idx.msk [tilespmem:v19+s17+$0x0], $0xffff;
	v17 =	vor.u32 v32, v11  }
0x535: {  	[tilespmem:v23+s22+$0x0] =	vst.idx.msk $0xffff, v18;
	v18 =	vld.idx.msk [tilespmem:v24+s17+$0x0], $0xffff;
	v39 =	vor.u32 v32, v10  }
0x536: {  	v38 =	vld [tilespmem:$0x1FC40]  }
0x537: {  	v62 =	vor.u32 v57, v3  }
0x538: {  	[tilespmem:v63+s22+$0x0] =	vst.idx.msk $0xffff, v14  }
0x539: {  	[tilespmem:v17+s22+$0x0] =	vst.idx.msk $0xffff, v36  }
0x53a: {  	v25 =	vor.u32 v57, v4;
	[tilespmem:v39+s22+$0x0] =	vst.idx.msk $0xffff, v18  }
0x53b: {  	v19 =	vor.u32 v38, v7;
	v43 =	vld [tilespmem:$0x1FC50]  }
0x53c: {  	v13 =	vld.idx.msk [tilespmem:v62+s17+$0x0], $0xffff;
	v40 =	vor.u32 v32, v9;
	v41 =	vor.u32 v38, v6;
	_ =	sdelay $0x2  }
0x53d: {  	v24 =	vor.u32 v32, v8;
	v21 =	vld.idx.msk [tilespmem:v25+s17+$0x0], $0xffff  }
0x53e: {  	v12 =	vld.idx.msk [tilespmem:v19+s17+$0x0], $0xffff;
	v17 =	vor.u32 v43, v11  }
0x53f: {  	[tilespmem:v40+s22+$0x0] =	vst.idx.msk $0xffff, v13;
	v44 =	vld.idx.msk [tilespmem:v41+s17+$0x0], $0xffff;
	v19 =	vor.u32 v43, v10  }
0x540: {  	v45 =	vld [tilespmem:$0x1FC60]  }
0x541: {  	v42 =	vor.u32 v38, v3  }
0x542: {  	[tilespmem:v24+s22+$0x0] =	vst.idx.msk $0xffff, v21  }
0x543: {  	[tilespmem:v17+s22+$0x0] =	vst.idx.msk $0xffff, v12  }
0x544: {  	v25 =	vor.u32 v38, v4;
	[tilespmem:v19+s22+$0x0] =	vst.idx.msk $0xffff, v44  }
0x545: {  	v18 =	vor.u32 v45, v7;
	v50 =	vld [tilespmem:$0x1FC70]  }
0x546: {  	v14 =	vld.idx.msk [tilespmem:v42+s17+$0x0], $0xffff;
	v46 =	vor.u32 v43, v9;
	v47 =	vor.u32 v45, v6;
	_ =	sdelay $0x2  }
0x547: {  	v49 =	vld.idx.msk [tilespmem:v25+s17+$0x0], $0xffff;
	v24 =	vor.u32 v43, v8  }
0x548: {  	v12 =	vld.idx.msk [tilespmem:v18+s17+$0x0], $0xffff;
	v51 =	vor.u32 v50, v11  }
0x549: {  	[tilespmem:v46+s22+$0x0] =	vst.idx.msk $0xffff, v14;
	v52 =	vld.idx.msk [tilespmem:v47+s17+$0x0], $0xffff;
	v18 =	vor.u32 v50, v10  }
0x54a: {  	v35 =	vld [tilespmem:$0x1FFB0]  }
0x54b: {  	v48 =	vor.u32 v45, v3  }
0x54c: {  	[tilespmem:v24+s22+$0x0] =	vst.idx.msk $0xffff, v49  }
0x54d: {  	[tilespmem:v51+s22+$0x0] =	vst.idx.msk $0xffff, v12  }
0x54e: {  	v25 =	vor.u32 v45, v4;
	[tilespmem:v18+s22+$0x0] =	vst.idx.msk $0xffff, v52  }
0x54f: {  	v17 =	vor.u32 v35, v7;
	v55 =	vld [tilespmem:$0x1FC80]  }
0x550: {  	v20 =	vld.idx.msk [tilespmem:v48+s17+$0x0], $0xffff;
	v19 =	vor.u32 v50, v9;
	v53 =	vor.u32 v35, v6;
	_ =	sdelay $0x2  }
0x551: {  	v23 =	vld.idx.msk [tilespmem:v25+s17+$0x0], $0xffff;
	v24 =	vor.u32 v50, v8  }
0x552: {  	v12 =	vld.idx.msk [tilespmem:v17+s17+$0x0], $0xffff;
	v58 =	vor.u32 v55, v11  }
0x553: {  	[tilespmem:v19+s22+$0x0] =	vst.idx.msk $0xffff, v20;
	v59 =	vld.idx.msk [tilespmem:v53+s17+$0x0], $0xffff;
	v62 =	vor.u32 v55, v10  }
0x554: {  	v60 =	vld [tilespmem:$0x1FC90]  }
0x555: {  	v54 =	vor.u32 v35, v3  }
0x556: {  	[tilespmem:v24+s22+$0x0] =	vst.idx.msk $0xffff, v23  }
0x557: {  	[tilespmem:v58+s22+$0x0] =	vst.idx.msk $0xffff, v12  }
0x558: {  	v25 =	vor.u32 v35, v4;
	[tilespmem:v62+s22+$0x0] =	vst.idx.msk $0xffff, v59  }
0x559: {  	v61 =	vor.u32 v60, v7;
	v34 =	vld [tilespmem:$0x1FEC0]  }
0x55a: {  	v17 =	vld.idx.msk [tilespmem:v54+s17+$0x0], $0xffff;
	v63 =	vor.u32 v55, v9;
	v18 =	vor.u32 v60, v6;
	_ =	sdelay $0x2  }
0x55b: {  	v30 =	vld.idx.msk [tilespmem:v25+s17+$0x0], $0xffff;
	v31 =	vor.u32 v55, v8  }
0x55c: {  	v11 =	vld.idx.msk [tilespmem:v61+s17+$0x0], $0xffff;
	v35 =	vor.u32 v34, v5  }
0x55d: {  	v19 =	vor.u32 v60, v3;
	[tilespmem:v63+s22+$0x0] =	vst.idx.msk $0xffff, v17;
	v36 =	vld.idx.msk [tilespmem:v18+s17+$0x0], $0xffff;
	v39 =	vor.u32 v34, v2  }
0x55e: {  	v23 =	vld [tilespmem:$0x1FED0];
	_ =	sdelay $0x1  }
0x55f: {  	[tilespmem:v31+s22+$0x0] =	vst.idx.msk $0xffff, v30  }
0x560: {  	[tilespmem:v35+s22+$0x0] =	vst.idx.msk $0xffff, v11  }
0x561: {  	v21 =	vor.u32 v60, v4;
	v40 =	vld.idx.msk [tilespmem:v19+s17+$0x0], $0xffff;
	[tilespmem:v39+s22+$0x0] =	vst.idx.msk $0xffff, v36  }
0x562: {  	v17 =	vor.u32 v34, v0;
	v38 =	vor.u32 v23, v7;
	v24 =	vld [tilespmem:$0x1FEE0];
	_ =	sdelay $0x3  }
0x563: {  	v19 =	vld.idx.msk [tilespmem:v21+s17+$0x0], $0xffff;
	v42 =	vor.u32 v34, v1;
	v18 =	vor.u32 v23, v6  }
0x564: {  	v41 =	vor.u32 v23, v3;
	v10 =	vld.idx.msk [tilespmem:v38+s17+$0x0], $0xffff;
	[tilespmem:v17+s22+$0x0] =	vst.idx.msk $0xffff, v40;
	v44 =	vor.u32 v24, v5  }
0x565: {  	v36 =	vld [tilespmem:$0x1FEF0];
	_ =	sdelay $0x2  }
0x566: {  	v46 =	vld.idx.msk [tilespmem:v18+s17+$0x0], $0xffff;
	[tilespmem:v42+s22+$0x0] =	vst.idx.msk $0xffff, v19  }
0x567: {  	v43 =	vor.u32 v23, v4;
	v8 =	vld.idx.msk [tilespmem:v41+s17+$0x0], $0xffff;
	v47 =	vor.u32 v24, v2;
	[tilespmem:v44+s22+$0x0] =	vst.idx.msk $0xffff, v10  }
0x568: {  	v48 =	vor.u32 v24, v0;
	v45 =	vor.u32 v36, v7;
	v38 =	vld [tilespmem:$0x1FF00];
	_ =	sdelay $0x3  }
0x569: {  	v19 =	vld.idx.msk [tilespmem:v43+s17+$0x0], $0xffff;
	v49 =	vor.u32 v24, v1;
	[tilespmem:v47+s22+$0x0] =	vst.idx.msk $0xffff, v46  }
0x56a: {  	v17 =	vor.u32 v36, v6;
	v9 =	vld.idx.msk [tilespmem:v45+s17+$0x0], $0xffff;
	[tilespmem:v48+s22+$0x0] =	vst.idx.msk $0xffff, v8;
	v51 =	vor.u32 v38, v5  }
0x56b: {  	v39 =	vld [tilespmem:$0x1FF10];
	_ =	sdelay $0x2  }
0x56c: {  	v18 =	vor.u32 v36, v3;
	[tilespmem:v49+s22+$0x0] =	vst.idx.msk $0xffff, v19  }
0x56d: {  	v50 =	vor.u32 v36, v4;
	v53 =	vld.idx.msk [tilespmem:v17+s17+$0x0], $0xffff;
	[tilespmem:v51+s22+$0x0] =	vst.idx.msk $0xffff, v9  }
0x56e: {  	v54 =	vor.u32 v38, v2;
	v52 =	vor.u32 v39, v7;
	v40 =	vld [tilespmem:$0x1FF20];
	_ =	sdelay $0x2  }
0x56f: {  	v14 =	vld.idx.msk [tilespmem:v18+s17+$0x0], $0xffff;
	v17 =	vor.u32 v38, v0  }
0x570: {  	v19 =	vld.idx.msk [tilespmem:v50+s17+$0x0], $0xffff;
	v58 =	vor.u32 v38, v1  }
0x571: {  	v55 =	vor.u32 v39, v6;
	v8 =	vld.idx.msk [tilespmem:v52+s17+$0x0], $0xffff;
	[tilespmem:v54+s22+$0x0] =	vst.idx.msk $0xffff, v53;
	v60 =	vor.u32 v40, v5  }
0x572: {  	v41 =	vld [tilespmem:$0x1FF30];
	_ =	sdelay $0x1  }
0x573: {  	[tilespmem:v17+s22+$0x0] =	vst.idx.msk $0xffff, v14  }
0x574: {  	v18 =	vor.u32 v39, v3;
	[tilespmem:v58+s22+$0x0] =	vst.idx.msk $0xffff, v19  }
0x575: {  	v59 =	vor.u32 v39, v4;
	v11 =	vld.idx.msk [tilespmem:v55+s17+$0x0], $0xffff;
	[tilespmem:v60+s22+$0x0] =	vst.idx.msk $0xffff, v8  }
0x576: {  	v62 =	vor.u32 v40, v2;
	v61 =	vor.u32 v41, v7;
	v42 =	vld [tilespmem:$0x1FF40];
	_ =	sdelay $0x2  }
0x577: {  	v14 =	vld.idx.msk [tilespmem:v18+s17+$0x0], $0xffff;
	v17 =	vor.u32 v40, v0  }
0x578: {  	v19 =	vld.idx.msk [tilespmem:v59+s17+$0x0], $0xffff;
	v28 =	vor.u32 v40, v1  }
0x579: {  	v63 =	vor.u32 v41, v6;
	v8 =	vld.idx.msk [tilespmem:v61+s17+$0x0], $0xffff;
	[tilespmem:v62+s22+$0x0] =	vst.idx.msk $0xffff, v11;
	v31 =	vor.u32 v42, v5  }
0x57a: {  	v43 =	vld [tilespmem:$0x1FF50];
	_ =	sdelay $0x1  }
0x57b: {  	[tilespmem:v17+s22+$0x0] =	vst.idx.msk $0xffff, v14  }
0x57c: {  	v18 =	vor.u32 v41, v3;
	[tilespmem:v28+s22+$0x0] =	vst.idx.msk $0xffff, v19  }
0x57d: {  	v30 =	vor.u32 v41, v4;
	v11 =	vld.idx.msk [tilespmem:v63+s17+$0x0], $0xffff;
	[tilespmem:v31+s22+$0x0] =	vst.idx.msk $0xffff, v8  }
0x57e: {  	v35 =	vor.u32 v42, v2;
	v34 =	vor.u32 v43, v7;
	v44 =	vld [tilespmem:$0x1FF60];
	_ =	sdelay $0x2  }
0x57f: {  	v14 =	vld.idx.msk [tilespmem:v18+s17+$0x0], $0xffff;
	v17 =	vor.u32 v42, v0  }
0x580: {  	v19 =	vld.idx.msk [tilespmem:v30+s17+$0x0], $0xffff;
	v38 =	vor.u32 v42, v1  }
0x581: {  	v36 =	vor.u32 v43, v6;
	v8 =	vld.idx.msk [tilespmem:v34+s17+$0x0], $0xffff;
	[tilespmem:v35+s22+$0x0] =	vst.idx.msk $0xffff, v11;
	v40 =	vor.u32 v44, v5  }
0x582: {  	v46 =	vld [tilespmem:$0x1FF70];
	_ =	sdelay $0x1  }
0x583: {  	[tilespmem:v17+s22+$0x0] =	vst.idx.msk $0xffff, v14  }
0x584: {  	v18 =	vor.u32 v43, v3;
	[tilespmem:v38+s22+$0x0] =	vst.idx.msk $0xffff, v19  }
0x585: {  	v39 =	vor.u32 v43, v4;
	v11 =	vld.idx.msk [tilespmem:v36+s17+$0x0], $0xffff;
	[tilespmem:v40+s22+$0x0] =	vst.idx.msk $0xffff, v8  }
0x586: {  	v42 =	vor.u32 v44, v2;
	v41 =	vor.u32 v46, v7;
	v59 =	vld [tilespmem:$0x1FF80];
	_ =	sdelay $0x2  }
0x587: {  	v14 =	vld.idx.msk [tilespmem:v18+s17+$0x0], $0xffff;
	v17 =	vor.u32 v44, v0  }
0x588: {  	v19 =	vld.idx.msk [tilespmem:v39+s17+$0x0], $0xffff;
	v45 =	vor.u32 v44, v1  }
0x589: {  	v43 =	vor.u32 v46, v6;
	v8 =	vld.idx.msk [tilespmem:v41+s17+$0x0], $0xffff;
	[tilespmem:v42+s22+$0x0] =	vst.idx.msk $0xffff, v11;
	v47 =	vor.u32 v59, v5  }
0x58a: {  	v48 =	vld [tilespmem:$0x1FF90]  }
0x58b: {  	v18 =	vor.u32 v46, v3  }
0x58c: {  	v46 =	vor.u32 v46, v4;
	[tilespmem:v17+s22+$0x0] =	vst.idx.msk $0xffff, v14  }
0x58d: {  	[tilespmem:v45+s22+$0x0] =	vst.idx.msk $0xffff, v19  }
0x58e: {  	v50 =	vld.idx.msk [tilespmem:v43+s17+$0x0], $0xffff;
	[tilespmem:v47+s22+$0x0] =	vst.idx.msk $0xffff, v8  }
0x58f: {  	v51 =	vor.u32 v59, v2;
	v49 =	vor.u32 v48, v7;
	v8 =	vld [tilespmem:$0x1FFA0]  }
0x590: {  	v53 =	vld.idx.msk [tilespmem:v18+s17+$0x0], $0xffff;
	v54 =	vor.u32 v59, v0;
	v52 =	vor.u32 v48, v6  }
0x591: {  	v58 =	vld.idx.msk [tilespmem:v46+s17+$0x0], $0xffff;
	v17 =	vor.u32 v59, v1;
	v55 =	vor.u32 v48, v3  }
0x592: {  	v59 =	vor.u32 v48, v4;
	_ =	sdelay $0x1  }
0x593: {  	v7 =	vld.idx.msk [tilespmem:v49+s17+$0x0], $0xffff;
	[tilespmem:v51+s22+$0x0] =	vst.idx.msk $0xffff, v50;
	v60 =	vor.u32 v8, v5  }
0x594: {  	[tilespmem:v54+s22+$0x0] =	vst.idx.msk $0xffff, v53;
	v6 =	vld.idx.msk [tilespmem:v52+s17+$0x0], $0xffff;
	v61 =	vor.u32 v8, v2  }
0x595: {  	[tilespmem:v17+s22+$0x0] =	vst.idx.msk $0xffff, v58;
	v3 =	vld.idx.msk [tilespmem:v55+s17+$0x0], $0xffff;
	v62 =	vor.u32 v8, v0  }
0x596: {  	v4 =	vld.idx.msk [tilespmem:v59+s17+$0x0], $0xffff;
	v63 =	vor.u32 v8, v1  }
0x597: {  	p2 =	seq.s32 s25, $0x79;
	[tilespmem:v16+s22+$0x0] =	vst.idx.msk $0xffff, v15  }
.Ltmp7:
0x598: {  	[tilespmem:v60+s22+$0x0] =	vst.idx.msk $0xffff, v7;
	(pc) =	sbr.rel @p2 .LBB2_12-.Ltmp7, $4  }
0x599: {  	[tilespmem:v61+s22+$0x0] =	vst.idx.msk $0xffff, v6  }
0x59a: {  	[tilespmem:v62+s22+$0x0] =	vst.idx.msk $0xffff, v3  }
0x59b: {  	s3 =	sadd.s32 s26, s8;
	[tilespmem:v63+s22+$0x0] =	vst.idx.msk $0xffff, v4  }
0x59c: {  	v25 =	vmov v29;
	v16 =	vmov v32;
	[hbm4b:s3+s4] =	stream.linear.scatter [tilespmem:s22], [sflag:$0x4], $0x2000, $0x38;
	[tilespmem:$0x8000] =	vst v63  }
0x59d: {  	v29 =	vld [tilespmem:$0x1FCA0]  }
0x59e: {  	v34 =	vld [tilespmem:$0x1FCB0]  }
0x59f: {  	v46 =	vld [tilespmem:$0x1FCC0]  }
0x5a0: {  	v10 =	vld [tilespmem:$0x1FCD0]  }
0x5a1: {  	v19 =	vld [tilespmem:$0x1FCE0]  }
0x5a2: {  	v50 =	vld [tilespmem:$0x1FCF0]  }
0x5a3: {  	v51 =	vld [tilespmem:$0x1FD00]  }
0x5a4: {  	v61 =	vld [tilespmem:$0x1FD10]  }
0x5a5: {  	v53 =	vld [tilespmem:$0x1FD20]  }
0x5a6: {  	v54 =	vld [tilespmem:$0x1FD30]  }
0x5a7: {  	v62 =	vld [tilespmem:$0x1FD40]  }
0x5a8: {  	v63 =	vld [tilespmem:$0x1FD50]  }
0x5a9: {  	v43 =	vld [tilespmem:$0x1FD60]  }
0x5aa: {  	v27 =	vld [tilespmem:$0x1FD70]  }
0x5ab: {  	v22 =	vld [tilespmem:$0x1FD80]  }
0x5ac: {  	v23 =	vld [tilespmem:$0x1FD90]  }
0x5ad: {  	v26 =	vld [tilespmem:$0x1FDA0]  }
0x5ae: {  	v24 =	vld [tilespmem:$0x1FDB0]  }
0x5af: {  	v21 =	vld [tilespmem:$0x1FDC0]  }
0x5b0: {  	v20 =	vld [tilespmem:$0x1FDD0]  }
0x5b1: {  	v28 =	vld [tilespmem:$0x1FDE0]  }
0x5b2: {  	v39 =	vld [tilespmem:$0x1FDF0]  }
0x5b3: {  	v52 =	vld [tilespmem:$0x1FE00]  }
0x5b4: {  	v38 =	vld [tilespmem:$0x1FE10]  }
0x5b5: {  	v41 =	vld [tilespmem:$0x1FE20]  }
0x5b6: {  	v32 =	vld [tilespmem:$0x1FE30]  }
0x5b7: {  	v36 =	vld [tilespmem:$0x1FE40]  }
0x5b8: {  	v30 =	vld [tilespmem:$0x1FE50]  }
.Ltmp8:
0x5b9: {  	v35 =	vld [tilespmem:$0x1FE70];
	(pc) =	sbr.rel .LBB2_2-.Ltmp8, $4  }
0x5ba: {  	v13 =	vld [tilespmem:$0x1FE80]  }
0x5bb: {  	s3 =	sshll.u32 s25, $0xD;
	v12 =	vld [tilespmem:$0x1FE90]  }
0x5bc: {  	s25 =	sadd.s32 $0x1, s25;
	v45 =	vld [tilespmem:$0x1FEA0];
	s3 =	sadd.s32 s13, s3  }
0x5bd: {  	v17 =	vld [tilespmem:$0x1FEB0];
	[tilespmem:s17], [sflag:$0x2] =	stream.strided.gather [hbm4b:s3+s14], $0x2000, s16, s14, $0x38  }
.LBB2_12:
0x5be: {  	_ =	swait.ge [sflag:s23], $0x2000  }
0x5bf: {  	[sflag:s23] =	ssyncset.done $0x0  }
0x5c0: {  	[sflag:s23] =	ssyncadd.s32 $0xFFFFE000  }
0x5c1: {  	_ =	swait.ge [sflag:s21], $0x2000  }
0x5c2: {  	v29 =	vld [tilespmem:$0x1FCA0]  }
0x5c3: {  	v34 =	vld [tilespmem:$0x1FCB0]  }
0x5c4: {  	v46 =	vld [tilespmem:$0x1FCC0]  }
0x5c5: {  	v10 =	vld [tilespmem:$0x1FCD0]  }
0x5c6: {  	v19 =	vld [tilespmem:$0x1FCE0]  }
0x5c7: {  	v50 =	vld [tilespmem:$0x1FCF0]  }
0x5c8: {  	v51 =	vld [tilespmem:$0x1FD00]  }
0x5c9: {  	v61 =	vld [tilespmem:$0x1FD10]  }
0x5ca: {  	v53 =	vld [tilespmem:$0x1FD20]  }
0x5cb: {  	v54 =	vld [tilespmem:$0x1FD30]  }
0x5cc: {  	v62 =	vld [tilespmem:$0x1FD40]  }
0x5cd: {  	v63 =	vld [tilespmem:$0x1FD50]  }
0x5ce: {  	v31 =	vld [tilespmem:$0x1FD60]  }
0x5cf: {  	v43 =	vld [tilespmem:$0x1FD70]  }
0x5d0: {  	v27 =	vld [tilespmem:$0x1FD80]  }
0x5d1: {  	v22 =	vld [tilespmem:$0x1FD90]  }
0x5d2: {  	v23 =	vld [tilespmem:$0x1FDA0]  }
0x5d3: {  	v26 =	vld [tilespmem:$0x1FDB0]  }
0x5d4: {  	v24 =	vld [tilespmem:$0x1FDC0]  }
0x5d5: {  	v21 =	vld [tilespmem:$0x1FDD0]  }
0x5d6: {  	v20 =	vld [tilespmem:$0x1FDE0]  }
0x5d7: {  	v39 =	vld [tilespmem:$0x1FDF0]  }
0x5d8: {  	v55 =	vld [tilespmem:$0x1FE00]  }
0x5d9: {  	v38 =	vld [tilespmem:$0x1FE10]  }
.Ltmp9:
0x5da: {  	v41 =	vld [tilespmem:$0x1FE20];
	(pc) =	sbr.rel @p0 .LBB2_16-.Ltmp9, $4  }
0x5db: {  	v32 =	vld [tilespmem:$0x1FE30]  }
0x5dc: {  	v36 =	vld [tilespmem:$0x1FE40]  }
0x5dd: {  	[sflag:s21] =	ssyncset.done $0x0;
	v30 =	vld [tilespmem:$0x1FE50]  }
0x5de: {  	v35 =	vld [tilespmem:$0x1FE70];
	[sflag:s21] =	ssyncadd.s32 $0xFFFFE000  }
0x5df: {  	s3 =	simm.s32 $0x0  }
0x5e0: {  	v40 =	vadd.s32 s3, v37  }
0x5e1: {  	s25 =	simm.s32 $0x2;
	v18 =	vand.u32 $0xF, v40  }
0x5e2: {  	s26 =	simm.s32 $0x1;
	v56 =	vadd.s32 s25, v37;
	v15 =	vshll.u32 v18, $0x7  }
0x5e3: {  	v58 =	vadd.s32 s26, v37;
	v17 =	vand.u32 $0xF, v56;
	v0 =	vor.u32 v37, v15  }
0x5e4: {  	v12 =	vmov v16;
	[tilespmem:s3], [sflag:$0x1] =	stream.strided.gather [hbm4b:s9+s14], $0x2000, s16, s14, $0x38;
	v16 =	vand.u32 $0xF, v58;
	v14 =	vshll.u32 v17, $0x7;
	[tilespmem:$0x8000] =	vst v63  }
0x5e5: {  	_ =	swait.ge [sflag:s18], $0x2000;
	v13 =	vshll.u32 v16, $0x7;
	v1 =	vor.u32 v37, v14  }
0x5e6: {  	s26 =	simm.s32 $0x3;
	[sflag:s18] =	ssyncset.done $0x0;
	v2 =	vor.u32 v37, v13  }
0x5e7: {  	v45 =	vadd.s32 s26, v37;
	[sflag:s18] =	ssyncadd.s32 $0xFFFFE000  }
0x5e8: {  	v48 =	vand.u32 $0xF, v45;
	v3 =	vor.u32 v29, v18;
	v0 =	vld.idx.msk [tilespmem:v0+s4+$0x0], $0xffff  }
0x5e9: {  	v49 =	vshll.u32 v48, $0x7;
	v4 =	vor.u32 v34, v15  }
0x5ea: {  	v6 =	vor.u32 v29, v17;
	v5 =	vor.u32 v37, v49;
	v1 =	vld.idx.msk [tilespmem:v1+s4+$0x0], $0xffff  }
0x5eb: {  	v7 =	vor.u32 v29, v16;
	v8 =	vor.u32 v34, v14;
	v2 =	vld.idx.msk [tilespmem:v2+s4+$0x0], $0xffff;
	_ =	sdelay $0x1  }
0x5ec: {  	[tilespmem:v3+s19+$0x0] =	vst.idx.msk $0xffff, v0  }
0x5ed: {  	v9 =	vor.u32 v34, v13;
	v3 =	vor.u32 v46, v18;
	v0 =	vld.idx.msk [tilespmem:v4+s4+$0x0], $0xffff  }
0x5ee: {  	[tilespmem:v6+s19+$0x0] =	vst.idx.msk $0xffff, v1;
	v1 =	vor.u32 v10, v15;
	v4 =	vld.idx.msk [tilespmem:v5+s4+$0x0], $0xffff;
	v5 =	vor.u32 v29, v48  }
0x5ef: {  	v6 =	vor.u32 v34, v49;
	[tilespmem:v7+s19+$0x0] =	vst.idx.msk $0xffff, v2;
	v7 =	vor.u32 v46, v17;
	v2 =	vld.idx.msk [tilespmem:v8+s4+$0x0], $0xffff;
	_ =	sdelay $0x1  }
0x5f0: {  	v28 =	vmov v10  }
0x5f1: {  	v10 =	vor.u32 v10, v14;
	v8 =	vor.u32 v46, v16;
	v9 =	vld.idx.msk [tilespmem:v9+s4+$0x0], $0xffff;
	[tilespmem:v3+s19+$0x0] =	vst.idx.msk $0xffff, v0  }
0x5f2: {  	v11 =	vor.u32 v28, v13;
	[tilespmem:v5+s19+$0x0] =	vst.idx.msk $0xffff, v4;
	v0 =	vld.idx.msk [tilespmem:v1+s4+$0x0], $0xffff;
	v1 =	vor.u32 v19, v18  }
0x5f3: {  	v4 =	vor.u32 v46, v48;
	[tilespmem:v7+s19+$0x0] =	vst.idx.msk $0xffff, v2;
	v2 =	vor.u32 v50, v15;
	v3 =	vld.idx.msk [tilespmem:v6+s4+$0x0], $0xffff  }
0x5f4: {  	v5 =	vor.u32 v28, v49;
	_ =	sdelay $0x1  }
0x5f5: {  	[tilespmem:v8+s19+$0x0] =	vst.idx.msk $0xffff, v9;
	v7 =	vor.u32 v19, v17;
	v6 =	vld.idx.msk [tilespmem:v10+s4+$0x0], $0xffff  }
0x5f6: {  	v8 =	vor.u32 v19, v16;
	v9 =	vld.idx.msk [tilespmem:v11+s4+$0x0], $0xffff;
	v10 =	vor.u32 v50, v14;
	[tilespmem:v1+s19+$0x0] =	vst.idx.msk $0xffff, v0  }
0x5f7: {  	v11 =	vor.u32 v50, v13;
	[tilespmem:v4+s19+$0x0] =	vst.idx.msk $0xffff, v3;
	v1 =	vor.u32 v51, v18;
	v0 =	vld.idx.msk [tilespmem:v2+s4+$0x0], $0xffff  }
0x5f8: {  	v3 =	vor.u32 v19, v48;
	v4 =	vor.u32 v61, v15;
	v2 =	vld.idx.msk [tilespmem:v5+s4+$0x0], $0xffff  }
0x5f9: {  	v5 =	vor.u32 v50, v49  }
0x5fa: {  	[tilespmem:v7+s19+$0x0] =	vst.idx.msk $0xffff, v6  }
0x5fb: {  	[tilespmem:v8+s19+$0x0] =	vst.idx.msk $0xffff, v9;
	v7 =	vor.u32 v51, v17;
	v6 =	vld.idx.msk [tilespmem:v10+s4+$0x0], $0xffff  }
0x5fc: {  	v9 =	vor.u32 v51, v16;
	v8 =	vld.idx.msk [tilespmem:v11+s4+$0x0], $0xffff;
	v10 =	vor.u32 v61, v14;
	[tilespmem:v1+s19+$0x0] =	vst.idx.msk $0xffff, v0  }
0x5fd: {  	v11 =	vor.u32 v61, v13;
	[tilespmem:v3+s19+$0x0] =	vst.idx.msk $0xffff, v2;
	v1 =	vor.u32 v53, v18;
	v0 =	vld.idx.msk [tilespmem:v4+s4+$0x0], $0xffff  }
0x5fe: {  	v3 =	vor.u32 v51, v48;
	v2 =	vld.idx.msk [tilespmem:v5+s4+$0x0], $0xffff;
	v4 =	vor.u32 v54, v15  }
0x5ff: {  	v5 =	vor.u32 v61, v49  }
0x600: {  	[tilespmem:v7+s19+$0x0] =	vst.idx.msk $0xffff, v6  }
0x601: {  	[tilespmem:v9+s19+$0x0] =	vst.idx.msk $0xffff, v8;
	v7 =	vor.u32 v53, v17;
	v6 =	vld.idx.msk [tilespmem:v10+s4+$0x0], $0xffff  }
0x602: {  	v9 =	vor.u32 v53, v16;
	v8 =	vld.idx.msk [tilespmem:v11+s4+$0x0], $0xffff;
	v10 =	vor.u32 v54, v14;
	[tilespmem:v1+s19+$0x0] =	vst.idx.msk $0xffff, v0  }
0x603: {  	v11 =	vor.u32 v54, v13;
	[tilespmem:v3+s19+$0x0] =	vst.idx.msk $0xffff, v2;
	v1 =	vor.u32 v62, v18;
	v0 =	vld.idx.msk [tilespmem:v4+s4+$0x0], $0xffff  }
0x604: {  	v3 =	vor.u32 v53, v48;
	v2 =	vld.idx.msk [tilespmem:v5+s4+$0x0], $0xffff;
	v4 =	vor.u32 v63, v15  }
0x605: {  	v5 =	vor.u32 v54, v49  }
0x606: {  	[tilespmem:v7+s19+$0x0] =	vst.idx.msk $0xffff, v6  }
0x607: {  	[tilespmem:v9+s19+$0x0] =	vst.idx.msk $0xffff, v8;
	v7 =	vor.u32 v62, v17;
	v6 =	vld.idx.msk [tilespmem:v10+s4+$0x0], $0xffff  }
0x608: {  	v9 =	vor.u32 v62, v16;
	v8 =	vld.idx.msk [tilespmem:v11+s4+$0x0], $0xffff;
	v10 =	vor.u32 v63, v14;
	[tilespmem:v1+s19+$0x0] =	vst.idx.msk $0xffff, v0  }
0x609: {  	v11 =	vor.u32 v63, v13;
	[tilespmem:v3+s19+$0x0] =	vst.idx.msk $0xffff, v2;
	v1 =	vor.u32 v31, v18;
	v0 =	vld.idx.msk [tilespmem:v4+s4+$0x0], $0xffff  }
0x60a: {  	v3 =	vor.u32 v62, v48;
	v2 =	vld.idx.msk [tilespmem:v5+s4+$0x0], $0xffff;
	v4 =	vor.u32 v43, v15  }
0x60b: {  	v5 =	vor.u32 v63, v49  }
0x60c: {  	[tilespmem:v7+s19+$0x0] =	vst.idx.msk $0xffff, v6  }
0x60d: {  	[tilespmem:v9+s19+$0x0] =	vst.idx.msk $0xffff, v8;
	v7 =	vor.u32 v31, v17;
	v6 =	vld.idx.msk [tilespmem:v10+s4+$0x0], $0xffff  }
0x60e: {  	v9 =	vor.u32 v31, v16;
	v8 =	vld.idx.msk [tilespmem:v11+s4+$0x0], $0xffff;
	v10 =	vor.u32 v43, v14;
	[tilespmem:v1+s19+$0x0] =	vst.idx.msk $0xffff, v0  }
0x60f: {  	v11 =	vor.u32 v43, v13;
	[tilespmem:v3+s19+$0x0] =	vst.idx.msk $0xffff, v2;
	v1 =	vor.u32 v27, v18;
	v0 =	vld.idx.msk [tilespmem:v4+s4+$0x0], $0xffff  }
0x610: {  	v3 =	vor.u32 v31, v48;
	v2 =	vld.idx.msk [tilespmem:v5+s4+$0x0], $0xffff;
	v4 =	vor.u32 v22, v15  }
0x611: {  	v5 =	vor.u32 v43, v49  }
0x612: {  	[tilespmem:v7+s19+$0x0] =	vst.idx.msk $0xffff, v6  }
0x613: {  	[tilespmem:v9+s19+$0x0] =	vst.idx.msk $0xffff, v8;
	v7 =	vor.u32 v27, v17;
	v6 =	vld.idx.msk [tilespmem:v10+s4+$0x0], $0xffff  }
0x614: {  	v9 =	vor.u32 v27, v16;
	v8 =	vld.idx.msk [tilespmem:v11+s4+$0x0], $0xffff;
	v10 =	vor.u32 v22, v14;
	[tilespmem:v1+s19+$0x0] =	vst.idx.msk $0xffff, v0  }
0x615: {  	v11 =	vor.u32 v22, v13;
	[tilespmem:v3+s19+$0x0] =	vst.idx.msk $0xffff, v2;
	v1 =	vor.u32 v23, v40;
	v0 =	vld.idx.msk [tilespmem:v4+s4+$0x0], $0xffff  }
0x616: {  	v3 =	vor.u32 v27, v48;
	v2 =	vld.idx.msk [tilespmem:v5+s4+$0x0], $0xffff;
	v4 =	vor.u32 v26, v15  }
0x617: {  	v5 =	vor.u32 v22, v49  }
0x618: {  	[tilespmem:v7+s19+$0x0] =	vst.idx.msk $0xffff, v6  }
0x619: {  	[tilespmem:v9+s19+$0x0] =	vst.idx.msk $0xffff, v8;
	v7 =	vor.u32 v23, v56;
	v6 =	vld.idx.msk [tilespmem:v10+s4+$0x0], $0xffff  }
0x61a: {  	v9 =	vor.u32 v23, v58;
	v8 =	vld.idx.msk [tilespmem:v11+s4+$0x0], $0xffff;
	v10 =	vor.u32 v26, v14;
	[tilespmem:v1+s19+$0x0] =	vst.idx.msk $0xffff, v0  }
0x61b: {  	v11 =	vor.u32 v26, v13;
	[tilespmem:v3+s19+$0x0] =	vst.idx.msk $0xffff, v2;
	v1 =	vor.u32 v24, v40;
	v0 =	vld.idx.msk [tilespmem:v4+s4+$0x0], $0xffff  }
0x61c: {  	v3 =	vor.u32 v23, v45;
	v2 =	vld.idx.msk [tilespmem:v5+s4+$0x0], $0xffff;
	v4 =	vor.u32 v21, v15  }
0x61d: {  	v5 =	vor.u32 v26, v49  }
0x61e: {  	[tilespmem:v7+s19+$0x0] =	vst.idx.msk $0xffff, v6  }
0x61f: {  	[tilespmem:v9+s19+$0x0] =	vst.idx.msk $0xffff, v8;
	v7 =	vor.u32 v24, v56;
	v6 =	vld.idx.msk [tilespmem:v10+s4+$0x0], $0xffff  }
0x620: {  	v9 =	vor.u32 v24, v58;
	v8 =	vld.idx.msk [tilespmem:v11+s4+$0x0], $0xffff;
	v10 =	vor.u32 v21, v14;
	[tilespmem:v1+s19+$0x0] =	vst.idx.msk $0xffff, v0  }
0x621: {  	v11 =	vor.u32 v21, v13;
	[tilespmem:v3+s19+$0x0] =	vst.idx.msk $0xffff, v2;
	v1 =	vor.u32 v20, v40;
	v0 =	vld.idx.msk [tilespmem:v4+s4+$0x0], $0xffff  }
0x622: {  	v3 =	vor.u32 v24, v45;
	v2 =	vld.idx.msk [tilespmem:v5+s4+$0x0], $0xffff;
	v4 =	vor.u32 v39, v15  }
0x623: {  	v5 =	vor.u32 v21, v49  }
0x624: {  	[tilespmem:v7+s19+$0x0] =	vst.idx.msk $0xffff, v6  }
0x625: {  	[tilespmem:v9+s19+$0x0] =	vst.idx.msk $0xffff, v8;
	v7 =	vor.u32 v20, v56;
	v6 =	vld.idx.msk [tilespmem:v10+s4+$0x0], $0xffff  }
0x626: {  	v9 =	vor.u32 v20, v58;
	v8 =	vld.idx.msk [tilespmem:v11+s4+$0x0], $0xffff;
	v10 =	vor.u32 v39, v14;
	[tilespmem:v1+s19+$0x0] =	vst.idx.msk $0xffff, v0  }
0x627: {  	v11 =	vor.u32 v39, v13;
	[tilespmem:v3+s19+$0x0] =	vst.idx.msk $0xffff, v2;
	v1 =	vor.u32 v55, v40;
	v0 =	vld.idx.msk [tilespmem:v4+s4+$0x0], $0xffff  }
0x628: {  	v3 =	vor.u32 v20, v45;
	v2 =	vld.idx.msk [tilespmem:v5+s4+$0x0], $0xffff;
	v4 =	vor.u32 v38, v15  }
0x629: {  	v5 =	vor.u32 v39, v49  }
0x62a: {  	[tilespmem:v7+s19+$0x0] =	vst.idx.msk $0xffff, v6  }
0x62b: {  	[tilespmem:v9+s19+$0x0] =	vst.idx.msk $0xffff, v8;
	v7 =	vor.u32 v55, v56;
	v6 =	vld.idx.msk [tilespmem:v10+s4+$0x0], $0xffff  }
0x62c: {  	v9 =	vor.u32 v55, v58;
	v8 =	vld.idx.msk [tilespmem:v11+s4+$0x0], $0xffff;
	v10 =	vor.u32 v38, v14;
	[tilespmem:v1+s19+$0x0] =	vst.idx.msk $0xffff, v0  }
0x62d: {  	v11 =	vor.u32 v38, v13;
	[tilespmem:v3+s19+$0x0] =	vst.idx.msk $0xffff, v2;
	v1 =	vor.u32 v41, v40;
	v0 =	vld.idx.msk [tilespmem:v4+s4+$0x0], $0xffff  }
0x62e: {  	v3 =	vor.u32 v55, v45;
	v2 =	vld.idx.msk [tilespmem:v5+s4+$0x0], $0xffff;
	v4 =	vor.u32 v32, v15  }
0x62f: {  	v5 =	vor.u32 v38, v49  }
0x630: {  	[tilespmem:v7+s19+$0x0] =	vst.idx.msk $0xffff, v6  }
0x631: {  	[tilespmem:v9+s19+$0x0] =	vst.idx.msk $0xffff, v8;
	v7 =	vor.u32 v41, v56;
	v6 =	vld.idx.msk [tilespmem:v10+s4+$0x0], $0xffff  }
0x632: {  	v9 =	vor.u32 v41, v58;
	v8 =	vld.idx.msk [tilespmem:v11+s4+$0x0], $0xffff;
	[tilespmem:v1+s19+$0x0] =	vst.idx.msk $0xffff, v0  }
0x633: {  	v10 =	vor.u32 v32, v14;
	[tilespmem:v3+s19+$0x0] =	vst.idx.msk $0xffff, v2;
	v1 =	vor.u32 v36, v40;
	v0 =	vld.idx.msk [tilespmem:v4+s4+$0x0], $0xffff  }
0x634: {  	v11 =	vor.u32 v32, v13;
	v3 =	vor.u32 v41, v45;
	v2 =	vld.idx.msk [tilespmem:v5+s4+$0x0], $0xffff  }
0x635: {  	v4 =	vor.u32 v30, v15  }
0x636: {  	[tilespmem:v7+s19+$0x0] =	vst.idx.msk $0xffff, v6;
	v5 =	vor.u32 v32, v49  }
0x637: {  	[tilespmem:v9+s19+$0x0] =	vst.idx.msk $0xffff, v8  }
0x638: {  	v7 =	vor.u32 v36, v56;
	v6 =	vld.idx.msk [tilespmem:v10+s4+$0x0], $0xffff;
	[tilespmem:v1+s19+$0x0] =	vst.idx.msk $0xffff, v0  }
0x639: {  	v9 =	vor.u32 v36, v58;
	v8 =	vld.idx.msk [tilespmem:v11+s4+$0x0], $0xffff;
	[tilespmem:v3+s19+$0x0] =	vst.idx.msk $0xffff, v2  }
0x63a: {  	v1 =	vor.u32 v33, v40;
	v0 =	vld.idx.msk [tilespmem:v4+s4+$0x0], $0xffff;
	[tilespmem:$0x1FBE0] =	vst v40  }
0x63b: {  	v10 =	vor.u32 v30, v14;
	v3 =	vor.u32 v36, v45;
	v2 =	vld.idx.msk [tilespmem:v5+s4+$0x0], $0xffff;
	_ =	sdelay $0x1  }
0x63c: {  	v11 =	vor.u32 v30, v13;
	[tilespmem:v7+s19+$0x0] =	vst.idx.msk $0xffff, v6  }
0x63d: {  	v4 =	vor.u32 v35, v15;
	[tilespmem:v9+s19+$0x0] =	vst.idx.msk $0xffff, v8  }
0x63e: {  	v5 =	vor.u32 v30, v49;
	[tilespmem:v1+s19+$0x0] =	vst.idx.msk $0xffff, v0  }
0x63f: {  	v7 =	vor.u32 v33, v56;
	v6 =	vld.idx.msk [tilespmem:v10+s4+$0x0], $0xffff;
	[tilespmem:v3+s19+$0x0] =	vst.idx.msk $0xffff, v2  }
0x640: {  	v41 =	vld [tilespmem:$0x1FC10]  }
0x641: {  	v8 =	vld.idx.msk [tilespmem:v11+s4+$0x0], $0xffff  }
0x642: {  	v0 =	vld.idx.msk [tilespmem:v4+s4+$0x0], $0xffff  }
0x643: {  	v9 =	vor.u32 v33, v58;
	v2 =	vld.idx.msk [tilespmem:v5+s4+$0x0], $0xffff;
	[tilespmem:$0x1FBD0] =	vst v45  }
0x644: {  	v3 =	vor.u32 v33, v45;
	[tilespmem:v7+s19+$0x0] =	vst.idx.msk $0xffff, v6  }
0x645: {  	v10 =	vor.u32 v35, v14;
	v42 =	vld [tilespmem:$0x1FE80];
	v1 =	vor.u32 v41, v40;
	_ =	sdelay $0x1  }
0x646: {  	v11 =	vor.u32 v35, v13  }
0x647: {  	v5 =	vor.u32 v35, v49;
	v32 =	vld [tilespmem:$0x1FC20];
	[tilespmem:v9+s19+$0x0] =	vst.idx.msk $0xffff, v8  }
0x648: {  	[tilespmem:v3+s19+$0x0] =	vst.idx.msk $0xffff, v2  }
0x649: {  	v6 =	vld.idx.msk [tilespmem:v10+s4+$0x0], $0xffff;
	v7 =	vor.u32 v41, v56;
	v4 =	vor.u32 v42, v15;
	[tilespmem:v1+s19+$0x0] =	vst.idx.msk $0xffff, v0  }
0x64a: {  	v29 =	vmov v57;
	v57 =	vmov v15;
	v15 =	vld [tilespmem:$0x1FE90]  }
0x64b: {  	v8 =	vld.idx.msk [tilespmem:v11+s4+$0x0], $0xffff  }
0x64c: {  	v2 =	vld.idx.msk [tilespmem:v5+s4+$0x0], $0xffff  }
0x64d: {  	v30 =	vmov v31;
	v9 =	vor.u32 v41, v58;
	v31 =	vld [tilespmem:$0x1FC30]  }
0x64e: {  	v3 =	vor.u32 v41, v45;
	[tilespmem:v7+s19+$0x0] =	vst.idx.msk $0xffff, v6;
	v0 =	vld.idx.msk [tilespmem:v4+s4+$0x0], $0xffff  }
0x64f: {  	v47 =	vmovc v54;
	v54 =	vmovc v62;
	v62 =	vmov v12;
	v10 =	vor.u32 v42, v14;
	v12 =	vld [tilespmem:$0x1FEA0];
	v1 =	vor.u32 v15, v18;
	_ =	sdelay $0x1  }
0x650: {  	v11 =	vor.u32 v42, v13  }
0x651: {  	[tilespmem:v9+s19+$0x0] =	vst.idx.msk $0xffff, v8  }
0x652: {  	v5 =	vor.u32 v42, v49;
	[tilespmem:v3+s19+$0x0] =	vst.idx.msk $0xffff, v2  }
0x653: {  	v6 =	vld.idx.msk [tilespmem:v10+s4+$0x0], $0xffff;
	v4 =	vor.u32 v12, v57;
	[tilespmem:v1+s19+$0x0] =	vst.idx.msk $0xffff, v0  }
0x654: {  	v7 =	vor.u32 v15, v17;
	v46 =	vld [tilespmem:$0x1FEB0]  }
0x655: {  	v8 =	vld.idx.msk [tilespmem:v11+s4+$0x0], $0xffff;
	v9 =	vor.u32 v15, v16;
	v10 =	vor.u32 v12, v14  }
0x656: {  	v11 =	vor.u32 v12, v13  }
0x657: {  	v2 =	vld.idx.msk [tilespmem:v5+s4+$0x0], $0xffff  }
0x658: {  	v3 =	vor.u32 v15, v48;
	v0 =	vld.idx.msk [tilespmem:v4+s4+$0x0], $0xffff  }
0x659: {  	v59 =	vld [tilespmem:$0x1FC40];
	[tilespmem:v7+s19+$0x0] =	vst.idx.msk $0xffff, v6;
	v1 =	vor.u32 v46, v18  }
0x65a: {  	v5 =	vor.u32 v12, v49;
	[tilespmem:v9+s19+$0x0] =	vst.idx.msk $0xffff, v8;
	v6 =	vld.idx.msk [tilespmem:v10+s4+$0x0], $0xffff;
	v7 =	vor.u32 v46, v17  }
0x65b: {  	v4 =	vor.u32 v25, v57;
	v8 =	vld.idx.msk [tilespmem:v11+s4+$0x0], $0xffff;
	v9 =	vor.u32 v46, v16;
	_ =	sdelay $0x1  }
0x65c: {  	[tilespmem:v3+s19+$0x0] =	vst.idx.msk $0xffff, v2  }
0x65d: {  	[tilespmem:v1+s19+$0x0] =	vst.idx.msk $0xffff, v0  }
0x65e: {  	v10 =	vor.u32 v25, v14;
	v20 =	vld.idx.msk [tilespmem:v5+s4+$0x0], $0xffff;
	[tilespmem:v7+s19+$0x0] =	vst.idx.msk $0xffff, v6  }
0x65f: {  	v11 =	vor.u32 v25, v13;
	[tilespmem:v9+s19+$0x0] =	vst.idx.msk $0xffff, v8;
	v3 =	vld.idx.msk [tilespmem:v4+s4+$0x0], $0xffff;
	v4 =	vor.u32 v32, v18  }
0x660: {  	v55 =	vmovc v63;
	v63 =	vmov v21;
	v21 =	vor.u32 v46, v48;
	v6 =	vor.u32 v31, v57;
	v46 =	vld [tilespmem:$0x1FFE0];
	_ =	sdelay $0x2  }
0x661: {  	v8 =	vor.u32 v32, v17;
	v7 =	vld.idx.msk [tilespmem:v10+s4+$0x0], $0xffff  }
0x662: {  	v22 =	vor.u32 v32, v16;
	v23 =	vld.idx.msk [tilespmem:v11+s4+$0x0], $0xffff;
	[tilespmem:v4+s19+$0x0] =	vst.idx.msk $0xffff, v3  }
0x663: {  	v33 =	vmov v25;
	[tilespmem:v21+s19+$0x0] =	vst.idx.msk $0xffff, v20;
	v25 =	vor.u32 v46, v18;
	v20 =	vld.idx.msk [tilespmem:v6+s4+$0x0], $0xffff;
	_ =	sdelay $0x1  }
0x664: {  	v44 =	vmovc v34;
	s28 =	simm.s32 $0x4;
	v34 =	vmov v49;
	v27 =	vor.u32 v29, v57;
	v24 =	vor.u32 v31, v14  }
0x665: {  	s31 =	simm.s32 $0x6;
	v40 =	vmovc v61;
	v12 =	vmov v19;
	v19 =	vor.u32 v31, v13;
	v0 =	vadd.s32 s28, v37;
	[tilespmem:v8+s19+$0x0] =	vst.idx.msk $0xffff, v7  }
0x666: {  	s29 =	simm.s32 $0x5;
	v61 =	vmovc v26;
	v26 =	vor.u32 v33, v34;
	v5 =	vadd.s32 s31, v37;
	v9 =	vand.u32 $0xF, v0;
	[tilespmem:v22+s19+$0x0] =	vst.idx.msk $0xffff, v23  }
0x667: {  	v2 =	vadd.s32 s29, v37;
	v11 =	vand.u32 $0xF, v5;
	v3 =	vshll.u32 v9, $0x7;
	[tilespmem:v25+s19+$0x0] =	vst.idx.msk $0xffff, v20  }
0x668: {  	v52 =	vmovc v53;
	v49 =	vmovc v50;
	v10 =	vand.u32 $0xF, v2;
	v7 =	vshll.u32 v11, $0x7;
	v21 =	vor.u32 v37, v3;
	v50 =	vld [tilespmem:$0x1FCA0]  }
0x669: {  	v53 =	vmovc v47;
	v6 =	vshll.u32 v10, $0x7;
	v22 =	vld.idx.msk [tilespmem:v24+s4+$0x0], $0xffff;
	v23 =	vor.u32 v37, v7;
	v24 =	vor.u32 v46, v17  }
0x66a: {  	s30 =	simm.s32 $0x7;
	v47 =	vmovc v43;
	v43 =	vmov v29;
	v29 =	vor.u32 v46, v16;
	v19 =	vld.idx.msk [tilespmem:v19+s4+$0x0], $0xffff;
	v28 =	vor.u32 v37, v6  }
0x66b: {  	v15 =	vmovc v51;
	v51 =	vmov v31;
	v1 =	vadd.s32 s30, v37;
	v31 =	vor.u32 v32, v48;
	v26 =	vld.idx.msk [tilespmem:v26+s4+$0x0], $0xffff  }
0x66c: {  	v45 =	vmovc v30;
	v30 =	vor.u32 v43, v14;
	v8 =	vand.u32 $0xF, v1;
	v25 =	vld.idx.msk [tilespmem:v27+s4+$0x0], $0xffff;
	v27 =	vor.u32 v62, v18  }
0x66d: {  	v60 =	vor.u32 v43, v13;
	v4 =	vshll.u32 v8, $0x7;
	v21 =	vld.idx.msk [tilespmem:v21+s4+$0x0], $0xffff;
	v20 =	vor.u32 v50, v9  }
0x66e: {  	v32 =	vor.u32 v37, v4;
	v23 =	vld.idx.msk [tilespmem:v23+s4+$0x0], $0xffff;
	[tilespmem:v24+s19+$0x0] =	vst.idx.msk $0xffff, v22;
	v24 =	vor.u32 v50, v11  }
0x66f: {  	[tilespmem:v29+s19+$0x0] =	vst.idx.msk $0xffff, v19;
	v28 =	vld.idx.msk [tilespmem:v28+s4+$0x0], $0xffff;
	v19 =	vor.u32 v50, v10  }
0x670: {  	[tilespmem:v31+s19+$0x0] =	vst.idx.msk $0xffff, v26  }
0x671: {  	v31 =	vor.u32 v62, v17;
	v30 =	vld.idx.msk [tilespmem:v30+s4+$0x0], $0xffff;
	[tilespmem:v27+s19+$0x0] =	vst.idx.msk $0xffff, v25  }
0x672: {  	v33 =	vld.idx.msk [tilespmem:v60+s4+$0x0], $0xffff;
	[tilespmem:v20+s19+$0x0] =	vst.idx.msk $0xffff, v21  }
0x673: {  	v22 =	vor.u32 v44, v3;
	v21 =	vld.idx.msk [tilespmem:v32+s4+$0x0], $0xffff;
	v32 =	vor.u32 v50, v8;
	[tilespmem:v24+s19+$0x0] =	vst.idx.msk $0xffff, v23  }
0x674: {  	v50 =	vld [tilespmem:$0x1FCC0];
	[tilespmem:v19+s19+$0x0] =	vst.idx.msk $0xffff, v28  }
0x675: {  	v29 =	vor.u32 v59, v57;
	v41 =	vld [tilespmem:$0x1FC70]  }
0x676: {  	v26 =	vor.u32 v44, v7;
	v27 =	vor.u32 v62, v16;
	v62 =	vld [tilespmem:$0x1FC50];
	[tilespmem:v31+s19+$0x0] =	vst.idx.msk $0xffff, v30  }
0x677: {  	v20 =	vor.u32 v44, v6;
	v42 =	vld [tilespmem:$0x1FCD0]  }
0x678: {  	v22 =	vld.idx.msk [tilespmem:v22+s4+$0x0], $0xffff;
	[tilespmem:v32+s19+$0x0] =	vst.idx.msk $0xffff, v21  }
0x679: {  	v25 =	vor.u32 v59, v14;
	v23 =	vor.u32 v44, v4;
	v44 =	vld [tilespmem:$0x1FC60]  }
0x67a: {  	v28 =	vld.idx.msk [tilespmem:v29+s4+$0x0], $0xffff;
	v24 =	vor.u32 v50, v9  }
0x67b: {  	v29 =	vor.u32 v59, v13;
	v26 =	vld.idx.msk [tilespmem:v26+s4+$0x0], $0xffff;
	v19 =	vor.u32 v62, v18  }
0x67c: {  	v20 =	vld.idx.msk [tilespmem:v20+s4+$0x0], $0xffff;
	v31 =	vor.u32 v50, v11;
	v30 =	vor.u32 v42, v3  }
0x67d: {  	v21 =	vor.u32 v50, v10;
	v60 =	vld [tilespmem:$0x1FFB0];
	[tilespmem:v27+s19+$0x0] =	vst.idx.msk $0xffff, v33;
	v27 =	vor.u32 v42, v7  }
0x67e: {  	v25 =	vld.idx.msk [tilespmem:v25+s4+$0x0], $0xffff;
	v33 =	vor.u32 v62, v17;
	v32 =	vor.u32 v44, v57  }
0x67f: {  	v23 =	vld.idx.msk [tilespmem:v23+s4+$0x0], $0xffff;
	[tilespmem:v24+s19+$0x0] =	vst.idx.msk $0xffff, v22;
	v22 =	vor.u32 v42, v6;
	v24 =	vor.u32 v50, v8  }
0x680: {  	v29 =	vld.idx.msk [tilespmem:v29+s4+$0x0], $0xffff;
	[tilespmem:v19+s19+$0x0] =	vst.idx.msk $0xffff, v28;
	v28 =	vor.u32 v62, v16  }
0x681: {  	[tilespmem:v31+s19+$0x0] =	vst.idx.msk $0xffff, v26;
	v31 =	vor.u32 v12, v9;
	v19 =	vor.u32 v44, v14;
	v30 =	vld.idx.msk [tilespmem:v30+s4+$0x0], $0xffff  }
0x682: {  	v26 =	vor.u32 v42, v4;
	[tilespmem:v21+s19+$0x0] =	vst.idx.msk $0xffff, v20;
	v50 =	vor.u32 v12, v11;
	v27 =	vld.idx.msk [tilespmem:v27+s4+$0x0], $0xffff  }
0x683: {  	v20 =	vor.u32 v41, v18;
	v42 =	vor.u32 v44, v13;
	[tilespmem:v33+s19+$0x0] =	vst.idx.msk $0xffff, v25;
	v21 =	vld.idx.msk [tilespmem:v32+s4+$0x0], $0xffff  }
0x684: {  	v25 =	vor.u32 v49, v3;
	[tilespmem:v24+s19+$0x0] =	vst.idx.msk $0xffff, v23;
	v23 =	vor.u32 v12, v10;
	v22 =	vld.idx.msk [tilespmem:v22+s4+$0x0], $0xffff  }
0x685: {  	[tilespmem:v28+s19+$0x0] =	vst.idx.msk $0xffff, v29  }
0x686: {  	v24 =	vor.u32 v60, v57;
	v19 =	vld.idx.msk [tilespmem:v19+s4+$0x0], $0xffff;
	[tilespmem:v31+s19+$0x0] =	vst.idx.msk $0xffff, v30  }
0x687: {  	v26 =	vld.idx.msk [tilespmem:v26+s4+$0x0], $0xffff;
	[tilespmem:v50+s19+$0x0] =	vst.idx.msk $0xffff, v27  }
0x688: {  	v28 =	vor.u32 v49, v7;
	v32 =	vld.idx.msk [tilespmem:v42+s4+$0x0], $0xffff;
	[tilespmem:v20+s19+$0x0] =	vst.idx.msk $0xffff, v21  }
0x689: {  	v29 =	vor.u32 v41, v17;
	v30 =	vor.u32 v49, v6;
	v25 =	vld.idx.msk [tilespmem:v25+s4+$0x0], $0xffff;
	[tilespmem:v23+s19+$0x0] =	vst.idx.msk $0xffff, v22  }
0x68a: {  	v31 =	vor.u32 v12, v8;
	v27 =	vor.u32 v49, v4;
	v49 =	vld [tilespmem:$0x1FC80]  }
0x68b: {  	v42 =	vor.u32 v15, v9;
	v22 =	vld.idx.msk [tilespmem:v24+s4+$0x0], $0xffff  }
0x68c: {  	v21 =	vor.u32 v41, v16;
	v12 =	vld [tilespmem:$0x1FC90]  }
0x68d: {  	v24 =	vld.idx.msk [tilespmem:v28+s4+$0x0], $0xffff;
	v28 =	vor.u32 v15, v11  }
0x68e: {  	v20 =	vor.u32 v60, v14;
	[tilespmem:v29+s19+$0x0] =	vst.idx.msk $0xffff, v19;
	v29 =	vld.idx.msk [tilespmem:v30+s4+$0x0], $0xffff;
	v30 =	vor.u32 v15, v10  }
0x68f: {  	v19 =	vor.u32 v40, v3;
	[tilespmem:v31+s19+$0x0] =	vst.idx.msk $0xffff, v26;
	v18 =	vor.u32 v49, v18  }
0x690: {  	[tilespmem:v42+s19+$0x0] =	vst.idx.msk $0xffff, v25  }
0x691: {  	v27 =	vld.idx.msk [tilespmem:v27+s4+$0x0], $0xffff;
	[tilespmem:v21+s19+$0x0] =	vst.idx.msk $0xffff, v32  }
0x692: {  	v25 =	vor.u32 v40, v6;
	v32 =	vld [tilespmem:$0x1FE60];
	[tilespmem:v28+s19+$0x0] =	vst.idx.msk $0xffff, v24  }
0x693: {  	v23 =	vor.u32 v60, v13;
	v20 =	vld.idx.msk [tilespmem:v20+s4+$0x0], $0xffff;
	[tilespmem:v30+s19+$0x0] =	vst.idx.msk $0xffff, v29  }
0x694: {  	v19 =	vld.idx.msk [tilespmem:v19+s4+$0x0], $0xffff;
	[tilespmem:v18+s19+$0x0] =	vst.idx.msk $0xffff, v22  }
0x695: {  	v21 =	vor.u32 v40, v7;
	v17 =	vor.u32 v49, v17;
	v50 =	vld [tilespmem:$0x1FEC0]  }
0x696: {  	v31 =	vor.u32 v15, v8;
	v26 =	vor.u32 v12, v57;
	v15 =	vld [tilespmem:$0x1FBE0]  }
0x697: {  	v24 =	vor.u32 v52, v9;
	v25 =	vld.idx.msk [tilespmem:v25+s4+$0x0], $0xffff  }
0x698: {  	v30 =	vor.u32 v52, v10;
	v18 =	vld.idx.msk [tilespmem:v23+s4+$0x0], $0xffff  }
0x699: {  	v16 =	vor.u32 v49, v16;
	v33 =	vld [tilespmem:$0x1FED0]  }
0x69a: {  	[tilespmem:v17+s19+$0x0] =	vst.idx.msk $0xffff, v20;
	v20 =	vld.idx.msk [tilespmem:v21+s4+$0x0], $0xffff;
	v21 =	vor.u32 v52, v11  }
0x69b: {  	v22 =	vor.u32 v12, v14;
	v26 =	vld.idx.msk [tilespmem:v26+s4+$0x0], $0xffff;
	[tilespmem:v31+s19+$0x0] =	vst.idx.msk $0xffff, v27;
	v29 =	vor.u32 v50, v15  }
0x69c: {  	[tilespmem:v24+s19+$0x0] =	vst.idx.msk $0xffff, v19  }
0x69d: {  	v23 =	vor.u32 v40, v4;
	[tilespmem:v30+s19+$0x0] =	vst.idx.msk $0xffff, v25  }
0x69e: {  	v28 =	vor.u32 v12, v13;
	[tilespmem:v16+s19+$0x0] =	vst.idx.msk $0xffff, v18  }
0x69f: {  	v17 =	vor.u32 v53, v3;
	[tilespmem:v21+s19+$0x0] =	vst.idx.msk $0xffff, v20  }
0x6a0: {  	v19 =	vor.u32 v53, v6;
	v18 =	vld.idx.msk [tilespmem:v22+s4+$0x0], $0xffff;
	[tilespmem:v29+s19+$0x0] =	vst.idx.msk $0xffff, v26  }
0x6a1: {  	v27 =	vor.u32 v33, v57;
	v22 =	vor.u32 v50, v56;
	v31 =	vld [tilespmem:$0x1FEE0]  }
0x6a2: {  	v16 =	vor.u32 v53, v7;
	v23 =	vld.idx.msk [tilespmem:v23+s4+$0x0], $0xffff  }
0x6a3: {  	v24 =	vor.u32 v52, v8;
	v25 =	vor.u32 v51, v34;
	v28 =	vld.idx.msk [tilespmem:v28+s4+$0x0], $0xffff  }
0x6a4: {  	v17 =	vld.idx.msk [tilespmem:v17+s4+$0x0], $0xffff;
	v26 =	vor.u32 v33, v14;
	v29 =	vor.u32 v50, v58  }
0x6a5: {  	v20 =	vor.u32 v53, v4;
	v21 =	vor.u32 v54, v9;
	v19 =	vld.idx.msk [tilespmem:v19+s4+$0x0], $0xffff  }
0x6a6: {  	v27 =	vld.idx.msk [tilespmem:v27+s4+$0x0], $0xffff;
	[tilespmem:v22+s19+$0x0] =	vst.idx.msk $0xffff, v18;
	v18 =	vor.u32 v55, v3;
	v30 =	vor.u32 v31, v15  }
0x6a7: {  	v16 =	vld.idx.msk [tilespmem:v16+s4+$0x0], $0xffff;
	v22 =	vor.u32 v54, v11  }
0x6a8: {  	v25 =	vld.idx.msk [tilespmem:v25+s4+$0x0], $0xffff;
	[tilespmem:v24+s19+$0x0] =	vst.idx.msk $0xffff, v23;
	v23 =	vor.u32 v33, v13;
	v24 =	vor.u32 v54, v10  }
0x6a9: {  	[tilespmem:v29+s19+$0x0] =	vst.idx.msk $0xffff, v28;
	v26 =	vld.idx.msk [tilespmem:v26+s4+$0x0], $0xffff;
	v29 =	vor.u32 v31, v56  }
0x6aa: {  	[tilespmem:v21+s19+$0x0] =	vst.idx.msk $0xffff, v17;
	v21 =	vor.u32 v54, v8;
	v20 =	vld.idx.msk [tilespmem:v20+s4+$0x0], $0xffff;
	v28 =	vor.u32 v55, v7  }
0x6ab: {  	v18 =	vld.idx.msk [tilespmem:v18+s4+$0x0], $0xffff;
	[tilespmem:v30+s19+$0x0] =	vst.idx.msk $0xffff, v27;
	v30 =	vor.u32 v46, v48  }
0x6ac: {  	v51 =	vld [tilespmem:$0x1FEF0];
	[tilespmem:v22+s19+$0x0] =	vst.idx.msk $0xffff, v16;
	v22 =	vor.u32 v45, v9  }
0x6ad: {  	v17 =	vor.u32 v55, v6;
	v23 =	vld.idx.msk [tilespmem:v23+s4+$0x0], $0xffff;
	[tilespmem:v24+s19+$0x0] =	vst.idx.msk $0xffff, v19;
	v24 =	vor.u32 v31, v58  }
0x6ae: {  	[tilespmem:v29+s19+$0x0] =	vst.idx.msk $0xffff, v26  }
0x6af: {  	v29 =	vor.u32 v45, v11;
	[tilespmem:v21+s19+$0x0] =	vst.idx.msk $0xffff, v20;
	v28 =	vld.idx.msk [tilespmem:v28+s4+$0x0], $0xffff  }
0x6b0: {  	[tilespmem:v30+s19+$0x0] =	vst.idx.msk $0xffff, v25  }
0x6b1: {  	v27 =	vor.u32 v51, v14;
	v46 =	vld [tilespmem:$0x1FF00];
	[tilespmem:v22+s19+$0x0] =	vst.idx.msk $0xffff, v18  }
0x6b2: {  	v16 =	vor.u32 v55, v4;
	v17 =	vld.idx.msk [tilespmem:v17+s4+$0x0], $0xffff;
	[tilespmem:v24+s19+$0x0] =	vst.idx.msk $0xffff, v23  }
0x6b3: {  	v19 =	vor.u32 v43, v34;
	v15 =	vld [tilespmem:$0x1FFD0]  }
0x6b4: {  	v26 =	vor.u32 v47, v3;
	v52 =	vld [tilespmem:$0x1FF10];
	[tilespmem:v29+s19+$0x0] =	vst.idx.msk $0xffff, v28  }
0x6b5: {  	v21 =	vor.u32 v45, v10;
	v25 =	vor.u32 v47, v7;
	v55 =	vld [tilespmem:$0x1FD80]  }
0x6b6: {  	v20 =	vor.u32 v51, v13;
	v27 =	vld.idx.msk [tilespmem:v27+s4+$0x0], $0xffff;
	v30 =	vor.u32 v46, v56  }
0x6b7: {  	v16 =	vld.idx.msk [tilespmem:v16+s4+$0x0], $0xffff;
	v22 =	vor.u32 v45, v8  }
0x6b8: {  	v19 =	vld.idx.msk [tilespmem:v19+s4+$0x0], $0xffff;
	v24 =	vor.u32 v15, v48  }
0x6b9: {  	v26 =	vld.idx.msk [tilespmem:v26+s4+$0x0], $0xffff  }
0x6ba: {  	[tilespmem:v21+s19+$0x0] =	vst.idx.msk $0xffff, v17;
	v25 =	vld.idx.msk [tilespmem:v25+s4+$0x0], $0xffff;
	v29 =	vor.u32 v55, v9  }
0x6bb: {  	v18 =	vor.u32 v47, v6;
	v20 =	vld.idx.msk [tilespmem:v20+s4+$0x0], $0xffff;
	v21 =	vor.u32 v46, v58;
	[tilespmem:v30+s19+$0x0] =	vst.idx.msk $0xffff, v27  }
0x6bc: {  	v30 =	vor.u32 v55, v11;
	v15 =	vld [tilespmem:$0x1FD90];
	[tilespmem:v22+s19+$0x0] =	vst.idx.msk $0xffff, v16  }
0x6bd: {  	[tilespmem:v24+s19+$0x0] =	vst.idx.msk $0xffff, v19  }
0x6be: {  	v23 =	vor.u32 v52, v14;
	v45 =	vld [tilespmem:$0x1FF20]  }
0x6bf: {  	v28 =	vor.u32 v47, v4;
	[tilespmem:v29+s19+$0x0] =	vst.idx.msk $0xffff, v26  }
0x6c0: {  	v17 =	vor.u32 v59, v34;
	v18 =	vld.idx.msk [tilespmem:v18+s4+$0x0], $0xffff;
	v16 =	vor.u32 v52, v13;
	[tilespmem:v21+s19+$0x0] =	vst.idx.msk $0xffff, v20  }
0x6c1: {  	v22 =	vor.u32 v55, v10;
	v47 =	vld [tilespmem:$0x1FF30];
	[tilespmem:v30+s19+$0x0] =	vst.idx.msk $0xffff, v25;
	v27 =	vor.u32 v15, v3  }
0x6c2: {  	v19 =	vor.u32 v15, v7;
	v26 =	vor.u32 v15, v6;
	v25 =	vor.u32 v15, v4;
	v15 =	vld [tilespmem:$0x1FDA0]  }
0x6c3: {  	v23 =	vld.idx.msk [tilespmem:v23+s4+$0x0], $0xffff;
	v24 =	vor.u32 v45, v56  }
0x6c4: {  	v28 =	vld.idx.msk [tilespmem:v28+s4+$0x0], $0xffff;
	v29 =	vor.u32 v55, v8  }
0x6c5: {  	v17 =	vld.idx.msk [tilespmem:v17+s4+$0x0], $0xffff;
	v21 =	vor.u32 v62, v48  }
0x6c6: {  	v16 =	vld.idx.msk [tilespmem:v16+s4+$0x0], $0xffff;
	[tilespmem:v22+s19+$0x0] =	vst.idx.msk $0xffff, v18;
	v22 =	vor.u32 v45, v58  }
0x6c7: {  	v27 =	vld.idx.msk [tilespmem:v27+s4+$0x0], $0xffff;
	v30 =	vor.u32 v15, v0  }
0x6c8: {  	v19 =	vld.idx.msk [tilespmem:v19+s4+$0x0], $0xffff;
	[tilespmem:v24+s19+$0x0] =	vst.idx.msk $0xffff, v23;
	v24 =	vor.u32 v15, v5  }
0x6c9: {  	[tilespmem:v29+s19+$0x0] =	vst.idx.msk $0xffff, v28  }
0x6ca: {  	v18 =	vor.u32 v44, v34;
	[tilespmem:v21+s19+$0x0] =	vst.idx.msk $0xffff, v17  }
0x6cb: {  	v53 =	vld [tilespmem:$0x1FF40];
	[tilespmem:v22+s19+$0x0] =	vst.idx.msk $0xffff, v16  }
0x6cc: {  	v20 =	vor.u32 v47, v14;
	v26 =	vld.idx.msk [tilespmem:v26+s4+$0x0], $0xffff;
	[tilespmem:v30+s19+$0x0] =	vst.idx.msk $0xffff, v27  }
0x6cd: {  	v28 =	vor.u32 v47, v13;
	v29 =	vor.u32 v15, v2;
	v54 =	vld [tilespmem:$0x1FF50];
	[tilespmem:v24+s19+$0x0] =	vst.idx.msk $0xffff, v19  }
0x6ce: {  	v23 =	vor.u32 v61, v3;
	v30 =	vor.u32 v15, v1;
	v15 =	vld [tilespmem:$0x1FDC0]  }
0x6cf: {  	v18 =	vld.idx.msk [tilespmem:v18+s4+$0x0], $0xffff;
	v22 =	vor.u32 v41, v48  }
0x6d0: {  	v25 =	vld.idx.msk [tilespmem:v25+s4+$0x0], $0xffff  }
0x6d1: {  	v17 =	vor.u32 v61, v7;
	v20 =	vld.idx.msk [tilespmem:v20+s4+$0x0], $0xffff;
	v21 =	vor.u32 v53, v56  }
0x6d2: {  	v28 =	vld.idx.msk [tilespmem:v28+s4+$0x0], $0xffff;
	[tilespmem:v29+s19+$0x0] =	vst.idx.msk $0xffff, v26;
	v29 =	vor.u32 v53, v58  }
0x6d3: {  	v27 =	vor.u32 v61, v6;
	v23 =	vld.idx.msk [tilespmem:v23+s4+$0x0], $0xffff;
	v24 =	vor.u32 v15, v0  }
0x6d4: {  	[tilespmem:v22+s19+$0x0] =	vst.idx.msk $0xffff, v18  }
0x6d5: {  	[tilespmem:v30+s19+$0x0] =	vst.idx.msk $0xffff, v25  }
0x6d6: {  	v17 =	vld.idx.msk [tilespmem:v17+s4+$0x0], $0xffff;
	[tilespmem:v21+s19+$0x0] =	vst.idx.msk $0xffff, v20;
	v21 =	vor.u32 v15, v5  }
0x6d7: {  	v40 =	vld [tilespmem:$0x1FF60];
	[tilespmem:v29+s19+$0x0] =	vst.idx.msk $0xffff, v28  }
0x6d8: {  	v19 =	vor.u32 v61, v4;
	v27 =	vld.idx.msk [tilespmem:v27+s4+$0x0], $0xffff;
	[tilespmem:v24+s19+$0x0] =	vst.idx.msk $0xffff, v23  }
0x6d9: {  	v26 =	vor.u32 v60, v34;
	v55 =	vld [tilespmem:$0x1FE30]  }
0x6da: {  	v16 =	vor.u32 v54, v14;
	v42 =	vld [tilespmem:$0x1FE50]  }
0x6db: {  	v25 =	vor.u32 v54, v13;
	v59 =	vld [tilespmem:$0x1FF70];
	[tilespmem:v21+s19+$0x0] =	vst.idx.msk $0xffff, v17  }
0x6dc: {  	v20 =	vor.u32 v63, v3;
	v30 =	vor.u32 v15, v2;
	v60 =	vld [tilespmem:$0x1FDE0]  }
0x6dd: {  	v19 =	vld.idx.msk [tilespmem:v19+s4+$0x0], $0xffff;
	v24 =	vor.u32 v15, v1  }
0x6de: {  	v26 =	vld.idx.msk [tilespmem:v26+s4+$0x0], $0xffff;
	v15 =	vor.u32 v49, v48  }
0x6df: {  	v18 =	vor.u32 v63, v7;
	v16 =	vld.idx.msk [tilespmem:v16+s4+$0x0], $0xffff;
	v22 =	vor.u32 v40, v56  }
0x6e0: {  	v25 =	vld.idx.msk [tilespmem:v25+s4+$0x0], $0xffff;
	v29 =	vor.u32 v40, v58  }
0x6e1: {  	v23 =	vor.u32 v63, v6;
	v20 =	vld.idx.msk [tilespmem:v20+s4+$0x0], $0xffff;
	[tilespmem:v30+s19+$0x0] =	vst.idx.msk $0xffff, v27;
	v21 =	vor.u32 v60, v0  }
0x6e2: {  	[tilespmem:v24+s19+$0x0] =	vst.idx.msk $0xffff, v19  }
0x6e3: {  	[tilespmem:v15+s19+$0x0] =	vst.idx.msk $0xffff, v26;
	v28 =	vor.u32 v59, v14  }
0x6e4: {  	v18 =	vld.idx.msk [tilespmem:v18+s4+$0x0], $0xffff;
	[tilespmem:v22+s19+$0x0] =	vst.idx.msk $0xffff, v16;
	v22 =	vor.u32 v60, v5  }
0x6e5: {  	v30 =	vld [tilespmem:$0x1FF80];
	[tilespmem:v29+s19+$0x0] =	vst.idx.msk $0xffff, v25  }
0x6e6: {  	v17 =	vor.u32 v63, v4;
	v23 =	vld.idx.msk [tilespmem:v23+s4+$0x0], $0xffff;
	[tilespmem:v21+s19+$0x0] =	vst.idx.msk $0xffff, v20  }
0x6e7: {  	v27 =	vor.u32 v12, v34;
	v61 =	vld [tilespmem:$0x1FBD0]  }
0x6e8: {  	v26 =	vld.idx.msk [tilespmem:v28+s4+$0x0], $0xffff  }
0x6e9: {  	v24 =	vor.u32 v60, v2;
	v12 =	vld [tilespmem:$0x1FF90];
	[tilespmem:v22+s19+$0x0] =	vst.idx.msk $0xffff, v18  }
0x6ea: {  	v16 =	vor.u32 v39, v3;
	v28 =	vor.u32 v30, v56;
	v29 =	vld [tilespmem:$0x1FE00]  }
0x6eb: {  	v19 =	vor.u32 v59, v13;
	v17 =	vld.idx.msk [tilespmem:v17+s4+$0x0], $0xffff;
	v21 =	vor.u32 v60, v1  }
0x6ec: {  	v15 =	vor.u32 v39, v7;
	v25 =	vld.idx.msk [tilespmem:v27+s4+$0x0], $0xffff;
	v27 =	vor.u32 v50, v61;
	_ =	sdelay $0x1  }
0x6ed: {  	v20 =	vor.u32 v39, v6;
	[tilespmem:v24+s19+$0x0] =	vst.idx.msk $0xffff, v23  }
0x6ee: {  	v16 =	vld.idx.msk [tilespmem:v16+s4+$0x0], $0xffff;
	v18 =	vor.u32 v39, v4;
	[tilespmem:v28+s19+$0x0] =	vst.idx.msk $0xffff, v26;
	v22 =	vor.u32 v29, v0  }
0x6ef: {  	v19 =	vld.idx.msk [tilespmem:v19+s4+$0x0], $0xffff;
	v24 =	vor.u32 v30, v58;
	[tilespmem:v21+s19+$0x0] =	vst.idx.msk $0xffff, v17;
	v14 =	vor.u32 v12, v14  }
0x6f0: {  	v23 =	vor.u32 v33, v34;
	v15 =	vld.idx.msk [tilespmem:v15+s4+$0x0], $0xffff;
	v28 =	vor.u32 v29, v5;
	[tilespmem:v27+s19+$0x0] =	vst.idx.msk $0xffff, v25  }
0x6f1: {  	v27 =	vld [tilespmem:$0x1FFA0]  }
0x6f2: {  	v17 =	vld.idx.msk [tilespmem:v20+s4+$0x0], $0xffff  }
0x6f3: {  	v18 =	vld.idx.msk [tilespmem:v18+s4+$0x0], $0xffff;
	v20 =	vor.u32 v29, v2;
	[tilespmem:v22+s19+$0x0] =	vst.idx.msk $0xffff, v16  }
0x6f4: {  	v14 =	vld.idx.msk [tilespmem:v14+s4+$0x0], $0xffff;
	v22 =	vor.u32 v29, v1;
	[tilespmem:v24+s19+$0x0] =	vst.idx.msk $0xffff, v19  }
0x6f5: {  	v62 =	vmov v30;
	v23 =	vld.idx.msk [tilespmem:v23+s4+$0x0], $0xffff;
	v24 =	vor.u32 v31, v61;
	[tilespmem:v28+s19+$0x0] =	vst.idx.msk $0xffff, v15  }
0x6f6: {  	v26 =	vor.u32 v38, v3;
	v13 =	vor.u32 v12, v13;
	v63 =	vmovc v12;
	v30 =	vld [tilespmem:$0x1FE20];
	v12 =	vor.u32 v27, v56;
	_ =	sdelay $0x1  }
0x6f7: {  	[tilespmem:v20+s19+$0x0] =	vst.idx.msk $0xffff, v17  }
0x6f8: {  	v21 =	vor.u32 v38, v7;
	[tilespmem:v22+s19+$0x0] =	vst.idx.msk $0xffff, v18  }
0x6f9: {  	v16 =	vor.u32 v38, v6;
	[tilespmem:v24+s19+$0x0] =	vst.idx.msk $0xffff, v23  }
0x6fa: {  	v15 =	vor.u32 v38, v4;
	v25 =	vld.idx.msk [tilespmem:v26+s4+$0x0], $0xffff;
	v26 =	vor.u32 v30, v0;
	[tilespmem:v12+s19+$0x0] =	vst.idx.msk $0xffff, v14  }
0x6fb: {  	v19 =	vor.u32 v51, v57;
	v28 =	vld [tilespmem:$0x1FBE0]  }
0x6fc: {  	v13 =	vld.idx.msk [tilespmem:v13+s4+$0x0], $0xffff;
	v17 =	vor.u32 v51, v34;
	v20 =	vor.u32 v27, v58  }
0x6fd: {  	v12 =	vor.u32 v55, v3;
	v14 =	vld.idx.msk [tilespmem:v21+s4+$0x0], $0xffff;
	v21 =	vor.u32 v30, v5  }
0x6fe: {  	v16 =	vld.idx.msk [tilespmem:v16+s4+$0x0], $0xffff;
	v22 =	vor.u32 v55, v7;
	v18 =	vor.u32 v30, v2  }
0x6ff: {  	v15 =	vld.idx.msk [tilespmem:v15+s4+$0x0], $0xffff;
	[tilespmem:v26+s19+$0x0] =	vst.idx.msk $0xffff, v25;
	v25 =	vor.u32 v30, v1  }
0x700: {  	v19 =	vld.idx.msk [tilespmem:v19+s4+$0x0], $0xffff;
	v23 =	vor.u32 v55, v6;
	v24 =	vor.u32 v46, v28  }
0x701: {  	v17 =	vld.idx.msk [tilespmem:v17+s4+$0x0], $0xffff;
	[tilespmem:v20+s19+$0x0] =	vst.idx.msk $0xffff, v13;
	v13 =	vor.u32 v55, v4;
	v20 =	vor.u32 v46, v61  }
0x702: {  	v12 =	vld.idx.msk [tilespmem:v12+s4+$0x0], $0xffff;
	[tilespmem:v21+s19+$0x0] =	vst.idx.msk $0xffff, v14;
	v14 =	vor.u32 v36, v0;
	v21 =	vor.u32 v52, v34  }
0x703: {  	[tilespmem:v18+s19+$0x0] =	vst.idx.msk $0xffff, v16;
	v16 =	vor.u32 v42, v3;
	v18 =	vld.idx.msk [tilespmem:v22+s4+$0x0], $0xffff;
	v22 =	vor.u32 v36, v5  }
0x704: {  	v26 =	vor.u32 v52, v57;
	[tilespmem:v25+s19+$0x0] =	vst.idx.msk $0xffff, v15  }
0x705: {  	v23 =	vld.idx.msk [tilespmem:v23+s4+$0x0], $0xffff;
	[tilespmem:v24+s19+$0x0] =	vst.idx.msk $0xffff, v19;
	v19 =	vor.u32 v36, v2;
	v24 =	vor.u32 v42, v7  }
0x706: {  	[tilespmem:v20+s19+$0x0] =	vst.idx.msk $0xffff, v17;
	v17 =	vor.u32 v36, v1;
	v13 =	vld.idx.msk [tilespmem:v13+s4+$0x0], $0xffff  }
0x707: {  	[tilespmem:v14+s19+$0x0] =	vst.idx.msk $0xffff, v12;
	v12 =	vld.idx.msk [tilespmem:v21+s4+$0x0], $0xffff;
	v21 =	vor.u32 v45, v61  }
0x708: {  	v16 =	vld.idx.msk [tilespmem:v16+s4+$0x0], $0xffff;
	[tilespmem:v22+s19+$0x0] =	vst.idx.msk $0xffff, v18;
	v18 =	vor.u32 v32, v0  }
0x709: {  	v15 =	vld.idx.msk [tilespmem:v26+s4+$0x0], $0xffff;
	v26 =	vor.u32 v45, v28  }
0x70a: {  	[tilespmem:v19+s19+$0x0] =	vst.idx.msk $0xffff, v23;
	v23 =	vld.idx.msk [tilespmem:v24+s4+$0x0], $0xffff;
	v24 =	vor.u32 v32, v5  }
0x70b: {  	[tilespmem:v17+s19+$0x0] =	vst.idx.msk $0xffff, v13  }
0x70c: {  	v25 =	vor.u32 v42, v6;
	[tilespmem:v21+s19+$0x0] =	vst.idx.msk $0xffff, v12  }
0x70d: {  	v20 =	vor.u32 v47, v57;
	[tilespmem:v18+s19+$0x0] =	vst.idx.msk $0xffff, v16  }
0x70e: {  	v14 =	vor.u32 v42, v4;
	[tilespmem:v26+s19+$0x0] =	vst.idx.msk $0xffff, v15  }
0x70f: {  	v22 =	vor.u32 v47, v34;
	[tilespmem:v24+s19+$0x0] =	vst.idx.msk $0xffff, v23  }
0x710: {  	v19 =	vor.u32 v35, v3;
	v30 =	vld [tilespmem:$0x1FC10]  }
0x711: {  	v25 =	vld.idx.msk [tilespmem:v25+s4+$0x0], $0xffff;
	v15 =	vor.u32 v32, v2;
	v26 =	vor.u32 v35, v7  }
0x712: {  	v13 =	vld.idx.msk [tilespmem:v20+s4+$0x0], $0xffff;
	v20 =	vor.u32 v53, v28  }
0x713: {  	v14 =	vld.idx.msk [tilespmem:v14+s4+$0x0], $0xffff;
	v12 =	vor.u32 v32, v1  }
0x714: {  	v16 =	vld.idx.msk [tilespmem:v22+s4+$0x0], $0xffff;
	v22 =	vor.u32 v53, v61  }
0x715: {  	v19 =	vld.idx.msk [tilespmem:v19+s4+$0x0], $0xffff;
	v23 =	vor.u32 v30, v0  }
0x716: {  	[tilespmem:v15+s19+$0x0] =	vst.idx.msk $0xffff, v25;
	v25 =	vld.idx.msk [tilespmem:v26+s4+$0x0], $0xffff;
	v26 =	vor.u32 v30, v5  }
0x717: {  	v31 =	vld [tilespmem:$0x1FE80];
	[tilespmem:v20+s19+$0x0] =	vst.idx.msk $0xffff, v13  }
0x718: {  	v17 =	vor.u32 v35, v6;
	[tilespmem:v12+s19+$0x0] =	vst.idx.msk $0xffff, v14  }
0x719: {  	v21 =	vor.u32 v54, v57;
	[tilespmem:v22+s19+$0x0] =	vst.idx.msk $0xffff, v16  }
0x71a: {  	v18 =	vor.u32 v35, v4;
	[tilespmem:v23+s19+$0x0] =	vst.idx.msk $0xffff, v19  }
0x71b: {  	v24 =	vor.u32 v54, v34;
	[tilespmem:v26+s19+$0x0] =	vst.idx.msk $0xffff, v25  }
0x71c: {  	v13 =	vor.u32 v30, v2;
	v16 =	vor.u32 v30, v1;
	v15 =	vor.u32 v31, v3;
	v30 =	vld [tilespmem:$0x1FE90]  }
0x71d: {  	v17 =	vld.idx.msk [tilespmem:v17+s4+$0x0], $0xffff;
	v20 =	vor.u32 v31, v7  }
0x71e: {  	v12 =	vld.idx.msk [tilespmem:v21+s4+$0x0], $0xffff;
	v21 =	vor.u32 v40, v28  }
0x71f: {  	v18 =	vld.idx.msk [tilespmem:v18+s4+$0x0], $0xffff  }
0x720: {  	v19 =	vld.idx.msk [tilespmem:v24+s4+$0x0], $0xffff;
	v24 =	vor.u32 v40, v61  }
0x721: {  	v14 =	vor.u32 v31, v6;
	v15 =	vld.idx.msk [tilespmem:v15+s4+$0x0], $0xffff;
	v25 =	vor.u32 v30, v9  }
0x722: {  	v23 =	vor.u32 v31, v4;
	[tilespmem:v13+s19+$0x0] =	vst.idx.msk $0xffff, v17;
	v17 =	vld.idx.msk [tilespmem:v20+s4+$0x0], $0xffff;
	v20 =	vor.u32 v30, v11  }
0x723: {  	v31 =	vld [tilespmem:$0x1FEA0];
	[tilespmem:v21+s19+$0x0] =	vst.idx.msk $0xffff, v12  }
0x724: {  	v22 =	vor.u32 v59, v57;
	[tilespmem:v16+s19+$0x0] =	vst.idx.msk $0xffff, v18  }
0x725: {  	[tilespmem:v24+s19+$0x0] =	vst.idx.msk $0xffff, v19  }
0x726: {  	v14 =	vld.idx.msk [tilespmem:v14+s4+$0x0], $0xffff;
	[tilespmem:v25+s19+$0x0] =	vst.idx.msk $0xffff, v15  }
0x727: {  	v26 =	vor.u32 v59, v34;
	v19 =	vld.idx.msk [tilespmem:v23+s4+$0x0], $0xffff;
	[tilespmem:v20+s19+$0x0] =	vst.idx.msk $0xffff, v17  }
0x728: {  	v12 =	vor.u32 v30, v10;
	v23 =	vor.u32 v30, v8;
	v13 =	vor.u32 v31, v3;
	v30 =	vld [tilespmem:$0x1FEB0]  }
0x729: {  	v16 =	vld.idx.msk [tilespmem:v22+s4+$0x0], $0xffff;
	v22 =	vor.u32 v62, v28;
	v21 =	vor.u32 v31, v7  }
0x72a: {  	v18 =	vor.u32 v31, v6;
	_ =	sdelay $0x1  }
0x72b: {  	v24 =	vld.idx.msk [tilespmem:v26+s4+$0x0], $0xffff;
	v25 =	vor.u32 v62, v61  }
0x72c: {  	v13 =	vld.idx.msk [tilespmem:v13+s4+$0x0], $0xffff;
	[tilespmem:v12+s19+$0x0] =	vst.idx.msk $0xffff, v14;
	v20 =	vor.u32 v30, v9  }
0x72d: {  	v15 =	vor.u32 v63, v57;
	v12 =	vld.idx.msk [tilespmem:v21+s4+$0x0], $0xffff;
	[tilespmem:v22+s19+$0x0] =	vst.idx.msk $0xffff, v16;
	v14 =	vor.u32 v30, v11  }
0x72e: {  	v17 =	vor.u32 v31, v4;
	[tilespmem:v23+s19+$0x0] =	vst.idx.msk $0xffff, v19;
	v18 =	vld.idx.msk [tilespmem:v18+s4+$0x0], $0xffff;
	v21 =	vor.u32 v30, v10  }
0x72f: {  	v26 =	vld [tilespmem:$0x1FFC0]  }
0x730: {  	[tilespmem:v25+s19+$0x0] =	vst.idx.msk $0xffff, v24  }
0x731: {  	[tilespmem:v20+s19+$0x0] =	vst.idx.msk $0xffff, v13  }
0x732: {  	v16 =	vor.u32 v63, v34;
	v23 =	vld.idx.msk [tilespmem:v15+s4+$0x0], $0xffff;
	[tilespmem:v14+s19+$0x0] =	vst.idx.msk $0xffff, v12  }
0x733: {  	v25 =	vmov v27;
	v24 =	vor.u32 v27, v28;
	v27 =	vld.idx.msk [tilespmem:v17+s4+$0x0], $0xffff;
	[tilespmem:v21+s19+$0x0] =	vst.idx.msk $0xffff, v18  }
0x734: {  	v28 =	vor.u32 v30, v8;
	v19 =	vor.u32 v26, v3;
	v14 =	vld [tilespmem:$0x1FC30]  }
0x735: {  	v22 =	vor.u32 v26, v7;
	v12 =	vld [tilespmem:$0x1FC20]  }
0x736: {  	v13 =	vor.u32 v26, v6;
	_ =	sdelay $0x1  }
0x737: {  	v15 =	vld.idx.msk [tilespmem:v16+s4+$0x0], $0xffff;
	[tilespmem:v24+s19+$0x0] =	vst.idx.msk $0xffff, v23  }
0x738: {  	v16 =	vor.u32 v25, v61;
	v17 =	vld.idx.msk [tilespmem:v19+s4+$0x0], $0xffff;
	[tilespmem:v28+s19+$0x0] =	vst.idx.msk $0xffff, v27  }
0x739: {  	v20 =	vld.idx.msk [tilespmem:v22+s4+$0x0], $0xffff;
	v34 =	vor.u32 v14, v6;
	v19 =	vor.u32 v12, v9;
	v18 =	vor.u32 v14, v3  }
0x73a: {  	s26 =	simm.s32 $0x8;
	v25 =	vld.idx.msk [tilespmem:v13+s4+$0x0], $0xffff;
	v26 =	vor.u32 v12, v11;
	v27 =	vor.u32 v12, v10;
	v28 =	vor.u32 v14, v7  }
.LBB2_14:
0x73b: {  	v57 =	vld [tilespmem:$0x1FFE0]  }
0x73c: {  	v12 =	vld [tilespmem:$0x1FFC0]  }
0x73d: {  	v60 =	vld [tilespmem:$0x1FFF0]  }
0x73e: {  	v47 =	vld [tilespmem:$0x1FC30]  }
0x73f: {  	v46 =	vld [tilespmem:$0x1FC20]  }
0x740: {  	v44 =	vld [tilespmem:$0x1FCA0]  }
0x741: {  	v48 =	vld [tilespmem:$0x1FFD0]  }
0x742: {  	v63 =	vld [tilespmem:$0x1FCB0]  }
0x743: {  	s3 =	sadd.s32 $0x1, s26;
	v56 =	vld [tilespmem:$0x1FC40]  }
0x744: {  	v13 =	vadd.s32 s26, v37;
	s28 =	sadd.s32 $0x3, s26;
	s29 =	smov.u32 s26;
	v49 =	vlaneseq.u32;
	v54 =	vld [tilespmem:$0x1FC50];
	v24 =	vadd.s32 s3, v37;
	[tilespmem:v16+s19+$0x0] =	vst.idx.msk $0xffff, v15  }
0x745: {  	v55 =	vld [tilespmem:$0x1FC60];
	v23 =	vand.u32 $0xF, v13;
	s31 =	sadd.s32 $0x2, s29;
	v14 =	vadd.s32 s28, v37;
	v22 =	vand.u32 $0xF, v24;
	[tilespmem:v19+s19+$0x0] =	vst.idx.msk $0xffff, v17  }
0x746: {  	v62 =	vld [tilespmem:$0x1FC70];
	v15 =	vshll.u32 v23, $0x7;
	v19 =	vadd.s32 s31, v37;
	[tilespmem:v26+s19+$0x0] =	vst.idx.msk $0xffff, v20;
	v30 =	vor.u32 v12, v4  }
0x747: {  	v29 =	vor.u32 v57, v9;
	v31 =	vld.idx.msk [tilespmem:v18+s4+$0x0], $0xffff;
	v32 =	vor.u32 v37, v15;
	v21 =	vand.u32 $0xF, v19  }
0x748: {  	v45 =	vld [tilespmem:$0x1FE30];
	v20 =	vshll.u32 v22, $0x7;
	[tilespmem:v27+s19+$0x0] =	vst.idx.msk $0xffff, v25;
	v26 =	vor.u32 v60, v3;
	v17 =	vshll.u32 v21, $0x7  }
0x749: {  	v18 =	vand.u32 $0xF, v14;
	v25 =	vld.idx.msk [tilespmem:v28+s4+$0x0], $0xffff;
	v16 =	vor.u32 v47, v20;
	v27 =	vor.u32 v37, v17  }
0x74a: {  	v28 =	vld.idx.msk [tilespmem:v34+s4+$0x0], $0xffff;
	v33 =	vor.u32 v57, v11;
	v59 =	vor.u32 v37, v20;
	[tilespmem:$0x1FBC0] =	vst v16;
	v16 =	vshll.u32 v18, $0x7  }
0x74b: {  	v37 =	vor.u32 v49, v16;
	v30 =	vld.idx.msk [tilespmem:v30+s4+$0x0], $0xffff  }
0x74c: {  	v35 =	vor.u32 v57, v10;
	v36 =	vor.u32 v60, v7;
	v32 =	vld.idx.msk [tilespmem:v32+s4+$0x0], $0xffff;
	[tilespmem:v29+s19+$0x0] =	vst.idx.msk $0xffff, v31  }
0x74d: {  	v39 =	vor.u32 v60, v6;
	v29 =	vor.u32 v46, v8;
	v26 =	vld.idx.msk [tilespmem:v26+s4+$0x0], $0xffff  }
0x74e: {  	v27 =	vld.idx.msk [tilespmem:v27+s4+$0x0], $0xffff  }
0x74f: {  	v31 =	vor.u32 v44, v23;
	[tilespmem:v33+s19+$0x0] =	vst.idx.msk $0xffff, v25;
	v25 =	vld.idx.msk [tilespmem:v59+s4+$0x0], $0xffff  }
0x750: {  	v38 =	vor.u32 v48, v9;
	v40 =	vor.u32 v63, v15;
	v37 =	vld.idx.msk [tilespmem:v37+s4+$0x0], $0xffff  }
0x751: {  	v51 =	vor.u32 v56, v3;
	v50 =	vor.u32 v44, v21;
	[tilespmem:v35+s19+$0x0] =	vst.idx.msk $0xffff, v28;
	v36 =	vld.idx.msk [tilespmem:v36+s4+$0x0], $0xffff  }
0x752: {  	v41 =	vor.u32 v44, v22;
	[tilespmem:v29+s19+$0x0] =	vst.idx.msk $0xffff, v30;
	v30 =	vld.idx.msk [tilespmem:v39+s4+$0x0], $0xffff  }
0x753: {  	v42 =	vor.u32 v63, v20;
	v28 =	vor.u32 v63, v17;
	v39 =	vor.u32 v63, v16;
	v63 =	vld [tilespmem:$0x1FCC0]  }
0x754: {  	[tilespmem:v31+s19+$0x0] =	vst.idx.msk $0xffff, v32;
	v29 =	vor.u32 v44, v18;
	v44 =	vld [tilespmem:$0x1FCD0]  }
0x755: {  	v32 =	vld.idx.msk [tilespmem:v40+s4+$0x0], $0xffff;
	[tilespmem:v38+s19+$0x0] =	vst.idx.msk $0xffff, v26  }
0x756: {  	v43 =	vor.u32 v48, v11;
	[tilespmem:v50+s19+$0x0] =	vst.idx.msk $0xffff, v27;
	v27 =	vld.idx.msk [tilespmem:v51+s4+$0x0], $0xffff  }
0x757: {  	v31 =	vor.u32 v56, v7;
	[tilespmem:v41+s19+$0x0] =	vst.idx.msk $0xffff, v25;
	v41 =	vld [tilespmem:$0x1FE20]  }
0x758: {  	v28 =	vld.idx.msk [tilespmem:v28+s4+$0x0], $0xffff  }
0x759: {  	v26 =	vor.u32 v48, v10;
	v40 =	vld.idx.msk [tilespmem:v42+s4+$0x0], $0xffff  }
0x75a: {  	v33 =	vor.u32 v56, v6;
	v42 =	vld [tilespmem:$0x1FE50];
	v38 =	vor.u32 v63, v23  }
0x75b: {  	[tilespmem:v43+s19+$0x0] =	vst.idx.msk $0xffff, v36;
	v43 =	vld [tilespmem:$0x1FD30]  }
0x75c: {  	v58 =	vor.u32 v44, v15;
	[tilespmem:v29+s19+$0x0] =	vst.idx.msk $0xffff, v37;
	v31 =	vld.idx.msk [tilespmem:v31+s4+$0x0], $0xffff  }
0x75d: {  	v25 =	vor.u32 v63, v22;
	v59 =	vor.u32 v63, v21;
	v39 =	vld.idx.msk [tilespmem:v39+s4+$0x0], $0xffff  }
0x75e: {  	v50 =	vor.u32 v44, v17;
	[tilespmem:v26+s19+$0x0] =	vst.idx.msk $0xffff, v30;
	v30 =	vor.u32 v63, v18;
	v63 =	vld [tilespmem:$0x1FD50]  }
0x75f: {  	v51 =	vor.u32 v44, v20;
	[tilespmem:v38+s19+$0x0] =	vst.idx.msk $0xffff, v32;
	v32 =	vld.idx.msk [tilespmem:v33+s4+$0x0], $0xffff  }
0x760: {  	v35 =	vor.u32 v54, v9;
	v38 =	vor.u32 v44, v16;
	v44 =	vld [tilespmem:$0x1FCE0]  }
0x761: {  	v49 =	vor.u32 v55, v3;
	v34 =	vld.idx.msk [tilespmem:v58+s4+$0x0], $0xffff  }
0x762: {  	v26 =	vor.u32 v54, v11;
	[tilespmem:v59+s19+$0x0] =	vst.idx.msk $0xffff, v28;
	v58 =	vld [tilespmem:$0x1FCF0]  }
0x763: {  	v33 =	vor.u32 v55, v7;
	[tilespmem:v25+s19+$0x0] =	vst.idx.msk $0xffff, v40;
	v36 =	vld.idx.msk [tilespmem:v50+s4+$0x0], $0xffff  }
0x764: {  	v37 =	vld.idx.msk [tilespmem:v51+s4+$0x0], $0xffff  }
0x765: {  	[tilespmem:v35+s19+$0x0] =	vst.idx.msk $0xffff, v27;
	v27 =	vor.u32 v54, v10;
	v50 =	vld [tilespmem:$0x1FC90]  }
0x766: {  	v28 =	vld.idx.msk [tilespmem:v49+s4+$0x0], $0xffff  }
0x767: {  	v53 =	vor.u32 v55, v6;
	[tilespmem:v26+s19+$0x0] =	vst.idx.msk $0xffff, v31;
	v49 =	vld [tilespmem:$0x1FFB0];
	v52 =	vor.u32 v44, v23  }
0x768: {  	[tilespmem:v30+s19+$0x0] =	vst.idx.msk $0xffff, v39;
	v30 =	vld.idx.msk [tilespmem:v33+s4+$0x0], $0xffff  }
0x769: {  	v25 =	vor.u32 v44, v22;
	v61 =	vor.u32 v44, v21;
	v33 =	vld.idx.msk [tilespmem:v38+s4+$0x0], $0xffff;
	v59 =	vor.u32 v58, v15  }
0x76a: {  	v26 =	vor.u32 v58, v17;
	[tilespmem:v27+s19+$0x0] =	vst.idx.msk $0xffff, v32;
	v32 =	vor.u32 v44, v18;
	v44 =	vld [tilespmem:$0x1FD00]  }
0x76b: {  	v29 =	vor.u32 v62, v9;
	v31 =	vor.u32 v58, v20;
	v39 =	vor.u32 v58, v16;
	v58 =	vld [tilespmem:$0x1FC80]  }
0x76c: {  	v27 =	vor.u32 v62, v11;
	v51 =	vor.u32 v49, v3;
	[tilespmem:v52+s19+$0x0] =	vst.idx.msk $0xffff, v34;
	v34 =	vld.idx.msk [tilespmem:v53+s4+$0x0], $0xffff  }
0x76d: {  	v35 =	vor.u32 v49, v7;
	v52 =	vld [tilespmem:$0x1FD10]  }
0x76e: {  	[tilespmem:v61+s19+$0x0] =	vst.idx.msk $0xffff, v36;
	v38 =	vld.idx.msk [tilespmem:v59+s4+$0x0], $0xffff  }
0x76f: {  	[tilespmem:v25+s19+$0x0] =	vst.idx.msk $0xffff, v37;
	v25 =	vld.idx.msk [tilespmem:v26+s4+$0x0], $0xffff  }
0x770: {  	[tilespmem:v29+s19+$0x0] =	vst.idx.msk $0xffff, v28;
	v26 =	vld.idx.msk [tilespmem:v31+s4+$0x0], $0xffff  }
0x771: {  	v28 =	vor.u32 v62, v10;
	[tilespmem:v27+s19+$0x0] =	vst.idx.msk $0xffff, v30;
	v36 =	vld.idx.msk [tilespmem:v51+s4+$0x0], $0xffff  }
0x772: {  	v40 =	vor.u32 v49, v6;
	v29 =	vor.u32 v44, v23;
	[tilespmem:v32+s19+$0x0] =	vst.idx.msk $0xffff, v33;
	v32 =	vld.idx.msk [tilespmem:v35+s4+$0x0], $0xffff  }
0x773: {  	v31 =	vor.u32 v44, v21;
	v35 =	vld.idx.msk [tilespmem:v39+s4+$0x0], $0xffff  }
0x774: {  	v9 =	vor.u32 v58, v9;
	v27 =	vor.u32 v44, v22;
	v51 =	vld [tilespmem:$0x1FED0];
	v53 =	vor.u32 v52, v15  }
0x775: {  	v30 =	vor.u32 v52, v17;
	v33 =	vor.u32 v52, v20;
	v39 =	vor.u32 v52, v16;
	v52 =	vld [tilespmem:$0x1FEC0]  }
0x776: {  	[tilespmem:v28+s19+$0x0] =	vst.idx.msk $0xffff, v34;
	v28 =	vor.u32 v44, v18;
	v44 =	vld [tilespmem:$0x1FD20]  }
0x777: {  	v61 =	vor.u32 v50, v3;
	v11 =	vor.u32 v58, v11;
	[tilespmem:v29+s19+$0x0] =	vst.idx.msk $0xffff, v38;
	v29 =	vld.idx.msk [tilespmem:v40+s4+$0x0], $0xffff  }
0x778: {  	v34 =	vor.u32 v50, v7;
	[tilespmem:v31+s19+$0x0] =	vst.idx.msk $0xffff, v25;
	v40 =	vld [tilespmem:$0x1FE00]  }
0x779: {  	v38 =	vld.idx.msk [tilespmem:v53+s4+$0x0], $0xffff;
	[tilespmem:v9+s19+$0x0] =	vst.idx.msk $0xffff, v36;
	v9 =	vor.u32 v58, v10  }
0x77a: {  	v31 =	vor.u32 v50, v6;
	[tilespmem:v27+s19+$0x0] =	vst.idx.msk $0xffff, v26;
	v26 =	vld.idx.msk [tilespmem:v30+s4+$0x0], $0xffff  }
0x77b: {  	v30 =	vld.idx.msk [tilespmem:v33+s4+$0x0], $0xffff;
	v10 =	vor.u32 v44, v23  }
0x77c: {  	v59 =	vor.u32 v43, v15;
	[tilespmem:v11+s19+$0x0] =	vst.idx.msk $0xffff, v32;
	v25 =	vld.idx.msk [tilespmem:v61+s4+$0x0], $0xffff  }
0x77d: {  	v33 =	vor.u32 v44, v21;
	[tilespmem:v28+s19+$0x0] =	vst.idx.msk $0xffff, v35;
	v28 =	vld.idx.msk [tilespmem:v34+s4+$0x0], $0xffff  }
0x77e: {  	v53 =	vor.u32 v43, v17;
	v11 =	vor.u32 v44, v22;
	v35 =	vld.idx.msk [tilespmem:v39+s4+$0x0], $0xffff;
	[tilespmem:v9+s19+$0x0] =	vst.idx.msk $0xffff, v29  }
0x77f: {  	v27 =	vor.u32 v52, v0;
	v29 =	vld.idx.msk [tilespmem:v31+s4+$0x0], $0xffff  }
0x780: {  	v34 =	vor.u32 v43, v20;
	[tilespmem:v10+s19+$0x0] =	vst.idx.msk $0xffff, v38;
	v10 =	vor.u32 v44, v18;
	v44 =	vld [tilespmem:$0x1FD60]  }
0x781: {  	v61 =	vor.u32 v51, v3;
	v9 =	vor.u32 v52, v5;
	v36 =	vld.idx.msk [tilespmem:v59+s4+$0x0], $0xffff  }
0x782: {  	v31 =	vor.u32 v51, v7;
	[tilespmem:v33+s19+$0x0] =	vst.idx.msk $0xffff, v26;
	v59 =	vld [tilespmem:$0x1FD40]  }
0x783: {  	[tilespmem:v11+s19+$0x0] =	vst.idx.msk $0xffff, v30;
	v11 =	vld.idx.msk [tilespmem:v53+s4+$0x0], $0xffff  }
0x784: {  	v38 =	vor.u32 v43, v16;
	v53 =	vld [tilespmem:$0x1FEE0]  }
0x785: {  	v37 =	vor.u32 v63, v16;
	v33 =	vor.u32 v47, v4;
	[tilespmem:v27+s19+$0x0] =	vst.idx.msk $0xffff, v25;
	v32 =	vld.idx.msk [tilespmem:v34+s4+$0x0], $0xffff  }
0x786: {  	v43 =	vor.u32 v63, v15;
	v25 =	vor.u32 v52, v2;
	v26 =	vld.idx.msk [tilespmem:v61+s4+$0x0], $0xffff;
	[tilespmem:v9+s19+$0x0] =	vst.idx.msk $0xffff, v28  }
0x787: {  	v61 =	vor.u32 v51, v6;
	[tilespmem:v10+s19+$0x0] =	vst.idx.msk $0xffff, v35;
	v10 =	vld.idx.msk [tilespmem:v31+s4+$0x0], $0xffff;
	v27 =	vor.u32 v59, v23  }
0x788: {  	v28 =	vor.u32 v63, v17;
	v31 =	vor.u32 v63, v20;
	v63 =	vld [tilespmem:$0x1FD70];
	v34 =	vor.u32 v59, v21  }
0x789: {  	v35 =	vld.idx.msk [tilespmem:v38+s4+$0x0], $0xffff  }
0x78a: {  	v9 =	vor.u32 v59, v22;
	v33 =	vld.idx.msk [tilespmem:v33+s4+$0x0], $0xffff  }
0x78b: {  	v30 =	vor.u32 v53, v0;
	[tilespmem:v25+s19+$0x0] =	vst.idx.msk $0xffff, v29;
	v38 =	vld [tilespmem:$0x1FE10]  }
0x78c: {  	[tilespmem:v27+s19+$0x0] =	vst.idx.msk $0xffff, v36;
	v27 =	vor.u32 v59, v18;
	v59 =	vld [tilespmem:$0x1FEF0]  }
0x78d: {  	[tilespmem:v34+s19+$0x0] =	vst.idx.msk $0xffff, v11;
	v11 =	vld.idx.msk [tilespmem:v61+s4+$0x0], $0xffff  }
0x78e: {  	v25 =	vor.u32 v53, v5;
	v34 =	vor.u32 v60, v4;
	v60 =	vld [tilespmem:$0x1FF10]  }
0x78f: {  	[tilespmem:v9+s19+$0x0] =	vst.idx.msk $0xffff, v32;
	v9 =	vld.idx.msk [tilespmem:v28+s4+$0x0], $0xffff;
	v28 =	vor.u32 v53, v2  }
0x790: {  	v36 =	vld.idx.msk [tilespmem:v43+s4+$0x0], $0xffff;
	[tilespmem:v30+s19+$0x0] =	vst.idx.msk $0xffff, v26;
	v26 =	vor.u32 v57, v8  }
0x791: {  	v30 =	vor.u32 v44, v23;
	v31 =	vld.idx.msk [tilespmem:v31+s4+$0x0], $0xffff  }
0x792: {  	v43 =	vor.u32 v63, v15;
	v57 =	vld [tilespmem:$0x1FF00];
	[tilespmem:v27+s19+$0x0] =	vst.idx.msk $0xffff, v35  }
0x793: {  	v32 =	vor.u32 v44, v21;
	[tilespmem:v25+s19+$0x0] =	vst.idx.msk $0xffff, v10;
	v29 =	vor.u32 v59, v7;
	v35 =	vld.idx.msk [tilespmem:v37+s4+$0x0], $0xffff  }
0x794: {  	v10 =	vor.u32 v44, v22;
	[tilespmem:v28+s19+$0x0] =	vst.idx.msk $0xffff, v11;
	v11 =	vor.u32 v48, v8;
	v48 =	vld [tilespmem:$0x1FD90]  }
0x795: {  	v39 =	vor.u32 v59, v6;
	[tilespmem:v26+s19+$0x0] =	vst.idx.msk $0xffff, v33;
	v26 =	vor.u32 v44, v18;
	v44 =	vld [tilespmem:$0x1FDA0]  }
0x796: {  	[tilespmem:v30+s19+$0x0] =	vst.idx.msk $0xffff, v36;
	v33 =	vld.idx.msk [tilespmem:v34+s4+$0x0], $0xffff  }
0x797: {  	v25 =	vor.u32 v63, v17;
	v34 =	vld.idx.msk [tilespmem:v43+s4+$0x0], $0xffff  }
0x798: {  	v61 =	vor.u32 v63, v16;
	v27 =	vld.idx.msk [tilespmem:v29+s4+$0x0], $0xffff  }
0x799: {  	v29 =	vor.u32 v63, v20;
	v63 =	vld [tilespmem:$0x1FD80]  }
0x79a: {  	[tilespmem:v32+s19+$0x0] =	vst.idx.msk $0xffff, v9;
	v9 =	vld.idx.msk [tilespmem:v39+s4+$0x0], $0xffff  }
0x79b: {  	v32 =	vor.u32 v56, v4;
	[tilespmem:v10+s19+$0x0] =	vst.idx.msk $0xffff, v31;
	v56 =	vld [tilespmem:$0x1FF20]  }
0x79c: {  	v37 =	vor.u32 v57, v5;
	v10 =	vld.idx.msk [tilespmem:v25+s4+$0x0], $0xffff;
	[tilespmem:v26+s19+$0x0] =	vst.idx.msk $0xffff, v35  }
0x79d: {  	v30 =	vor.u32 v60, v7;
	v35 =	vld.idx.msk [tilespmem:v61+s4+$0x0], $0xffff  }
0x79e: {  	v25 =	vor.u32 v57, v2;
	v61 =	vld [tilespmem:$0x1FF30]  }
0x79f: {  	v39 =	vor.u32 v60, v6;
	[tilespmem:v11+s19+$0x0] =	vst.idx.msk $0xffff, v33;
	v29 =	vld.idx.msk [tilespmem:v29+s4+$0x0], $0xffff;
	v31 =	vor.u32 v63, v21  }
0x7a0: {  	v28 =	vor.u32 v63, v23;
	v32 =	vld.idx.msk [tilespmem:v32+s4+$0x0], $0xffff  }
0x7a1: {  	[tilespmem:v37+s19+$0x0] =	vst.idx.msk $0xffff, v27;
	v27 =	vor.u32 v63, v22;
	v11 =	vor.u32 v63, v18;
	v63 =	vld [tilespmem:$0x1FDB0]  }
0x7a2: {  	v43 =	vor.u32 v48, v15;
	v26 =	vld.idx.msk [tilespmem:v30+s4+$0x0], $0xffff  }
0x7a3: {  	v37 =	vor.u32 v48, v17;
	[tilespmem:v25+s19+$0x0] =	vst.idx.msk $0xffff, v9;
	v9 =	vor.u32 v54, v8;
	v54 =	vld [tilespmem:$0x1FF40]  }
0x7a4: {  	v36 =	vor.u32 v56, v5;
	v30 =	vor.u32 v48, v20;
	[tilespmem:v31+s19+$0x0] =	vst.idx.msk $0xffff, v10;
	v10 =	vld.idx.msk [tilespmem:v39+s4+$0x0], $0xffff  }
0x7a5: {  	[tilespmem:v28+s19+$0x0] =	vst.idx.msk $0xffff, v34;
	v28 =	vor.u32 v61, v7;
	v31 =	vor.u32 v55, v4;
	v55 =	vld [tilespmem:$0x1FF50]  }
0x7a6: {  	v34 =	vor.u32 v48, v16;
	v48 =	vld [tilespmem:$0x1FDD0]  }
0x7a7: {  	v33 =	vld.idx.msk [tilespmem:v43+s4+$0x0], $0xffff  }
0x7a8: {  	[tilespmem:v27+s19+$0x0] =	vst.idx.msk $0xffff, v29;
	v29 =	vor.u32 v56, v2;
	v27 =	vld.idx.msk [tilespmem:v37+s4+$0x0], $0xffff  }
0x7a9: {  	v25 =	vor.u32 v44, v13;
	v30 =	vld.idx.msk [tilespmem:v30+s4+$0x0], $0xffff;
	[tilespmem:v36+s19+$0x0] =	vst.idx.msk $0xffff, v26  }
0x7aa: {  	v39 =	vor.u32 v61, v6;
	[tilespmem:v11+s19+$0x0] =	vst.idx.msk $0xffff, v35;
	v37 =	vor.u32 v44, v19;
	v11 =	vld.idx.msk [tilespmem:v28+s4+$0x0], $0xffff  }
0x7ab: {  	v43 =	vor.u32 v63, v15;
	v26 =	vor.u32 v44, v24;
	v34 =	vld.idx.msk [tilespmem:v34+s4+$0x0], $0xffff  }
0x7ac: {  	v36 =	vor.u32 v63, v17;
	[tilespmem:v9+s19+$0x0] =	vst.idx.msk $0xffff, v32;
	v9 =	vor.u32 v44, v14;
	v44 =	vld [tilespmem:$0x1FDC0]  }
0x7ad: {  	[tilespmem:v29+s19+$0x0] =	vst.idx.msk $0xffff, v10;
	v10 =	vor.u32 v62, v8;
	v62 =	vld [tilespmem:$0x1FF60]  }
0x7ae: {  	v35 =	vor.u32 v54, v5;
	v28 =	vor.u32 v63, v20;
	[tilespmem:v25+s19+$0x0] =	vst.idx.msk $0xffff, v33;
	v31 =	vld.idx.msk [tilespmem:v31+s4+$0x0], $0xffff  }
0x7af: {  	v25 =	vor.u32 v55, v7;
	[tilespmem:v37+s19+$0x0] =	vst.idx.msk $0xffff, v27;
	v27 =	vld.idx.msk [tilespmem:v39+s4+$0x0], $0xffff  }
0x7b0: {  	v63 =	vor.u32 v63, v16;
	v32 =	vld.idx.msk [tilespmem:v43+s4+$0x0], $0xffff  }
0x7b1: {  	[tilespmem:v26+s19+$0x0] =	vst.idx.msk $0xffff, v30;
	v26 =	vld.idx.msk [tilespmem:v36+s4+$0x0], $0xffff  }
0x7b2: {  	v37 =	vor.u32 v49, v4;
	v30 =	vor.u32 v54, v2;
	v43 =	vld [tilespmem:$0x1FF70]  }
0x7b3: {  	v39 =	vor.u32 v55, v6;
	v28 =	vld.idx.msk [tilespmem:v28+s4+$0x0], $0xffff;
	v36 =	vor.u32 v44, v19;
	[tilespmem:v35+s19+$0x0] =	vst.idx.msk $0xffff, v11  }
0x7b4: {  	v29 =	vor.u32 v44, v13;
	[tilespmem:v9+s19+$0x0] =	vst.idx.msk $0xffff, v34;
	v9 =	vld.idx.msk [tilespmem:v25+s4+$0x0], $0xffff  }
0x7b5: {  	v49 =	vor.u32 v48, v15;
	v11 =	vor.u32 v44, v24;
	v33 =	vld.idx.msk [tilespmem:v63+s4+$0x0], $0xffff  }
0x7b6: {  	[tilespmem:v10+s19+$0x0] =	vst.idx.msk $0xffff, v31;
	v10 =	vor.u32 v44, v14;
	v44 =	vld [tilespmem:$0x1FDE0]  }
0x7b7: {  	v35 =	vor.u32 v48, v17;
	[tilespmem:v30+s19+$0x0] =	vst.idx.msk $0xffff, v27;
	v31 =	vld.idx.msk [tilespmem:v37+s4+$0x0], $0xffff  }
0x7b8: {  	v25 =	vor.u32 v48, v20;
	v63 =	vor.u32 v62, v5;
	[tilespmem:v36+s19+$0x0] =	vst.idx.msk $0xffff, v26;
	v26 =	vld.idx.msk [tilespmem:v39+s4+$0x0], $0xffff  }
0x7b9: {  	[tilespmem:v29+s19+$0x0] =	vst.idx.msk $0xffff, v32;
	v29 =	vor.u32 v43, v7;
	v39 =	vld [tilespmem:$0x1FDF0]  }
0x7ba: {  	[tilespmem:v11+s19+$0x0] =	vst.idx.msk $0xffff, v28;
	v28 =	vor.u32 v62, v2;
	v32 =	vld.idx.msk [tilespmem:v49+s4+$0x0], $0xffff;
	v49 =	vor.u32 v48, v16  }
0x7bb: {  	v8 =	vor.u32 v58, v8;
	v48 =	vld [tilespmem:$0x1FF80]  }
0x7bc: {  	v58 =	vor.u32 v43, v6;
	v11 =	vld.idx.msk [tilespmem:v35+s4+$0x0], $0xffff;
	v35 =	vor.u32 v44, v19  }
0x7bd: {  	v30 =	vor.u32 v50, v4;
	v27 =	vor.u32 v44, v13;
	v25 =	vld.idx.msk [tilespmem:v25+s4+$0x0], $0xffff;
	[tilespmem:v63+s19+$0x0] =	vst.idx.msk $0xffff, v9  }
0x7be: {  	[tilespmem:v10+s19+$0x0] =	vst.idx.msk $0xffff, v33;
	v36 =	vor.u32 v39, v15;
	v10 =	vld.idx.msk [tilespmem:v29+s4+$0x0], $0xffff  }
0x7bf: {  	v9 =	vor.u32 v44, v24;
	v34 =	vor.u32 v39, v17;
	[tilespmem:v28+s19+$0x0] =	vst.idx.msk $0xffff, v26;
	v33 =	vld.idx.msk [tilespmem:v49+s4+$0x0], $0xffff  }
0x7c0: {  	v63 =	vor.u32 v48, v5;
	[tilespmem:v8+s19+$0x0] =	vst.idx.msk $0xffff, v31;
	v8 =	vor.u32 v44, v14;
	v44 =	vld [tilespmem:$0x1FF90]  }
0x7c1: {  	v29 =	vor.u32 v39, v20;
	[tilespmem:v35+s19+$0x0] =	vst.idx.msk $0xffff, v11;
	v11 =	vld.idx.msk [tilespmem:v58+s4+$0x0], $0xffff  }
0x7c2: {  	[tilespmem:v27+s19+$0x0] =	vst.idx.msk $0xffff, v32;
	v27 =	vld.idx.msk [tilespmem:v30+s4+$0x0], $0xffff  }
0x7c3: {  	v26 =	vor.u32 v52, v1;
	v31 =	vor.u32 v39, v16;
	v30 =	vld.idx.msk [tilespmem:v36+s4+$0x0], $0xffff  }
0x7c4: {  	v28 =	vor.u32 v40, v13;
	v58 =	vor.u32 v51, v4;
	[tilespmem:v9+s19+$0x0] =	vst.idx.msk $0xffff, v25;
	v9 =	vld.idx.msk [tilespmem:v34+s4+$0x0], $0xffff  }
0x7c5: {  	v7 =	vor.u32 v44, v7;
	[tilespmem:v63+s19+$0x0] =	vst.idx.msk $0xffff, v10;
	v63 =	vld [tilespmem:$0x1FFA0]  }
0x7c6: {  	v49 =	vor.u32 v38, v15;
	v25 =	vor.u32 v48, v2;
	v29 =	vld.idx.msk [tilespmem:v29+s4+$0x0], $0xffff  }
0x7c7: {  	v50 =	vor.u32 v40, v19;
	v36 =	vld [tilespmem:$0x1FE40];
	v6 =	vor.u32 v44, v6;
	[tilespmem:v8+s19+$0x0] =	vst.idx.msk $0xffff, v33  }
0x7c8: {  	v51 =	vor.u32 v38, v17;
	v10 =	vor.u32 v40, v24;
	v31 =	vld.idx.msk [tilespmem:v31+s4+$0x0], $0xffff;
	[tilespmem:v26+s19+$0x0] =	vst.idx.msk $0xffff, v27  }
0x7c9: {  	v8 =	vor.u32 v38, v20;
	v26 =	vor.u32 v40, v14;
	[tilespmem:v28+s19+$0x0] =	vst.idx.msk $0xffff, v30;
	v28 =	vld.idx.msk [tilespmem:v58+s4+$0x0], $0xffff  }
0x7ca: {  	v27 =	vor.u32 v59, v3;
	v7 =	vld.idx.msk [tilespmem:v7+s4+$0x0], $0xffff;
	v5 =	vor.u32 v63, v5  }
0x7cb: {  	v52 =	vor.u32 v38, v16;
	[tilespmem:v25+s19+$0x0] =	vst.idx.msk $0xffff, v11;
	v11 =	vor.u32 v53, v1;
	v30 =	vld.idx.msk [tilespmem:v49+s4+$0x0], $0xffff  }
0x7cc: {  	v25 =	vor.u32 v41, v13;
	v58 =	vor.u32 v59, v4;
	[tilespmem:v50+s19+$0x0] =	vst.idx.msk $0xffff, v9;
	v6 =	vld.idx.msk [tilespmem:v6+s4+$0x0], $0xffff  }
0x7cd: {  	v59 =	vor.u32 v45, v15;
	[tilespmem:v10+s19+$0x0] =	vst.idx.msk $0xffff, v29;
	v29 =	vor.u32 v63, v2;
	v10 =	vld.idx.msk [tilespmem:v51+s4+$0x0], $0xffff  }
0x7ce: {  	v49 =	vor.u32 v41, v19;
	v2 =	vmov v24;
	v8 =	vld.idx.msk [tilespmem:v8+s4+$0x0], $0xffff;
	[tilespmem:v26+s19+$0x0] =	vst.idx.msk $0xffff, v31  }
0x7cf: {  	v9 =	vmov v23;
	v23 =	vld.idx.msk [tilespmem:v27+s4+$0x0], $0xffff;
	[tilespmem:v5+s19+$0x0] =	vst.idx.msk $0xffff, v7;
	v5 =	vor.u32 v41, v2  }
0x7d0: {  	v27 =	vor.u32 v57, v0;
	v26 =	vld.idx.msk [tilespmem:v52+s4+$0x0], $0xffff;
	[tilespmem:v11+s19+$0x0] =	vst.idx.msk $0xffff, v28;
	v7 =	vor.u32 v45, v17  }
0x7d1: {  	v33 =	vld [tilespmem:$0x1FE60];
	v28 =	vor.u32 v60, v3;
	[tilespmem:v25+s19+$0x0] =	vst.idx.msk $0xffff, v30;
	v25 =	vor.u32 v41, v14  }
0x7d2: {  	v50 =	vor.u32 v45, v16;
	v52 =	vor.u32 v60, v4;
	v60 =	vld [tilespmem:$0x1FEA0];
	[tilespmem:v29+s19+$0x0] =	vst.idx.msk $0xffff, v6  }
0x7d3: {  	v24 =	vor.u32 v45, v20;
	v30 =	vld.idx.msk [tilespmem:v58+s4+$0x0], $0xffff;
	v29 =	vor.u32 v57, v1;
	[tilespmem:v49+s19+$0x0] =	vst.idx.msk $0xffff, v10  }
0x7d4: {  	v51 =	vor.u32 v36, v13;
	v11 =	vmov v21;
	v31 =	vld.idx.msk [tilespmem:v59+s4+$0x0], $0xffff;
	[tilespmem:v5+s19+$0x0] =	vst.idx.msk $0xffff, v8;
	v5 =	vmov v19  }
0x7d5: {  	v6 =	vmov v20;
	v10 =	vmov v22;
	[tilespmem:v27+s19+$0x0] =	vst.idx.msk $0xffff, v23;
	v35 =	vld.idx.msk [tilespmem:v7+s4+$0x0], $0xffff;
	v21 =	vor.u32 v36, v5  }
0x7d6: {  	v22 =	vor.u32 v42, v15;
	v23 =	vld.idx.msk [tilespmem:v28+s4+$0x0], $0xffff;
	[tilespmem:v25+s19+$0x0] =	vst.idx.msk $0xffff, v26;
	v26 =	vor.u32 v56, v0  }
0x7d7: {  	v20 =	vor.u32 v42, v17;
	v27 =	vor.u32 v36, v14;
	v28 =	vor.u32 v61, v3;
	v25 =	vld.idx.msk [tilespmem:v50+s4+$0x0], $0xffff  }
0x7d8: {  	v8 =	vmov v18;
	v18 =	vor.u32 v36, v2;
	v19 =	vld.idx.msk [tilespmem:v24+s4+$0x0], $0xffff;
	[tilespmem:v29+s19+$0x0] =	vst.idx.msk $0xffff, v30  }
0x7d9: {  	v24 =	vor.u32 v42, v6;
	[tilespmem:v51+s19+$0x0] =	vst.idx.msk $0xffff, v31;
	v29 =	vld.idx.msk [tilespmem:v52+s4+$0x0], $0xffff  }
0x7da: {  	v30 =	vor.u32 v42, v16;
	[tilespmem:v21+s19+$0x0] =	vst.idx.msk $0xffff, v35;
	v35 =	vld [tilespmem:$0x1FE70]  }
0x7db: {  	v31 =	vor.u32 v56, v1;
	v22 =	vld.idx.msk [tilespmem:v22+s4+$0x0], $0xffff;
	[tilespmem:v26+s19+$0x0] =	vst.idx.msk $0xffff, v23  }
0x7dc: {  	v7 =	vmov v17;
	v17 =	vor.u32 v33, v13;
	[tilespmem:v27+s19+$0x0] =	vst.idx.msk $0xffff, v25;
	v25 =	vld.idx.msk [tilespmem:v28+s4+$0x0], $0xffff  }
0x7dd: {  	[tilespmem:v18+s19+$0x0] =	vst.idx.msk $0xffff, v19;
	v18 =	vld.idx.msk [tilespmem:v20+s4+$0x0], $0xffff  }
0x7de: {  	v23 =	vor.u32 v33, v2;
	v21 =	vor.u32 v61, v4;
	v19 =	vld.idx.msk [tilespmem:v24+s4+$0x0], $0xffff  }
0x7df: {  	v28 =	vor.u32 v54, v0;
	v20 =	vor.u32 v33, v5;
	v27 =	vld.idx.msk [tilespmem:v30+s4+$0x0], $0xffff;
	v53 =	vor.u32 v35, v15  }
0x7e0: {  	[tilespmem:v31+s19+$0x0] =	vst.idx.msk $0xffff, v29;
	v31 =	vor.u32 v54, v1;
	v54 =	vld [tilespmem:$0x1FC10];
	v24 =	vor.u32 v35, v7  }
0x7e1: {  	v57 =	vld [tilespmem:$0x1FE80];
	[tilespmem:v17+s19+$0x0] =	vst.idx.msk $0xffff, v22;
	v17 =	vor.u32 v33, v14;
	v26 =	vor.u32 v35, v6  }
0x7e2: {  	v58 =	vld [tilespmem:$0x1FE90];
	v30 =	vor.u32 v35, v16  }
0x7e3: {  	v22 =	vor.u32 v55, v3;
	v21 =	vld.idx.msk [tilespmem:v21+s4+$0x0], $0xffff  }
0x7e4: {  	[tilespmem:v20+s19+$0x0] =	vst.idx.msk $0xffff, v18;
	v29 =	vld.idx.msk [tilespmem:v53+s4+$0x0], $0xffff  }
0x7e5: {  	v56 =	vor.u32 v54, v13;
	v18 =	vor.u32 v55, v4;
	[tilespmem:v23+s19+$0x0] =	vst.idx.msk $0xffff, v19;
	v19 =	vld.idx.msk [tilespmem:v24+s4+$0x0], $0xffff  }
0x7e6: {  	v20 =	vor.u32 v57, v15;
	[tilespmem:v17+s19+$0x0] =	vst.idx.msk $0xffff, v27;
	v23 =	vld.idx.msk [tilespmem:v26+s4+$0x0], $0xffff;
	v24 =	vor.u32 v54, v5  }
0x7e7: {  	[tilespmem:v28+s19+$0x0] =	vst.idx.msk $0xffff, v25;
	v25 =	vor.u32 v54, v2;
	v26 =	vor.u32 v57, v7;
	v27 =	vld.idx.msk [tilespmem:v30+s4+$0x0], $0xffff  }
0x7e8: {  	[tilespmem:v31+s19+$0x0] =	vst.idx.msk $0xffff, v21;
	v21 =	vor.u32 v54, v14;
	v17 =	vld.idx.msk [tilespmem:v22+s4+$0x0], $0xffff;
	v22 =	vor.u32 v57, v6  }
0x7e9: {  	v61 =	vld [tilespmem:$0x1FEB0];
	v28 =	vor.u32 v62, v0;
	v30 =	vor.u32 v57, v16  }
0x7ea: {  	v31 =	vor.u32 v62, v1;
	v18 =	vld.idx.msk [tilespmem:v18+s4+$0x0], $0xffff;
	[tilespmem:v56+s19+$0x0] =	vst.idx.msk $0xffff, v29;
	v29 =	vor.u32 v43, v3  }
0x7eb: {  	v59 =	vor.u32 v58, v9;
	[tilespmem:v24+s19+$0x0] =	vst.idx.msk $0xffff, v19;
	v20 =	vld.idx.msk [tilespmem:v20+s4+$0x0], $0xffff  }
0x7ec: {  	v24 =	vor.u32 v60, v15;
	[tilespmem:v25+s19+$0x0] =	vst.idx.msk $0xffff, v23;
	v23 =	vld.idx.msk [tilespmem:v26+s4+$0x0], $0xffff  }
0x7ed: {  	v19 =	vor.u32 v43, v4;
	v25 =	vor.u32 v58, v11;
	[tilespmem:v21+s19+$0x0] =	vst.idx.msk $0xffff, v27;
	v22 =	vld.idx.msk [tilespmem:v22+s4+$0x0], $0xffff  }
0x7ee: {  	[tilespmem:v28+s19+$0x0] =	vst.idx.msk $0xffff, v17;
	v17 =	vor.u32 v58, v10;
	v26 =	vor.u32 v60, v7;
	v28 =	vld.idx.msk [tilespmem:v30+s4+$0x0], $0xffff  }
0x7ef: {  	v27 =	vor.u32 v60, v6;
	[tilespmem:v31+s19+$0x0] =	vst.idx.msk $0xffff, v18;
	v21 =	vld.idx.msk [tilespmem:v29+s4+$0x0], $0xffff;
	v29 =	vor.u32 v48, v0  }
0x7f0: {  	v18 =	vor.u32 v58, v8;
	[tilespmem:v59+s19+$0x0] =	vst.idx.msk $0xffff, v20;
	v20 =	vor.u32 v44, v3  }
0x7f1: {  	v30 =	vor.u32 v60, v16;
	v3 =	vmov v15;
	v15 =	vor.u32 v61, v9;
	v24 =	vld.idx.msk [tilespmem:v24+s4+$0x0], $0xffff  }
0x7f2: {  	v31 =	vor.u32 v48, v1;
	v19 =	vld.idx.msk [tilespmem:v19+s4+$0x0], $0xffff;
	[tilespmem:v25+s19+$0x0] =	vst.idx.msk $0xffff, v23;
	v23 =	vor.u32 v44, v4  }
0x7f3: {  	v4 =	vmov v16;
	[tilespmem:v17+s19+$0x0] =	vst.idx.msk $0xffff, v22;
	v22 =	vld.idx.msk [tilespmem:v26+s4+$0x0], $0xffff;
	v26 =	vor.u32 v61, v11  }
0x7f4: {  	v16 =	vor.u32 v12, v3;
	v25 =	vld.idx.msk [tilespmem:v27+s4+$0x0], $0xffff;
	[tilespmem:v29+s19+$0x0] =	vst.idx.msk $0xffff, v21;
	v21 =	vor.u32 v61, v10  }
0x7f5: {  	v62 =	vor.u32 v63, v0;
	[tilespmem:v18+s19+$0x0] =	vst.idx.msk $0xffff, v28;
	v27 =	vor.u32 v12, v7;
	v28 =	vld.idx.msk [tilespmem:v20+s4+$0x0], $0xffff  }
0x7f6: {  	p2 =	slt.u32 s26, $0xC;
	v30 =	vld.idx.msk [tilespmem:v30+s4+$0x0], $0xffff;
	v29 =	vor.u32 v12, v6;
	[tilespmem:v15+s19+$0x0] =	vst.idx.msk $0xffff, v24;
	v24 =	vor.u32 v61, v8  }
.Ltmp10:
0x7f7: {  	v34 =	vld [tilespmem:$0x1FBC0];
	[tilespmem:v31+s19+$0x0] =	vst.idx.msk $0xffff, v19;
	(pc) =	sbr.rel @p2 .LBB2_14-.Ltmp10, $4  }
0x7f8: {  	v18 =	vor.u32 v47, v3;
	v15 =	vld.idx.msk [tilespmem:v23+s4+$0x0], $0xffff;
	[tilespmem:v26+s19+$0x0] =	vst.idx.msk $0xffff, v22  }
0x7f9: {  	v19 =	vor.u32 v46, v9;
	v26 =	vor.u32 v46, v11;
	v17 =	vld.idx.msk [tilespmem:v16+s4+$0x0], $0xffff;
	[tilespmem:v21+s19+$0x0] =	vst.idx.msk $0xffff, v25  }
0x7fa: {  	s25 =	sadd.s32 $0x4, s26;
	v0 =	vmov v13;
	v16 =	vor.u32 v63, v1;
	v1 =	vmov v14;
	v20 =	vld.idx.msk [tilespmem:v27+s4+$0x0], $0xffff;
	[tilespmem:v62+s19+$0x0] =	vst.idx.msk $0xffff, v28  }
0x7fb: {  	s26 =	smov.u32 s25;
	v37 =	vlaneseq.u32;
	v27 =	vor.u32 v46, v10;
	v25 =	vld.idx.msk [tilespmem:v29+s4+$0x0], $0xffff;
	v28 =	vor.u32 v47, v7;
	[tilespmem:v24+s19+$0x0] =	vst.idx.msk $0xffff, v30  }
0x7fc: {  	v30 =	vld [tilespmem:$0x1FFC0];
	_ =	sdelay $0x2  }
0x7fd: {  	v12 =	vld [tilespmem:$0x1FC20]  }
0x7fe: {  	v44 =	vld [tilespmem:$0x1FC30];
	[tilespmem:v26+s19+$0x0] =	vst.idx.msk $0xffff, v20  }
0x7ff: {  	[tilespmem:v27+s19+$0x0] =	vst.idx.msk $0xffff, v25;
	v13 =	vor.u32 v30, v4  }
0x800: {  	v56 =	vld [tilespmem:$0x1FFE0];
	_ =	sdelay $0x2  }
0x801: {  	v20 =	vld.idx.msk [tilespmem:v28+s4+$0x0], $0xffff  }
0x802: {  	v14 =	vor.u32 v12, v8;
	v13 =	vld.idx.msk [tilespmem:v13+s4+$0x0], $0xffff  }
0x803: {  	[tilespmem:v19+s19+$0x0] =	vst.idx.msk $0xffff, v17;
	v46 =	vld.idx.msk [tilespmem:v34+s4+$0x0], $0xffff;
	v22 =	vor.u32 v56, v11  }
0x804: {  	v57 =	vld [tilespmem:$0x1FFF0];
	v17 =	vor.u32 v56, v10;
	_ =	sdelay $0x2  }
0x805: {  	[tilespmem:v14+s19+$0x0] =	vst.idx.msk $0xffff, v13  }
0x806: {  	v21 =	vor.u32 v44, v4;
	[tilespmem:v22+s19+$0x0] =	vst.idx.msk $0xffff, v20  }
0x807: {  	v18 =	vld.idx.msk [tilespmem:v18+s4+$0x0], $0xffff;
	v19 =	vor.u32 v57, v7;
	[tilespmem:v17+s19+$0x0] =	vst.idx.msk $0xffff, v46  }
0x808: {  	v23 =	vor.u32 v56, v9;
	v24 =	vor.u32 v57, v6;
	v34 =	vld [tilespmem:$0x1FFD0];
	_ =	sdelay $0x2  }
0x809: {  	v14 =	vld.idx.msk [tilespmem:v21+s4+$0x0], $0xffff  }
0x80a: {  	v21 =	vor.u32 v56, v8;
	v48 =	vld.idx.msk [tilespmem:v19+s4+$0x0], $0xffff  }
0x80b: {  	[tilespmem:v23+s19+$0x0] =	vst.idx.msk $0xffff, v18;
	v18 =	vld.idx.msk [tilespmem:v24+s4+$0x0], $0xffff;
	v17 =	vor.u32 v34, v11  }
0x80c: {  	v25 =	vor.u32 v57, v4;
	v28 =	vld [tilespmem:$0x1FC40];
	v20 =	vor.u32 v34, v10;
	_ =	sdelay $0x1  }
0x80d: {  	v47 =	vor.u32 v57, v3  }
0x80e: {  	[tilespmem:v21+s19+$0x0] =	vst.idx.msk $0xffff, v14  }
0x80f: {  	[tilespmem:v17+s19+$0x0] =	vst.idx.msk $0xffff, v48  }
0x810: {  	v19 =	vor.u32 v28, v7;
	v21 =	vld.idx.msk [tilespmem:v25+s4+$0x0], $0xffff;
	[tilespmem:v20+s19+$0x0] =	vst.idx.msk $0xffff, v18  }
0x811: {  	v23 =	vor.u32 v28, v6;
	v49 =	vor.u32 v28, v3;
	v25 =	vor.u32 v28, v4;
	v28 =	vld [tilespmem:$0x1FC50]  }
0x812: {  	v13 =	vld.idx.msk [tilespmem:v47+s4+$0x0], $0xffff;
	v22 =	vor.u32 v34, v9;
	_ =	sdelay $0x2  }
0x813: {  	v24 =	vor.u32 v34, v8  }
0x814: {  	v12 =	vld.idx.msk [tilespmem:v19+s4+$0x0], $0xffff;
	v17 =	vor.u32 v28, v11  }
0x815: {  	[tilespmem:v22+s19+$0x0] =	vst.idx.msk $0xffff, v13;
	v50 =	vld.idx.msk [tilespmem:v23+s4+$0x0], $0xffff;
	v19 =	vor.u32 v28, v10  }
0x816: {  	v29 =	vld [tilespmem:$0x1FC60];
	_ =	sdelay $0x1  }
0x817: {  	[tilespmem:v24+s19+$0x0] =	vst.idx.msk $0xffff, v21  }
0x818: {  	[tilespmem:v17+s19+$0x0] =	vst.idx.msk $0xffff, v12  }
0x819: {  	[tilespmem:v19+s19+$0x0] =	vst.idx.msk $0xffff, v50  }
0x81a: {  	v18 =	vor.u32 v29, v7;
	v46 =	vld [tilespmem:$0x1FC70]  }
0x81b: {  	v14 =	vld.idx.msk [tilespmem:v49+s4+$0x0], $0xffff;
	v20 =	vor.u32 v28, v9;
	v22 =	vor.u32 v29, v6;
	_ =	sdelay $0x2  }
0x81c: {  	v23 =	vld.idx.msk [tilespmem:v25+s4+$0x0], $0xffff;
	v24 =	vor.u32 v28, v8  }
0x81d: {  	v12 =	vld.idx.msk [tilespmem:v18+s4+$0x0], $0xffff;
	v51 =	vor.u32 v46, v11  }
0x81e: {  	[tilespmem:v20+s19+$0x0] =	vst.idx.msk $0xffff, v14;
	v52 =	vld.idx.msk [tilespmem:v22+s4+$0x0], $0xffff;
	v18 =	vor.u32 v46, v10  }
0x81f: {  	v47 =	vld [tilespmem:$0x1FFB0]  }
0x820: {  	v21 =	vor.u32 v29, v3  }
0x821: {  	[tilespmem:v24+s19+$0x0] =	vst.idx.msk $0xffff, v23  }
0x822: {  	[tilespmem:v51+s19+$0x0] =	vst.idx.msk $0xffff, v12  }
0x823: {  	v25 =	vor.u32 v29, v4;
	[tilespmem:v18+s19+$0x0] =	vst.idx.msk $0xffff, v52  }
0x824: {  	v17 =	vor.u32 v47, v7;
	v28 =	vld [tilespmem:$0x1FC80]  }
0x825: {  	v20 =	vld.idx.msk [tilespmem:v21+s4+$0x0], $0xffff;
	v19 =	vor.u32 v46, v9;
	v21 =	vor.u32 v47, v6;
	_ =	sdelay $0x2  }
0x826: {  	v23 =	vld.idx.msk [tilespmem:v25+s4+$0x0], $0xffff;
	v24 =	vor.u32 v46, v8  }
0x827: {  	v12 =	vld.idx.msk [tilespmem:v17+s4+$0x0], $0xffff;
	v11 =	vor.u32 v28, v11  }
0x828: {  	v22 =	vor.u32 v47, v3;
	[tilespmem:v19+s19+$0x0] =	vst.idx.msk $0xffff, v20;
	v53 =	vld.idx.msk [tilespmem:v21+s4+$0x0], $0xffff;
	v10 =	vor.u32 v28, v10  }
0x829: {  	v21 =	vld [tilespmem:$0x1FC90];
	_ =	sdelay $0x1  }
0x82a: {  	[tilespmem:v24+s19+$0x0] =	vst.idx.msk $0xffff, v23  }
0x82b: {  	[tilespmem:v11+s19+$0x0] =	vst.idx.msk $0xffff, v12  }
0x82c: {  	v25 =	vor.u32 v47, v4;
	v17 =	vld.idx.msk [tilespmem:v22+s4+$0x0], $0xffff;
	[tilespmem:v10+s19+$0x0] =	vst.idx.msk $0xffff, v53  }
0x82d: {  	v54 =	vor.u32 v21, v7;
	v22 =	vld [tilespmem:$0x1FEC0]  }
0x82e: {  	v9 =	vor.u32 v28, v9;
	v18 =	vor.u32 v21, v6;
	_ =	sdelay $0x2  }
0x82f: {  	v20 =	vld.idx.msk [tilespmem:v25+s4+$0x0], $0xffff;
	v8 =	vor.u32 v28, v8  }
0x830: {  	v11 =	vld.idx.msk [tilespmem:v54+s4+$0x0], $0xffff;
	v10 =	vor.u32 v22, v5  }
0x831: {  	v19 =	vor.u32 v21, v3;
	[tilespmem:v9+s19+$0x0] =	vst.idx.msk $0xffff, v17;
	v9 =	vld.idx.msk [tilespmem:v18+s4+$0x0], $0xffff;
	v59 =	vor.u32 v22, v2  }
0x832: {  	v24 =	vld [tilespmem:$0x1FED0];
	_ =	sdelay $0x1  }
0x833: {  	[tilespmem:v8+s19+$0x0] =	vst.idx.msk $0xffff, v20  }
0x834: {  	[tilespmem:v10+s19+$0x0] =	vst.idx.msk $0xffff, v11  }
0x835: {  	v21 =	vor.u32 v21, v4;
	v60 =	vld.idx.msk [tilespmem:v19+s4+$0x0], $0xffff;
	[tilespmem:v59+s19+$0x0] =	vst.idx.msk $0xffff, v9  }
0x836: {  	v17 =	vor.u32 v22, v0;
	v20 =	vor.u32 v22, v1;
	v58 =	vor.u32 v24, v7;
	v22 =	vld [tilespmem:$0x1FEE0];
	_ =	sdelay $0x3  }
0x837: {  	v19 =	vld.idx.msk [tilespmem:v21+s4+$0x0], $0xffff;
	v18 =	vor.u32 v24, v6  }
0x838: {  	v8 =	vor.u32 v24, v3;
	v10 =	vld.idx.msk [tilespmem:v58+s4+$0x0], $0xffff;
	[tilespmem:v17+s19+$0x0] =	vst.idx.msk $0xffff, v60;
	v9 =	vor.u32 v22, v5  }
0x839: {  	v23 =	vld [tilespmem:$0x1FEF0];
	_ =	sdelay $0x2  }
0x83a: {  	v61 =	vld.idx.msk [tilespmem:v18+s4+$0x0], $0xffff;
	[tilespmem:v20+s19+$0x0] =	vst.idx.msk $0xffff, v19  }
0x83b: {  	v21 =	vor.u32 v24, v4;
	v8 =	vld.idx.msk [tilespmem:v8+s4+$0x0], $0xffff;
	v62 =	vor.u32 v22, v2;
	[tilespmem:v9+s19+$0x0] =	vst.idx.msk $0xffff, v10  }
0x83c: {  	v63 =	vor.u32 v22, v0;
	v20 =	vor.u32 v22, v1;
	v11 =	vor.u32 v23, v7;
	v22 =	vld [tilespmem:$0x1FF00];
	_ =	sdelay $0x3  }
0x83d: {  	v19 =	vld.idx.msk [tilespmem:v21+s4+$0x0], $0xffff;
	[tilespmem:v62+s19+$0x0] =	vst.idx.msk $0xffff, v61  }
0x83e: {  	v17 =	vor.u32 v23, v6;
	v9 =	vld.idx.msk [tilespmem:v11+s4+$0x0], $0xffff;
	[tilespmem:v63+s19+$0x0] =	vst.idx.msk $0xffff, v8;
	v10 =	vor.u32 v22, v5  }
0x83f: {  	v18 =	vor.u32 v23, v3;
	v21 =	vor.u32 v23, v4;
	v23 =	vld [tilespmem:$0x1FF10];
	_ =	sdelay $0x2  }
0x840: {  	[tilespmem:v20+s19+$0x0] =	vst.idx.msk $0xffff, v19  }
0x841: {  	v11 =	vld.idx.msk [tilespmem:v17+s4+$0x0], $0xffff;
	v32 =	vor.u32 v22, v2;
	[tilespmem:v10+s19+$0x0] =	vst.idx.msk $0xffff, v9  }
0x842: {  	v17 =	vor.u32 v22, v0;
	v20 =	vor.u32 v22, v1;
	v8 =	vor.u32 v23, v7;
	v22 =	vld [tilespmem:$0x1FF20];
	_ =	sdelay $0x2  }
0x843: {  	v14 =	vld.idx.msk [tilespmem:v18+s4+$0x0], $0xffff  }
0x844: {  	v55 =	vmov v40;
	v19 =	vld.idx.msk [tilespmem:v21+s4+$0x0], $0xffff  }
0x845: {  	v40 =	vor.u32 v23, v6;
	v8 =	vld.idx.msk [tilespmem:v8+s4+$0x0], $0xffff;
	[tilespmem:v32+s19+$0x0] =	vst.idx.msk $0xffff, v11;
	v9 =	vor.u32 v22, v5  }
0x846: {  	v18 =	vor.u32 v23, v3;
	v21 =	vor.u32 v23, v4;
	v23 =	vld [tilespmem:$0x1FF30];
	_ =	sdelay $0x1  }
0x847: {  	[tilespmem:v17+s19+$0x0] =	vst.idx.msk $0xffff, v14  }
0x848: {  	[tilespmem:v20+s19+$0x0] =	vst.idx.msk $0xffff, v19  }
0x849: {  	v11 =	vld.idx.msk [tilespmem:v40+s4+$0x0], $0xffff;
	v43 =	vor.u32 v22, v2;
	[tilespmem:v9+s19+$0x0] =	vst.idx.msk $0xffff, v8  }
0x84a: {  	v17 =	vor.u32 v22, v0;
	v20 =	vor.u32 v22, v1;
	v10 =	vor.u32 v23, v7;
	v22 =	vld [tilespmem:$0x1FF40];
	_ =	sdelay $0x2  }
0x84b: {  	v14 =	vld.idx.msk [tilespmem:v18+s4+$0x0], $0xffff  }
0x84c: {  	v19 =	vld.idx.msk [tilespmem:v21+s4+$0x0], $0xffff  }
0x84d: {  	v44 =	vor.u32 v23, v6;
	v8 =	vld.idx.msk [tilespmem:v10+s4+$0x0], $0xffff;
	[tilespmem:v43+s19+$0x0] =	vst.idx.msk $0xffff, v11;
	v9 =	vor.u32 v22, v5  }
0x84e: {  	v18 =	vor.u32 v23, v3;
	v21 =	vor.u32 v23, v4;
	v23 =	vld [tilespmem:$0x1FF50];
	_ =	sdelay $0x1  }
0x84f: {  	[tilespmem:v17+s19+$0x0] =	vst.idx.msk $0xffff, v14  }
0x850: {  	[tilespmem:v20+s19+$0x0] =	vst.idx.msk $0xffff, v19  }
0x851: {  	v11 =	vld.idx.msk [tilespmem:v44+s4+$0x0], $0xffff;
	v46 =	vor.u32 v22, v2;
	[tilespmem:v9+s19+$0x0] =	vst.idx.msk $0xffff, v8  }
0x852: {  	v17 =	vor.u32 v22, v0;
	v20 =	vor.u32 v22, v1;
	v10 =	vor.u32 v23, v7;
	v22 =	vld [tilespmem:$0x1FF60];
	_ =	sdelay $0x2  }
0x853: {  	v14 =	vld.idx.msk [tilespmem:v18+s4+$0x0], $0xffff  }
0x854: {  	v19 =	vld.idx.msk [tilespmem:v21+s4+$0x0], $0xffff  }
0x855: {  	v47 =	vor.u32 v23, v6;
	v8 =	vld.idx.msk [tilespmem:v10+s4+$0x0], $0xffff;
	[tilespmem:v46+s19+$0x0] =	vst.idx.msk $0xffff, v11;
	v9 =	vor.u32 v22, v5  }
0x856: {  	v18 =	vor.u32 v23, v3;
	v21 =	vor.u32 v23, v4;
	v23 =	vld [tilespmem:$0x1FF70];
	_ =	sdelay $0x1  }
0x857: {  	[tilespmem:v17+s19+$0x0] =	vst.idx.msk $0xffff, v14  }
0x858: {  	[tilespmem:v20+s19+$0x0] =	vst.idx.msk $0xffff, v19  }
0x859: {  	v11 =	vld.idx.msk [tilespmem:v47+s4+$0x0], $0xffff;
	[tilespmem:v9+s19+$0x0] =	vst.idx.msk $0xffff, v8  }
0x85a: {  	v48 =	vor.u32 v22, v2;
	v10 =	vor.u32 v23, v7;
	v59 =	vld [tilespmem:$0x1FF80];
	_ =	sdelay $0x2  }
0x85b: {  	v14 =	vld.idx.msk [tilespmem:v18+s4+$0x0], $0xffff;
	v17 =	vor.u32 v22, v0  }
0x85c: {  	v19 =	vld.idx.msk [tilespmem:v21+s4+$0x0], $0xffff;
	v20 =	vor.u32 v22, v1  }
0x85d: {  	v49 =	vor.u32 v23, v6;
	v8 =	vld.idx.msk [tilespmem:v10+s4+$0x0], $0xffff;
	[tilespmem:v48+s19+$0x0] =	vst.idx.msk $0xffff, v11;
	v9 =	vor.u32 v59, v5  }
0x85e: {  	v18 =	vor.u32 v23, v3;
	v21 =	vor.u32 v23, v4;
	v23 =	vld [tilespmem:$0x1FF90];
	_ =	sdelay $0x1  }
0x85f: {  	[tilespmem:v17+s19+$0x0] =	vst.idx.msk $0xffff, v14  }
0x860: {  	[tilespmem:v20+s19+$0x0] =	vst.idx.msk $0xffff, v19  }
0x861: {  	v10 =	vld.idx.msk [tilespmem:v49+s4+$0x0], $0xffff;
	[tilespmem:v9+s19+$0x0] =	vst.idx.msk $0xffff, v8  }
0x862: {  	v11 =	vor.u32 v59, v2;
	v50 =	vor.u32 v23, v7;
	v8 =	vld [tilespmem:$0x1FFA0]  }
0x863: {  	v52 =	vld.idx.msk [tilespmem:v18+s4+$0x0], $0xffff;
	v53 =	vor.u32 v59, v0;
	v51 =	vor.u32 v23, v6  }
0x864: {  	v58 =	vld.idx.msk [tilespmem:v21+s4+$0x0], $0xffff;
	v17 =	vor.u32 v59, v1;
	v54 =	vor.u32 v23, v3  }
0x865: {  	v59 =	vor.u32 v23, v4;
	_ =	sdelay $0x1  }
0x866: {  	v7 =	vld.idx.msk [tilespmem:v50+s4+$0x0], $0xffff;
	[tilespmem:v11+s19+$0x0] =	vst.idx.msk $0xffff, v10;
	v60 =	vor.u32 v8, v5  }
0x867: {  	[tilespmem:v53+s19+$0x0] =	vst.idx.msk $0xffff, v52;
	v6 =	vld.idx.msk [tilespmem:v51+s4+$0x0], $0xffff;
	v61 =	vor.u32 v8, v2  }
0x868: {  	[tilespmem:v17+s19+$0x0] =	vst.idx.msk $0xffff, v58;
	v3 =	vld.idx.msk [tilespmem:v54+s4+$0x0], $0xffff;
	v62 =	vor.u32 v8, v0  }
0x869: {  	v4 =	vld.idx.msk [tilespmem:v59+s4+$0x0], $0xffff;
	v63 =	vor.u32 v8, v1  }
0x86a: {  	[tilespmem:v16+s19+$0x0] =	vst.idx.msk $0xffff, v15  }
0x86b: {  	[tilespmem:v60+s19+$0x0] =	vst.idx.msk $0xffff, v7  }
0x86c: {  	[tilespmem:v61+s19+$0x0] =	vst.idx.msk $0xffff, v6  }
0x86d: {  	[tilespmem:v62+s19+$0x0] =	vst.idx.msk $0xffff, v3  }
0x86e: {  	[tilespmem:v63+s19+$0x0] =	vst.idx.msk $0xffff, v4  }
0x86f: {  	[hbm4b:s10+s4] =	stream.linear.scatter [tilespmem:s19], [sflag:$0x3], $0x2000, $0x38;
	[tilespmem:$0x8000] =	vst v63  }
0x870: {  	_ =	swait.ge [sflag:s23], $0x2000  }
0x871: {  	v29 =	vld [tilespmem:$0x1FCA0]  }
0x872: {  	v16 =	vmov v34;
	v34 =	vld [tilespmem:$0x1FCB0]  }
0x873: {  	v46 =	vld [tilespmem:$0x1FCC0]  }
0x874: {  	v10 =	vld [tilespmem:$0x1FCD0]  }
0x875: {  	v19 =	vld [tilespmem:$0x1FCE0]  }
0x876: {  	v50 =	vld [tilespmem:$0x1FCF0]  }
0x877: {  	v51 =	vld [tilespmem:$0x1FD00]  }
0x878: {  	v61 =	vld [tilespmem:$0x1FD10]  }
0x879: {  	v53 =	vld [tilespmem:$0x1FD20]  }
0x87a: {  	v54 =	vld [tilespmem:$0x1FD30]  }
0x87b: {  	v62 =	vld [tilespmem:$0x1FD40]  }
0x87c: {  	v63 =	vld [tilespmem:$0x1FD50]  }
0x87d: {  	v31 =	vld [tilespmem:$0x1FD60]  }
0x87e: {  	v43 =	vld [tilespmem:$0x1FD70]  }
0x87f: {  	v27 =	vld [tilespmem:$0x1FD80]  }
0x880: {  	v22 =	vld [tilespmem:$0x1FD90]  }
0x881: {  	v23 =	vld [tilespmem:$0x1FDA0]  }
0x882: {  	v26 =	vld [tilespmem:$0x1FDB0]  }
0x883: {  	v24 =	vld [tilespmem:$0x1FDC0]  }
0x884: {  	[sflag:s23] =	ssyncset.done $0x0;
	v21 =	vld [tilespmem:$0x1FDD0]  }
0x885: {  	v25 =	vmov v30;
	v30 =	vmov v42;
	v32 =	vmov v45;
	v20 =	vld [tilespmem:$0x1FDE0];
	[sflag:s23] =	ssyncadd.s32 $0xFFFFE000  }
.LBB2_16:
.Ltmp11:
0x886: {  	(pc) =	sbr.rel @p1 .LBB2_20-.Ltmp11, $1  }
0x887: {  	_ =	sdelay $0x3  }
0x888: {  	s3 =	simm.s32 $0x0  }
0x889: {  	v15 =	vadd.s32 s3, v37  }
0x88a: {  	s25 =	simm.s32 $0x2;
	v18 =	vand.u32 $0xF, v15  }
0x88b: {  	s26 =	simm.s32 $0x1;
	v48 =	vadd.s32 s25, v37;
	v40 =	vshll.u32 v18, $0x7  }
0x88c: {  	v58 =	vadd.s32 s26, v37;
	v17 =	vand.u32 $0xF, v48;
	v0 =	vor.u32 v37, v40  }
0x88d: {  	v42 =	vmov v16;
	[tilespmem:s17], [sflag:$0x2] =	stream.linear.gather [hbm4b:s0+s3], $0x2000, $0x38;
	v16 =	vand.u32 $0xF, v58;
	v14 =	vshll.u32 v17, $0x7;
	[tilespmem:$0x8000] =	vst v63  }
0x88e: {  	_ =	swait.ge [sflag:s20], $0x2000;
	v13 =	vshll.u32 v16, $0x7;
	v1 =	vor.u32 v37, v14  }
0x88f: {  	s26 =	simm.s32 $0x3;
	[sflag:s20] =	ssyncset.done $0x0;
	v2 =	vor.u32 v37, v13  }
0x890: {  	v45 =	vadd.s32 s26, v37;
	[sflag:s20] =	ssyncadd.s32 $0xFFFFE000  }
0x891: {  	v44 =	vand.u32 $0xF, v45;
	v3 =	vor.u32 v29, v18;
	v0 =	vld.idx.msk [tilespmem:v0+s17+$0x0], $0xffff  }
0x892: {  	v6 =	vshll.u32 v44, $0x7;
	v4 =	vor.u32 v34, v40  }
0x893: {  	v47 =	vmovc v34;
	v5 =	vor.u32 v37, v6;
	v34 =	vmov v6;
	v6 =	vor.u32 v29, v17;
	v1 =	vld.idx.msk [tilespmem:v1+s17+$0x0], $0xffff  }
0x894: {  	v7 =	vor.u32 v29, v16;
	v8 =	vor.u32 v47, v14;
	v2 =	vld.idx.msk [tilespmem:v2+s17+$0x0], $0xffff;
	_ =	sdelay $0x1  }
0x895: {  	[tilespmem:v3+s22+$0x0] =	vst.idx.msk $0xffff, v0  }
0x896: {  	v9 =	vor.u32 v47, v13;
	v3 =	vor.u32 v46, v18;
	v0 =	vld.idx.msk [tilespmem:v4+s17+$0x0], $0xffff  }
0x897: {  	[tilespmem:v6+s22+$0x0] =	vst.idx.msk $0xffff, v1;
	v1 =	vor.u32 v10, v40;
	v4 =	vld.idx.msk [tilespmem:v5+s17+$0x0], $0xffff;
	v5 =	vor.u32 v29, v44  }
0x898: {  	v6 =	vor.u32 v47, v34;
	[tilespmem:v7+s22+$0x0] =	vst.idx.msk $0xffff, v2;
	v7 =	vor.u32 v46, v17;
	v2 =	vld.idx.msk [tilespmem:v8+s17+$0x0], $0xffff;
	_ =	sdelay $0x1  }
0x899: {  	v28 =	vmov v10  }
0x89a: {  	v10 =	vor.u32 v10, v14;
	v8 =	vor.u32 v46, v16;
	v9 =	vld.idx.msk [tilespmem:v9+s17+$0x0], $0xffff;
	[tilespmem:v3+s22+$0x0] =	vst.idx.msk $0xffff, v0  }
0x89b: {  	v11 =	vor.u32 v28, v13;
	[tilespmem:v5+s22+$0x0] =	vst.idx.msk $0xffff, v4;
	v0 =	vld.idx.msk [tilespmem:v1+s17+$0x0], $0xffff;
	v1 =	vor.u32 v19, v18  }
0x89c: {  	v4 =	vor.u32 v46, v44;
	[tilespmem:v7+s22+$0x0] =	vst.idx.msk $0xffff, v2;
	v2 =	vor.u32 v50, v40;
	v3 =	vld.idx.msk [tilespmem:v6+s17+$0x0], $0xffff  }
0x89d: {  	v5 =	vor.u32 v28, v34;
	_ =	sdelay $0x1  }
0x89e: {  	[tilespmem:v8+s22+$0x0] =	vst.idx.msk $0xffff, v9;
	v7 =	vor.u32 v19, v17;
	v6 =	vld.idx.msk [tilespmem:v10+s17+$0x0], $0xffff  }
0x89f: {  	v8 =	vor.u32 v19, v16;
	v9 =	vld.idx.msk [tilespmem:v11+s17+$0x0], $0xffff;
	v10 =	vor.u32 v50, v14;
	[tilespmem:v1+s22+$0x0] =	vst.idx.msk $0xffff, v0  }
0x8a0: {  	v11 =	vor.u32 v50, v13;
	[tilespmem:v4+s22+$0x0] =	vst.idx.msk $0xffff, v3;
	v1 =	vor.u32 v51, v18;
	v0 =	vld.idx.msk [tilespmem:v2+s17+$0x0], $0xffff  }
0x8a1: {  	v3 =	vor.u32 v19, v44;
	v4 =	vor.u32 v61, v40;
	v2 =	vld.idx.msk [tilespmem:v5+s17+$0x0], $0xffff  }
0x8a2: {  	v5 =	vor.u32 v50, v34  }
0x8a3: {  	[tilespmem:v7+s22+$0x0] =	vst.idx.msk $0xffff, v6  }
0x8a4: {  	[tilespmem:v8+s22+$0x0] =	vst.idx.msk $0xffff, v9;
	v7 =	vor.u32 v51, v17;
	v6 =	vld.idx.msk [tilespmem:v10+s17+$0x0], $0xffff  }
0x8a5: {  	v9 =	vor.u32 v51, v16;
	v8 =	vld.idx.msk [tilespmem:v11+s17+$0x0], $0xffff;
	v10 =	vor.u32 v61, v14;
	[tilespmem:v1+s22+$0x0] =	vst.idx.msk $0xffff, v0  }
0x8a6: {  	v11 =	vor.u32 v61, v13;
	[tilespmem:v3+s22+$0x0] =	vst.idx.msk $0xffff, v2;
	v1 =	vor.u32 v53, v18;
	v0 =	vld.idx.msk [tilespmem:v4+s17+$0x0], $0xffff  }
0x8a7: {  	v3 =	vor.u32 v51, v44;
	v2 =	vld.idx.msk [tilespmem:v5+s17+$0x0], $0xffff;
	v4 =	vor.u32 v54, v40  }
0x8a8: {  	v5 =	vor.u32 v61, v34  }
0x8a9: {  	[tilespmem:v7+s22+$0x0] =	vst.idx.msk $0xffff, v6  }
0x8aa: {  	[tilespmem:v9+s22+$0x0] =	vst.idx.msk $0xffff, v8;
	v7 =	vor.u32 v53, v17;
	v6 =	vld.idx.msk [tilespmem:v10+s17+$0x0], $0xffff  }
0x8ab: {  	v9 =	vor.u32 v53, v16;
	v8 =	vld.idx.msk [tilespmem:v11+s17+$0x0], $0xffff;
	v10 =	vor.u32 v54, v14;
	[tilespmem:v1+s22+$0x0] =	vst.idx.msk $0xffff, v0  }
0x8ac: {  	v11 =	vor.u32 v54, v13;
	[tilespmem:v3+s22+$0x0] =	vst.idx.msk $0xffff, v2;
	v1 =	vor.u32 v62, v18;
	v0 =	vld.idx.msk [tilespmem:v4+s17+$0x0], $0xffff  }
0x8ad: {  	v3 =	vor.u32 v53, v44;
	v2 =	vld.idx.msk [tilespmem:v5+s17+$0x0], $0xffff;
	v4 =	vor.u32 v63, v40  }
0x8ae: {  	v5 =	vor.u32 v54, v34  }
0x8af: {  	[tilespmem:v7+s22+$0x0] =	vst.idx.msk $0xffff, v6  }
0x8b0: {  	[tilespmem:v9+s22+$0x0] =	vst.idx.msk $0xffff, v8;
	v7 =	vor.u32 v62, v17;
	v6 =	vld.idx.msk [tilespmem:v10+s17+$0x0], $0xffff  }
0x8b1: {  	v9 =	vor.u32 v62, v16;
	v8 =	vld.idx.msk [tilespmem:v11+s17+$0x0], $0xffff;
	v10 =	vor.u32 v63, v14;
	[tilespmem:v1+s22+$0x0] =	vst.idx.msk $0xffff, v0  }
0x8b2: {  	v11 =	vor.u32 v63, v13;
	[tilespmem:v3+s22+$0x0] =	vst.idx.msk $0xffff, v2;
	v1 =	vor.u32 v31, v18;
	v0 =	vld.idx.msk [tilespmem:v4+s17+$0x0], $0xffff  }
0x8b3: {  	v3 =	vor.u32 v62, v44;
	v2 =	vld.idx.msk [tilespmem:v5+s17+$0x0], $0xffff;
	v4 =	vor.u32 v43, v40  }
0x8b4: {  	v5 =	vor.u32 v63, v34  }
0x8b5: {  	[tilespmem:v7+s22+$0x0] =	vst.idx.msk $0xffff, v6  }
0x8b6: {  	[tilespmem:v9+s22+$0x0] =	vst.idx.msk $0xffff, v8;
	v7 =	vor.u32 v31, v17;
	v6 =	vld.idx.msk [tilespmem:v10+s17+$0x0], $0xffff  }
0x8b7: {  	v9 =	vor.u32 v31, v16;
	v8 =	vld.idx.msk [tilespmem:v11+s17+$0x0], $0xffff;
	v10 =	vor.u32 v43, v14;
	[tilespmem:v1+s22+$0x0] =	vst.idx.msk $0xffff, v0  }
0x8b8: {  	v11 =	vor.u32 v43, v13;
	[tilespmem:v3+s22+$0x0] =	vst.idx.msk $0xffff, v2;
	v1 =	vor.u32 v27, v18;
	v0 =	vld.idx.msk [tilespmem:v4+s17+$0x0], $0xffff  }
0x8b9: {  	v3 =	vor.u32 v31, v44;
	v2 =	vld.idx.msk [tilespmem:v5+s17+$0x0], $0xffff;
	v4 =	vor.u32 v22, v40  }
0x8ba: {  	v5 =	vor.u32 v43, v34  }
0x8bb: {  	[tilespmem:v7+s22+$0x0] =	vst.idx.msk $0xffff, v6  }
0x8bc: {  	[tilespmem:v9+s22+$0x0] =	vst.idx.msk $0xffff, v8;
	v7 =	vor.u32 v27, v17;
	v6 =	vld.idx.msk [tilespmem:v10+s17+$0x0], $0xffff  }
0x8bd: {  	v9 =	vor.u32 v27, v16;
	v8 =	vld.idx.msk [tilespmem:v11+s17+$0x0], $0xffff;
	v10 =	vor.u32 v22, v14;
	[tilespmem:v1+s22+$0x0] =	vst.idx.msk $0xffff, v0  }
0x8be: {  	v11 =	vor.u32 v22, v13;
	[tilespmem:v3+s22+$0x0] =	vst.idx.msk $0xffff, v2;
	v1 =	vor.u32 v23, v15;
	v0 =	vld.idx.msk [tilespmem:v4+s17+$0x0], $0xffff  }
0x8bf: {  	v3 =	vor.u32 v27, v44;
	v2 =	vld.idx.msk [tilespmem:v5+s17+$0x0], $0xffff;
	v4 =	vor.u32 v26, v40  }
0x8c0: {  	v5 =	vor.u32 v22, v34  }
0x8c1: {  	[tilespmem:v7+s22+$0x0] =	vst.idx.msk $0xffff, v6  }
0x8c2: {  	[tilespmem:v9+s22+$0x0] =	vst.idx.msk $0xffff, v8;
	v7 =	vor.u32 v23, v48;
	v6 =	vld.idx.msk [tilespmem:v10+s17+$0x0], $0xffff  }
0x8c3: {  	v9 =	vor.u32 v23, v58;
	v8 =	vld.idx.msk [tilespmem:v11+s17+$0x0], $0xffff;
	v10 =	vor.u32 v26, v14;
	[tilespmem:v1+s22+$0x0] =	vst.idx.msk $0xffff, v0  }
0x8c4: {  	v11 =	vor.u32 v26, v13;
	[tilespmem:v3+s22+$0x0] =	vst.idx.msk $0xffff, v2;
	v1 =	vor.u32 v24, v15;
	v0 =	vld.idx.msk [tilespmem:v4+s17+$0x0], $0xffff  }
0x8c5: {  	v3 =	vor.u32 v23, v45;
	v2 =	vld.idx.msk [tilespmem:v5+s17+$0x0], $0xffff;
	v4 =	vor.u32 v21, v40  }
0x8c6: {  	v5 =	vor.u32 v26, v34  }
0x8c7: {  	[tilespmem:v7+s22+$0x0] =	vst.idx.msk $0xffff, v6  }
0x8c8: {  	[tilespmem:v9+s22+$0x0] =	vst.idx.msk $0xffff, v8;
	v7 =	vor.u32 v24, v48;
	v6 =	vld.idx.msk [tilespmem:v10+s17+$0x0], $0xffff  }
0x8c9: {  	v9 =	vor.u32 v24, v58;
	v8 =	vld.idx.msk [tilespmem:v11+s17+$0x0], $0xffff;
	v10 =	vor.u32 v21, v14;
	[tilespmem:v1+s22+$0x0] =	vst.idx.msk $0xffff, v0  }
0x8ca: {  	v11 =	vor.u32 v21, v13;
	[tilespmem:v3+s22+$0x0] =	vst.idx.msk $0xffff, v2;
	v1 =	vor.u32 v20, v15;
	v0 =	vld.idx.msk [tilespmem:v4+s17+$0x0], $0xffff  }
0x8cb: {  	v3 =	vor.u32 v24, v45;
	v2 =	vld.idx.msk [tilespmem:v5+s17+$0x0], $0xffff;
	v4 =	vor.u32 v39, v40  }
0x8cc: {  	v5 =	vor.u32 v21, v34  }
0x8cd: {  	[tilespmem:v7+s22+$0x0] =	vst.idx.msk $0xffff, v6  }
0x8ce: {  	[tilespmem:v9+s22+$0x0] =	vst.idx.msk $0xffff, v8;
	v7 =	vor.u32 v20, v48;
	v6 =	vld.idx.msk [tilespmem:v10+s17+$0x0], $0xffff  }
0x8cf: {  	v9 =	vor.u32 v20, v58;
	v8 =	vld.idx.msk [tilespmem:v11+s17+$0x0], $0xffff;
	v10 =	vor.u32 v39, v14;
	[tilespmem:v1+s22+$0x0] =	vst.idx.msk $0xffff, v0  }
0x8d0: {  	v11 =	vor.u32 v39, v13;
	[tilespmem:v3+s22+$0x0] =	vst.idx.msk $0xffff, v2;
	v1 =	vor.u32 v55, v15;
	v0 =	vld.idx.msk [tilespmem:v4+s17+$0x0], $0xffff  }
0x8d1: {  	v3 =	vor.u32 v20, v45;
	v2 =	vld.idx.msk [tilespmem:v5+s17+$0x0], $0xffff;
	v4 =	vor.u32 v38, v40  }
0x8d2: {  	v5 =	vor.u32 v39, v34  }
0x8d3: {  	[tilespmem:v7+s22+$0x0] =	vst.idx.msk $0xffff, v6  }
0x8d4: {  	[tilespmem:v9+s22+$0x0] =	vst.idx.msk $0xffff, v8;
	v7 =	vor.u32 v55, v48;
	v6 =	vld.idx.msk [tilespmem:v10+s17+$0x0], $0xffff  }
0x8d5: {  	v9 =	vor.u32 v55, v58;
	v8 =	vld.idx.msk [tilespmem:v11+s17+$0x0], $0xffff;
	v10 =	vor.u32 v38, v14;
	[tilespmem:v1+s22+$0x0] =	vst.idx.msk $0xffff, v0  }
0x8d6: {  	v11 =	vor.u32 v38, v13;
	[tilespmem:v3+s22+$0x0] =	vst.idx.msk $0xffff, v2;
	v1 =	vor.u32 v41, v15;
	v0 =	vld.idx.msk [tilespmem:v4+s17+$0x0], $0xffff  }
0x8d7: {  	v3 =	vor.u32 v55, v45;
	v2 =	vld.idx.msk [tilespmem:v5+s17+$0x0], $0xffff;
	v4 =	vor.u32 v32, v40  }
0x8d8: {  	v5 =	vor.u32 v38, v34  }
0x8d9: {  	[tilespmem:v7+s22+$0x0] =	vst.idx.msk $0xffff, v6  }
0x8da: {  	[tilespmem:v9+s22+$0x0] =	vst.idx.msk $0xffff, v8;
	v7 =	vor.u32 v41, v48;
	v6 =	vld.idx.msk [tilespmem:v10+s17+$0x0], $0xffff  }
0x8db: {  	v9 =	vor.u32 v41, v58;
	v8 =	vld.idx.msk [tilespmem:v11+s17+$0x0], $0xffff;
	[tilespmem:v1+s22+$0x0] =	vst.idx.msk $0xffff, v0  }
0x8dc: {  	v10 =	vor.u32 v32, v14;
	[tilespmem:v3+s22+$0x0] =	vst.idx.msk $0xffff, v2;
	v1 =	vor.u32 v36, v15;
	v0 =	vld.idx.msk [tilespmem:v4+s17+$0x0], $0xffff  }
0x8dd: {  	v11 =	vor.u32 v32, v13;
	v3 =	vor.u32 v41, v45;
	v2 =	vld.idx.msk [tilespmem:v5+s17+$0x0], $0xffff  }
0x8de: {  	v4 =	vor.u32 v30, v40  }
0x8df: {  	[tilespmem:v7+s22+$0x0] =	vst.idx.msk $0xffff, v6;
	v5 =	vor.u32 v32, v34  }
0x8e0: {  	[tilespmem:v9+s22+$0x0] =	vst.idx.msk $0xffff, v8  }
0x8e1: {  	v7 =	vor.u32 v36, v48;
	v6 =	vld.idx.msk [tilespmem:v10+s17+$0x0], $0xffff;
	[tilespmem:v1+s22+$0x0] =	vst.idx.msk $0xffff, v0  }
0x8e2: {  	v9 =	vor.u32 v36, v58;
	v8 =	vld.idx.msk [tilespmem:v11+s17+$0x0], $0xffff;
	[tilespmem:v3+s22+$0x0] =	vst.idx.msk $0xffff, v2  }
0x8e3: {  	v1 =	vor.u32 v33, v15;
	v0 =	vld.idx.msk [tilespmem:v4+s17+$0x0], $0xffff;
	[tilespmem:$0x1FBB0] =	vst v15  }
0x8e4: {  	v10 =	vor.u32 v30, v14;
	v3 =	vor.u32 v36, v45;
	v2 =	vld.idx.msk [tilespmem:v5+s17+$0x0], $0xffff;
	_ =	sdelay $0x1  }
0x8e5: {  	[tilespmem:v7+s22+$0x0] =	vst.idx.msk $0xffff, v6  }
0x8e6: {  	v11 =	vor.u32 v30, v13;
	[tilespmem:v9+s22+$0x0] =	vst.idx.msk $0xffff, v8  }
0x8e7: {  	v4 =	vor.u32 v35, v40;
	[tilespmem:v1+s22+$0x0] =	vst.idx.msk $0xffff, v0  }
0x8e8: {  	v5 =	vor.u32 v30, v34;
	v6 =	vld.idx.msk [tilespmem:v10+s17+$0x0], $0xffff;
	[tilespmem:v3+s22+$0x0] =	vst.idx.msk $0xffff, v2  }
0x8e9: {  	v7 =	vor.u32 v33, v48;
	v55 =	vld [tilespmem:$0x1FC10];
	_ =	sdelay $0x1  }
0x8ea: {  	v8 =	vld.idx.msk [tilespmem:v11+s17+$0x0], $0xffff  }
0x8eb: {  	v9 =	vor.u32 v33, v58;
	v0 =	vld.idx.msk [tilespmem:v4+s17+$0x0], $0xffff  }
0x8ec: {  	v3 =	vor.u32 v33, v45;
	v2 =	vld.idx.msk [tilespmem:v5+s17+$0x0], $0xffff;
	[tilespmem:$0x1FBA0] =	vst v45  }
0x8ed: {  	v10 =	vor.u32 v35, v14;
	[tilespmem:v7+s22+$0x0] =	vst.idx.msk $0xffff, v6;
	v1 =	vor.u32 v55, v15  }
0x8ee: {  	v43 =	vld [tilespmem:$0x1FE80];
	_ =	sdelay $0x1  }
0x8ef: {  	v11 =	vor.u32 v35, v13;
	v59 =	vld [tilespmem:$0x1FC20];
	[tilespmem:v9+s22+$0x0] =	vst.idx.msk $0xffff, v8  }
0x8f0: {  	v5 =	vor.u32 v35, v34;
	[tilespmem:v3+s22+$0x0] =	vst.idx.msk $0xffff, v2  }
0x8f1: {  	v6 =	vld.idx.msk [tilespmem:v10+s17+$0x0], $0xffff;
	[tilespmem:v1+s22+$0x0] =	vst.idx.msk $0xffff, v0  }
0x8f2: {  	v7 =	vor.u32 v55, v48;
	v4 =	vor.u32 v43, v40;
	v15 =	vld [tilespmem:$0x1FE90];
	_ =	sdelay $0x1  }
0x8f3: {  	v8 =	vld.idx.msk [tilespmem:v11+s17+$0x0], $0xffff  }
0x8f4: {  	v9 =	vor.u32 v55, v58;
	v2 =	vld.idx.msk [tilespmem:v5+s17+$0x0], $0xffff  }
0x8f5: {  	v3 =	vor.u32 v55, v45;
	v29 =	vld [tilespmem:$0x1FC30]  }
0x8f6: {  	[tilespmem:v7+s22+$0x0] =	vst.idx.msk $0xffff, v6;
	v0 =	vld.idx.msk [tilespmem:v4+s17+$0x0], $0xffff;
	v1 =	vor.u32 v15, v18  }
0x8f7: {  	v12 =	vld [tilespmem:$0x1FEA0]  }
0x8f8: {  	v10 =	vor.u32 v43, v14  }
0x8f9: {  	[tilespmem:v9+s22+$0x0] =	vst.idx.msk $0xffff, v8  }
0x8fa: {  	v11 =	vor.u32 v43, v13;
	[tilespmem:v3+s22+$0x0] =	vst.idx.msk $0xffff, v2  }
0x8fb: {  	v5 =	vor.u32 v43, v34;
	[tilespmem:v1+s22+$0x0] =	vst.idx.msk $0xffff, v0  }
0x8fc: {  	v4 =	vor.u32 v12, v40;
	v49 =	vld [tilespmem:$0x1FEB0]  }
0x8fd: {  	v6 =	vld.idx.msk [tilespmem:v10+s17+$0x0], $0xffff;
	v7 =	vor.u32 v15, v17  }
0x8fe: {  	v10 =	vor.u32 v12, v14  }
0x8ff: {  	v8 =	vld.idx.msk [tilespmem:v11+s17+$0x0], $0xffff  }
0x900: {  	v2 =	vld.idx.msk [tilespmem:v5+s17+$0x0], $0xffff;
	v9 =	vor.u32 v15, v16  }
0x901: {  	v11 =	vor.u32 v12, v13;
	v0 =	vld.idx.msk [tilespmem:v4+s17+$0x0], $0xffff;
	v1 =	vor.u32 v49, v18  }
0x902: {  	v55 =	vmov v63;
	v3 =	vor.u32 v15, v44;
	v63 =	vld [tilespmem:$0x1FC40];
	[tilespmem:v7+s22+$0x0] =	vst.idx.msk $0xffff, v6;
	v4 =	vor.u32 v25, v40  }
0x903: {  	v5 =	vor.u32 v12, v34;
	v6 =	vld.idx.msk [tilespmem:v10+s17+$0x0], $0xffff;
	v7 =	vor.u32 v49, v17;
	_ =	sdelay $0x1  }
0x904: {  	[tilespmem:v9+s22+$0x0] =	vst.idx.msk $0xffff, v8  }
0x905: {  	v8 =	vld.idx.msk [tilespmem:v11+s17+$0x0], $0xffff;
	v10 =	vor.u32 v25, v14;
	v9 =	vor.u32 v49, v16;
	[tilespmem:v1+s22+$0x0] =	vst.idx.msk $0xffff, v0  }
0x906: {  	[tilespmem:v3+s22+$0x0] =	vst.idx.msk $0xffff, v2;
	v11 =	vor.u32 v25, v13;
	v3 =	vld.idx.msk [tilespmem:v4+s17+$0x0], $0xffff;
	v4 =	vor.u32 v59, v18  }
0x907: {  	v20 =	vld.idx.msk [tilespmem:v5+s17+$0x0], $0xffff;
	v21 =	vor.u32 v49, v44;
	[tilespmem:v7+s22+$0x0] =	vst.idx.msk $0xffff, v6;
	v6 =	vor.u32 v29, v40;
	_ =	sdelay $0x2  }
0x908: {  	[tilespmem:v9+s22+$0x0] =	vst.idx.msk $0xffff, v8;
	v8 =	vor.u32 v59, v17;
	v7 =	vld.idx.msk [tilespmem:v10+s17+$0x0], $0xffff  }
0x909: {  	v22 =	vor.u32 v59, v16;
	v23 =	vld.idx.msk [tilespmem:v11+s17+$0x0], $0xffff;
	[tilespmem:v4+s22+$0x0] =	vst.idx.msk $0xffff, v3  }
0x90a: {  	v30 =	vmov v31;
	v31 =	vmov v25;
	v25 =	vor.u32 v56, v18;
	[tilespmem:v21+s22+$0x0] =	vst.idx.msk $0xffff, v20;
	v20 =	vld.idx.msk [tilespmem:v6+s17+$0x0], $0xffff;
	_ =	sdelay $0x1  }
0x90b: {  	s28 =	simm.s32 $0x4;
	v27 =	vor.u32 v57, v40;
	v24 =	vor.u32 v29, v14  }
0x90c: {  	s31 =	simm.s32 $0x6;
	v41 =	vmovc v61;
	v12 =	vmov v19;
	v19 =	vor.u32 v29, v13;
	v0 =	vadd.s32 s28, v37;
	[tilespmem:v8+s22+$0x0] =	vst.idx.msk $0xffff, v7  }
0x90d: {  	s29 =	simm.s32 $0x5;
	v61 =	vmovc v26;
	v26 =	vor.u32 v31, v34;
	v5 =	vadd.s32 s31, v37;
	v9 =	vand.u32 $0xF, v0;
	[tilespmem:v22+s22+$0x0] =	vst.idx.msk $0xffff, v23  }
0x90e: {  	v2 =	vadd.s32 s29, v37;
	v11 =	vand.u32 $0xF, v5;
	v3 =	vshll.u32 v9, $0x7;
	[tilespmem:v25+s22+$0x0] =	vst.idx.msk $0xffff, v20  }
0x90f: {  	v10 =	vand.u32 $0xF, v2;
	v7 =	vshll.u32 v11, $0x7;
	v21 =	vor.u32 v37, v3;
	v60 =	vld [tilespmem:$0x1FCA0]  }
0x910: {  	v6 =	vshll.u32 v10, $0x7;
	v22 =	vld.idx.msk [tilespmem:v24+s17+$0x0], $0xffff;
	v23 =	vor.u32 v37, v7;
	v24 =	vor.u32 v56, v17  }
0x911: {  	s30 =	simm.s32 $0x7;
	v15 =	vmovc v51;
	v51 =	vmov v29;
	v29 =	vor.u32 v56, v16;
	v19 =	vld.idx.msk [tilespmem:v19+s17+$0x0], $0xffff;
	v28 =	vor.u32 v37, v6  }
0x912: {  	v52 =	vmovc v53;
	v53 =	vmov v54;
	v31 =	vor.u32 v59, v44;
	v1 =	vadd.s32 s30, v37;
	v26 =	vld.idx.msk [tilespmem:v26+s17+$0x0], $0xffff  }
0x913: {  	v45 =	vmovc v30;
	v30 =	vor.u32 v57, v14;
	v8 =	vand.u32 $0xF, v1;
	v25 =	vld.idx.msk [tilespmem:v27+s17+$0x0], $0xffff;
	v27 =	vor.u32 v42, v18  }
0x914: {  	v54 =	vmovc v62;
	v62 =	vor.u32 v57, v13;
	v4 =	vshll.u32 v8, $0x7;
	v21 =	vld.idx.msk [tilespmem:v21+s17+$0x0], $0xffff;
	v20 =	vor.u32 v60, v9  }
0x915: {  	v59 =	vor.u32 v37, v4;
	v23 =	vld.idx.msk [tilespmem:v23+s17+$0x0], $0xffff;
	[tilespmem:v24+s22+$0x0] =	vst.idx.msk $0xffff, v22;
	v24 =	vor.u32 v60, v11  }
0x916: {  	[tilespmem:v29+s22+$0x0] =	vst.idx.msk $0xffff, v19;
	v28 =	vld.idx.msk [tilespmem:v28+s17+$0x0], $0xffff;
	v19 =	vor.u32 v60, v10  }
0x917: {  	[tilespmem:v31+s22+$0x0] =	vst.idx.msk $0xffff, v26  }
0x918: {  	v31 =	vor.u32 v42, v17;
	v30 =	vld.idx.msk [tilespmem:v30+s17+$0x0], $0xffff;
	[tilespmem:v27+s22+$0x0] =	vst.idx.msk $0xffff, v25  }
0x919: {  	v22 =	vor.u32 v47, v3;
	v33 =	vld.idx.msk [tilespmem:v62+s17+$0x0], $0xffff;
	[tilespmem:v20+s22+$0x0] =	vst.idx.msk $0xffff, v21  }
0x91a: {  	v26 =	vor.u32 v47, v7;
	v49 =	vor.u32 v60, v8;
	v21 =	vld.idx.msk [tilespmem:v59+s17+$0x0], $0xffff;
	[tilespmem:v24+s22+$0x0] =	vst.idx.msk $0xffff, v23  }
0x91b: {  	v20 =	vor.u32 v47, v6;
	v23 =	vor.u32 v47, v4;
	v47 =	vld [tilespmem:$0x1FCC0];
	[tilespmem:v19+s22+$0x0] =	vst.idx.msk $0xffff, v28  }
0x91c: {  	v46 =	vmov v56;
	v29 =	vor.u32 v63, v40;
	v56 =	vld [tilespmem:$0x1FC70]  }
0x91d: {  	v62 =	vld [tilespmem:$0x1FC50];
	[tilespmem:v31+s22+$0x0] =	vst.idx.msk $0xffff, v30  }
0x91e: {  	v27 =	vor.u32 v42, v16;
	v59 =	vmov v42;
	v42 =	vld [tilespmem:$0x1FCD0]  }
0x91f: {  	v22 =	vld.idx.msk [tilespmem:v22+s17+$0x0], $0xffff;
	[tilespmem:v49+s22+$0x0] =	vst.idx.msk $0xffff, v21  }
0x920: {  	v25 =	vor.u32 v63, v14;
	v43 =	vld [tilespmem:$0x1FC60]  }
0x921: {  	v28 =	vld.idx.msk [tilespmem:v29+s17+$0x0], $0xffff;
	v24 =	vor.u32 v47, v9  }
0x922: {  	v29 =	vor.u32 v63, v13;
	v26 =	vld.idx.msk [tilespmem:v26+s17+$0x0], $0xffff;
	v19 =	vor.u32 v62, v18  }
0x923: {  	v20 =	vld.idx.msk [tilespmem:v20+s17+$0x0], $0xffff;
	v31 =	vor.u32 v47, v11;
	v30 =	vor.u32 v42, v3  }
0x924: {  	v21 =	vor.u32 v47, v10;
	v60 =	vld [tilespmem:$0x1FFB0];
	[tilespmem:v27+s22+$0x0] =	vst.idx.msk $0xffff, v33;
	v27 =	vor.u32 v42, v7  }
0x925: {  	v25 =	vld.idx.msk [tilespmem:v25+s17+$0x0], $0xffff;
	v33 =	vor.u32 v62, v17;
	v49 =	vor.u32 v43, v40  }
0x926: {  	v23 =	vld.idx.msk [tilespmem:v23+s17+$0x0], $0xffff;
	[tilespmem:v24+s22+$0x0] =	vst.idx.msk $0xffff, v22;
	v22 =	vor.u32 v42, v6;
	v24 =	vor.u32 v47, v8  }
0x927: {  	v29 =	vld.idx.msk [tilespmem:v29+s17+$0x0], $0xffff;
	[tilespmem:v19+s22+$0x0] =	vst.idx.msk $0xffff, v28;
	v28 =	vor.u32 v62, v16  }
0x928: {  	[tilespmem:v31+s22+$0x0] =	vst.idx.msk $0xffff, v26;
	v31 =	vor.u32 v12, v9;
	v19 =	vor.u32 v43, v14;
	v30 =	vld.idx.msk [tilespmem:v30+s17+$0x0], $0xffff  }
0x929: {  	v26 =	vor.u32 v42, v4;
	[tilespmem:v21+s22+$0x0] =	vst.idx.msk $0xffff, v20;
	v42 =	vor.u32 v12, v11;
	v27 =	vld.idx.msk [tilespmem:v27+s17+$0x0], $0xffff  }
0x92a: {  	v20 =	vor.u32 v56, v18;
	[tilespmem:v33+s22+$0x0] =	vst.idx.msk $0xffff, v25;
	v25 =	vor.u32 v50, v3;
	v21 =	vld.idx.msk [tilespmem:v49+s17+$0x0], $0xffff  }
0x92b: {  	v49 =	vor.u32 v43, v13;
	[tilespmem:v24+s22+$0x0] =	vst.idx.msk $0xffff, v23;
	v23 =	vor.u32 v12, v10;
	v22 =	vld.idx.msk [tilespmem:v22+s17+$0x0], $0xffff  }
0x92c: {  	[tilespmem:v28+s22+$0x0] =	vst.idx.msk $0xffff, v29  }
0x92d: {  	v24 =	vor.u32 v60, v40;
	v19 =	vld.idx.msk [tilespmem:v19+s17+$0x0], $0xffff;
	[tilespmem:v31+s22+$0x0] =	vst.idx.msk $0xffff, v30  }
0x92e: {  	v26 =	vld.idx.msk [tilespmem:v26+s17+$0x0], $0xffff;
	[tilespmem:v42+s22+$0x0] =	vst.idx.msk $0xffff, v27  }
0x92f: {  	v28 =	vor.u32 v50, v7;
	v25 =	vld.idx.msk [tilespmem:v25+s17+$0x0], $0xffff;
	[tilespmem:v20+s22+$0x0] =	vst.idx.msk $0xffff, v21  }
0x930: {  	v29 =	vor.u32 v56, v17;
	v30 =	vor.u32 v50, v6;
	v32 =	vld.idx.msk [tilespmem:v49+s17+$0x0], $0xffff;
	[tilespmem:v23+s22+$0x0] =	vst.idx.msk $0xffff, v22  }
0x931: {  	v31 =	vor.u32 v12, v8;
	v49 =	vld [tilespmem:$0x1FC80]  }
0x932: {  	v47 =	vor.u32 v15, v9;
	v22 =	vld.idx.msk [tilespmem:v24+s17+$0x0], $0xffff  }
0x933: {  	v27 =	vor.u32 v50, v4;
	v21 =	vor.u32 v56, v16;
	v12 =	vld [tilespmem:$0x1FC90]  }
0x934: {  	v24 =	vld.idx.msk [tilespmem:v28+s17+$0x0], $0xffff;
	v28 =	vor.u32 v15, v11  }
0x935: {  	v20 =	vor.u32 v60, v14;
	[tilespmem:v29+s22+$0x0] =	vst.idx.msk $0xffff, v19;
	v29 =	vld.idx.msk [tilespmem:v30+s17+$0x0], $0xffff;
	v30 =	vor.u32 v15, v10  }
0x936: {  	v19 =	vor.u32 v41, v3;
	[tilespmem:v31+s22+$0x0] =	vst.idx.msk $0xffff, v26;
	v18 =	vor.u32 v49, v18  }
0x937: {  	[tilespmem:v47+s22+$0x0] =	vst.idx.msk $0xffff, v25  }
0x938: {  	v27 =	vld.idx.msk [tilespmem:v27+s17+$0x0], $0xffff;
	[tilespmem:v21+s22+$0x0] =	vst.idx.msk $0xffff, v32  }
0x939: {  	v25 =	vor.u32 v41, v6;
	v32 =	vld [tilespmem:$0x1FE60];
	[tilespmem:v28+s22+$0x0] =	vst.idx.msk $0xffff, v24  }
0x93a: {  	v23 =	vor.u32 v60, v13;
	v20 =	vld.idx.msk [tilespmem:v20+s17+$0x0], $0xffff;
	[tilespmem:v30+s22+$0x0] =	vst.idx.msk $0xffff, v29  }
0x93b: {  	v19 =	vld.idx.msk [tilespmem:v19+s17+$0x0], $0xffff;
	[tilespmem:v18+s22+$0x0] =	vst.idx.msk $0xffff, v22  }
0x93c: {  	v21 =	vor.u32 v41, v7;
	v17 =	vor.u32 v49, v17;
	v50 =	vld [tilespmem:$0x1FEC0]  }
0x93d: {  	v31 =	vor.u32 v15, v8;
	v26 =	vor.u32 v12, v40;
	v15 =	vld [tilespmem:$0x1FBB0]  }
0x93e: {  	v24 =	vor.u32 v52, v9;
	v25 =	vld.idx.msk [tilespmem:v25+s17+$0x0], $0xffff  }
0x93f: {  	v30 =	vor.u32 v52, v10;
	v18 =	vld.idx.msk [tilespmem:v23+s17+$0x0], $0xffff  }
0x940: {  	v16 =	vor.u32 v49, v16;
	v33 =	vld [tilespmem:$0x1FED0]  }
0x941: {  	[tilespmem:v17+s22+$0x0] =	vst.idx.msk $0xffff, v20;
	v20 =	vld.idx.msk [tilespmem:v21+s17+$0x0], $0xffff;
	v21 =	vor.u32 v52, v11  }
0x942: {  	v26 =	vld.idx.msk [tilespmem:v26+s17+$0x0], $0xffff;
	[tilespmem:v31+s22+$0x0] =	vst.idx.msk $0xffff, v27;
	v29 =	vor.u32 v50, v15  }
0x943: {  	[tilespmem:v24+s22+$0x0] =	vst.idx.msk $0xffff, v19  }
0x944: {  	v22 =	vor.u32 v12, v14;
	[tilespmem:v30+s22+$0x0] =	vst.idx.msk $0xffff, v25  }
0x945: {  	v23 =	vor.u32 v41, v4;
	[tilespmem:v16+s22+$0x0] =	vst.idx.msk $0xffff, v18  }
0x946: {  	v28 =	vor.u32 v12, v13;
	[tilespmem:v21+s22+$0x0] =	vst.idx.msk $0xffff, v20  }
0x947: {  	v17 =	vor.u32 v53, v3;
	[tilespmem:v29+s22+$0x0] =	vst.idx.msk $0xffff, v26  }
0x948: {  	v27 =	vor.u32 v33, v40;
	v31 =	vld [tilespmem:$0x1FEE0]  }
0x949: {  	v16 =	vor.u32 v53, v7;
	v18 =	vld.idx.msk [tilespmem:v22+s17+$0x0], $0xffff;
	v22 =	vor.u32 v50, v48  }
0x94a: {  	v19 =	vor.u32 v53, v6;
	v24 =	vor.u32 v52, v8;
	v23 =	vld.idx.msk [tilespmem:v23+s17+$0x0], $0xffff  }
0x94b: {  	v28 =	vld.idx.msk [tilespmem:v28+s17+$0x0], $0xffff;
	v26 =	vor.u32 v33, v14;
	v29 =	vor.u32 v50, v58  }
0x94c: {  	v25 =	vor.u32 v51, v34;
	v17 =	vld.idx.msk [tilespmem:v17+s17+$0x0], $0xffff;
	v21 =	vor.u32 v54, v9  }
0x94d: {  	v20 =	vor.u32 v53, v4;
	v27 =	vld.idx.msk [tilespmem:v27+s17+$0x0], $0xffff;
	v30 =	vor.u32 v31, v15  }
0x94e: {  	v16 =	vld.idx.msk [tilespmem:v16+s17+$0x0], $0xffff;
	[tilespmem:v22+s22+$0x0] =	vst.idx.msk $0xffff, v18;
	v22 =	vor.u32 v54, v11  }
0x94f: {  	v19 =	vld.idx.msk [tilespmem:v19+s17+$0x0], $0xffff;
	v18 =	vor.u32 v55, v3;
	[tilespmem:v24+s22+$0x0] =	vst.idx.msk $0xffff, v23;
	v24 =	vor.u32 v54, v10  }
0x950: {  	v23 =	vor.u32 v33, v13;
	[tilespmem:v29+s22+$0x0] =	vst.idx.msk $0xffff, v28;
	v26 =	vld.idx.msk [tilespmem:v26+s17+$0x0], $0xffff;
	v29 =	vor.u32 v31, v48  }
0x951: {  	v25 =	vld.idx.msk [tilespmem:v25+s17+$0x0], $0xffff;
	[tilespmem:v21+s22+$0x0] =	vst.idx.msk $0xffff, v17  }
0x952: {  	v21 =	vor.u32 v54, v8;
	v20 =	vld.idx.msk [tilespmem:v20+s17+$0x0], $0xffff;
	v28 =	vor.u32 v55, v7;
	[tilespmem:v30+s22+$0x0] =	vst.idx.msk $0xffff, v27  }
0x953: {  	v30 =	vor.u32 v46, v44;
	v51 =	vld [tilespmem:$0x1FEF0];
	[tilespmem:v22+s22+$0x0] =	vst.idx.msk $0xffff, v16  }
0x954: {  	v18 =	vld.idx.msk [tilespmem:v18+s17+$0x0], $0xffff;
	[tilespmem:v24+s22+$0x0] =	vst.idx.msk $0xffff, v19  }
0x955: {  	v23 =	vld.idx.msk [tilespmem:v23+s17+$0x0], $0xffff;
	v22 =	vor.u32 v45, v9;
	[tilespmem:v29+s22+$0x0] =	vst.idx.msk $0xffff, v26  }
0x956: {  	v17 =	vor.u32 v55, v6;
	v19 =	vor.u32 v57, v34;
	v24 =	vor.u32 v31, v58;
	v57 =	vld [tilespmem:$0x1FD70]  }
0x957: {  	v29 =	vor.u32 v45, v11;
	v28 =	vld.idx.msk [tilespmem:v28+s17+$0x0], $0xffff;
	[tilespmem:v21+s22+$0x0] =	vst.idx.msk $0xffff, v20  }
0x958: {  	[tilespmem:v30+s22+$0x0] =	vst.idx.msk $0xffff, v25  }
0x959: {  	v27 =	vor.u32 v51, v14;
	v46 =	vld [tilespmem:$0x1FF00]  }
0x95a: {  	v16 =	vor.u32 v55, v4;
	[tilespmem:v22+s22+$0x0] =	vst.idx.msk $0xffff, v18  }
0x95b: {  	v17 =	vld.idx.msk [tilespmem:v17+s17+$0x0], $0xffff;
	[tilespmem:v24+s22+$0x0] =	vst.idx.msk $0xffff, v23  }
0x95c: {  	v20 =	vor.u32 v51, v13;
	v52 =	vld [tilespmem:$0x1FF10];
	[tilespmem:v29+s22+$0x0] =	vst.idx.msk $0xffff, v28  }
0x95d: {  	v21 =	vor.u32 v45, v10;
	v24 =	vor.u32 v59, v44;
	v26 =	vor.u32 v57, v3;
	v59 =	vld [tilespmem:$0x1FD80]  }
0x95e: {  	v25 =	vor.u32 v57, v7;
	v27 =	vld.idx.msk [tilespmem:v27+s17+$0x0], $0xffff;
	v30 =	vor.u32 v46, v48  }
0x95f: {  	v16 =	vld.idx.msk [tilespmem:v16+s17+$0x0], $0xffff;
	v22 =	vor.u32 v45, v8  }
0x960: {  	v19 =	vld.idx.msk [tilespmem:v19+s17+$0x0], $0xffff  }
0x961: {  	v20 =	vld.idx.msk [tilespmem:v20+s17+$0x0], $0xffff  }
0x962: {  	v18 =	vor.u32 v57, v6;
	[tilespmem:v21+s22+$0x0] =	vst.idx.msk $0xffff, v17;
	v26 =	vld.idx.msk [tilespmem:v26+s17+$0x0], $0xffff;
	v29 =	vor.u32 v59, v9  }
0x963: {  	v28 =	vor.u32 v57, v4;
	v21 =	vor.u32 v46, v58;
	v25 =	vld.idx.msk [tilespmem:v25+s17+$0x0], $0xffff;
	[tilespmem:v30+s22+$0x0] =	vst.idx.msk $0xffff, v27  }
0x964: {  	v30 =	vor.u32 v59, v11;
	v15 =	vld [tilespmem:$0x1FD90];
	[tilespmem:v22+s22+$0x0] =	vst.idx.msk $0xffff, v16  }
0x965: {  	[tilespmem:v24+s22+$0x0] =	vst.idx.msk $0xffff, v19  }
0x966: {  	v23 =	vor.u32 v52, v14;
	v45 =	vld [tilespmem:$0x1FF20]  }
0x967: {  	v17 =	vor.u32 v63, v34;
	v18 =	vld.idx.msk [tilespmem:v18+s17+$0x0], $0xffff;
	[tilespmem:v29+s22+$0x0] =	vst.idx.msk $0xffff, v26  }
0x968: {  	v16 =	vor.u32 v52, v13;
	v22 =	vor.u32 v59, v10;
	v28 =	vld.idx.msk [tilespmem:v28+s17+$0x0], $0xffff;
	[tilespmem:v21+s22+$0x0] =	vst.idx.msk $0xffff, v20  }
0x969: {  	v29 =	vor.u32 v59, v8;
	v47 =	vld [tilespmem:$0x1FF30];
	[tilespmem:v30+s22+$0x0] =	vst.idx.msk $0xffff, v25;
	v27 =	vor.u32 v15, v3  }
0x96a: {  	v19 =	vor.u32 v15, v7;
	v26 =	vor.u32 v15, v6;
	v25 =	vor.u32 v15, v4;
	v15 =	vld [tilespmem:$0x1FDA0]  }
0x96b: {  	v23 =	vld.idx.msk [tilespmem:v23+s17+$0x0], $0xffff;
	v24 =	vor.u32 v45, v48  }
0x96c: {  	v17 =	vld.idx.msk [tilespmem:v17+s17+$0x0], $0xffff;
	v21 =	vor.u32 v62, v44;
	_ =	sdelay $0x1  }
0x96d: {  	v16 =	vld.idx.msk [tilespmem:v16+s17+$0x0], $0xffff;
	[tilespmem:v22+s22+$0x0] =	vst.idx.msk $0xffff, v18;
	v22 =	vor.u32 v45, v58  }
0x96e: {  	[tilespmem:v29+s22+$0x0] =	vst.idx.msk $0xffff, v28;
	v27 =	vld.idx.msk [tilespmem:v27+s17+$0x0], $0xffff;
	v30 =	vor.u32 v15, v0  }
0x96f: {  	v19 =	vld.idx.msk [tilespmem:v19+s17+$0x0], $0xffff;
	[tilespmem:v24+s22+$0x0] =	vst.idx.msk $0xffff, v23;
	v24 =	vor.u32 v15, v5  }
0x970: {  	[tilespmem:v21+s22+$0x0] =	vst.idx.msk $0xffff, v17  }
0x971: {  	v20 =	vor.u32 v47, v14;
	v53 =	vld [tilespmem:$0x1FF40]  }
0x972: {  	[tilespmem:v22+s22+$0x0] =	vst.idx.msk $0xffff, v16  }
0x973: {  	v18 =	vor.u32 v43, v34;
	v26 =	vld.idx.msk [tilespmem:v26+s17+$0x0], $0xffff;
	[tilespmem:v30+s22+$0x0] =	vst.idx.msk $0xffff, v27  }
0x974: {  	v28 =	vor.u32 v47, v13;
	v29 =	vor.u32 v15, v2;
	v54 =	vld [tilespmem:$0x1FF50];
	[tilespmem:v24+s22+$0x0] =	vst.idx.msk $0xffff, v19  }
0x975: {  	v23 =	vor.u32 v61, v3;
	v30 =	vor.u32 v15, v1;
	v15 =	vld [tilespmem:$0x1FDC0]  }
0x976: {  	v20 =	vld.idx.msk [tilespmem:v20+s17+$0x0], $0xffff;
	v21 =	vor.u32 v53, v48  }
0x977: {  	v25 =	vld.idx.msk [tilespmem:v25+s17+$0x0], $0xffff  }
0x978: {  	v17 =	vor.u32 v61, v7;
	v18 =	vld.idx.msk [tilespmem:v18+s17+$0x0], $0xffff;
	v22 =	vor.u32 v56, v44  }
0x979: {  	v28 =	vld.idx.msk [tilespmem:v28+s17+$0x0], $0xffff;
	[tilespmem:v29+s22+$0x0] =	vst.idx.msk $0xffff, v26;
	v29 =	vor.u32 v53, v58  }
0x97a: {  	v27 =	vor.u32 v61, v6;
	v23 =	vld.idx.msk [tilespmem:v23+s17+$0x0], $0xffff;
	v24 =	vor.u32 v15, v0  }
0x97b: {  	[tilespmem:v21+s22+$0x0] =	vst.idx.msk $0xffff, v20  }
0x97c: {  	v63 =	vld [tilespmem:$0x1FDD0];
	[tilespmem:v30+s22+$0x0] =	vst.idx.msk $0xffff, v25  }
0x97d: {  	v17 =	vld.idx.msk [tilespmem:v17+s17+$0x0], $0xffff;
	v21 =	vor.u32 v15, v5;
	[tilespmem:v22+s22+$0x0] =	vst.idx.msk $0xffff, v18  }
0x97e: {  	v41 =	vld [tilespmem:$0x1FF60];
	[tilespmem:v29+s22+$0x0] =	vst.idx.msk $0xffff, v28  }
0x97f: {  	v19 =	vor.u32 v61, v4;
	v27 =	vld.idx.msk [tilespmem:v27+s17+$0x0], $0xffff;
	[tilespmem:v24+s22+$0x0] =	vst.idx.msk $0xffff, v23  }
0x980: {  	v26 =	vor.u32 v60, v34;
	v55 =	vld [tilespmem:$0x1FE30]  }
0x981: {  	v16 =	vor.u32 v54, v14;
	v57 =	vld [tilespmem:$0x1FE50]  }
0x982: {  	v25 =	vor.u32 v54, v13;
	v59 =	vld [tilespmem:$0x1FF70];
	[tilespmem:v21+s22+$0x0] =	vst.idx.msk $0xffff, v17  }
0x983: {  	v30 =	vor.u32 v15, v2;
	v20 =	vor.u32 v63, v3;
	v60 =	vld [tilespmem:$0x1FDE0]  }
0x984: {  	v19 =	vld.idx.msk [tilespmem:v19+s17+$0x0], $0xffff;
	v24 =	vor.u32 v15, v1  }
0x985: {  	v26 =	vld.idx.msk [tilespmem:v26+s17+$0x0], $0xffff;
	v15 =	vor.u32 v49, v44  }
0x986: {  	v16 =	vld.idx.msk [tilespmem:v16+s17+$0x0], $0xffff;
	v18 =	vor.u32 v63, v7;
	v22 =	vor.u32 v41, v48  }
0x987: {  	v25 =	vld.idx.msk [tilespmem:v25+s17+$0x0], $0xffff;
	v29 =	vor.u32 v41, v58  }
0x988: {  	v23 =	vor.u32 v63, v6;
	[tilespmem:v30+s22+$0x0] =	vst.idx.msk $0xffff, v27;
	v20 =	vld.idx.msk [tilespmem:v20+s17+$0x0], $0xffff;
	v21 =	vor.u32 v60, v0  }
0x989: {  	[tilespmem:v24+s22+$0x0] =	vst.idx.msk $0xffff, v19  }
0x98a: {  	v17 =	vor.u32 v63, v4;
	[tilespmem:v15+s22+$0x0] =	vst.idx.msk $0xffff, v26  }
0x98b: {  	v18 =	vld.idx.msk [tilespmem:v18+s17+$0x0], $0xffff;
	[tilespmem:v22+s22+$0x0] =	vst.idx.msk $0xffff, v16;
	v22 =	vor.u32 v60, v5  }
0x98c: {  	v30 =	vld [tilespmem:$0x1FF80];
	[tilespmem:v29+s22+$0x0] =	vst.idx.msk $0xffff, v25  }
0x98d: {  	v28 =	vor.u32 v59, v14;
	v23 =	vld.idx.msk [tilespmem:v23+s17+$0x0], $0xffff;
	[tilespmem:v21+s22+$0x0] =	vst.idx.msk $0xffff, v20  }
0x98e: {  	v27 =	vor.u32 v12, v34;
	v61 =	vld [tilespmem:$0x1FBA0]  }
0x98f: {  	v17 =	vld.idx.msk [tilespmem:v17+s17+$0x0], $0xffff  }
0x990: {  	v24 =	vor.u32 v60, v2;
	v12 =	vld [tilespmem:$0x1FF90];
	[tilespmem:v22+s22+$0x0] =	vst.idx.msk $0xffff, v18  }
0x991: {  	v16 =	vor.u32 v39, v3;
	v21 =	vor.u32 v60, v1;
	v29 =	vld [tilespmem:$0x1FE00]  }
0x992: {  	v19 =	vor.u32 v59, v13;
	v26 =	vld.idx.msk [tilespmem:v28+s17+$0x0], $0xffff;
	v28 =	vor.u32 v30, v48  }
0x993: {  	v15 =	vor.u32 v39, v7;
	v25 =	vld.idx.msk [tilespmem:v27+s17+$0x0], $0xffff;
	v27 =	vor.u32 v50, v61;
	_ =	sdelay $0x1  }
0x994: {  	v20 =	vor.u32 v39, v6;
	[tilespmem:v24+s22+$0x0] =	vst.idx.msk $0xffff, v23  }
0x995: {  	v16 =	vld.idx.msk [tilespmem:v16+s17+$0x0], $0xffff;
	v18 =	vor.u32 v39, v4;
	[tilespmem:v21+s22+$0x0] =	vst.idx.msk $0xffff, v17;
	v22 =	vor.u32 v29, v0  }
0x996: {  	v19 =	vld.idx.msk [tilespmem:v19+s17+$0x0], $0xffff;
	v24 =	vor.u32 v30, v58;
	v14 =	vor.u32 v12, v14;
	[tilespmem:v28+s22+$0x0] =	vst.idx.msk $0xffff, v26  }
0x997: {  	v23 =	vor.u32 v33, v34;
	v15 =	vld.idx.msk [tilespmem:v15+s17+$0x0], $0xffff;
	v28 =	vor.u32 v29, v5;
	[tilespmem:v27+s22+$0x0] =	vst.idx.msk $0xffff, v25  }
0x998: {  	v27 =	vld [tilespmem:$0x1FFA0]  }
0x999: {  	v17 =	vld.idx.msk [tilespmem:v20+s17+$0x0], $0xffff  }
0x99a: {  	v18 =	vld.idx.msk [tilespmem:v18+s17+$0x0], $0xffff;
	v20 =	vor.u32 v29, v2;
	[tilespmem:v22+s22+$0x0] =	vst.idx.msk $0xffff, v16  }
0x99b: {  	v14 =	vld.idx.msk [tilespmem:v14+s17+$0x0], $0xffff;
	v22 =	vor.u32 v29, v1;
	[tilespmem:v24+s22+$0x0] =	vst.idx.msk $0xffff, v19  }
0x99c: {  	v62 =	vmov v30;
	v23 =	vld.idx.msk [tilespmem:v23+s17+$0x0], $0xffff;
	v24 =	vor.u32 v31, v61;
	[tilespmem:v28+s22+$0x0] =	vst.idx.msk $0xffff, v15  }
0x99d: {  	v26 =	vor.u32 v38, v3;
	v13 =	vor.u32 v12, v13;
	v63 =	vmovc v12;
	v30 =	vld [tilespmem:$0x1FE20];
	v12 =	vor.u32 v27, v48;
	_ =	sdelay $0x1  }
0x99e: {  	[tilespmem:v20+s22+$0x0] =	vst.idx.msk $0xffff, v17  }
0x99f: {  	v21 =	vor.u32 v38, v7;
	[tilespmem:v22+s22+$0x0] =	vst.idx.msk $0xffff, v18  }
0x9a0: {  	v16 =	vor.u32 v38, v6;
	[tilespmem:v24+s22+$0x0] =	vst.idx.msk $0xffff, v23  }
0x9a1: {  	v15 =	vor.u32 v38, v4;
	v25 =	vld.idx.msk [tilespmem:v26+s17+$0x0], $0xffff;
	v26 =	vor.u32 v30, v0;
	[tilespmem:v12+s22+$0x0] =	vst.idx.msk $0xffff, v14  }
0x9a2: {  	v19 =	vor.u32 v51, v40;
	v28 =	vld [tilespmem:$0x1FBB0]  }
0x9a3: {  	v13 =	vld.idx.msk [tilespmem:v13+s17+$0x0], $0xffff;
	v17 =	vor.u32 v51, v34;
	v20 =	vor.u32 v27, v58  }
0x9a4: {  	v12 =	vor.u32 v55, v3;
	v14 =	vld.idx.msk [tilespmem:v21+s17+$0x0], $0xffff;
	v21 =	vor.u32 v30, v5  }
0x9a5: {  	v16 =	vld.idx.msk [tilespmem:v16+s17+$0x0], $0xffff;
	v22 =	vor.u32 v55, v7;
	v18 =	vor.u32 v30, v2  }
0x9a6: {  	v15 =	vld.idx.msk [tilespmem:v15+s17+$0x0], $0xffff;
	[tilespmem:v26+s22+$0x0] =	vst.idx.msk $0xffff, v25;
	v25 =	vor.u32 v30, v1  }
0x9a7: {  	v19 =	vld.idx.msk [tilespmem:v19+s17+$0x0], $0xffff;
	v23 =	vor.u32 v55, v6;
	v24 =	vor.u32 v46, v28  }
0x9a8: {  	v17 =	vld.idx.msk [tilespmem:v17+s17+$0x0], $0xffff;
	[tilespmem:v20+s22+$0x0] =	vst.idx.msk $0xffff, v13;
	v13 =	vor.u32 v55, v4;
	v20 =	vor.u32 v46, v61  }
0x9a9: {  	v12 =	vld.idx.msk [tilespmem:v12+s17+$0x0], $0xffff;
	[tilespmem:v21+s22+$0x0] =	vst.idx.msk $0xffff, v14;
	v14 =	vor.u32 v36, v0;
	v21 =	vor.u32 v52, v34  }
0x9aa: {  	[tilespmem:v18+s22+$0x0] =	vst.idx.msk $0xffff, v16;
	v16 =	vor.u32 v57, v3;
	v18 =	vld.idx.msk [tilespmem:v22+s17+$0x0], $0xffff;
	v22 =	vor.u32 v36, v5  }
0x9ab: {  	v26 =	vor.u32 v52, v40;
	[tilespmem:v25+s22+$0x0] =	vst.idx.msk $0xffff, v15  }
0x9ac: {  	v23 =	vld.idx.msk [tilespmem:v23+s17+$0x0], $0xffff;
	[tilespmem:v24+s22+$0x0] =	vst.idx.msk $0xffff, v19;
	v19 =	vor.u32 v36, v2;
	v24 =	vor.u32 v57, v7  }
0x9ad: {  	[tilespmem:v20+s22+$0x0] =	vst.idx.msk $0xffff, v17;
	v17 =	vor.u32 v36, v1;
	v13 =	vld.idx.msk [tilespmem:v13+s17+$0x0], $0xffff  }
0x9ae: {  	[tilespmem:v14+s22+$0x0] =	vst.idx.msk $0xffff, v12;
	v12 =	vld.idx.msk [tilespmem:v21+s17+$0x0], $0xffff;
	v21 =	vor.u32 v45, v61  }
0x9af: {  	v16 =	vld.idx.msk [tilespmem:v16+s17+$0x0], $0xffff;
	[tilespmem:v22+s22+$0x0] =	vst.idx.msk $0xffff, v18;
	v18 =	vor.u32 v32, v0  }
0x9b0: {  	v15 =	vld.idx.msk [tilespmem:v26+s17+$0x0], $0xffff;
	v26 =	vor.u32 v45, v28  }
0x9b1: {  	[tilespmem:v19+s22+$0x0] =	vst.idx.msk $0xffff, v23;
	v23 =	vld.idx.msk [tilespmem:v24+s17+$0x0], $0xffff;
	v24 =	vor.u32 v32, v5  }
0x9b2: {  	[tilespmem:v17+s22+$0x0] =	vst.idx.msk $0xffff, v13  }
0x9b3: {  	v25 =	vor.u32 v57, v6;
	[tilespmem:v21+s22+$0x0] =	vst.idx.msk $0xffff, v12  }
0x9b4: {  	v20 =	vor.u32 v47, v40;
	[tilespmem:v18+s22+$0x0] =	vst.idx.msk $0xffff, v16  }
0x9b5: {  	v14 =	vor.u32 v57, v4;
	[tilespmem:v26+s22+$0x0] =	vst.idx.msk $0xffff, v15  }
0x9b6: {  	v22 =	vor.u32 v47, v34;
	[tilespmem:v24+s22+$0x0] =	vst.idx.msk $0xffff, v23  }
0x9b7: {  	v19 =	vor.u32 v35, v3;
	v30 =	vld [tilespmem:$0x1FC10]  }
0x9b8: {  	v25 =	vld.idx.msk [tilespmem:v25+s17+$0x0], $0xffff;
	v15 =	vor.u32 v32, v2;
	v26 =	vor.u32 v35, v7  }
0x9b9: {  	v13 =	vld.idx.msk [tilespmem:v20+s17+$0x0], $0xffff;
	v20 =	vor.u32 v53, v28  }
0x9ba: {  	v14 =	vld.idx.msk [tilespmem:v14+s17+$0x0], $0xffff;
	v12 =	vor.u32 v32, v1  }
0x9bb: {  	v16 =	vld.idx.msk [tilespmem:v22+s17+$0x0], $0xffff;
	v22 =	vor.u32 v53, v61  }
0x9bc: {  	v19 =	vld.idx.msk [tilespmem:v19+s17+$0x0], $0xffff;
	v23 =	vor.u32 v30, v0  }
0x9bd: {  	[tilespmem:v15+s22+$0x0] =	vst.idx.msk $0xffff, v25;
	v25 =	vld.idx.msk [tilespmem:v26+s17+$0x0], $0xffff;
	v26 =	vor.u32 v30, v5  }
0x9be: {  	v31 =	vld [tilespmem:$0x1FE80];
	[tilespmem:v20+s22+$0x0] =	vst.idx.msk $0xffff, v13  }
0x9bf: {  	v17 =	vor.u32 v35, v6;
	[tilespmem:v12+s22+$0x0] =	vst.idx.msk $0xffff, v14  }
0x9c0: {  	v21 =	vor.u32 v54, v40;
	[tilespmem:v22+s22+$0x0] =	vst.idx.msk $0xffff, v16  }
0x9c1: {  	v18 =	vor.u32 v35, v4;
	[tilespmem:v23+s22+$0x0] =	vst.idx.msk $0xffff, v19  }
0x9c2: {  	v24 =	vor.u32 v54, v34;
	[tilespmem:v26+s22+$0x0] =	vst.idx.msk $0xffff, v25  }
0x9c3: {  	v13 =	vor.u32 v30, v2;
	v16 =	vor.u32 v30, v1;
	v15 =	vor.u32 v31, v3;
	v30 =	vld [tilespmem:$0x1FE90]  }
0x9c4: {  	v17 =	vld.idx.msk [tilespmem:v17+s17+$0x0], $0xffff;
	v20 =	vor.u32 v31, v7  }
0x9c5: {  	v12 =	vld.idx.msk [tilespmem:v21+s17+$0x0], $0xffff;
	v21 =	vor.u32 v41, v28  }
0x9c6: {  	v18 =	vld.idx.msk [tilespmem:v18+s17+$0x0], $0xffff  }
0x9c7: {  	v19 =	vld.idx.msk [tilespmem:v24+s17+$0x0], $0xffff;
	v24 =	vor.u32 v41, v61  }
0x9c8: {  	v14 =	vor.u32 v31, v6;
	v15 =	vld.idx.msk [tilespmem:v15+s17+$0x0], $0xffff;
	v25 =	vor.u32 v30, v9  }
0x9c9: {  	v23 =	vor.u32 v31, v4;
	[tilespmem:v13+s22+$0x0] =	vst.idx.msk $0xffff, v17;
	v17 =	vld.idx.msk [tilespmem:v20+s17+$0x0], $0xffff;
	v20 =	vor.u32 v30, v11  }
0x9ca: {  	v31 =	vld [tilespmem:$0x1FEA0];
	[tilespmem:v21+s22+$0x0] =	vst.idx.msk $0xffff, v12  }
0x9cb: {  	v22 =	vor.u32 v59, v40;
	[tilespmem:v16+s22+$0x0] =	vst.idx.msk $0xffff, v18  }
0x9cc: {  	[tilespmem:v24+s22+$0x0] =	vst.idx.msk $0xffff, v19  }
0x9cd: {  	v14 =	vld.idx.msk [tilespmem:v14+s17+$0x0], $0xffff;
	[tilespmem:v25+s22+$0x0] =	vst.idx.msk $0xffff, v15  }
0x9ce: {  	v26 =	vor.u32 v59, v34;
	v19 =	vld.idx.msk [tilespmem:v23+s17+$0x0], $0xffff;
	[tilespmem:v20+s22+$0x0] =	vst.idx.msk $0xffff, v17  }
0x9cf: {  	v12 =	vor.u32 v30, v10;
	v23 =	vor.u32 v30, v8;
	v13 =	vor.u32 v31, v3;
	v30 =	vld [tilespmem:$0x1FEB0]  }
0x9d0: {  	v16 =	vld.idx.msk [tilespmem:v22+s17+$0x0], $0xffff;
	v22 =	vor.u32 v62, v28;
	v21 =	vor.u32 v31, v7  }
0x9d1: {  	v18 =	vor.u32 v31, v6;
	_ =	sdelay $0x1  }
0x9d2: {  	v24 =	vld.idx.msk [tilespmem:v26+s17+$0x0], $0xffff;
	v25 =	vor.u32 v62, v61  }
0x9d3: {  	v13 =	vld.idx.msk [tilespmem:v13+s17+$0x0], $0xffff;
	[tilespmem:v12+s22+$0x0] =	vst.idx.msk $0xffff, v14;
	v20 =	vor.u32 v30, v9  }
0x9d4: {  	v15 =	vor.u32 v63, v40;
	v12 =	vld.idx.msk [tilespmem:v21+s17+$0x0], $0xffff;
	[tilespmem:v22+s22+$0x0] =	vst.idx.msk $0xffff, v16;
	v14 =	vor.u32 v30, v11  }
0x9d5: {  	v17 =	vor.u32 v31, v4;
	[tilespmem:v23+s22+$0x0] =	vst.idx.msk $0xffff, v19;
	v18 =	vld.idx.msk [tilespmem:v18+s17+$0x0], $0xffff;
	v21 =	vor.u32 v30, v10  }
0x9d6: {  	v26 =	vld [tilespmem:$0x1FFC0]  }
0x9d7: {  	[tilespmem:v25+s22+$0x0] =	vst.idx.msk $0xffff, v24  }
0x9d8: {  	[tilespmem:v20+s22+$0x0] =	vst.idx.msk $0xffff, v13  }
0x9d9: {  	v16 =	vor.u32 v63, v34;
	v23 =	vld.idx.msk [tilespmem:v15+s17+$0x0], $0xffff;
	[tilespmem:v14+s22+$0x0] =	vst.idx.msk $0xffff, v12  }
0x9da: {  	v25 =	vmov v27;
	v24 =	vor.u32 v27, v28;
	v27 =	vld.idx.msk [tilespmem:v17+s17+$0x0], $0xffff;
	[tilespmem:v21+s22+$0x0] =	vst.idx.msk $0xffff, v18  }
0x9db: {  	v28 =	vor.u32 v30, v8;
	v19 =	vor.u32 v26, v3;
	v14 =	vld [tilespmem:$0x1FC30]  }
0x9dc: {  	v22 =	vor.u32 v26, v7;
	v12 =	vld [tilespmem:$0x1FC20]  }
0x9dd: {  	v13 =	vor.u32 v26, v6;
	_ =	sdelay $0x1  }
0x9de: {  	v15 =	vld.idx.msk [tilespmem:v16+s17+$0x0], $0xffff;
	[tilespmem:v24+s22+$0x0] =	vst.idx.msk $0xffff, v23  }
0x9df: {  	v16 =	vor.u32 v25, v61;
	v17 =	vld.idx.msk [tilespmem:v19+s17+$0x0], $0xffff;
	[tilespmem:v28+s22+$0x0] =	vst.idx.msk $0xffff, v27  }
0x9e0: {  	v20 =	vld.idx.msk [tilespmem:v22+s17+$0x0], $0xffff;
	v34 =	vor.u32 v14, v6;
	v19 =	vor.u32 v12, v9;
	v18 =	vor.u32 v14, v3  }
0x9e1: {  	s26 =	simm.s32 $0x8;
	v25 =	vld.idx.msk [tilespmem:v13+s17+$0x0], $0xffff;
	v26 =	vor.u32 v12, v11;
	v27 =	vor.u32 v12, v10;
	v28 =	vor.u32 v14, v7  }
.LBB2_18:
0x9e2: {  	v57 =	vld [tilespmem:$0x1FFE0]  }
0x9e3: {  	v12 =	vld [tilespmem:$0x1FFC0]  }
0x9e4: {  	v60 =	vld [tilespmem:$0x1FFF0]  }
0x9e5: {  	v47 =	vld [tilespmem:$0x1FC30]  }
0x9e6: {  	v46 =	vld [tilespmem:$0x1FC20]  }
0x9e7: {  	v44 =	vld [tilespmem:$0x1FCA0]  }
0x9e8: {  	v48 =	vld [tilespmem:$0x1FFD0]  }
0x9e9: {  	s3 =	sadd.s32 $0x1, s26;
	v63 =	vld [tilespmem:$0x1FCB0]  }
0x9ea: {  	v13 =	vadd.s32 s26, v37;
	s28 =	sadd.s32 $0x3, s26;
	s29 =	smov.u32 s26;
	v50 =	vlaneseq.u32;
	v56 =	vld [tilespmem:$0x1FC40];
	v24 =	vadd.s32 s3, v37;
	[tilespmem:v16+s22+$0x0] =	vst.idx.msk $0xffff, v15  }
0x9eb: {  	v54 =	vld [tilespmem:$0x1FC50];
	v23 =	vand.u32 $0xF, v13;
	s31 =	sadd.s32 $0x2, s29;
	v14 =	vadd.s32 s28, v37;
	v22 =	vand.u32 $0xF, v24;
	[tilespmem:v19+s22+$0x0] =	vst.idx.msk $0xffff, v17  }
0x9ec: {  	v55 =	vld [tilespmem:$0x1FC60];
	v15 =	vshll.u32 v23, $0x7;
	v19 =	vadd.s32 s31, v37;
	[tilespmem:v26+s22+$0x0] =	vst.idx.msk $0xffff, v20;
	v30 =	vor.u32 v12, v4  }
0x9ed: {  	v29 =	vor.u32 v57, v9;
	v31 =	vld.idx.msk [tilespmem:v18+s17+$0x0], $0xffff;
	v32 =	vor.u32 v37, v15;
	v21 =	vand.u32 $0xF, v19  }
0x9ee: {  	v62 =	vld [tilespmem:$0x1FC70];
	v20 =	vshll.u32 v22, $0x7;
	[tilespmem:v27+s22+$0x0] =	vst.idx.msk $0xffff, v25;
	v26 =	vor.u32 v60, v3;
	v17 =	vshll.u32 v21, $0x7  }
0x9ef: {  	v18 =	vand.u32 $0xF, v14;
	v25 =	vld.idx.msk [tilespmem:v28+s17+$0x0], $0xffff;
	v16 =	vor.u32 v47, v20;
	v27 =	vor.u32 v37, v17  }
0x9f0: {  	v28 =	vld.idx.msk [tilespmem:v34+s17+$0x0], $0xffff;
	v33 =	vor.u32 v57, v11;
	v59 =	vor.u32 v37, v20;
	[tilespmem:$0x1FB90] =	vst v16;
	v16 =	vshll.u32 v18, $0x7  }
0x9f1: {  	v37 =	vor.u32 v50, v16;
	v30 =	vld.idx.msk [tilespmem:v30+s17+$0x0], $0xffff  }
0x9f2: {  	v32 =	vld.idx.msk [tilespmem:v32+s17+$0x0], $0xffff;
	[tilespmem:v29+s22+$0x0] =	vst.idx.msk $0xffff, v31  }
0x9f3: {  	v35 =	vor.u32 v57, v10;
	v36 =	vor.u32 v60, v7;
	v26 =	vld.idx.msk [tilespmem:v26+s17+$0x0], $0xffff  }
0x9f4: {  	v39 =	vor.u32 v60, v6;
	v29 =	vor.u32 v46, v8;
	v27 =	vld.idx.msk [tilespmem:v27+s17+$0x0], $0xffff  }
0x9f5: {  	[tilespmem:v33+s22+$0x0] =	vst.idx.msk $0xffff, v25;
	v25 =	vld.idx.msk [tilespmem:v59+s17+$0x0], $0xffff  }
0x9f6: {  	v31 =	vor.u32 v44, v23;
	v37 =	vld.idx.msk [tilespmem:v37+s17+$0x0], $0xffff  }
0x9f7: {  	v38 =	vor.u32 v48, v9;
	v40 =	vor.u32 v63, v15;
	v59 =	vld [tilespmem:$0x1FCD0]  }
0x9f8: {  	v58 =	vor.u32 v56, v3;
	v51 =	vor.u32 v44, v21;
	[tilespmem:v35+s22+$0x0] =	vst.idx.msk $0xffff, v28;
	v36 =	vld.idx.msk [tilespmem:v36+s17+$0x0], $0xffff  }
0x9f9: {  	v41 =	vor.u32 v44, v22;
	[tilespmem:v29+s22+$0x0] =	vst.idx.msk $0xffff, v30;
	v30 =	vld.idx.msk [tilespmem:v39+s17+$0x0], $0xffff  }
0x9fa: {  	v42 =	vor.u32 v63, v20;
	v28 =	vor.u32 v63, v17;
	v39 =	vor.u32 v63, v16;
	v63 =	vld [tilespmem:$0x1FCC0]  }
0x9fb: {  	[tilespmem:v31+s22+$0x0] =	vst.idx.msk $0xffff, v32;
	v29 =	vor.u32 v44, v18;
	v44 =	vld [tilespmem:$0x1FCE0]  }
0x9fc: {  	v43 =	vor.u32 v48, v11;
	v32 =	vld.idx.msk [tilespmem:v40+s17+$0x0], $0xffff;
	[tilespmem:v38+s22+$0x0] =	vst.idx.msk $0xffff, v26  }
0x9fd: {  	v31 =	vor.u32 v56, v7;
	[tilespmem:v51+s22+$0x0] =	vst.idx.msk $0xffff, v27;
	v27 =	vld.idx.msk [tilespmem:v58+s17+$0x0], $0xffff  }
0x9fe: {  	[tilespmem:v41+s22+$0x0] =	vst.idx.msk $0xffff, v25;
	v41 =	vld [tilespmem:$0x1FE20]  }
0x9ff: {  	v26 =	vor.u32 v48, v10;
	v28 =	vld.idx.msk [tilespmem:v28+s17+$0x0], $0xffff  }
0xa00: {  	v33 =	vor.u32 v56, v6;
	v50 =	vld.idx.msk [tilespmem:v42+s17+$0x0], $0xffff;
	v38 =	vor.u32 v63, v23  }
0xa01: {  	[tilespmem:v43+s22+$0x0] =	vst.idx.msk $0xffff, v36;
	v42 =	vld [tilespmem:$0x1FE50];
	v25 =	vor.u32 v63, v22  }
0xa02: {  	v51 =	vor.u32 v63, v21;
	[tilespmem:v29+s22+$0x0] =	vst.idx.msk $0xffff, v37;
	v31 =	vld.idx.msk [tilespmem:v31+s17+$0x0], $0xffff  }
0xa03: {  	v49 =	vor.u32 v59, v15;
	v39 =	vld.idx.msk [tilespmem:v39+s17+$0x0], $0xffff  }
0xa04: {  	v53 =	vor.u32 v59, v17;
	[tilespmem:v26+s22+$0x0] =	vst.idx.msk $0xffff, v30;
	v30 =	vor.u32 v63, v18;
	v63 =	vld [tilespmem:$0x1FCF0]  }
0xa05: {  	v35 =	vor.u32 v54, v9;
	v58 =	vor.u32 v59, v20;
	[tilespmem:v38+s22+$0x0] =	vst.idx.msk $0xffff, v32;
	v32 =	vld.idx.msk [tilespmem:v33+s17+$0x0], $0xffff  }
0xa06: {  	v26 =	vor.u32 v54, v11;
	[tilespmem:v25+s22+$0x0] =	vst.idx.msk $0xffff, v50;
	v50 =	vld [tilespmem:$0x1FC90]  }
0xa07: {  	v52 =	vor.u32 v55, v3;
	[tilespmem:v51+s22+$0x0] =	vst.idx.msk $0xffff, v28;
	v51 =	vld [tilespmem:$0x1FED0]  }
0xa08: {  	v34 =	vld.idx.msk [tilespmem:v49+s17+$0x0], $0xffff  }
0xa09: {  	v33 =	vor.u32 v55, v7;
	v36 =	vld.idx.msk [tilespmem:v53+s17+$0x0], $0xffff  }
0xa0a: {  	v45 =	vor.u32 v55, v6;
	v38 =	vor.u32 v59, v16;
	[tilespmem:v35+s22+$0x0] =	vst.idx.msk $0xffff, v27;
	v37 =	vld.idx.msk [tilespmem:v58+s17+$0x0], $0xffff  }
0xa0b: {  	v59 =	vor.u32 v44, v23;
	v27 =	vor.u32 v54, v10;
	v49 =	vld [tilespmem:$0x1FFB0];
	[tilespmem:v26+s22+$0x0] =	vst.idx.msk $0xffff, v31  }
0xa0c: {  	v53 =	vor.u32 v44, v21;
	v26 =	vor.u32 v63, v17;
	[tilespmem:v30+s22+$0x0] =	vst.idx.msk $0xffff, v39;
	v28 =	vld.idx.msk [tilespmem:v52+s17+$0x0], $0xffff  }
0xa0d: {  	v31 =	vor.u32 v63, v20;
	v39 =	vor.u32 v63, v16;
	v52 =	vor.u32 v63, v15;
	v63 =	vld [tilespmem:$0x1FD10]  }
0xa0e: {  	v30 =	vld.idx.msk [tilespmem:v33+s17+$0x0], $0xffff  }
0xa0f: {  	v33 =	vld.idx.msk [tilespmem:v38+s17+$0x0], $0xffff  }
0xa10: {  	v25 =	vor.u32 v44, v22;
	[tilespmem:v27+s22+$0x0] =	vst.idx.msk $0xffff, v32;
	v32 =	vor.u32 v44, v18;
	v44 =	vld [tilespmem:$0x1FD00]  }
0xa11: {  	v29 =	vor.u32 v62, v9;
	[tilespmem:v53+s22+$0x0] =	vst.idx.msk $0xffff, v36;
	v53 =	vld [tilespmem:$0x1FEC0]  }
0xa12: {  	[tilespmem:v59+s22+$0x0] =	vst.idx.msk $0xffff, v34;
	v34 =	vld.idx.msk [tilespmem:v45+s17+$0x0], $0xffff  }
0xa13: {  	v58 =	vor.u32 v49, v3;
	v27 =	vor.u32 v62, v11;
	v38 =	vld.idx.msk [tilespmem:v52+s17+$0x0], $0xffff  }
0xa14: {  	v59 =	vor.u32 v49, v7;
	v45 =	vld [tilespmem:$0x1FE30]  }
0xa15: {  	[tilespmem:v25+s22+$0x0] =	vst.idx.msk $0xffff, v37;
	v25 =	vld.idx.msk [tilespmem:v26+s17+$0x0], $0xffff  }
0xa16: {  	[tilespmem:v29+s22+$0x0] =	vst.idx.msk $0xffff, v28;
	v28 =	vor.u32 v62, v10;
	v52 =	vld [tilespmem:$0x1FC80]  }
0xa17: {  	v26 =	vld.idx.msk [tilespmem:v31+s17+$0x0], $0xffff  }
0xa18: {  	v40 =	vor.u32 v49, v6;
	v29 =	vor.u32 v44, v23;
	v36 =	vld.idx.msk [tilespmem:v58+s17+$0x0], $0xffff;
	[tilespmem:v27+s22+$0x0] =	vst.idx.msk $0xffff, v30  }
0xa19: {  	v31 =	vor.u32 v44, v21;
	[tilespmem:v32+s22+$0x0] =	vst.idx.msk $0xffff, v33;
	v32 =	vld.idx.msk [tilespmem:v59+s17+$0x0], $0xffff  }
0xa1a: {  	v61 =	vor.u32 v63, v15;
	v27 =	vor.u32 v44, v22;
	v30 =	vor.u32 v63, v17;
	v35 =	vld.idx.msk [tilespmem:v39+s17+$0x0], $0xffff  }
0xa1b: {  	v9 =	vor.u32 v52, v9;
	[tilespmem:v28+s22+$0x0] =	vst.idx.msk $0xffff, v34;
	v28 =	vor.u32 v44, v18;
	v44 =	vld [tilespmem:$0x1FD20]  }
0xa1c: {  	v59 =	vor.u32 v63, v20;
	v39 =	vor.u32 v63, v16;
	v63 =	vld [tilespmem:$0x1FD30]  }
0xa1d: {  	v58 =	vor.u32 v50, v3;
	v11 =	vor.u32 v52, v11;
	[tilespmem:v29+s22+$0x0] =	vst.idx.msk $0xffff, v38;
	v29 =	vld.idx.msk [tilespmem:v40+s17+$0x0], $0xffff  }
0xa1e: {  	v34 =	vor.u32 v50, v7;
	v40 =	vld [tilespmem:$0x1FE00];
	[tilespmem:v31+s22+$0x0] =	vst.idx.msk $0xffff, v25  }
0xa1f: {  	[tilespmem:v27+s22+$0x0] =	vst.idx.msk $0xffff, v26;
	v38 =	vld.idx.msk [tilespmem:v61+s17+$0x0], $0xffff  }
0xa20: {  	[tilespmem:v9+s22+$0x0] =	vst.idx.msk $0xffff, v36;
	v9 =	vor.u32 v52, v10;
	v10 =	vor.u32 v44, v23;
	v26 =	vld.idx.msk [tilespmem:v30+s17+$0x0], $0xffff  }
0xa21: {  	v30 =	vld.idx.msk [tilespmem:v59+s17+$0x0], $0xffff  }
0xa22: {  	v31 =	vor.u32 v50, v6;
	[tilespmem:v11+s22+$0x0] =	vst.idx.msk $0xffff, v32;
	v25 =	vld.idx.msk [tilespmem:v58+s17+$0x0], $0xffff  }
0xa23: {  	v43 =	vor.u32 v63, v15;
	v61 =	vor.u32 v44, v21;
	[tilespmem:v28+s22+$0x0] =	vst.idx.msk $0xffff, v35;
	v28 =	vld.idx.msk [tilespmem:v34+s17+$0x0], $0xffff  }
0xa24: {  	v27 =	vor.u32 v53, v0;
	v11 =	vor.u32 v44, v22;
	v59 =	vor.u32 v63, v17;
	v35 =	vld.idx.msk [tilespmem:v39+s17+$0x0], $0xffff  }
0xa25: {  	v58 =	vor.u32 v51, v3;
	[tilespmem:v10+s22+$0x0] =	vst.idx.msk $0xffff, v38;
	v10 =	vor.u32 v44, v18;
	v44 =	vld [tilespmem:$0x1FD40]  }
0xa26: {  	v34 =	vor.u32 v63, v20;
	[tilespmem:v9+s22+$0x0] =	vst.idx.msk $0xffff, v29;
	v38 =	vor.u32 v63, v16;
	v63 =	vld [tilespmem:$0x1FD50]  }
0xa27: {  	v29 =	vld.idx.msk [tilespmem:v31+s17+$0x0], $0xffff  }
0xa28: {  	v9 =	vor.u32 v53, v5;
	[tilespmem:v61+s22+$0x0] =	vst.idx.msk $0xffff, v26;
	v36 =	vld.idx.msk [tilespmem:v43+s17+$0x0], $0xffff  }
0xa29: {  	v31 =	vor.u32 v51, v7;
	[tilespmem:v11+s22+$0x0] =	vst.idx.msk $0xffff, v30;
	v11 =	vld.idx.msk [tilespmem:v59+s17+$0x0], $0xffff  }
0xa2a: {  	[tilespmem:v27+s22+$0x0] =	vst.idx.msk $0xffff, v25;
	v59 =	vld [tilespmem:$0x1FEF0]  }
0xa2b: {  	v33 =	vor.u32 v47, v4;
	v26 =	vld.idx.msk [tilespmem:v58+s17+$0x0], $0xffff  }
0xa2c: {  	v25 =	vor.u32 v53, v2;
	v58 =	vld [tilespmem:$0x1FEE0]  }
0xa2d: {  	v32 =	vld.idx.msk [tilespmem:v34+s17+$0x0], $0xffff;
	v27 =	vor.u32 v44, v23;
	[tilespmem:v9+s22+$0x0] =	vst.idx.msk $0xffff, v28  }
0xa2e: {  	v61 =	vor.u32 v51, v6;
	v34 =	vor.u32 v44, v21;
	[tilespmem:v10+s22+$0x0] =	vst.idx.msk $0xffff, v35;
	v10 =	vld.idx.msk [tilespmem:v31+s17+$0x0], $0xffff  }
0xa2f: {  	v35 =	vld.idx.msk [tilespmem:v38+s17+$0x0], $0xffff  }
0xa30: {  	v43 =	vor.u32 v63, v15;
	v9 =	vor.u32 v44, v22;
	v28 =	vor.u32 v63, v17;
	v33 =	vld.idx.msk [tilespmem:v33+s17+$0x0], $0xffff  }
0xa31: {  	v37 =	vor.u32 v63, v16;
	v31 =	vor.u32 v63, v20;
	[tilespmem:v25+s22+$0x0] =	vst.idx.msk $0xffff, v29;
	v63 =	vld [tilespmem:$0x1FD70]  }
0xa32: {  	v30 =	vor.u32 v58, v0;
	[tilespmem:v27+s22+$0x0] =	vst.idx.msk $0xffff, v36;
	v27 =	vor.u32 v44, v18;
	v44 =	vld [tilespmem:$0x1FD60]  }
0xa33: {  	v25 =	vor.u32 v58, v5;
	[tilespmem:v34+s22+$0x0] =	vst.idx.msk $0xffff, v11;
	v11 =	vld.idx.msk [tilespmem:v61+s17+$0x0], $0xffff  }
0xa34: {  	v29 =	vor.u32 v59, v7;
	v34 =	vor.u32 v60, v4;
	v60 =	vld [tilespmem:$0x1FF10]  }
0xa35: {  	v36 =	vld.idx.msk [tilespmem:v43+s17+$0x0], $0xffff  }
0xa36: {  	[tilespmem:v9+s22+$0x0] =	vst.idx.msk $0xffff, v32;
	v9 =	vld.idx.msk [tilespmem:v28+s17+$0x0], $0xffff  }
0xa37: {  	v28 =	vor.u32 v58, v2;
	v31 =	vld.idx.msk [tilespmem:v31+s17+$0x0], $0xffff;
	[tilespmem:v30+s22+$0x0] =	vst.idx.msk $0xffff, v26  }
0xa38: {  	v39 =	vor.u32 v59, v6;
	v26 =	vor.u32 v57, v8;
	[tilespmem:v25+s22+$0x0] =	vst.idx.msk $0xffff, v10;
	v57 =	vld [tilespmem:$0x1FF00]  }
0xa39: {  	v43 =	vor.u32 v63, v15;
	v61 =	vor.u32 v63, v16;
	[tilespmem:v27+s22+$0x0] =	vst.idx.msk $0xffff, v35;
	v27 =	vld.idx.msk [tilespmem:v29+s17+$0x0], $0xffff  }
0xa3a: {  	v25 =	vor.u32 v63, v17;
	v32 =	vor.u32 v44, v21;
	v29 =	vor.u32 v63, v20;
	v63 =	vld [tilespmem:$0x1FD80]  }
0xa3b: {  	v30 =	vor.u32 v44, v23;
	v35 =	vld.idx.msk [tilespmem:v37+s17+$0x0], $0xffff  }
0xa3c: {  	[tilespmem:v28+s22+$0x0] =	vst.idx.msk $0xffff, v11;
	v11 =	vor.u32 v48, v8;
	v48 =	vld [tilespmem:$0x1FD90]  }
0xa3d: {  	v10 =	vor.u32 v44, v22;
	[tilespmem:v26+s22+$0x0] =	vst.idx.msk $0xffff, v33;
	v26 =	vor.u32 v44, v18;
	v44 =	vld [tilespmem:$0x1FDA0]  }
0xa3e: {  	v33 =	vld.idx.msk [tilespmem:v34+s17+$0x0], $0xffff  }
0xa3f: {  	[tilespmem:v32+s22+$0x0] =	vst.idx.msk $0xffff, v9;
	v9 =	vld.idx.msk [tilespmem:v39+s17+$0x0], $0xffff  }
0xa40: {  	v37 =	vor.u32 v57, v5;
	[tilespmem:v30+s22+$0x0] =	vst.idx.msk $0xffff, v36;
	v32 =	vor.u32 v56, v4;
	v56 =	vld [tilespmem:$0x1FF20]  }
0xa41: {  	v34 =	vld.idx.msk [tilespmem:v43+s17+$0x0], $0xffff  }
0xa42: {  	v30 =	vor.u32 v60, v7;
	[tilespmem:v10+s22+$0x0] =	vst.idx.msk $0xffff, v31;
	v10 =	vld.idx.msk [tilespmem:v25+s17+$0x0], $0xffff  }
0xa43: {  	v29 =	vld.idx.msk [tilespmem:v29+s17+$0x0], $0xffff;
	[tilespmem:v26+s22+$0x0] =	vst.idx.msk $0xffff, v35  }
0xa44: {  	v25 =	vor.u32 v57, v2;
	v35 =	vld.idx.msk [tilespmem:v61+s17+$0x0], $0xffff  }
0xa45: {  	v28 =	vor.u32 v63, v23;
	v31 =	vor.u32 v63, v21;
	[tilespmem:v37+s22+$0x0] =	vst.idx.msk $0xffff, v27;
	v61 =	vld [tilespmem:$0x1FF30]  }
0xa46: {  	v27 =	vor.u32 v63, v22;
	[tilespmem:v11+s22+$0x0] =	vst.idx.msk $0xffff, v33;
	v11 =	vor.u32 v63, v18;
	v63 =	vld [tilespmem:$0x1FDB0]  }
0xa47: {  	v43 =	vor.u32 v48, v15;
	v26 =	vld.idx.msk [tilespmem:v30+s17+$0x0], $0xffff  }
0xa48: {  	v39 =	vor.u32 v60, v6;
	v32 =	vld.idx.msk [tilespmem:v32+s17+$0x0], $0xffff  }
0xa49: {  	v37 =	vor.u32 v48, v17;
	[tilespmem:v25+s22+$0x0] =	vst.idx.msk $0xffff, v9;
	v9 =	vor.u32 v54, v8;
	v54 =	vld [tilespmem:$0x1FF40]  }
0xa4a: {  	v30 =	vor.u32 v48, v20;
	[tilespmem:v31+s22+$0x0] =	vst.idx.msk $0xffff, v10;
	v31 =	vor.u32 v55, v4;
	v55 =	vld [tilespmem:$0x1FF50]  }
0xa4b: {  	v36 =	vor.u32 v56, v5;
	[tilespmem:v28+s22+$0x0] =	vst.idx.msk $0xffff, v34;
	v34 =	vor.u32 v48, v16;
	v48 =	vld [tilespmem:$0x1FDD0]  }
0xa4c: {  	v33 =	vld.idx.msk [tilespmem:v43+s17+$0x0], $0xffff  }
0xa4d: {  	v10 =	vld.idx.msk [tilespmem:v39+s17+$0x0], $0xffff  }
0xa4e: {  	v25 =	vor.u32 v44, v13;
	[tilespmem:v27+s22+$0x0] =	vst.idx.msk $0xffff, v29;
	v27 =	vld.idx.msk [tilespmem:v37+s17+$0x0], $0xffff;
	v29 =	vor.u32 v56, v2  }
0xa4f: {  	v37 =	vor.u32 v44, v19;
	v28 =	vor.u32 v61, v7;
	[tilespmem:v11+s22+$0x0] =	vst.idx.msk $0xffff, v35;
	v30 =	vld.idx.msk [tilespmem:v30+s17+$0x0], $0xffff  }
0xa50: {  	v43 =	vor.u32 v63, v15;
	v39 =	vor.u32 v61, v6;
	[tilespmem:v36+s22+$0x0] =	vst.idx.msk $0xffff, v26;
	v34 =	vld.idx.msk [tilespmem:v34+s17+$0x0], $0xffff  }
0xa51: {  	v26 =	vor.u32 v44, v24;
	[tilespmem:v9+s22+$0x0] =	vst.idx.msk $0xffff, v32;
	v9 =	vor.u32 v44, v14;
	v44 =	vld [tilespmem:$0x1FDC0]  }
0xa52: {  	v31 =	vld.idx.msk [tilespmem:v31+s17+$0x0], $0xffff  }
0xa53: {  	v36 =	vor.u32 v63, v17;
	[tilespmem:v29+s22+$0x0] =	vst.idx.msk $0xffff, v10;
	v10 =	vor.u32 v62, v8;
	v62 =	vld [tilespmem:$0x1FF60]  }
0xa54: {  	[tilespmem:v25+s22+$0x0] =	vst.idx.msk $0xffff, v33;
	v11 =	vld.idx.msk [tilespmem:v28+s17+$0x0], $0xffff;
	v28 =	vor.u32 v63, v20  }
0xa55: {  	v35 =	vor.u32 v54, v5;
	v32 =	vld.idx.msk [tilespmem:v43+s17+$0x0], $0xffff;
	v63 =	vor.u32 v63, v16  }
0xa56: {  	[tilespmem:v37+s22+$0x0] =	vst.idx.msk $0xffff, v27;
	v27 =	vld.idx.msk [tilespmem:v39+s17+$0x0], $0xffff  }
0xa57: {  	v25 =	vor.u32 v55, v7;
	v43 =	vld [tilespmem:$0x1FF70]  }
0xa58: {  	v37 =	vor.u32 v49, v4;
	[tilespmem:v26+s22+$0x0] =	vst.idx.msk $0xffff, v30;
	v26 =	vld.idx.msk [tilespmem:v36+s17+$0x0], $0xffff;
	v30 =	vor.u32 v54, v2  }
0xa59: {  	v39 =	vor.u32 v55, v6;
	v36 =	vor.u32 v44, v19;
	[tilespmem:v9+s22+$0x0] =	vst.idx.msk $0xffff, v34;
	v28 =	vld.idx.msk [tilespmem:v28+s17+$0x0], $0xffff  }
0xa5a: {  	v49 =	vor.u32 v48, v15;
	v29 =	vor.u32 v44, v13;
	[tilespmem:v35+s22+$0x0] =	vst.idx.msk $0xffff, v11;
	v33 =	vld.idx.msk [tilespmem:v63+s17+$0x0], $0xffff  }
0xa5b: {  	v11 =	vor.u32 v44, v24;
	[tilespmem:v10+s22+$0x0] =	vst.idx.msk $0xffff, v31;
	v10 =	vor.u32 v44, v14;
	v44 =	vld [tilespmem:$0x1FDE0]  }
0xa5c: {  	v9 =	vld.idx.msk [tilespmem:v25+s17+$0x0], $0xffff  }
0xa5d: {  	v35 =	vor.u32 v48, v17;
	v31 =	vld.idx.msk [tilespmem:v37+s17+$0x0], $0xffff;
	[tilespmem:v30+s22+$0x0] =	vst.idx.msk $0xffff, v27  }
0xa5e: {  	v63 =	vor.u32 v62, v5;
	v25 =	vor.u32 v48, v20;
	[tilespmem:v36+s22+$0x0] =	vst.idx.msk $0xffff, v26;
	v26 =	vld.idx.msk [tilespmem:v39+s17+$0x0], $0xffff  }
0xa5f: {  	[tilespmem:v29+s22+$0x0] =	vst.idx.msk $0xffff, v32;
	v29 =	vor.u32 v43, v7;
	v39 =	vld [tilespmem:$0x1FDF0]  }
0xa60: {  	v8 =	vor.u32 v52, v8;
	v32 =	vld.idx.msk [tilespmem:v49+s17+$0x0], $0xffff;
	v49 =	vor.u32 v48, v16  }
0xa61: {  	v48 =	vld [tilespmem:$0x1FF80];
	v27 =	vor.u32 v44, v13  }
0xa62: {  	v30 =	vor.u32 v50, v4;
	[tilespmem:v11+s22+$0x0] =	vst.idx.msk $0xffff, v28;
	v11 =	vld.idx.msk [tilespmem:v35+s17+$0x0], $0xffff;
	v28 =	vor.u32 v62, v2  }
0xa63: {  	v38 =	vor.u32 v43, v6;
	v35 =	vor.u32 v44, v19;
	v25 =	vld.idx.msk [tilespmem:v25+s17+$0x0], $0xffff;
	[tilespmem:v63+s22+$0x0] =	vst.idx.msk $0xffff, v9  }
0xa64: {  	[tilespmem:v10+s22+$0x0] =	vst.idx.msk $0xffff, v33;
	v10 =	vld.idx.msk [tilespmem:v29+s17+$0x0], $0xffff  }
0xa65: {  	v9 =	vor.u32 v44, v24;
	v36 =	vor.u32 v39, v15;
	v33 =	vld.idx.msk [tilespmem:v49+s17+$0x0], $0xffff;
	[tilespmem:v8+s22+$0x0] =	vst.idx.msk $0xffff, v31  }
0xa66: {  	v52 =	vor.u32 v39, v17;
	v8 =	vor.u32 v44, v14;
	v44 =	vld [tilespmem:$0x1FF90];
	[tilespmem:v27+s22+$0x0] =	vst.idx.msk $0xffff, v32  }
0xa67: {  	v63 =	vor.u32 v48, v5;
	v27 =	vld.idx.msk [tilespmem:v30+s17+$0x0], $0xffff;
	[tilespmem:v28+s22+$0x0] =	vst.idx.msk $0xffff, v26  }
0xa68: {  	v29 =	vor.u32 v39, v20;
	[tilespmem:v35+s22+$0x0] =	vst.idx.msk $0xffff, v11;
	v11 =	vld.idx.msk [tilespmem:v38+s17+$0x0], $0xffff  }
0xa69: {  	v31 =	vor.u32 v39, v16;
	v26 =	vor.u32 v53, v1;
	v38 =	vld [tilespmem:$0x1FE10]  }
0xa6a: {  	v30 =	vld.idx.msk [tilespmem:v36+s17+$0x0], $0xffff  }
0xa6b: {  	v49 =	vor.u32 v51, v4;
	v28 =	vor.u32 v40, v13;
	[tilespmem:v9+s22+$0x0] =	vst.idx.msk $0xffff, v25;
	v9 =	vld.idx.msk [tilespmem:v52+s17+$0x0], $0xffff  }
0xa6c: {  	v25 =	vor.u32 v48, v2;
	v7 =	vor.u32 v44, v7;
	[tilespmem:v63+s22+$0x0] =	vst.idx.msk $0xffff, v10;
	v63 =	vld [tilespmem:$0x1FFA0]  }
0xa6d: {  	v51 =	vor.u32 v40, v19;
	v29 =	vld.idx.msk [tilespmem:v29+s17+$0x0], $0xffff;
	v6 =	vor.u32 v44, v6;
	[tilespmem:v8+s22+$0x0] =	vst.idx.msk $0xffff, v33  }
0xa6e: {  	v10 =	vor.u32 v40, v24;
	v31 =	vld.idx.msk [tilespmem:v31+s17+$0x0], $0xffff;
	[tilespmem:v26+s22+$0x0] =	vst.idx.msk $0xffff, v27;
	v27 =	vor.u32 v59, v3  }
0xa6f: {  	v36 =	vld [tilespmem:$0x1FE40];
	v50 =	vor.u32 v38, v15  }
0xa70: {  	v26 =	vor.u32 v40, v14;
	v52 =	vor.u32 v38, v17;
	[tilespmem:v28+s22+$0x0] =	vst.idx.msk $0xffff, v30;
	v28 =	vld.idx.msk [tilespmem:v49+s17+$0x0], $0xffff  }
0xa71: {  	v8 =	vor.u32 v38, v20;
	[tilespmem:v25+s22+$0x0] =	vst.idx.msk $0xffff, v11;
	v7 =	vld.idx.msk [tilespmem:v7+s17+$0x0], $0xffff;
	v5 =	vor.u32 v63, v5  }
0xa72: {  	v53 =	vor.u32 v38, v16;
	v11 =	vor.u32 v58, v1;
	[tilespmem:v51+s22+$0x0] =	vst.idx.msk $0xffff, v9;
	v6 =	vld.idx.msk [tilespmem:v6+s17+$0x0], $0xffff  }
0xa73: {  	[tilespmem:v10+s22+$0x0] =	vst.idx.msk $0xffff, v29;
	v29 =	vor.u32 v63, v2;
	v9 =	vmov v23;
	v23 =	vld.idx.msk [tilespmem:v27+s17+$0x0], $0xffff  }
0xa74: {  	v25 =	vor.u32 v41, v13;
	v58 =	vor.u32 v59, v4;
	v30 =	vld.idx.msk [tilespmem:v50+s17+$0x0], $0xffff  }
0xa75: {  	v49 =	vor.u32 v41, v19;
	v2 =	vmov v24;
	[tilespmem:v26+s22+$0x0] =	vst.idx.msk $0xffff, v31;
	v10 =	vld.idx.msk [tilespmem:v52+s17+$0x0], $0xffff  }
0xa76: {  	v59 =	vor.u32 v45, v15;
	v8 =	vld.idx.msk [tilespmem:v8+s17+$0x0], $0xffff;
	[tilespmem:v5+s22+$0x0] =	vst.idx.msk $0xffff, v7;
	v5 =	vor.u32 v41, v2  }
0xa77: {  	v27 =	vor.u32 v57, v0;
	v26 =	vld.idx.msk [tilespmem:v53+s17+$0x0], $0xffff;
	[tilespmem:v11+s22+$0x0] =	vst.idx.msk $0xffff, v28;
	v7 =	vor.u32 v45, v17  }
0xa78: {  	v33 =	vld [tilespmem:$0x1FE60];
	v24 =	vor.u32 v45, v20;
	v28 =	vor.u32 v60, v3;
	[tilespmem:v29+s22+$0x0] =	vst.idx.msk $0xffff, v6  }
0xa79: {  	v52 =	vor.u32 v60, v4;
	v60 =	vld [tilespmem:$0x1FEA0];
	[tilespmem:v25+s22+$0x0] =	vst.idx.msk $0xffff, v30;
	v25 =	vor.u32 v41, v14  }
0xa7a: {  	v50 =	vor.u32 v45, v16;
	v29 =	vor.u32 v57, v1;
	v30 =	vld.idx.msk [tilespmem:v58+s17+$0x0], $0xffff;
	[tilespmem:v49+s22+$0x0] =	vst.idx.msk $0xffff, v10  }
0xa7b: {  	v51 =	vor.u32 v36, v13;
	v31 =	vld.idx.msk [tilespmem:v59+s17+$0x0], $0xffff;
	[tilespmem:v5+s22+$0x0] =	vst.idx.msk $0xffff, v8;
	v5 =	vmov v19  }
0xa7c: {  	v11 =	vmov v21;
	[tilespmem:v27+s22+$0x0] =	vst.idx.msk $0xffff, v23;
	v35 =	vld.idx.msk [tilespmem:v7+s17+$0x0], $0xffff;
	v21 =	vor.u32 v36, v5  }
0xa7d: {  	v6 =	vmovc v20;
	v20 =	vor.u32 v42, v17;
	v10 =	vmov v22;
	v22 =	vor.u32 v42, v15;
	v23 =	vld.idx.msk [tilespmem:v28+s17+$0x0], $0xffff  }
0xa7e: {  	v8 =	vmov v18;
	v18 =	vor.u32 v36, v2;
	v19 =	vld.idx.msk [tilespmem:v24+s17+$0x0], $0xffff;
	[tilespmem:v25+s22+$0x0] =	vst.idx.msk $0xffff, v26  }
0xa7f: {  	v24 =	vor.u32 v42, v6;
	v26 =	vor.u32 v56, v0;
	v25 =	vld.idx.msk [tilespmem:v50+s17+$0x0], $0xffff;
	[tilespmem:v29+s22+$0x0] =	vst.idx.msk $0xffff, v30  }
0xa80: {  	v27 =	vor.u32 v36, v14;
	v28 =	vor.u32 v61, v3;
	[tilespmem:v51+s22+$0x0] =	vst.idx.msk $0xffff, v31;
	v29 =	vld.idx.msk [tilespmem:v52+s17+$0x0], $0xffff  }
0xa81: {  	v30 =	vor.u32 v42, v16;
	[tilespmem:v21+s22+$0x0] =	vst.idx.msk $0xffff, v35;
	v35 =	vld [tilespmem:$0x1FE70]  }
0xa82: {  	v31 =	vor.u32 v56, v1;
	v22 =	vld.idx.msk [tilespmem:v22+s17+$0x0], $0xffff  }
0xa83: {  	v7 =	vmov v17;
	v17 =	vor.u32 v33, v13;
	[tilespmem:v18+s22+$0x0] =	vst.idx.msk $0xffff, v19;
	v18 =	vld.idx.msk [tilespmem:v20+s17+$0x0], $0xffff  }
0xa84: {  	v19 =	vld.idx.msk [tilespmem:v24+s17+$0x0], $0xffff;
	[tilespmem:v26+s22+$0x0] =	vst.idx.msk $0xffff, v23  }
0xa85: {  	v21 =	vor.u32 v61, v4;
	v20 =	vor.u32 v33, v5;
	[tilespmem:v27+s22+$0x0] =	vst.idx.msk $0xffff, v25;
	v25 =	vld.idx.msk [tilespmem:v28+s17+$0x0], $0xffff  }
0xa86: {  	v23 =	vor.u32 v33, v2;
	v28 =	vor.u32 v54, v0;
	v27 =	vld.idx.msk [tilespmem:v30+s17+$0x0], $0xffff;
	v53 =	vor.u32 v35, v15  }
0xa87: {  	[tilespmem:v31+s22+$0x0] =	vst.idx.msk $0xffff, v29;
	v31 =	vor.u32 v54, v1;
	v54 =	vld [tilespmem:$0x1FC10];
	v24 =	vor.u32 v35, v7  }
0xa88: {  	v57 =	vld [tilespmem:$0x1FE80];
	[tilespmem:v17+s22+$0x0] =	vst.idx.msk $0xffff, v22;
	v17 =	vor.u32 v33, v14;
	v26 =	vor.u32 v35, v6  }
0xa89: {  	v58 =	vld [tilespmem:$0x1FE90];
	v30 =	vor.u32 v35, v16  }
0xa8a: {  	v22 =	vor.u32 v55, v3;
	v21 =	vld.idx.msk [tilespmem:v21+s17+$0x0], $0xffff  }
0xa8b: {  	[tilespmem:v20+s22+$0x0] =	vst.idx.msk $0xffff, v18;
	v29 =	vld.idx.msk [tilespmem:v53+s17+$0x0], $0xffff  }
0xa8c: {  	v18 =	vor.u32 v55, v4;
	[tilespmem:v23+s22+$0x0] =	vst.idx.msk $0xffff, v19;
	v56 =	vor.u32 v54, v13;
	v19 =	vld.idx.msk [tilespmem:v24+s17+$0x0], $0xffff  }
0xa8d: {  	v20 =	vor.u32 v57, v15;
	[tilespmem:v17+s22+$0x0] =	vst.idx.msk $0xffff, v27;
	v23 =	vld.idx.msk [tilespmem:v26+s17+$0x0], $0xffff;
	v24 =	vor.u32 v54, v5  }
0xa8e: {  	[tilespmem:v28+s22+$0x0] =	vst.idx.msk $0xffff, v25;
	v25 =	vor.u32 v54, v2;
	v26 =	vor.u32 v57, v7;
	v27 =	vld.idx.msk [tilespmem:v30+s17+$0x0], $0xffff  }
0xa8f: {  	[tilespmem:v31+s22+$0x0] =	vst.idx.msk $0xffff, v21;
	v21 =	vor.u32 v54, v14;
	v17 =	vld.idx.msk [tilespmem:v22+s17+$0x0], $0xffff;
	v22 =	vor.u32 v57, v6  }
0xa90: {  	v61 =	vld [tilespmem:$0x1FEB0];
	v28 =	vor.u32 v62, v0;
	v30 =	vor.u32 v57, v16  }
0xa91: {  	v31 =	vor.u32 v62, v1;
	v18 =	vld.idx.msk [tilespmem:v18+s17+$0x0], $0xffff;
	[tilespmem:v56+s22+$0x0] =	vst.idx.msk $0xffff, v29;
	v29 =	vor.u32 v43, v3  }
0xa92: {  	v59 =	vor.u32 v58, v9;
	[tilespmem:v24+s22+$0x0] =	vst.idx.msk $0xffff, v19;
	v20 =	vld.idx.msk [tilespmem:v20+s17+$0x0], $0xffff  }
0xa93: {  	v24 =	vor.u32 v60, v15;
	[tilespmem:v25+s22+$0x0] =	vst.idx.msk $0xffff, v23;
	v23 =	vld.idx.msk [tilespmem:v26+s17+$0x0], $0xffff  }
0xa94: {  	v19 =	vor.u32 v43, v4;
	v25 =	vor.u32 v58, v11;
	[tilespmem:v21+s22+$0x0] =	vst.idx.msk $0xffff, v27;
	v22 =	vld.idx.msk [tilespmem:v22+s17+$0x0], $0xffff  }
0xa95: {  	[tilespmem:v28+s22+$0x0] =	vst.idx.msk $0xffff, v17;
	v17 =	vor.u32 v58, v10;
	v26 =	vor.u32 v60, v7;
	v28 =	vld.idx.msk [tilespmem:v30+s17+$0x0], $0xffff  }
0xa96: {  	v27 =	vor.u32 v60, v6;
	[tilespmem:v31+s22+$0x0] =	vst.idx.msk $0xffff, v18;
	v21 =	vld.idx.msk [tilespmem:v29+s17+$0x0], $0xffff;
	v29 =	vor.u32 v48, v0  }
0xa97: {  	v18 =	vor.u32 v58, v8;
	[tilespmem:v59+s22+$0x0] =	vst.idx.msk $0xffff, v20;
	v20 =	vor.u32 v44, v3  }
0xa98: {  	v30 =	vor.u32 v60, v16;
	v3 =	vmov v15;
	v15 =	vor.u32 v61, v9;
	v24 =	vld.idx.msk [tilespmem:v24+s17+$0x0], $0xffff  }
0xa99: {  	v31 =	vor.u32 v48, v1;
	v19 =	vld.idx.msk [tilespmem:v19+s17+$0x0], $0xffff;
	[tilespmem:v25+s22+$0x0] =	vst.idx.msk $0xffff, v23;
	v23 =	vor.u32 v44, v4  }
0xa9a: {  	v4 =	vmov v16;
	[tilespmem:v17+s22+$0x0] =	vst.idx.msk $0xffff, v22;
	v22 =	vld.idx.msk [tilespmem:v26+s17+$0x0], $0xffff;
	v26 =	vor.u32 v61, v11  }
0xa9b: {  	v16 =	vor.u32 v12, v3;
	v25 =	vld.idx.msk [tilespmem:v27+s17+$0x0], $0xffff;
	[tilespmem:v29+s22+$0x0] =	vst.idx.msk $0xffff, v21;
	v21 =	vor.u32 v61, v10  }
0xa9c: {  	v62 =	vor.u32 v63, v0;
	[tilespmem:v18+s22+$0x0] =	vst.idx.msk $0xffff, v28;
	v27 =	vor.u32 v12, v7;
	v28 =	vld.idx.msk [tilespmem:v20+s17+$0x0], $0xffff  }
0xa9d: {  	p2 =	slt.u32 s26, $0xC;
	v30 =	vld.idx.msk [tilespmem:v30+s17+$0x0], $0xffff;
	v29 =	vor.u32 v12, v6;
	[tilespmem:v15+s22+$0x0] =	vst.idx.msk $0xffff, v24;
	v24 =	vor.u32 v61, v8  }
.Ltmp12:
0xa9e: {  	v34 =	vld [tilespmem:$0x1FB90];
	[tilespmem:v31+s22+$0x0] =	vst.idx.msk $0xffff, v19;
	(pc) =	sbr.rel @p2 .LBB2_18-.Ltmp12, $4  }
0xa9f: {  	v18 =	vor.u32 v47, v3;
	v15 =	vld.idx.msk [tilespmem:v23+s17+$0x0], $0xffff;
	[tilespmem:v26+s22+$0x0] =	vst.idx.msk $0xffff, v22  }
0xaa0: {  	v19 =	vor.u32 v46, v9;
	v26 =	vor.u32 v46, v11;
	v17 =	vld.idx.msk [tilespmem:v16+s17+$0x0], $0xffff;
	[tilespmem:v21+s22+$0x0] =	vst.idx.msk $0xffff, v25  }
0xaa1: {  	s25 =	sadd.s32 $0x4, s26;
	v0 =	vmov v13;
	v16 =	vor.u32 v63, v1;
	v1 =	vmov v14;
	v20 =	vld.idx.msk [tilespmem:v27+s17+$0x0], $0xffff;
	[tilespmem:v62+s22+$0x0] =	vst.idx.msk $0xffff, v28  }
0xaa2: {  	s26 =	smov.u32 s25;
	v37 =	vlaneseq.u32;
	v27 =	vor.u32 v46, v10;
	v25 =	vld.idx.msk [tilespmem:v29+s17+$0x0], $0xffff;
	v28 =	vor.u32 v47, v7;
	[tilespmem:v24+s22+$0x0] =	vst.idx.msk $0xffff, v30  }
0xaa3: {  	v30 =	vld [tilespmem:$0x1FFC0];
	_ =	sdelay $0x2  }
0xaa4: {  	v12 =	vld [tilespmem:$0x1FC20]  }
0xaa5: {  	v49 =	vld [tilespmem:$0x1FC30];
	[tilespmem:v26+s22+$0x0] =	vst.idx.msk $0xffff, v20  }
0xaa6: {  	[tilespmem:v27+s22+$0x0] =	vst.idx.msk $0xffff, v25;
	v13 =	vor.u32 v30, v4  }
0xaa7: {  	v26 =	vld [tilespmem:$0x1FFE0];
	_ =	sdelay $0x2  }
0xaa8: {  	v20 =	vld.idx.msk [tilespmem:v28+s17+$0x0], $0xffff  }
0xaa9: {  	v14 =	vor.u32 v12, v8;
	v13 =	vld.idx.msk [tilespmem:v13+s17+$0x0], $0xffff  }
0xaaa: {  	[tilespmem:v19+s22+$0x0] =	vst.idx.msk $0xffff, v17;
	v50 =	vld.idx.msk [tilespmem:v34+s17+$0x0], $0xffff;
	v22 =	vor.u32 v26, v11  }
0xaab: {  	v27 =	vld [tilespmem:$0x1FFF0];
	v17 =	vor.u32 v26, v10;
	_ =	sdelay $0x2  }
0xaac: {  	[tilespmem:v14+s22+$0x0] =	vst.idx.msk $0xffff, v13  }
0xaad: {  	v21 =	vor.u32 v49, v4;
	[tilespmem:v22+s22+$0x0] =	vst.idx.msk $0xffff, v20  }
0xaae: {  	v18 =	vld.idx.msk [tilespmem:v18+s17+$0x0], $0xffff;
	v19 =	vor.u32 v27, v7;
	[tilespmem:v17+s22+$0x0] =	vst.idx.msk $0xffff, v50  }
0xaaf: {  	v23 =	vor.u32 v26, v9;
	v24 =	vor.u32 v27, v6;
	v34 =	vld [tilespmem:$0x1FFD0];
	_ =	sdelay $0x2  }
0xab0: {  	v14 =	vld.idx.msk [tilespmem:v21+s17+$0x0], $0xffff  }
0xab1: {  	v21 =	vor.u32 v26, v8;
	v52 =	vld.idx.msk [tilespmem:v19+s17+$0x0], $0xffff  }
0xab2: {  	[tilespmem:v23+s22+$0x0] =	vst.idx.msk $0xffff, v18;
	v18 =	vld.idx.msk [tilespmem:v24+s17+$0x0], $0xffff;
	v17 =	vor.u32 v34, v11  }
0xab3: {  	v25 =	vor.u32 v27, v4;
	v28 =	vld [tilespmem:$0x1FC40];
	v20 =	vor.u32 v34, v10;
	_ =	sdelay $0x1  }
0xab4: {  	v51 =	vor.u32 v27, v3  }
0xab5: {  	[tilespmem:v21+s22+$0x0] =	vst.idx.msk $0xffff, v14  }
0xab6: {  	[tilespmem:v17+s22+$0x0] =	vst.idx.msk $0xffff, v52  }
0xab7: {  	v19 =	vor.u32 v28, v7;
	v21 =	vld.idx.msk [tilespmem:v25+s17+$0x0], $0xffff;
	[tilespmem:v20+s22+$0x0] =	vst.idx.msk $0xffff, v18  }
0xab8: {  	v23 =	vor.u32 v28, v6;
	v53 =	vor.u32 v28, v3;
	v25 =	vor.u32 v28, v4;
	v28 =	vld [tilespmem:$0x1FC50]  }
0xab9: {  	v13 =	vld.idx.msk [tilespmem:v51+s17+$0x0], $0xffff;
	v22 =	vor.u32 v34, v9;
	_ =	sdelay $0x2  }
0xaba: {  	v24 =	vor.u32 v34, v8  }
0xabb: {  	v12 =	vld.idx.msk [tilespmem:v19+s17+$0x0], $0xffff;
	v17 =	vor.u32 v28, v11  }
0xabc: {  	[tilespmem:v22+s22+$0x0] =	vst.idx.msk $0xffff, v13;
	v54 =	vld.idx.msk [tilespmem:v23+s17+$0x0], $0xffff;
	v19 =	vor.u32 v28, v10  }
0xabd: {  	v29 =	vld [tilespmem:$0x1FC60];
	_ =	sdelay $0x1  }
0xabe: {  	[tilespmem:v24+s22+$0x0] =	vst.idx.msk $0xffff, v21  }
0xabf: {  	[tilespmem:v17+s22+$0x0] =	vst.idx.msk $0xffff, v12  }
0xac0: {  	[tilespmem:v19+s22+$0x0] =	vst.idx.msk $0xffff, v54  }
0xac1: {  	v18 =	vor.u32 v29, v7;
	v46 =	vld [tilespmem:$0x1FC70]  }
0xac2: {  	v14 =	vld.idx.msk [tilespmem:v53+s17+$0x0], $0xffff;
	v20 =	vor.u32 v28, v9;
	v22 =	vor.u32 v29, v6;
	_ =	sdelay $0x2  }
0xac3: {  	v23 =	vld.idx.msk [tilespmem:v25+s17+$0x0], $0xffff;
	v24 =	vor.u32 v28, v8  }
0xac4: {  	v12 =	vld.idx.msk [tilespmem:v18+s17+$0x0], $0xffff;
	v56 =	vor.u32 v46, v11  }
0xac5: {  	[tilespmem:v20+s22+$0x0] =	vst.idx.msk $0xffff, v14;
	v57 =	vld.idx.msk [tilespmem:v22+s17+$0x0], $0xffff;
	v18 =	vor.u32 v46, v10  }
0xac6: {  	v47 =	vld [tilespmem:$0x1FFB0]  }
0xac7: {  	v21 =	vor.u32 v29, v3  }
0xac8: {  	[tilespmem:v24+s22+$0x0] =	vst.idx.msk $0xffff, v23  }
0xac9: {  	[tilespmem:v56+s22+$0x0] =	vst.idx.msk $0xffff, v12  }
0xaca: {  	v25 =	vor.u32 v29, v4;
	[tilespmem:v18+s22+$0x0] =	vst.idx.msk $0xffff, v57  }
0xacb: {  	v17 =	vor.u32 v47, v7;
	v28 =	vld [tilespmem:$0x1FC80]  }
0xacc: {  	v20 =	vld.idx.msk [tilespmem:v21+s17+$0x0], $0xffff;
	v19 =	vor.u32 v46, v9;
	v21 =	vor.u32 v47, v6;
	_ =	sdelay $0x2  }
0xacd: {  	v23 =	vld.idx.msk [tilespmem:v25+s17+$0x0], $0xffff;
	v24 =	vor.u32 v46, v8  }
0xace: {  	v12 =	vld.idx.msk [tilespmem:v17+s17+$0x0], $0xffff;
	v11 =	vor.u32 v28, v11  }
0xacf: {  	v22 =	vor.u32 v47, v3;
	[tilespmem:v19+s22+$0x0] =	vst.idx.msk $0xffff, v20;
	v58 =	vld.idx.msk [tilespmem:v21+s17+$0x0], $0xffff;
	v10 =	vor.u32 v28, v10  }
0xad0: {  	v21 =	vld [tilespmem:$0x1FC90];
	_ =	sdelay $0x1  }
0xad1: {  	[tilespmem:v24+s22+$0x0] =	vst.idx.msk $0xffff, v23  }
0xad2: {  	[tilespmem:v11+s22+$0x0] =	vst.idx.msk $0xffff, v12  }
0xad3: {  	v25 =	vor.u32 v47, v4;
	v17 =	vld.idx.msk [tilespmem:v22+s17+$0x0], $0xffff;
	[tilespmem:v10+s22+$0x0] =	vst.idx.msk $0xffff, v58  }
0xad4: {  	v59 =	vor.u32 v21, v7;
	v22 =	vld [tilespmem:$0x1FEC0]  }
0xad5: {  	v9 =	vor.u32 v28, v9;
	v18 =	vor.u32 v21, v6;
	_ =	sdelay $0x2  }
0xad6: {  	v20 =	vld.idx.msk [tilespmem:v25+s17+$0x0], $0xffff;
	v8 =	vor.u32 v28, v8  }
0xad7: {  	v11 =	vld.idx.msk [tilespmem:v59+s17+$0x0], $0xffff;
	v10 =	vor.u32 v22, v5  }
0xad8: {  	v19 =	vor.u32 v21, v3;
	[tilespmem:v9+s22+$0x0] =	vst.idx.msk $0xffff, v17;
	v9 =	vld.idx.msk [tilespmem:v18+s17+$0x0], $0xffff;
	v61 =	vor.u32 v22, v2  }
0xad9: {  	v24 =	vld [tilespmem:$0x1FED0];
	_ =	sdelay $0x1  }
0xada: {  	[tilespmem:v8+s22+$0x0] =	vst.idx.msk $0xffff, v20  }
0xadb: {  	[tilespmem:v10+s22+$0x0] =	vst.idx.msk $0xffff, v11  }
0xadc: {  	v21 =	vor.u32 v21, v4;
	v62 =	vld.idx.msk [tilespmem:v19+s17+$0x0], $0xffff;
	[tilespmem:v61+s22+$0x0] =	vst.idx.msk $0xffff, v9  }
0xadd: {  	v17 =	vor.u32 v22, v0;
	v20 =	vor.u32 v22, v1;
	v60 =	vor.u32 v24, v7;
	v22 =	vld [tilespmem:$0x1FEE0];
	_ =	sdelay $0x3  }
0xade: {  	v19 =	vld.idx.msk [tilespmem:v21+s17+$0x0], $0xffff;
	v18 =	vor.u32 v24, v6  }
0xadf: {  	v8 =	vor.u32 v24, v3;
	v10 =	vld.idx.msk [tilespmem:v60+s17+$0x0], $0xffff;
	[tilespmem:v17+s22+$0x0] =	vst.idx.msk $0xffff, v62;
	v9 =	vor.u32 v22, v5  }
0xae0: {  	v23 =	vld [tilespmem:$0x1FEF0];
	_ =	sdelay $0x2  }
0xae1: {  	v63 =	vld.idx.msk [tilespmem:v18+s17+$0x0], $0xffff;
	[tilespmem:v20+s22+$0x0] =	vst.idx.msk $0xffff, v19  }
0xae2: {  	v21 =	vor.u32 v24, v4;
	v8 =	vld.idx.msk [tilespmem:v8+s17+$0x0], $0xffff;
	v32 =	vor.u32 v22, v2;
	[tilespmem:v9+s22+$0x0] =	vst.idx.msk $0xffff, v10  }
0xae3: {  	v55 =	vmovc v40;
	v40 =	vor.u32 v22, v0;
	v20 =	vor.u32 v22, v1;
	v11 =	vor.u32 v23, v7;
	v22 =	vld [tilespmem:$0x1FF00];
	_ =	sdelay $0x3  }
0xae4: {  	v19 =	vld.idx.msk [tilespmem:v21+s17+$0x0], $0xffff;
	[tilespmem:v32+s22+$0x0] =	vst.idx.msk $0xffff, v63  }
0xae5: {  	v17 =	vor.u32 v23, v6;
	v9 =	vld.idx.msk [tilespmem:v11+s17+$0x0], $0xffff;
	[tilespmem:v40+s22+$0x0] =	vst.idx.msk $0xffff, v8;
	v10 =	vor.u32 v22, v5  }
0xae6: {  	v18 =	vor.u32 v23, v3;
	v21 =	vor.u32 v23, v4;
	v23 =	vld [tilespmem:$0x1FF10];
	_ =	sdelay $0x2  }
0xae7: {  	[tilespmem:v20+s22+$0x0] =	vst.idx.msk $0xffff, v19  }
0xae8: {  	v11 =	vld.idx.msk [tilespmem:v17+s17+$0x0], $0xffff;
	v43 =	vor.u32 v22, v2;
	[tilespmem:v10+s22+$0x0] =	vst.idx.msk $0xffff, v9  }
0xae9: {  	v17 =	vor.u32 v22, v0;
	v20 =	vor.u32 v22, v1;
	v8 =	vor.u32 v23, v7;
	v22 =	vld [tilespmem:$0x1FF20];
	_ =	sdelay $0x2  }
0xaea: {  	v14 =	vld.idx.msk [tilespmem:v18+s17+$0x0], $0xffff  }
0xaeb: {  	v19 =	vld.idx.msk [tilespmem:v21+s17+$0x0], $0xffff  }
0xaec: {  	v44 =	vor.u32 v23, v6;
	v8 =	vld.idx.msk [tilespmem:v8+s17+$0x0], $0xffff;
	[tilespmem:v43+s22+$0x0] =	vst.idx.msk $0xffff, v11;
	v9 =	vor.u32 v22, v5  }
0xaed: {  	v18 =	vor.u32 v23, v3;
	v21 =	vor.u32 v23, v4;
	v23 =	vld [tilespmem:$0x1FF30];
	_ =	sdelay $0x1  }
0xaee: {  	[tilespmem:v17+s22+$0x0] =	vst.idx.msk $0xffff, v14  }
0xaef: {  	[tilespmem:v20+s22+$0x0] =	vst.idx.msk $0xffff, v19  }
0xaf0: {  	v11 =	vld.idx.msk [tilespmem:v44+s17+$0x0], $0xffff;
	v46 =	vor.u32 v22, v2;
	[tilespmem:v9+s22+$0x0] =	vst.idx.msk $0xffff, v8  }
0xaf1: {  	v17 =	vor.u32 v22, v0;
	v20 =	vor.u32 v22, v1;
	v10 =	vor.u32 v23, v7;
	v22 =	vld [tilespmem:$0x1FF40];
	_ =	sdelay $0x2  }
0xaf2: {  	v14 =	vld.idx.msk [tilespmem:v18+s17+$0x0], $0xffff  }
0xaf3: {  	v19 =	vld.idx.msk [tilespmem:v21+s17+$0x0], $0xffff  }
0xaf4: {  	v47 =	vor.u32 v23, v6;
	v8 =	vld.idx.msk [tilespmem:v10+s17+$0x0], $0xffff;
	[tilespmem:v46+s22+$0x0] =	vst.idx.msk $0xffff, v11;
	v9 =	vor.u32 v22, v5  }
0xaf5: {  	v18 =	vor.u32 v23, v3;
	v21 =	vor.u32 v23, v4;
	v23 =	vld [tilespmem:$0x1FF50];
	_ =	sdelay $0x1  }
0xaf6: {  	[tilespmem:v17+s22+$0x0] =	vst.idx.msk $0xffff, v14  }
0xaf7: {  	[tilespmem:v20+s22+$0x0] =	vst.idx.msk $0xffff, v19  }
0xaf8: {  	v11 =	vld.idx.msk [tilespmem:v47+s17+$0x0], $0xffff;
	v48 =	vor.u32 v22, v2;
	[tilespmem:v9+s22+$0x0] =	vst.idx.msk $0xffff, v8  }
0xaf9: {  	v17 =	vor.u32 v22, v0;
	v20 =	vor.u32 v22, v1;
	v10 =	vor.u32 v23, v7;
	v22 =	vld [tilespmem:$0x1FF60];
	_ =	sdelay $0x2  }
0xafa: {  	v14 =	vld.idx.msk [tilespmem:v18+s17+$0x0], $0xffff  }
0xafb: {  	v19 =	vld.idx.msk [tilespmem:v21+s17+$0x0], $0xffff  }
0xafc: {  	v49 =	vor.u32 v23, v6;
	v8 =	vld.idx.msk [tilespmem:v10+s17+$0x0], $0xffff;
	[tilespmem:v48+s22+$0x0] =	vst.idx.msk $0xffff, v11;
	v9 =	vor.u32 v22, v5  }
0xafd: {  	v18 =	vor.u32 v23, v3;
	v21 =	vor.u32 v23, v4;
	v23 =	vld [tilespmem:$0x1FF70];
	_ =	sdelay $0x1  }
0xafe: {  	[tilespmem:v17+s22+$0x0] =	vst.idx.msk $0xffff, v14  }
0xaff: {  	[tilespmem:v20+s22+$0x0] =	vst.idx.msk $0xffff, v19  }
0xb00: {  	v11 =	vld.idx.msk [tilespmem:v49+s17+$0x0], $0xffff;
	[tilespmem:v9+s22+$0x0] =	vst.idx.msk $0xffff, v8  }
0xb01: {  	v50 =	vor.u32 v22, v2;
	v10 =	vor.u32 v23, v7;
	v59 =	vld [tilespmem:$0x1FF80];
	_ =	sdelay $0x2  }
0xb02: {  	v14 =	vld.idx.msk [tilespmem:v18+s17+$0x0], $0xffff;
	v17 =	vor.u32 v22, v0  }
0xb03: {  	v19 =	vld.idx.msk [tilespmem:v21+s17+$0x0], $0xffff;
	v20 =	vor.u32 v22, v1  }
0xb04: {  	v51 =	vor.u32 v23, v6;
	v8 =	vld.idx.msk [tilespmem:v10+s17+$0x0], $0xffff;
	[tilespmem:v50+s22+$0x0] =	vst.idx.msk $0xffff, v11;
	v9 =	vor.u32 v59, v5  }
0xb05: {  	v18 =	vor.u32 v23, v3;
	v21 =	vor.u32 v23, v4;
	v23 =	vld [tilespmem:$0x1FF90];
	_ =	sdelay $0x1  }
0xb06: {  	[tilespmem:v17+s22+$0x0] =	vst.idx.msk $0xffff, v14  }
0xb07: {  	[tilespmem:v20+s22+$0x0] =	vst.idx.msk $0xffff, v19  }
0xb08: {  	v10 =	vld.idx.msk [tilespmem:v51+s17+$0x0], $0xffff;
	[tilespmem:v9+s22+$0x0] =	vst.idx.msk $0xffff, v8  }
0xb09: {  	v11 =	vor.u32 v59, v2;
	v52 =	vor.u32 v23, v7;
	v8 =	vld [tilespmem:$0x1FFA0]  }
0xb0a: {  	v54 =	vld.idx.msk [tilespmem:v18+s17+$0x0], $0xffff;
	v56 =	vor.u32 v59, v0;
	v53 =	vor.u32 v23, v6  }
0xb0b: {  	v58 =	vld.idx.msk [tilespmem:v21+s17+$0x0], $0xffff;
	v17 =	vor.u32 v59, v1;
	v57 =	vor.u32 v23, v3  }
0xb0c: {  	v59 =	vor.u32 v23, v4;
	_ =	sdelay $0x1  }
0xb0d: {  	v7 =	vld.idx.msk [tilespmem:v52+s17+$0x0], $0xffff;
	[tilespmem:v11+s22+$0x0] =	vst.idx.msk $0xffff, v10;
	v60 =	vor.u32 v8, v5  }
0xb0e: {  	[tilespmem:v56+s22+$0x0] =	vst.idx.msk $0xffff, v54;
	v6 =	vld.idx.msk [tilespmem:v53+s17+$0x0], $0xffff;
	v61 =	vor.u32 v8, v2  }
0xb0f: {  	[tilespmem:v17+s22+$0x0] =	vst.idx.msk $0xffff, v58;
	v3 =	vld.idx.msk [tilespmem:v57+s17+$0x0], $0xffff;
	v62 =	vor.u32 v8, v0  }
0xb10: {  	v4 =	vld.idx.msk [tilespmem:v59+s17+$0x0], $0xffff;
	v63 =	vor.u32 v8, v1  }
0xb11: {  	[tilespmem:v16+s22+$0x0] =	vst.idx.msk $0xffff, v15  }
0xb12: {  	[tilespmem:v60+s22+$0x0] =	vst.idx.msk $0xffff, v7  }
0xb13: {  	[tilespmem:v61+s22+$0x0] =	vst.idx.msk $0xffff, v6  }
0xb14: {  	[tilespmem:v62+s22+$0x0] =	vst.idx.msk $0xffff, v3  }
0xb15: {  	[tilespmem:v63+s22+$0x0] =	vst.idx.msk $0xffff, v4  }
0xb16: {  	[hbm4b:s11+s4] =	stream.linear.scatter [tilespmem:s22], [sflag:$0x4], $0x2000, $0x38;
	[tilespmem:$0x8000] =	vst v63  }
0xb17: {  	_ =	swait.ge [sflag:s21], $0x2000  }
0xb18: {  	v29 =	vld [tilespmem:$0x1FCA0]  }
0xb19: {  	v16 =	vmov v34;
	v34 =	vld [tilespmem:$0x1FCB0]  }
0xb1a: {  	v46 =	vld [tilespmem:$0x1FCC0]  }
0xb1b: {  	v10 =	vld [tilespmem:$0x1FCD0]  }
0xb1c: {  	v19 =	vld [tilespmem:$0x1FCE0]  }
0xb1d: {  	v50 =	vld [tilespmem:$0x1FCF0]  }
0xb1e: {  	v51 =	vld [tilespmem:$0x1FD00]  }
0xb1f: {  	v61 =	vld [tilespmem:$0x1FD10]  }
0xb20: {  	v53 =	vld [tilespmem:$0x1FD20]  }
0xb21: {  	v54 =	vld [tilespmem:$0x1FD30]  }
0xb22: {  	v62 =	vld [tilespmem:$0x1FD40]  }
0xb23: {  	v63 =	vld [tilespmem:$0x1FD50]  }
0xb24: {  	v31 =	vld [tilespmem:$0x1FD60]  }
0xb25: {  	v43 =	vld [tilespmem:$0x1FD70]  }
0xb26: {  	v27 =	vld [tilespmem:$0x1FD80]  }
0xb27: {  	v22 =	vld [tilespmem:$0x1FD90]  }
.Ltmp13:
0xb28: {  	v23 =	vld [tilespmem:$0x1FDA0];
	(pc) =	sbr.rel .LBB2_20-.Ltmp13, $4  }
0xb29: {  	v26 =	vld [tilespmem:$0x1FDB0]  }
0xb2a: {  	v24 =	vld [tilespmem:$0x1FDC0]  }
0xb2b: {  	[sflag:s21] =	ssyncset.done $0x0;
	v21 =	vld [tilespmem:$0x1FDD0]  }
0xb2c: {  	v25 =	vmov v30;
	v30 =	vmov v42;
	v32 =	vmov v45;
	v20 =	vld [tilespmem:$0x1FDE0];
	[sflag:s21] =	ssyncadd.s32 $0xFFFFE000  }
.LBB2_21:
0xb2d: {  	_ =	sfence.sel $0x180000  }
0xb2e: {  	[bflag:$0x0] =	sbarrier.arrive $0xFFFF  }
0xb2f: {  	_ =	strace $0x90000047  }
0xb30: {  	[bflag:$0x2] =	sbarrier.arrive $0xFFFF  }
0xb31: {  	p0 =	sne.s32 s2, $0x0;
	s0 =	rddreg [dreg:$0x3]  }
0xb32: {  	s0 =	sadd.s32 @!p0 $0x100000, s0  }
0xb33: {  	[sflag:s0] =	ssyncadd.tile.s32 @!p0 $0x1;
	_ =	shalt  }
.Lfunc_end2:
_tile_overlayer_lowered:
.L_overlay_start_2:
0xb34: {  	(tag) =	ssettag $0x2  }
0xb35: {  	s0 =	rddreg [dreg:$0x0];
	s2 =	stileid.u32  }
0xb36: {  	s1 =	rddreg [dreg:$0x1];
	p0 =	sne.s32 s2, $0x0  }
0xb37: {  	s3 =	rddreg [dreg:$0x2];
	[bflag:$0x3] =	sbarrier.arrive $0xFFFF;
	s2 =	simm.s32 @!p0 $0x1C05  }
0xb38: {  	[timem:s3], [sflag:s2] =	dma.local @!p0 [hbm:s0], s1  }
0xb39: {  	s0 =	simm.s32 @!p0 $0x5  }
0xb3a: {  	_ =	swait.ge @!p0 [sflag:s0], s1  }
0xb3b: {  	s1 =	ssub.s32 @!p0 $0x0, s1;
	[sflag:s0] =	ssyncset.done @!p0 $0x0  }
0xb3c: {  	[sflag:s0] =	ssyncadd.s32 @!p0 s1  }
0xb3d: {  	[bflag:$0x3] =	sbarrier.arrive $0xFFFF  }
0xb3e: {  	_ =	shalt  }

</sc_bundles>
